<compile_context>
chip_gen: v7x
topology: tpu7x:2x2x1
jax: 0.10.2.dev20260603
libtpu: 0.0.44.dev20260713+nightly
codegen_flags: <defaults>
</compile_context>

<pallas_src>
import functools

import jax
import jax.numpy as jnp
from jax import lax
from jax.experimental import pallas as pl
from jax.experimental.pallas import tpu as pltpu
from jax.experimental.pallas import tpu_sc as plsc

N = 10000
E = 320000
F = 128
H = 16

NC = 2
NS = 16
NW = NC * NS
TE = E // NW
CB = 125
NSUB = TE // CB
BIG = 2000
NBIG = TE // BIG
SPB = BIG // CB
NP = 10240
ROWU = 8
EP = E // 8
EPBLK = 2000

_HIGH = lax.Precision.HIGHEST


def _dot(a, b):
    return jnp.dot(a, b, precision=_HIGH, preferred_element_type=jnp.float32)



def _pq_body(x_ref, w1a_ref, w3a_ref, p_ref, q_ref):
    xv = x_ref[...]
    p_ref[...] = jnp.concatenate(
        [_dot(xv, w1a_ref[...]), jnp.zeros((NP - N, H), jnp.float32)], axis=0)
    q_ref[...] = _dot(xv, w3a_ref[...])


def _edge_lin_body(ea_ref, w_ref, a_ref, el_ref, g_ref, cs_ref):
    blk = ea_ref[...]
    a_ref[...] = _dot(blk, w_ref[...])
    el_ref[...] = blk
    gblk = lax.dot_general(blk, blk, (((0,), (0,)), ((), ())),
                           precision=_HIGH,
                           preferred_element_type=jnp.float32)
    csblk = jnp.concatenate(
        [jnp.sum(blk, axis=0, keepdims=True),
         jnp.zeros((7, 128), jnp.float32)], axis=0)

    @pl.when(pl.program_id(0) == 0)
    def _():
        g_ref[...] = jnp.zeros((128, 128), jnp.float32)
        cs_ref[...] = jnp.zeros((8, 128), jnp.float32)

    g_ref[...] += gblk
    cs_ref[...] += csblk


def _fold8(v128):
    return sum(v128[0:1, u * H:(u + 1) * H] for u in range(8))


def _stats_body(g_ref, cs_ref, w_ref, wd_ref, bk_ref, sea_ref, od_ref,
                p_ref, g1_ref, bt1_ref, o_ref):
    w = w_ref[...]
    cs = cs_ref[...]
    col_a = _dot(_fold8(cs[0:1]), w)
    g16 = sum(g_ref[u * H:(u + 1) * H, u * H:(u + 1) * H] for u in range(8))
    m1 = lax.dot_general(w, g16, (((0,), (0,)), ((), ())),
                         precision=_HIGH, preferred_element_type=jnp.float32)
    m2 = _dot(m1, w)
    col_a2 = jnp.sum(m2 * jnp.eye(H, dtype=jnp.float32), axis=0,
                     keepdims=True)
    seap = sea_ref[0:NPP] + sea_ref[NPP:2 * NPP]
    sap = _dot(seap, wd_ref[...])
    odp = od_ref[0:NPP] + od_ref[NPP:2 * NPP]
    odb = _dot(odp, bk_ref[...])
    pp = p_ref[...]
    sum_b = col_a + _fold8(jnp.sum(odb * pp, axis=0, keepdims=True))
    sumsq = (col_a2
             + _fold8(jnp.sum(odb * pp * pp, axis=0, keepdims=True))
             + 2.0 * _fold8(jnp.sum(pp * sap, axis=0, keepdims=True)))
    mean_b = sum_b / float(E)
    var = sumsq / float(E) - mean_b * mean_b
    a = g1_ref[...] * lax.rsqrt(var + 1e-5)
    c = bt1_ref[...] - mean_b * a
    o_ref[...] = jnp.concatenate([a, c], axis=0)


NPP = NP // 8
NNP = N // 8


def _tile8(v):
    return jnp.concatenate([v] * 8, axis=1)


def _final_body(qp_ref, hp_ref, cp_ref, w2k_ref, b2p_ref, w3k_ref, b3p_ref,
                g2p_ref, bt2p_ref, w4k_ref, b4p_ref, bk_ref, o_ref):
    s = hp_ref[0:NNP] + hp_ref[NPP:NPP + NNP]
    cnt0 = cp_ref[0:NNP] + cp_ref[NPP:NPP + NNP]
    cnt = _dot(cnt0, bk_ref[...])
    sm = s / jnp.maximum(cnt, 1.0)
    agg = (_dot(sm, w2k_ref[...])
           + b2p_ref[...] * (cnt > 0).astype(jnp.float32))
    z1 = qp_ref[...] + _dot(agg, w3k_ref[...]) + b3p_ref[...]
    s128 = jnp.sum(z1, axis=0, keepdims=True)
    q128 = jnp.sum(z1 * z1, axis=0, keepdims=True)
    m16 = sum(s128[0:1, u * H:(u + 1) * H] for u in range(8)) / float(N)
    q16 = sum(q128[0:1, u * H:(u + 1) * H] for u in range(8)) / float(N)
    m = _tile8(m16)
    v = _tile8(q16) - m * m
    zn = jnp.maximum((z1 - m) * lax.rsqrt(v + 1e-5) * g2p_ref[...]
                     + bt2p_ref[...], 0.0)
    o_ref[...] = _dot(zn, w4k_ref[...]) + b4p_ref[...]



_MESH = plsc.VectorSubcoreMesh(core_axis_name="c", subcore_axis_name="s")


@functools.partial(
    pl.kernel,
    mesh=_MESH,
    compiler_params=pltpu.CompilerParams(use_tc_tiling_on_sc=False),
    out_type=[
        jax.ShapeDtypeStruct((NC * NP, H), jnp.float32),
        jax.ShapeDtypeStruct((NC * NP, H), jnp.float32),
    ],
    scratch_types=[
        pltpu.VMEM((NSUB, CB), jnp.int32),
        pltpu.VMEM((NSUB, CB), jnp.int32),
        pltpu.VMEM((CB, H), jnp.float32),
        pltpu.VMEM_SHARED((NP, H), jnp.float32),
        pltpu.VMEM_SHARED((NP, H), jnp.float32),
    ],
)
def _sc_hist(send_hbm, rec_hbm, cnt1_hbm, zeros_hbm, outs_hbm, outr_hbm,
             sidx_v, ridx_v, cbuf, acc_s, acc_r):
    cid = lax.axis_index("c")
    sid = lax.axis_index("s")
    wid = sid * NC + cid

    @pl.when(sid == 0)
    def _():
        pltpu.sync_copy(zeros_hbm, acc_s)
        pltpu.sync_copy(zeros_hbm, acc_r)

    pltpu.sync_copy(cnt1_hbm, cbuf)
    pltpu.sync_copy(send_hbm.at[wid], sidx_v)
    pltpu.sync_copy(rec_hbm.at[wid], ridx_v)
    plsc.subcore_barrier()

    def body(j, carry):
        pltpu.sync_copy(cbuf, acc_s.at[sidx_v.at[j]], add=True)
        pltpu.sync_copy(cbuf, acc_r.at[ridx_v.at[j]], add=True)
        return carry

    lax.fori_loop(0, NSUB, body, 0, unroll=False)
    plsc.subcore_barrier()
    rows = NP // NS
    pltpu.sync_copy(acc_s.at[pl.ds(sid * rows, rows)],
                    outs_hbm.at[pl.ds(cid * NP + sid * rows, rows)])
    pltpu.sync_copy(acc_r.at[pl.ds(sid * rows, rows)],
                    outr_hbm.at[pl.ds(cid * NP + sid * rows, rows)])


@functools.partial(
    pl.kernel,
    mesh=_MESH,
    compiler_params=pltpu.CompilerParams(use_tc_tiling_on_sc=False),
    out_type=jax.ShapeDtypeStruct((NC * NP, H), jnp.float32),
    scratch_types=[
        pltpu.VMEM((NSUB, CB), jnp.int32),
        pltpu.VMEM((BIG, H), jnp.float32),
        pltpu.VMEM_SHARED((NP, H), jnp.float32),
        pltpu.SemaphoreType.DMA,
    ],
)
def _sc_sea(ea_hbm, send_hbm, zeros_hbm, out_hbm, idx_v, abuf, acc, dsem):
    cid = lax.axis_index("c")
    sid = lax.axis_index("s")
    wid = sid * NC + cid
    base = wid * TE

    @pl.when(sid == 0)
    def _():
        pltpu.sync_copy(zeros_hbm, acc)

    pltpu.sync_copy(send_hbm.at[wid], idx_v)
    plsc.subcore_barrier()

    def big_body(b, carry):
        row0 = base + b * BIG
        pltpu.async_copy(ea_hbm.at[pl.ds(row0, BIG)], abuf, dsem).wait()
        for j in range(SPB):
            pltpu.sync_copy(abuf.at[pl.ds(j * CB, CB)],
                            acc.at[idx_v.at[b * SPB + j]], add=True)
        return carry

    lax.fori_loop(0, NBIG, big_body, 0, unroll=False)
    plsc.subcore_barrier()
    rows = NP // NS
    pltpu.sync_copy(acc.at[pl.ds(sid * rows, rows)],
                    out_hbm.at[pl.ds(cid * NP + sid * rows, rows)])


@functools.partial(
    pl.kernel,
    mesh=_MESH,
    compiler_params=pltpu.CompilerParams(use_tc_tiling_on_sc=False),
    out_type=jax.ShapeDtypeStruct((NC * NP, H), jnp.float32),
    scratch_types=[
        pltpu.VMEM((NSUB, CB), jnp.int32),
        pltpu.VMEM((NSUB, CB), jnp.int32),
        pltpu.VMEM((BIG, H), jnp.float32),
        pltpu.VMEM((BIG // 8, 128), jnp.float32),
        pltpu.VMEM((2, H), jnp.float32),
        pltpu.VMEM_SHARED((NP, H), jnp.float32),
        pltpu.SemaphoreType.DMA,
        pltpu.SemaphoreType.DMA,
    ],
)
def _sc_edge(p_hbm, a_hbm, send_hbm, rec_hbm, ac_hbm, zeros_hbm,
             outh_hbm, sidx_v, ridx_v, gbuf, abuf, acv, acc_h, gsem, dsem):
    cid = lax.axis_index("c")
    sid = lax.axis_index("s")
    wid = sid * NC + cid
    basep = wid * (TE // 8)

    @pl.when(sid == 0)
    def _():
        pltpu.sync_copy(zeros_hbm, acc_h)

    pltpu.sync_copy(ac_hbm, acv)
    pltpu.sync_copy(send_hbm.at[wid], sidx_v)
    pltpu.sync_copy(rec_hbm.at[wid], ridx_v)
    plsc.subcore_barrier()

    av = acv[0]
    cv = acv[1]

    def big_body(b, carry):
        rowp = basep + b * (BIG // 8)
        a_cp = pltpu.async_copy(a_hbm.at[pl.ds(rowp, BIG // 8)], abuf, dsem)
        gathers = []
        for j in range(SPB):
            gathers.append(pltpu.async_copy(
                p_hbm.at[sidx_v.at[b * SPB + j]],
                gbuf.at[pl.ds(j * CB, CB)], gsem))
        a_cp.wait()
        for g in gathers:
            g.wait()

        def row_body(r0, carry2):
            for u in range(ROWU):
                r = r0 * ROWU + u
                hv = gbuf[r] + abuf[r0, u * H:(u + 1) * H]
                gbuf[r] = jnp.maximum(hv * av + cv, 0.0)
            return carry2

        lax.fori_loop(0, BIG // ROWU, row_body, 0, unroll=False)
        for j in range(SPB):
            pltpu.sync_copy(gbuf.at[pl.ds(j * CB, CB)],
                            acc_h.at[ridx_v.at[b * SPB + j]], add=True)
        return carry

    lax.fori_loop(0, NBIG, big_body, 0, unroll=False)
    plsc.subcore_barrier()
    rows = NP // NS
    pltpu.sync_copy(acc_h.at[pl.ds(sid * rows, rows)],
                    outh_hbm.at[pl.ds(cid * NP + sid * rows, rows)])



def kernel(x, edge_index, edge_attr, u, batch, W1, b1, g1, bt1, W2, b2,
           W3, b3, g2, bt2, W4, b4):
    del u, batch
    send = edge_index[0].astype(jnp.int32).reshape(NW, NSUB, CB)
    rec = edge_index[1].astype(jnp.int32).reshape(NW, NSUB, CB)
    eap = edge_attr.reshape(EP, 128)
    wd = jnp.kron(jnp.eye(8, dtype=jnp.float32), W1[F:])

    cnt1 = jnp.zeros((CB, H), jnp.float32).at[:, 0].set(1.0)
    zeros16 = jnp.zeros((NP, H), jnp.float32)

    od_acc, cn_acc = _sc_hist(send, rec, cnt1, zeros16)

    p, q = pl.pallas_call(
        _pq_body,
        out_shape=[jax.ShapeDtypeStruct((NP, H), jnp.float32),
                   jax.ShapeDtypeStruct((N, H), jnp.float32)],
    )(x, W1[:F], W3[:F])

    nblk = EP // EPBLK
    a_mat, ea_lin, gacc, csums = pl.pallas_call(
        _edge_lin_body,
        grid=(nblk,),
        in_specs=[pl.BlockSpec((EPBLK, 128), lambda i: (i, 0)),
                  pl.BlockSpec((128, 128), lambda i: (0, 0))],
        out_specs=[pl.BlockSpec((EPBLK, 128), lambda i: (i, 0)),
                   pl.BlockSpec((EPBLK, 128), lambda i: (i, 0)),
                   pl.BlockSpec((128, 128), lambda i: (0, 0)),
                   pl.BlockSpec((8, 128), lambda i: (0, 0))],
        out_shape=[jax.ShapeDtypeStruct((EP, 128), jnp.float32),
                   jax.ShapeDtypeStruct((EP, 128), jnp.float32),
                   jax.ShapeDtypeStruct((128, 128), jnp.float32),
                   jax.ShapeDtypeStruct((8, 128), jnp.float32)],
    )(eap, wd)

    sea_acc = _sc_sea(ea_lin.reshape(E, H), send, zeros16)

    eye8 = jnp.eye(8, dtype=jnp.float32)
    bsel = jnp.zeros((H, H), jnp.float32).at[0].set(1.0)
    bk = jnp.kron(eye8, bsel)

    ac = pl.pallas_call(
        _stats_body,
        out_shape=jax.ShapeDtypeStruct((2, H), jnp.float32),
    )(gacc, csums, W1[F:], wd, bk, sea_acc.reshape(NC * NPP, 128),
      od_acc.reshape(NC * NPP, 128), p.reshape(NPP, 128),
      g1[None], bt1[None])

    acc_h = _sc_edge(p, a_mat, send, rec, ac, zeros16)
    zp = pl.pallas_call(
        _final_body,
        out_shape=jax.ShapeDtypeStruct((NNP, 128), jnp.float32),
    )(q.reshape(NNP, 128), acc_h.reshape(NC * NPP, 128),
      cn_acc.reshape(NC * NPP, 128), jnp.kron(eye8, W2),
      jnp.tile(b2[None], (1, 8)), jnp.kron(eye8, W3[F:]),
      jnp.tile(b3[None], (1, 8)), jnp.tile(g2[None], (1, 8)),
      jnp.tile(bt2[None], (1, 8)), jnp.kron(eye8, W4),
      jnp.tile(b4[None], (1, 8)), jnp.kron(eye8, bsel))
    return zp.reshape(N, H)

# --- scband reference (transcript-rebuilt; emitter-appended) ---
"""Pipeline reference for scband-node-model-32813550141461 (READ-ONLY COPY).

The authoritative reference and input builder live on the scoring server;
editing this copy changes nothing except your own understanding.
"""

import jax, jax.numpy as jnp
import numpy as np

N = 10000
E = 320000
F = 128
H = 16


def setup_inputs(seed: int = 0) -> dict:
    key = jax.random.key(seed)
    ks = jax.random.split(key, 8)
    x = jax.random.normal(ks[0], (N, F), dtype=jnp.float32)
    edge_index = jax.random.randint(ks[1], (2, E), 0, N)
    edge_attr = jax.random.normal(ks[2], (E, H), dtype=jnp.float32)
    u = jnp.zeros((1,), dtype=jnp.float32)
    batch = jnp.zeros((E,), dtype=jnp.int32)
    s = 0.05
    W1 = jax.random.normal(ks[3], (F + H, H), dtype=jnp.float32) * s
    b1 = jnp.zeros((H,), dtype=jnp.float32)
    g1 = jnp.ones((H,), dtype=jnp.float32)
    bt1 = jnp.zeros((H,), dtype=jnp.float32)
    W2 = jax.random.normal(ks[4], (H, H), dtype=jnp.float32) * s
    b2 = jnp.zeros((H,), dtype=jnp.float32)
    W3 = jax.random.normal(ks[5], (F + H, H), dtype=jnp.float32) * s
    b3 = jnp.zeros((H,), dtype=jnp.float32)
    g2 = jnp.ones((H,), dtype=jnp.float32)
    bt2 = jnp.zeros((H,), dtype=jnp.float32)
    W4 = jax.random.normal(ks[6], (H, H), dtype=jnp.float32) * s
    b4 = jnp.zeros((H,), dtype=jnp.float32)
    return {"x": x, "edge_index": edge_index, "edge_attr": edge_attr, "u": u, "batch": batch,
            "W1": W1, "b1": b1, "g1": g1, "bt1": bt1, "W2": W2, "b2": b2,
            "W3": W3, "b3": b3, "g2": g2, "bt2": bt2, "W4": W4, "b4": b4}


def _bn(h, g, b):
    # BatchNorm1d in training mode: biased batch statistics, eps=1e-5
    m = jnp.mean(h, axis=0)
    v = jnp.var(h, axis=0)
    return (h - m) / jnp.sqrt(v + 1e-5) * g + b


def reference(x, edge_index, edge_attr, u, batch, W1, b1, g1, bt1, W2, b2, W3, b3, g2, bt2, W4, b4):
    send_idx = edge_index[0]
    rec_idx = edge_index[1]
    # message_function: Linear -> BN -> ReLU -> Linear
    h = jnp.concatenate([x[send_idx], edge_attr], axis=1)
    h = h @ W1 + b1
    h = jax.nn.relu(_bn(h, g1, bt1))
    h = h @ W2 + b2
    # scatter_mean over receiving nodes
    summed = jax.ops.segment_sum(h, rec_idx, num_segments=x.shape[0])
    cnt = jax.ops.segment_sum(jnp.ones((h.shape[0], 1), dtype=h.dtype), rec_idx, num_segments=x.shape[0])
    agg = summed / jnp.maximum(cnt, 1.0)
    # node_mlp: Linear -> BN -> ReLU -> Linear
    z = jnp.concatenate([x, agg], axis=1)
    z = z @ W3 + b3
    z = jax.nn.relu(_bn(z, g2, bt2))
    z = z @ W4 + b4
    return z

if __name__ == "__main__":
    import jax
    _d = setup_inputs()
    print(jax.jit(kernel)(*tuple(_d.values())))

</pallas_src>

<mosaic_0001>
#map = affine_map<(d0, d1) -> (0, 0)>
#map1 = affine_map<(d0, d1) -> (0, 0, 0)>
module attributes {stable_mosaic.version = 14 : i64} {
  func.func @_sc_sea(%arg0: i32, %arg1: i32, %arg2: memref<320000x16xf32, #tpu.memory_space<hbm>>, %arg3: memref<32x80x125xi32, #tpu.memory_space<hbm>>, %arg4: memref<10240x16xf32, #tpu.memory_space<hbm>>, %arg5: memref<20480x16xf32, #tpu.memory_space<hbm>>, %arg6: memref<80x125xi32, #tpu.memory_space<vmem>>, %arg7: memref<2000x16xf32, #tpu.memory_space<vmem>>, %arg8: memref<10240x16xf32, #tpu.memory_space<vmem_shared>>, %arg9: memref<!tpu.dma_semaphore, #tpu.memory_space<semaphore_mem>>) attributes {dimension_semantics = [#tpu.dimension_semantics<core_parallel>, #tpu.dimension_semantics<subcore_parallel>], iteration_bounds = array<i64: 2, 16>, scalar_prefetch = 0 : i64, scratch_operands = 4 : i64, tpu.core_type = #tpu.core_type<sc_vector_subcore>, window_params = [{transform_indices = #map}, {transform_indices = #map1}, {transform_indices = #map}, {transform_indices = #map}]} {
    %mul3A = arith.constant 2 : i32
    %mul3A_0 = arith.muli %arg1, %mul3A : i32
    %add3A = arith.addi %mul3A_0, %arg0 : i32
    %mul3A_1 = arith.constant 10000 : i32
    %mul3A_2 = arith.muli %add3A, %mul3A_1 : i32
    %eq3A = arith.constant 0 : i32
    %eq3A_3 = arith.cmpi eq, %arg1, %eq3A : i32
    %convert_element_type3A = arith.extui %eq3A_3 : i1 to i32
    %cond3A = arith.constant 0 : i32
    %cond3A_4 = arith.cmpi ne, %convert_element_type3A, %cond3A : i32
    scf.if %cond3A_4 {
      "tpu.region"() ({
        %run_scoped3A = tpu.sem_alloc : memref<!tpu.dma_semaphore, #tpu.memory_space<semaphore_mem>>
        tpu.enqueue_dma source(%arg4 : memref<10240x16xf32, #tpu.memory_space<hbm>>) target(%arg8 : memref<10240x16xf32, #tpu.memory_space<vmem_shared>>) target_semaphore(%run_scoped3A : memref<!tpu.dma_semaphore, #tpu.memory_space<semaphore_mem>>)
        tpu.wait_dma2 semaphore(%run_scoped3A : memref<!tpu.dma_semaphore, #tpu.memory_space<semaphore_mem>>) src(%arg4 : memref<10240x16xf32, #tpu.memory_space<hbm>>) dst(%arg8 : memref<10240x16xf32, #tpu.memory_space<vmem_shared>>)
        tpu.yield
      }) : () -> ()
    } else {
    }
    "tpu.region"() ({
      %run_scoped3A = tpu.sem_alloc : memref<!tpu.dma_semaphore, #tpu.memory_space<semaphore_mem>>
      %dma_start3A = arith.constant 0 : i32
      %dma_start3A_18 = arith.constant 0 : i32
      %dma_start3A_19 = tpu.memref_slice %arg3[%add3A, %dma_start3A, %dma_start3A_18] : memref<32x80x125xi32, #tpu.memory_space<hbm>> -> memref<1x80x125xi32, #tpu.memory_space<hbm>>
      %dma_start3A_20 = tpu.memref_squeeze %dma_start3A_19 : memref<1x80x125xi32, #tpu.memory_space<hbm>> -> memref<80x125xi32, #tpu.memory_space<hbm>>
      %dma_start3A_21 = arith.constant 0 : i32
      %dma_start3A_22 = arith.constant 0 : i32
      %dma_start3A_23 = tpu.memref_slice %arg3[%add3A, %dma_start3A_21, %dma_start3A_22] : memref<32x80x125xi32, #tpu.memory_space<hbm>> -> memref<1x80x125xi32, #tpu.memory_space<hbm>>
      %dma_start3A_24 = tpu.memref_squeeze %dma_start3A_23 : memref<1x80x125xi32, #tpu.memory_space<hbm>> -> memref<80x125xi32, #tpu.memory_space<hbm>>
      tpu.enqueue_dma source(%dma_start3A_24 : memref<80x125xi32, #tpu.memory_space<hbm>>) target(%arg6 : memref<80x125xi32, #tpu.memory_space<vmem>>) target_semaphore(%run_scoped3A : memref<!tpu.dma_semaphore, #tpu.memory_space<semaphore_mem>>)
      %dma_wait3A = arith.constant 0 : i32
      %dma_wait3A_25 = arith.constant 0 : i32
      %dma_wait3A_26 = tpu.memref_slice %arg3[%add3A, %dma_wait3A, %dma_wait3A_25] : memref<32x80x125xi32, #tpu.memory_space<hbm>> -> memref<1x80x125xi32, #tpu.memory_space<hbm>>
      %dma_wait3A_27 = tpu.memref_squeeze %dma_wait3A_26 : memref<1x80x125xi32, #tpu.memory_space<hbm>> -> memref<80x125xi32, #tpu.memory_space<hbm>>
      %dma_wait3A_28 = arith.constant 0 : i32
      %dma_wait3A_29 = arith.constant 0 : i32
      %dma_wait3A_30 = tpu.memref_slice %arg3[%add3A, %dma_wait3A_28, %dma_wait3A_29] : memref<32x80x125xi32, #tpu.memory_space<hbm>> -> memref<1x80x125xi32, #tpu.memory_space<hbm>>
      %dma_wait3A_31 = tpu.memref_squeeze %dma_wait3A_30 : memref<1x80x125xi32, #tpu.memory_space<hbm>> -> memref<80x125xi32, #tpu.memory_space<hbm>>
      tpu.wait_dma2 semaphore(%run_scoped3A : memref<!tpu.dma_semaphore, #tpu.memory_space<semaphore_mem>>) src(%dma_wait3A_31 : memref<80x125xi32, #tpu.memory_space<hbm>>) dst(%arg6 : memref<80x125xi32, #tpu.memory_space<vmem>>)
      tpu.yield
    }) : () -> ()
    %barrier3A = arith.constant 0 : index
    tpu.barrier barrier_id(%barrier3A)
    %scan3A = arith.constant 0 : i32
    %scan3A_5 = arith.constant 0 : i32
    %scan3A_6 = arith.constant 5 : i32
    %scan3A_7 = arith.addi %scan3A_5, %scan3A_6 : i32
    %scan3A_8 = arith.constant 1 : i32
    scf.for %scan3A_18 = %scan3A_5 to %scan3A_7 step %scan3A_8  : i32 {
      %mul3A_19 = arith.constant 2000 : i32
      %mul3A_20 = arith.muli %scan3A_18, %mul3A_19 : i32
      %add3A_21 = arith.addi %mul3A_2, %mul3A_20 : i32
      %dma_start3A = arith.constant 0 : i32
      %dma_start3A_22 = tpu.memref_slice %arg2[%add3A_21, %dma_start3A] : memref<320000x16xf32, #tpu.memory_space<hbm>> -> memref<2000x16xf32, #tpu.memory_space<hbm>>
      %dma_start3A_23 = arith.constant 0 : i32
      %dma_start3A_24 = tpu.memref_slice %arg2[%add3A_21, %dma_start3A_23] : memref<320000x16xf32, #tpu.memory_space<hbm>> -> memref<2000x16xf32, #tpu.memory_space<hbm>>
      tpu.enqueue_dma source(%dma_start3A_24 : memref<2000x16xf32, #tpu.memory_space<hbm>>) target(%arg7 : memref<2000x16xf32, #tpu.memory_space<vmem>>) target_semaphore(%arg9 : memref<!tpu.dma_semaphore, #tpu.memory_space<semaphore_mem>>)
      %dma_wait3A = arith.constant 0 : i32
      %dma_wait3A_25 = tpu.memref_slice %arg2[%add3A_21, %dma_wait3A] : memref<320000x16xf32, #tpu.memory_space<hbm>> -> memref<2000x16xf32, #tpu.memory_space<hbm>>
      %dma_wait3A_26 = arith.constant 0 : i32
      %dma_wait3A_27 = tpu.memref_slice %arg2[%add3A_21, %dma_wait3A_26] : memref<320000x16xf32, #tpu.memory_space<hbm>> -> memref<2000x16xf32, #tpu.memory_space<hbm>>
      tpu.wait_dma2 semaphore(%arg9 : memref<!tpu.dma_semaphore, #tpu.memory_space<semaphore_mem>>) src(%dma_wait3A_27 : memref<2000x16xf32, #tpu.memory_space<hbm>>) dst(%arg7 : memref<2000x16xf32, #tpu.memory_space<vmem>>)
      %mul3A_28 = arith.constant 16 : i32
      %mul3A_29 = arith.muli %scan3A_18, %mul3A_28 : i32
      %add3A_30 = arith.constant 0 : i32
      %add3A_31 = arith.addi %mul3A_29, %add3A_30 : i32
      "tpu.region"() ({
        %run_scoped3A = tpu.sem_alloc : memref<!tpu.dma_semaphore, #tpu.memory_space<semaphore_mem>>
        %dma_start3A_92 = arith.constant 0 : i32
        %dma_start3A_93 = arith.constant 0 : i32
        %dma_start3A_94 = tpu.memref_slice %arg7[%dma_start3A_92, %dma_start3A_93] : memref<2000x16xf32, #tpu.memory_space<vmem>> -> memref<125x16xf32, #tpu.memory_space<vmem>>
        %dma_start3A_95 = arith.constant 0 : i32
        %dma_start3A_96 = tpu.memref_slice %arg6[%add3A_31, %dma_start3A_95] : memref<80x125xi32, #tpu.memory_space<vmem>> -> memref<1x125xi32, #tpu.memory_space<vmem>>
        %dma_start3A_97 = tpu.memref_squeeze %dma_start3A_96 : memref<1x125xi32, #tpu.memory_space<vmem>> -> memref<125xi32, #tpu.memory_space<vmem>>
        %dma_start3A_98 = arith.constant 0 : i32
        %dma_start3A_99 = arith.constant 0 : i32
        %dma_start3A_100 = tpu.memref_slice %arg8[%dma_start3A_98, %dma_start3A_99] : memref<10240x16xf32, #tpu.memory_space<vmem_shared>> -> memref<10240x16xf32, #tpu.memory_space<vmem_shared>>
        tpu.enqueue_indirect_dma source(%dma_start3A_94 : memref<125x16xf32, #tpu.memory_space<vmem>>) target(%dma_start3A_100 : memref<10240x16xf32, #tpu.memory_space<vmem_shared>>) offsets(%dma_start3A_97 : memref<125xi32, #tpu.memory_space<vmem>>) semaphore(%run_scoped3A : memref<!tpu.dma_semaphore, #tpu.memory_space<semaphore_mem>>) {add = true}
        %dma_wait3A_101 = arith.constant 0 : i32
        %dma_wait3A_102 = arith.constant 0 : i32
        %dma_wait3A_103 = tpu.memref_slice %arg7[%dma_wait3A_101, %dma_wait3A_102] : memref<2000x16xf32, #tpu.memory_space<vmem>> -> memref<125x16xf32, #tpu.memory_space<vmem>>
        %dma_wait3A_104 = arith.constant 0 : i32
        %dma_wait3A_105 = tpu.memref_slice %arg6[%add3A_31, %dma_wait3A_104] : memref<80x125xi32, #tpu.memory_space<vmem>> -> memref<1x125xi32, #tpu.memory_space<vmem>>
        %dma_wait3A_106 = tpu.memref_squeeze %dma_wait3A_105 : memref<1x125xi32, #tpu.memory_space<vmem>> -> memref<125xi32, #tpu.memory_space<vmem>>
        %dma_wait3A_107 = arith.constant 0 : i32
        %dma_wait3A_108 = arith.constant 0 : i32
        %dma_wait3A_109 = tpu.memref_slice %arg8[%dma_wait3A_107, %dma_wait3A_108] : memref<10240x16xf32, #tpu.memory_space<vmem_shared>> -> memref<10240x16xf32, #tpu.memory_space<vmem_shared>>
        tpu.wait_indirect_dma semaphore(%run_scoped3A : memref<!tpu.dma_semaphore, #tpu.memory_space<semaphore_mem>>) src(%dma_wait3A_103 : memref<125x16xf32, #tpu.memory_space<vmem>>) dst(%dma_wait3A_109 : memref<10240x16xf32, #tpu.memory_space<vmem_shared>>)
        tpu.yield
      }) : () -> ()
      %mul3A_32 = arith.constant 16 : i32
      %mul3A_33 = arith.muli %scan3A_18, %mul3A_32 : i32
      %add3A_34 = arith.constant 1 : i32
      %add3A_35 = arith.addi %mul3A_33, %add3A_34 : i32
      "tpu.region"() ({
        %run_scoped3A = tpu.sem_alloc : memref<!tpu.dma_semaphore, #tpu.memory_space<semaphore_mem>>
        %dma_start3A_92 = arith.constant 125 : i32
        %dma_start3A_93 = arith.constant 0 : i32
        %dma_start3A_94 = tpu.memref_slice %arg7[%dma_start3A_92, %dma_start3A_93] : memref<2000x16xf32, #tpu.memory_space<vmem>> -> memref<125x16xf32, #tpu.memory_space<vmem>>
        %dma_start3A_95 = arith.constant 0 : i32
        %dma_start3A_96 = tpu.memref_slice %arg6[%add3A_35, %dma_start3A_95] : memref<80x125xi32, #tpu.memory_space<vmem>> -> memref<1x125xi32, #tpu.memory_space<vmem>>
        %dma_start3A_97 = tpu.memref_squeeze %dma_start3A_96 : memref<1x125xi32, #tpu.memory_space<vmem>> -> memref<125xi32, #tpu.memory_space<vmem>>
        %dma_start3A_98 = arith.constant 0 : i32
        %dma_start3A_99 = arith.constant 0 : i32
        %dma_start3A_100 = tpu.memref_slice %arg8[%dma_start3A_98, %dma_start3A_99] : memref<10240x16xf32, #tpu.memory_space<vmem_shared>> -> memref<10240x16xf32, #tpu.memory_space<vmem_shared>>
        tpu.enqueue_indirect_dma source(%dma_start3A_94 : memref<125x16xf32, #tpu.memory_space<vmem>>) target(%dma_start3A_100 : memref<10240x16xf32, #tpu.memory_space<vmem_shared>>) offsets(%dma_start3A_97 : memref<125xi32, #tpu.memory_space<vmem>>) semaphore(%run_scoped3A : memref<!tpu.dma_semaphore, #tpu.memory_space<semaphore_mem>>) {add = true}
        %dma_wait3A_101 = arith.constant 125 : i32
        %dma_wait3A_102 = arith.constant 0 : i32
        %dma_wait3A_103 = tpu.memref_slice %arg7[%dma_wait3A_101, %dma_wait3A_102] : memref<2000x16xf32, #tpu.memory_space<vmem>> -> memref<125x16xf32, #tpu.memory_space<vmem>>
        %dma_wait3A_104 = arith.constant 0 : i32
        %dma_wait3A_105 = tpu.memref_slice %arg6[%add3A_35, %dma_wait3A_104] : memref<80x125xi32, #tpu.memory_space<vmem>> -> memref<1x125xi32, #tpu.memory_space<vmem>>
        %dma_wait3A_106 = tpu.memref_squeeze %dma_wait3A_105 : memref<1x125xi32, #tpu.memory_space<vmem>> -> memref<125xi32, #tpu.memory_space<vmem>>
        %dma_wait3A_107 = arith.constant 0 : i32
        %dma_wait3A_108 = arith.constant 0 : i32
        %dma_wait3A_109 = tpu.memref_slice %arg8[%dma_wait3A_107, %dma_wait3A_108] : memref<10240x16xf32, #tpu.memory_space<vmem_shared>> -> memref<10240x16xf32, #tpu.memory_space<vmem_shared>>
        tpu.wait_indirect_dma semaphore(%run_scoped3A : memref<!tpu.dma_semaphore, #tpu.memory_space<semaphore_mem>>) src(%dma_wait3A_103 : memref<125x16xf32, #tpu.memory_space<vmem>>) dst(%dma_wait3A_109 : memref<10240x16xf32, #tpu.memory_space<vmem_shared>>)
        tpu.yield
      }) : () -> ()
      %mul3A_36 = arith.constant 16 : i32
      %mul3A_37 = arith.muli %scan3A_18, %mul3A_36 : i32
      %add3A_38 = arith.constant 2 : i32
      %add3A_39 = arith.addi %mul3A_37, %add3A_38 : i32
      "tpu.region"() ({
        %run_scoped3A = tpu.sem_alloc : memref<!tpu.dma_semaphore, #tpu.memory_space<semaphore_mem>>
        %dma_start3A_92 = arith.constant 250 : i32
        %dma_start3A_93 = arith.constant 0 : i32
        %dma_start3A_94 = tpu.memref_slice %arg7[%dma_start3A_92, %dma_start3A_93] : memref<2000x16xf32, #tpu.memory_space<vmem>> -> memref<125x16xf32, #tpu.memory_space<vmem>>
        %dma_start3A_95 = arith.constant 0 : i32
        %dma_start3A_96 = tpu.memref_slice %arg6[%add3A_39, %dma_start3A_95] : memref<80x125xi32, #tpu.memory_space<vmem>> -> memref<1x125xi32, #tpu.memory_space<vmem>>
        %dma_start3A_97 = tpu.memref_squeeze %dma_start3A_96 : memref<1x125xi32, #tpu.memory_space<vmem>> -> memref<125xi32, #tpu.memory_space<vmem>>
        %dma_start3A_98 = arith.constant 0 : i32
        %dma_start3A_99 = arith.constant 0 : i32
        %dma_start3A_100 = tpu.memref_slice %arg8[%dma_start3A_98, %dma_start3A_99] : memref<10240x16xf32, #tpu.memory_space<vmem_shared>> -> memref<10240x16xf32, #tpu.memory_space<vmem_shared>>
        tpu.enqueue_indirect_dma source(%dma_start3A_94 : memref<125x16xf32, #tpu.memory_space<vmem>>) target(%dma_start3A_100 : memref<10240x16xf32, #tpu.memory_space<vmem_shared>>) offsets(%dma_start3A_97 : memref<125xi32, #tpu.memory_space<vmem>>) semaphore(%run_scoped3A : memref<!tpu.dma_semaphore, #tpu.memory_space<semaphore_mem>>) {add = true}
        %dma_wait3A_101 = arith.constant 250 : i32
        %dma_wait3A_102 = arith.constant 0 : i32
        %dma_wait3A_103 = tpu.memref_slice %arg7[%dma_wait3A_101, %dma_wait3A_102] : memref<2000x16xf32, #tpu.memory_space<vmem>> -> memref<125x16xf32, #tpu.memory_space<vmem>>
        %dma_wait3A_104 = arith.constant 0 : i32
        %dma_wait3A_105 = tpu.memref_slice %arg6[%add3A_39, %dma_wait3A_104] : memref<80x125xi32, #tpu.memory_space<vmem>> -> memref<1x125xi32, #tpu.memory_space<vmem>>
        %dma_wait3A_106 = tpu.memref_squeeze %dma_wait3A_105 : memref<1x125xi32, #tpu.memory_space<vmem>> -> memref<125xi32, #tpu.memory_space<vmem>>
        %dma_wait3A_107 = arith.constant 0 : i32
        %dma_wait3A_108 = arith.constant 0 : i32
        %dma_wait3A_109 = tpu.memref_slice %arg8[%dma_wait3A_107, %dma_wait3A_108] : memref<10240x16xf32, #tpu.memory_space<vmem_shared>> -> memref<10240x16xf32, #tpu.memory_space<vmem_shared>>
        tpu.wait_indirect_dma semaphore(%run_scoped3A : memref<!tpu.dma_semaphore, #tpu.memory_space<semaphore_mem>>) src(%dma_wait3A_103 : memref<125x16xf32, #tpu.memory_space<vmem>>) dst(%dma_wait3A_109 : memref<10240x16xf32, #tpu.memory_space<vmem_shared>>)
        tpu.yield
      }) : () -> ()
      %mul3A_40 = arith.constant 16 : i32
      %mul3A_41 = arith.muli %scan3A_18, %mul3A_40 : i32
      %add3A_42 = arith.constant 3 : i32
      %add3A_43 = arith.addi %mul3A_41, %add3A_42 : i32
      "tpu.region"() ({
        %run_scoped3A = tpu.sem_alloc : memref<!tpu.dma_semaphore, #tpu.memory_space<semaphore_mem>>
        %dma_start3A_92 = arith.constant 375 : i32
        %dma_start3A_93 = arith.constant 0 : i32
        %dma_start3A_94 = tpu.memref_slice %arg7[%dma_start3A_92, %dma_start3A_93] : memref<2000x16xf32, #tpu.memory_space<vmem>> -> memref<125x16xf32, #tpu.memory_space<vmem>>
        %dma_start3A_95 = arith.constant 0 : i32
        %dma_start3A_96 = tpu.memref_slice %arg6[%add3A_43, %dma_start3A_95] : memref<80x125xi32, #tpu.memory_space<vmem>> -> memref<1x125xi32, #tpu.memory_space<vmem>>
        %dma_start3A_97 = tpu.memref_squeeze %dma_start3A_96 : memref<1x125xi32, #tpu.memory_space<vmem>> -> memref<125xi32, #tpu.memory_space<vmem>>
        %dma_start3A_98 = arith.constant 0 : i32
        %dma_start3A_99 = arith.constant 0 : i32
        %dma_start3A_100 = tpu.memref_slice %arg8[%dma_start3A_98, %dma_start3A_99] : memref<10240x16xf32, #tpu.memory_space<vmem_shared>> -> memref<10240x16xf32, #tpu.memory_space<vmem_shared>>
        tpu.enqueue_indirect_dma source(%dma_start3A_94 : memref<125x16xf32, #tpu.memory_space<vmem>>) target(%dma_start3A_100 : memref<10240x16xf32, #tpu.memory_space<vmem_shared>>) offsets(%dma_start3A_97 : memref<125xi32, #tpu.memory_space<vmem>>) semaphore(%run_scoped3A : memref<!tpu.dma_semaphore, #tpu.memory_space<semaphore_mem>>) {add = true}
        %dma_wait3A_101 = arith.constant 375 : i32
        %dma_wait3A_102 = arith.constant 0 : i32
        %dma_wait3A_103 = tpu.memref_slice %arg7[%dma_wait3A_101, %dma_wait3A_102] : memref<2000x16xf32, #tpu.memory_space<vmem>> -> memref<125x16xf32, #tpu.memory_space<vmem>>
        %dma_wait3A_104 = arith.constant 0 : i32
        %dma_wait3A_105 = tpu.memref_slice %arg6[%add3A_43, %dma_wait3A_104] : memref<80x125xi32, #tpu.memory_space<vmem>> -> memref<1x125xi32, #tpu.memory_space<vmem>>
        %dma_wait3A_106 = tpu.memref_squeeze %dma_wait3A_105 : memref<1x125xi32, #tpu.memory_space<vmem>> -> memref<125xi32, #tpu.memory_space<vmem>>
        %dma_wait3A_107 = arith.constant 0 : i32
        %dma_wait3A_108 = arith.constant 0 : i32
        %dma_wait3A_109 = tpu.memref_slice %arg8[%dma_wait3A_107, %dma_wait3A_108] : memref<10240x16xf32, #tpu.memory_space<vmem_shared>> -> memref<10240x16xf32, #tpu.memory_space<vmem_shared>>
        tpu.wait_indirect_dma semaphore(%run_scoped3A : memref<!tpu.dma_semaphore, #tpu.memory_space<semaphore_mem>>) src(%dma_wait3A_103 : memref<125x16xf32, #tpu.memory_space<vmem>>) dst(%dma_wait3A_109 : memref<10240x16xf32, #tpu.memory_space<vmem_shared>>)
        tpu.yield
      }) : () -> ()
      %mul3A_44 = arith.constant 16 : i32
      %mul3A_45 = arith.muli %scan3A_18, %mul3A_44 : i32
      %add3A_46 = arith.constant 4 : i32
      %add3A_47 = arith.addi %mul3A_45, %add3A_46 : i32
      "tpu.region"() ({
        %run_scoped3A = tpu.sem_alloc : memref<!tpu.dma_semaphore, #tpu.memory_space<semaphore_mem>>
        %dma_start3A_92 = arith.constant 500 : i32
        %dma_start3A_93 = arith.constant 0 : i32
        %dma_start3A_94 = tpu.memref_slice %arg7[%dma_start3A_92, %dma_start3A_93] : memref<2000x16xf32, #tpu.memory_space<vmem>> -> memref<125x16xf32, #tpu.memory_space<vmem>>
        %dma_start3A_95 = arith.constant 0 : i32
        %dma_start3A_96 = tpu.memref_slice %arg6[%add3A_47, %dma_start3A_95] : memref<80x125xi32, #tpu.memory_space<vmem>> -> memref<1x125xi32, #tpu.memory_space<vmem>>
        %dma_start3A_97 = tpu.memref_squeeze %dma_start3A_96 : memref<1x125xi32, #tpu.memory_space<vmem>> -> memref<125xi32, #tpu.memory_space<vmem>>
        %dma_start3A_98 = arith.constant 0 : i32
        %dma_start3A_99 = arith.constant 0 : i32
        %dma_start3A_100 = tpu.memref_slice %arg8[%dma_start3A_98, %dma_start3A_99] : memref<10240x16xf32, #tpu.memory_space<vmem_shared>> -> memref<10240x16xf32, #tpu.memory_space<vmem_shared>>
        tpu.enqueue_indirect_dma source(%dma_start3A_94 : memref<125x16xf32, #tpu.memory_space<vmem>>) target(%dma_start3A_100 : memref<10240x16xf32, #tpu.memory_space<vmem_shared>>) offsets(%dma_start3A_97 : memref<125xi32, #tpu.memory_space<vmem>>) semaphore(%run_scoped3A : memref<!tpu.dma_semaphore, #tpu.memory_space<semaphore_mem>>) {add = true}
        %dma_wait3A_101 = arith.constant 500 : i32
        %dma_wait3A_102 = arith.constant 0 : i32
        %dma_wait3A_103 = tpu.memref_slice %arg7[%dma_wait3A_101, %dma_wait3A_102] : memref<2000x16xf32, #tpu.memory_space<vmem>> -> memref<125x16xf32, #tpu.memory_space<vmem>>
        %dma_wait3A_104 = arith.constant 0 : i32
        %dma_wait3A_105 = tpu.memref_slice %arg6[%add3A_47, %dma_wait3A_104] : memref<80x125xi32, #tpu.memory_space<vmem>> -> memref<1x125xi32, #tpu.memory_space<vmem>>
        %dma_wait3A_106 = tpu.memref_squeeze %dma_wait3A_105 : memref<1x125xi32, #tpu.memory_space<vmem>> -> memref<125xi32, #tpu.memory_space<vmem>>
        %dma_wait3A_107 = arith.constant 0 : i32
        %dma_wait3A_108 = arith.constant 0 : i32
        %dma_wait3A_109 = tpu.memref_slice %arg8[%dma_wait3A_107, %dma_wait3A_108] : memref<10240x16xf32, #tpu.memory_space<vmem_shared>> -> memref<10240x16xf32, #tpu.memory_space<vmem_shared>>
        tpu.wait_indirect_dma semaphore(%run_scoped3A : memref<!tpu.dma_semaphore, #tpu.memory_space<semaphore_mem>>) src(%dma_wait3A_103 : memref<125x16xf32, #tpu.memory_space<vmem>>) dst(%dma_wait3A_109 : memref<10240x16xf32, #tpu.memory_space<vmem_shared>>)
        tpu.yield
      }) : () -> ()
      %mul3A_48 = arith.constant 16 : i32
      %mul3A_49 = arith.muli %scan3A_18, %mul3A_48 : i32
      %add3A_50 = arith.constant 5 : i32
      %add3A_51 = arith.addi %mul3A_49, %add3A_50 : i32
      "tpu.region"() ({
        %run_scoped3A = tpu.sem_alloc : memref<!tpu.dma_semaphore, #tpu.memory_space<semaphore_mem>>
        %dma_start3A_92 = arith.constant 625 : i32
        %dma_start3A_93 = arith.constant 0 : i32
        %dma_start3A_94 = tpu.memref_slice %arg7[%dma_start3A_92, %dma_start3A_93] : memref<2000x16xf32, #tpu.memory_space<vmem>> -> memref<125x16xf32, #tpu.memory_space<vmem>>
        %dma_start3A_95 = arith.constant 0 : i32
        %dma_start3A_96 = tpu.memref_slice %arg6[%add3A_51, %dma_start3A_95] : memref<80x125xi32, #tpu.memory_space<vmem>> -> memref<1x125xi32, #tpu.memory_space<vmem>>
        %dma_start3A_97 = tpu.memref_squeeze %dma_start3A_96 : memref<1x125xi32, #tpu.memory_space<vmem>> -> memref<125xi32, #tpu.memory_space<vmem>>
        %dma_start3A_98 = arith.constant 0 : i32
        %dma_start3A_99 = arith.constant 0 : i32
        %dma_start3A_100 = tpu.memref_slice %arg8[%dma_start3A_98, %dma_start3A_99] : memref<10240x16xf32, #tpu.memory_space<vmem_shared>> -> memref<10240x16xf32, #tpu.memory_space<vmem_shared>>
        tpu.enqueue_indirect_dma source(%dma_start3A_94 : memref<125x16xf32, #tpu.memory_space<vmem>>) target(%dma_start3A_100 : memref<10240x16xf32, #tpu.memory_space<vmem_shared>>) offsets(%dma_start3A_97 : memref<125xi32, #tpu.memory_space<vmem>>) semaphore(%run_scoped3A : memref<!tpu.dma_semaphore, #tpu.memory_space<semaphore_mem>>) {add = true}
        %dma_wait3A_101 = arith.constant 625 : i32
        %dma_wait3A_102 = arith.constant 0 : i32
        %dma_wait3A_103 = tpu.memref_slice %arg7[%dma_wait3A_101, %dma_wait3A_102] : memref<2000x16xf32, #tpu.memory_space<vmem>> -> memref<125x16xf32, #tpu.memory_space<vmem>>
        %dma_wait3A_104 = arith.constant 0 : i32
        %dma_wait3A_105 = tpu.memref_slice %arg6[%add3A_51, %dma_wait3A_104] : memref<80x125xi32, #tpu.memory_space<vmem>> -> memref<1x125xi32, #tpu.memory_space<vmem>>
        %dma_wait3A_106 = tpu.memref_squeeze %dma_wait3A_105 : memref<1x125xi32, #tpu.memory_space<vmem>> -> memref<125xi32, #tpu.memory_space<vmem>>
        %dma_wait3A_107 = arith.constant 0 : i32
        %dma_wait3A_108 = arith.constant 0 : i32
        %dma_wait3A_109 = tpu.memref_slice %arg8[%dma_wait3A_107, %dma_wait3A_108] : memref<10240x16xf32, #tpu.memory_space<vmem_shared>> -> memref<10240x16xf32, #tpu.memory_space<vmem_shared>>
        tpu.wait_indirect_dma semaphore(%run_scoped3A : memref<!tpu.dma_semaphore, #tpu.memory_space<semaphore_mem>>) src(%dma_wait3A_103 : memref<125x16xf32, #tpu.memory_space<vmem>>) dst(%dma_wait3A_109 : memref<10240x16xf32, #tpu.memory_space<vmem_shared>>)
        tpu.yield
      }) : () -> ()
      %mul3A_52 = arith.constant 16 : i32
      %mul3A_53 = arith.muli %scan3A_18, %mul3A_52 : i32
      %add3A_54 = arith.constant 6 : i32
      %add3A_55 = arith.addi %mul3A_53, %add3A_54 : i32
      "tpu.region"() ({
        %run_scoped3A = tpu.sem_alloc : memref<!tpu.dma_semaphore, #tpu.memory_space<semaphore_mem>>
        %dma_start3A_92 = arith.constant 750 : i32
        %dma_start3A_93 = arith.constant 0 : i32
        %dma_start3A_94 = tpu.memref_slice %arg7[%dma_start3A_92, %dma_start3A_93] : memref<2000x16xf32, #tpu.memory_space<vmem>> -> memref<125x16xf32, #tpu.memory_space<vmem>>
        %dma_start3A_95 = arith.constant 0 : i32
        %dma_start3A_96 = tpu.memref_slice %arg6[%add3A_55, %dma_start3A_95] : memref<80x125xi32, #tpu.memory_space<vmem>> -> memref<1x125xi32, #tpu.memory_space<vmem>>
        %dma_start3A_97 = tpu.memref_squeeze %dma_start3A_96 : memref<1x125xi32, #tpu.memory_space<vmem>> -> memref<125xi32, #tpu.memory_space<vmem>>
        %dma_start3A_98 = arith.constant 0 : i32
        %dma_start3A_99 = arith.constant 0 : i32
        %dma_start3A_100 = tpu.memref_slice %arg8[%dma_start3A_98, %dma_start3A_99] : memref<10240x16xf32, #tpu.memory_space<vmem_shared>> -> memref<10240x16xf32, #tpu.memory_space<vmem_shared>>
        tpu.enqueue_indirect_dma source(%dma_start3A_94 : memref<125x16xf32, #tpu.memory_space<vmem>>) target(%dma_start3A_100 : memref<10240x16xf32, #tpu.memory_space<vmem_shared>>) offsets(%dma_start3A_97 : memref<125xi32, #tpu.memory_space<vmem>>) semaphore(%run_scoped3A : memref<!tpu.dma_semaphore, #tpu.memory_space<semaphore_mem>>) {add = true}
        %dma_wait3A_101 = arith.constant 750 : i32
        %dma_wait3A_102 = arith.constant 0 : i32
        %dma_wait3A_103 = tpu.memref_slice %arg7[%dma_wait3A_101, %dma_wait3A_102] : memref<2000x16xf32, #tpu.memory_space<vmem>> -> memref<125x16xf32, #tpu.memory_space<vmem>>
        %dma_wait3A_104 = arith.constant 0 : i32
        %dma_wait3A_105 = tpu.memref_slice %arg6[%add3A_55, %dma_wait3A_104] : memref<80x125xi32, #tpu.memory_space<vmem>> -> memref<1x125xi32, #tpu.memory_space<vmem>>
        %dma_wait3A_106 = tpu.memref_squeeze %dma_wait3A_105 : memref<1x125xi32, #tpu.memory_space<vmem>> -> memref<125xi32, #tpu.memory_space<vmem>>
        %dma_wait3A_107 = arith.constant 0 : i32
        %dma_wait3A_108 = arith.constant 0 : i32
        %dma_wait3A_109 = tpu.memref_slice %arg8[%dma_wait3A_107, %dma_wait3A_108] : memref<10240x16xf32, #tpu.memory_space<vmem_shared>> -> memref<10240x16xf32, #tpu.memory_space<vmem_shared>>
        tpu.wait_indirect_dma semaphore(%run_scoped3A : memref<!tpu.dma_semaphore, #tpu.memory_space<semaphore_mem>>) src(%dma_wait3A_103 : memref<125x16xf32, #tpu.memory_space<vmem>>) dst(%dma_wait3A_109 : memref<10240x16xf32, #tpu.memory_space<vmem_shared>>)
        tpu.yield
      }) : () -> ()
      %mul3A_56 = arith.constant 16 : i32
      %mul3A_57 = arith.muli %scan3A_18, %mul3A_56 : i32
      %add3A_58 = arith.constant 7 : i32
      %add3A_59 = arith.addi %mul3A_57, %add3A_58 : i32
      "tpu.region"() ({
        %run_scoped3A = tpu.sem_alloc : memref<!tpu.dma_semaphore, #tpu.memory_space<semaphore_mem>>
        %dma_start3A_92 = arith.constant 875 : i32
        %dma_start3A_93 = arith.constant 0 : i32
        %dma_start3A_94 = tpu.memref_slice %arg7[%dma_start3A_92, %dma_start3A_93] : memref<2000x16xf32, #tpu.memory_space<vmem>> -> memref<125x16xf32, #tpu.memory_space<vmem>>
        %dma_start3A_95 = arith.constant 0 : i32
        %dma_start3A_96 = tpu.memref_slice %arg6[%add3A_59, %dma_start3A_95] : memref<80x125xi32, #tpu.memory_space<vmem>> -> memref<1x125xi32, #tpu.memory_space<vmem>>
        %dma_start3A_97 = tpu.memref_squeeze %dma_start3A_96 : memref<1x125xi32, #tpu.memory_space<vmem>> -> memref<125xi32, #tpu.memory_space<vmem>>
        %dma_start3A_98 = arith.constant 0 : i32
        %dma_start3A_99 = arith.constant 0 : i32
        %dma_start3A_100 = tpu.memref_slice %arg8[%dma_start3A_98, %dma_start3A_99] : memref<10240x16xf32, #tpu.memory_space<vmem_shared>> -> memref<10240x16xf32, #tpu.memory_space<vmem_shared>>
        tpu.enqueue_indirect_dma source(%dma_start3A_94 : memref<125x16xf32, #tpu.memory_space<vmem>>) target(%dma_start3A_100 : memref<10240x16xf32, #tpu.memory_space<vmem_shared>>) offsets(%dma_start3A_97 : memref<125xi32, #tpu.memory_space<vmem>>) semaphore(%run_scoped3A : memref<!tpu.dma_semaphore, #tpu.memory_space<semaphore_mem>>) {add = true}
        %dma_wait3A_101 = arith.constant 875 : i32
        %dma_wait3A_102 = arith.constant 0 : i32
        %dma_wait3A_103 = tpu.memref_slice %arg7[%dma_wait3A_101, %dma_wait3A_102] : memref<2000x16xf32, #tpu.memory_space<vmem>> -> memref<125x16xf32, #tpu.memory_space<vmem>>
        %dma_wait3A_104 = arith.constant 0 : i32
        %dma_wait3A_105 = tpu.memref_slice %arg6[%add3A_59, %dma_wait3A_104] : memref<80x125xi32, #tpu.memory_space<vmem>> -> memref<1x125xi32, #tpu.memory_space<vmem>>
        %dma_wait3A_106 = tpu.memref_squeeze %dma_wait3A_105 : memref<1x125xi32, #tpu.memory_space<vmem>> -> memref<125xi32, #tpu.memory_space<vmem>>
        %dma_wait3A_107 = arith.constant 0 : i32
        %dma_wait3A_108 = arith.constant 0 : i32
        %dma_wait3A_109 = tpu.memref_slice %arg8[%dma_wait3A_107, %dma_wait3A_108] : memref<10240x16xf32, #tpu.memory_space<vmem_shared>> -> memref<10240x16xf32, #tpu.memory_space<vmem_shared>>
        tpu.wait_indirect_dma semaphore(%run_scoped3A : memref<!tpu.dma_semaphore, #tpu.memory_space<semaphore_mem>>) src(%dma_wait3A_103 : memref<125x16xf32, #tpu.memory_space<vmem>>) dst(%dma_wait3A_109 : memref<10240x16xf32, #tpu.memory_space<vmem_shared>>)
        tpu.yield
      }) : () -> ()
      %mul3A_60 = arith.constant 16 : i32
      %mul3A_61 = arith.muli %scan3A_18, %mul3A_60 : i32
      %add3A_62 = arith.constant 8 : i32
      %add3A_63 = arith.addi %mul3A_61, %add3A_62 : i32
      "tpu.region"() ({
        %run_scoped3A = tpu.sem_alloc : memref<!tpu.dma_semaphore, #tpu.memory_space<semaphore_mem>>
        %dma_start3A_92 = arith.constant 1000 : i32
        %dma_start3A_93 = arith.constant 0 : i32
        %dma_start3A_94 = tpu.memref_slice %arg7[%dma_start3A_92, %dma_start3A_93] : memref<2000x16xf32, #tpu.memory_space<vmem>> -> memref<125x16xf32, #tpu.memory_space<vmem>>
        %dma_start3A_95 = arith.constant 0 : i32
        %dma_start3A_96 = tpu.memref_slice %arg6[%add3A_63, %dma_start3A_95] : memref<80x125xi32, #tpu.memory_space<vmem>> -> memref<1x125xi32, #tpu.memory_space<vmem>>
        %dma_start3A_97 = tpu.memref_squeeze %dma_start3A_96 : memref<1x125xi32, #tpu.memory_space<vmem>> -> memref<125xi32, #tpu.memory_space<vmem>>
        %dma_start3A_98 = arith.constant 0 : i32
        %dma_start3A_99 = arith.constant 0 : i32
        %dma_start3A_100 = tpu.memref_slice %arg8[%dma_start3A_98, %dma_start3A_99] : memref<10240x16xf32, #tpu.memory_space<vmem_shared>> -> memref<10240x16xf32, #tpu.memory_space<vmem_shared>>
        tpu.enqueue_indirect_dma source(%dma_start3A_94 : memref<125x16xf32, #tpu.memory_space<vmem>>) target(%dma_start3A_100 : memref<10240x16xf32, #tpu.memory_space<vmem_shared>>) offsets(%dma_start3A_97 : memref<125xi32, #tpu.memory_space<vmem>>) semaphore(%run_scoped3A : memref<!tpu.dma_semaphore, #tpu.memory_space<semaphore_mem>>) {add = true}
        %dma_wait3A_101 = arith.constant 1000 : i32
        %dma_wait3A_102 = arith.constant 0 : i32
        %dma_wait3A_103 = tpu.memref_slice %arg7[%dma_wait3A_101, %dma_wait3A_102] : memref<2000x16xf32, #tpu.memory_space<vmem>> -> memref<125x16xf32, #tpu.memory_space<vmem>>
        %dma_wait3A_104 = arith.constant 0 : i32
        %dma_wait3A_105 = tpu.memref_slice %arg6[%add3A_63, %dma_wait3A_104] : memref<80x125xi32, #tpu.memory_space<vmem>> -> memref<1x125xi32, #tpu.memory_space<vmem>>
        %dma_wait3A_106 = tpu.memref_squeeze %dma_wait3A_105 : memref<1x125xi32, #tpu.memory_space<vmem>> -> memref<125xi32, #tpu.memory_space<vmem>>
        %dma_wait3A_107 = arith.constant 0 : i32
        %dma_wait3A_108 = arith.constant 0 : i32
        %dma_wait3A_109 = tpu.memref_slice %arg8[%dma_wait3A_107, %dma_wait3A_108] : memref<10240x16xf32, #tpu.memory_space<vmem_shared>> -> memref<10240x16xf32, #tpu.memory_space<vmem_shared>>
        tpu.wait_indirect_dma semaphore(%run_scoped3A : memref<!tpu.dma_semaphore, #tpu.memory_space<semaphore_mem>>) src(%dma_wait3A_103 : memref<125x16xf32, #tpu.memory_space<vmem>>) dst(%dma_wait3A_109 : memref<10240x16xf32, #tpu.memory_space<vmem_shared>>)
        tpu.yield
      }) : () -> ()
      %mul3A_64 = arith.constant 16 : i32
      %mul3A_65 = arith.muli %scan3A_18, %mul3A_64 : i32
      %add3A_66 = arith.constant 9 : i32
      %add3A_67 = arith.addi %mul3A_65, %add3A_66 : i32
      "tpu.region"() ({
        %run_scoped3A = tpu.sem_alloc : memref<!tpu.dma_semaphore, #tpu.memory_space<semaphore_mem>>
        %dma_start3A_92 = arith.constant 1125 : i32
        %dma_start3A_93 = arith.constant 0 : i32
        %dma_start3A_94 = tpu.memref_slice %arg7[%dma_start3A_92, %dma_start3A_93] : memref<2000x16xf32, #tpu.memory_space<vmem>> -> memref<125x16xf32, #tpu.memory_space<vmem>>
        %dma_start3A_95 = arith.constant 0 : i32
        %dma_start3A_96 = tpu.memref_slice %arg6[%add3A_67, %dma_start3A_95] : memref<80x125xi32, #tpu.memory_space<vmem>> -> memref<1x125xi32, #tpu.memory_space<vmem>>
        %dma_start3A_97 = tpu.memref_squeeze %dma_start3A_96 : memref<1x125xi32, #tpu.memory_space<vmem>> -> memref<125xi32, #tpu.memory_space<vmem>>
        %dma_start3A_98 = arith.constant 0 : i32
        %dma_start3A_99 = arith.constant 0 : i32
        %dma_start3A_100 = tpu.memref_slice %arg8[%dma_start3A_98, %dma_start3A_99] : memref<10240x16xf32, #tpu.memory_space<vmem_shared>> -> memref<10240x16xf32, #tpu.memory_space<vmem_shared>>
        tpu.enqueue_indirect_dma source(%dma_start3A_94 : memref<125x16xf32, #tpu.memory_space<vmem>>) target(%dma_start3A_100 : memref<10240x16xf32, #tpu.memory_space<vmem_shared>>) offsets(%dma_start3A_97 : memref<125xi32, #tpu.memory_space<vmem>>) semaphore(%run_scoped3A : memref<!tpu.dma_semaphore, #tpu.memory_space<semaphore_mem>>) {add = true}
        %dma_wait3A_101 = arith.constant 1125 : i32
        %dma_wait3A_102 = arith.constant 0 : i32
        %dma_wait3A_103 = tpu.memref_slice %arg7[%dma_wait3A_101, %dma_wait3A_102] : memref<2000x16xf32, #tpu.memory_space<vmem>> -> memref<125x16xf32, #tpu.memory_space<vmem>>
        %dma_wait3A_104 = arith.constant 0 : i32
        %dma_wait3A_105 = tpu.memref_slice %arg6[%add3A_67, %dma_wait3A_104] : memref<80x125xi32, #tpu.memory_space<vmem>> -> memref<1x125xi32, #tpu.memory_space<vmem>>
        %dma_wait3A_106 = tpu.memref_squeeze %dma_wait3A_105 : memref<1x125xi32, #tpu.memory_space<vmem>> -> memref<125xi32, #tpu.memory_space<vmem>>
        %dma_wait3A_107 = arith.constant 0 : i32
        %dma_wait3A_108 = arith.constant 0 : i32
        %dma_wait3A_109 = tpu.memref_slice %arg8[%dma_wait3A_107, %dma_wait3A_108] : memref<10240x16xf32, #tpu.memory_space<vmem_shared>> -> memref<10240x16xf32, #tpu.memory_space<vmem_shared>>
        tpu.wait_indirect_dma semaphore(%run_scoped3A : memref<!tpu.dma_semaphore, #tpu.memory_space<semaphore_mem>>) src(%dma_wait3A_103 : memref<125x16xf32, #tpu.memory_space<vmem>>) dst(%dma_wait3A_109 : memref<10240x16xf32, #tpu.memory_space<vmem_shared>>)
        tpu.yield
      }) : () -> ()
      %mul3A_68 = arith.constant 16 : i32
      %mul3A_69 = arith.muli %scan3A_18, %mul3A_68 : i32
      %add3A_70 = arith.constant 10 : i32
      %add3A_71 = arith.addi %mul3A_69, %add3A_70 : i32
      "tpu.region"() ({
        %run_scoped3A = tpu.sem_alloc : memref<!tpu.dma_semaphore, #tpu.memory_space<semaphore_mem>>
        %dma_start3A_92 = arith.constant 1250 : i32
        %dma_start3A_93 = arith.constant 0 : i32
        %dma_start3A_94 = tpu.memref_slice %arg7[%dma_start3A_92, %dma_start3A_93] : memref<2000x16xf32, #tpu.memory_space<vmem>> -> memref<125x16xf32, #tpu.memory_space<vmem>>
        %dma_start3A_95 = arith.constant 0 : i32
        %dma_start3A_96 = tpu.memref_slice %arg6[%add3A_71, %dma_start3A_95] : memref<80x125xi32, #tpu.memory_space<vmem>> -> memref<1x125xi32, #tpu.memory_space<vmem>>
        %dma_start3A_97 = tpu.memref_squeeze %dma_start3A_96 : memref<1x125xi32, #tpu.memory_space<vmem>> -> memref<125xi32, #tpu.memory_space<vmem>>
        %dma_start3A_98 = arith.constant 0 : i32
        %dma_start3A_99 = arith.constant 0 : i32
        %dma_start3A_100 = tpu.memref_slice %arg8[%dma_start3A_98, %dma_start3A_99] : memref<10240x16xf32, #tpu.memory_space<vmem_shared>> -> memref<10240x16xf32, #tpu.memory_space<vmem_shared>>
        tpu.enqueue_indirect_dma source(%dma_start3A_94 : memref<125x16xf32, #tpu.memory_space<vmem>>) target(%dma_start3A_100 : memref<10240x16xf32, #tpu.memory_space<vmem_shared>>) offsets(%dma_start3A_97 : memref<125xi32, #tpu.memory_space<vmem>>) semaphore(%run_scoped3A : memref<!tpu.dma_semaphore, #tpu.memory_space<semaphore_mem>>) {add = true}
        %dma_wait3A_101 = arith.constant 1250 : i32
        %dma_wait3A_102 = arith.constant 0 : i32
        %dma_wait3A_103 = tpu.memref_slice %arg7[%dma_wait3A_101, %dma_wait3A_102] : memref<2000x16xf32, #tpu.memory_space<vmem>> -> memref<125x16xf32, #tpu.memory_space<vmem>>
        %dma_wait3A_104 = arith.constant 0 : i32
        %dma_wait3A_105 = tpu.memref_slice %arg6[%add3A_71, %dma_wait3A_104] : memref<80x125xi32, #tpu.memory_space<vmem>> -> memref<1x125xi32, #tpu.memory_space<vmem>>
        %dma_wait3A_106 = tpu.memref_squeeze %dma_wait3A_105 : memref<1x125xi32, #tpu.memory_space<vmem>> -> memref<125xi32, #tpu.memory_space<vmem>>
        %dma_wait3A_107 = arith.constant 0 : i32
        %dma_wait3A_108 = arith.constant 0 : i32
        %dma_wait3A_109 = tpu.memref_slice %arg8[%dma_wait3A_107, %dma_wait3A_108] : memref<10240x16xf32, #tpu.memory_space<vmem_shared>> -> memref<10240x16xf32, #tpu.memory_space<vmem_shared>>
        tpu.wait_indirect_dma semaphore(%run_scoped3A : memref<!tpu.dma_semaphore, #tpu.memory_space<semaphore_mem>>) src(%dma_wait3A_103 : memref<125x16xf32, #tpu.memory_space<vmem>>) dst(%dma_wait3A_109 : memref<10240x16xf32, #tpu.memory_space<vmem_shared>>)
        tpu.yield
      }) : () -> ()
      %mul3A_72 = arith.constant 16 : i32
      %mul3A_73 = arith.muli %scan3A_18, %mul3A_72 : i32
      %add3A_74 = arith.constant 11 : i32
      %add3A_75 = arith.addi %mul3A_73, %add3A_74 : i32
      "tpu.region"() ({
        %run_scoped3A = tpu.sem_alloc : memref<!tpu.dma_semaphore, #tpu.memory_space<semaphore_mem>>
        %dma_start3A_92 = arith.constant 1375 : i32
        %dma_start3A_93 = arith.constant 0 : i32
        %dma_start3A_94 = tpu.memref_slice %arg7[%dma_start3A_92, %dma_start3A_93] : memref<2000x16xf32, #tpu.memory_space<vmem>> -> memref<125x16xf32, #tpu.memory_space<vmem>>
        %dma_start3A_95 = arith.constant 0 : i32
        %dma_start3A_96 = tpu.memref_slice %arg6[%add3A_75, %dma_start3A_95] : memref<80x125xi32, #tpu.memory_space<vmem>> -> memref<1x125xi32, #tpu.memory_space<vmem>>
        %dma_start3A_97 = tpu.memref_squeeze %dma_start3A_96 : memref<1x125xi32, #tpu.memory_space<vmem>> -> memref<125xi32, #tpu.memory_space<vmem>>
        %dma_start3A_98 = arith.constant 0 : i32
        %dma_start3A_99 = arith.constant 0 : i32
        %dma_start3A_100 = tpu.memref_slice %arg8[%dma_start3A_98, %dma_start3A_99] : memref<10240x16xf32, #tpu.memory_space<vmem_shared>> -> memref<10240x16xf32, #tpu.memory_space<vmem_shared>>
        tpu.enqueue_indirect_dma source(%dma_start3A_94 : memref<125x16xf32, #tpu.memory_space<vmem>>) target(%dma_start3A_100 : memref<10240x16xf32, #tpu.memory_space<vmem_shared>>) offsets(%dma_start3A_97 : memref<125xi32, #tpu.memory_space<vmem>>) semaphore(%run_scoped3A : memref<!tpu.dma_semaphore, #tpu.memory_space<semaphore_mem>>) {add = true}
        %dma_wait3A_101 = arith.constant 1375 : i32
        %dma_wait3A_102 = arith.constant 0 : i32
        %dma_wait3A_103 = tpu.memref_slice %arg7[%dma_wait3A_101, %dma_wait3A_102] : memref<2000x16xf32, #tpu.memory_space<vmem>> -> memref<125x16xf32, #tpu.memory_space<vmem>>
        %dma_wait3A_104 = arith.constant 0 : i32
        %dma_wait3A_105 = tpu.memref_slice %arg6[%add3A_75, %dma_wait3A_104] : memref<80x125xi32, #tpu.memory_space<vmem>> -> memref<1x125xi32, #tpu.memory_space<vmem>>
        %dma_wait3A_106 = tpu.memref_squeeze %dma_wait3A_105 : memref<1x125xi32, #tpu.memory_space<vmem>> -> memref<125xi32, #tpu.memory_space<vmem>>
        %dma_wait3A_107 = arith.constant 0 : i32
        %dma_wait3A_108 = arith.constant 0 : i32
        %dma_wait3A_109 = tpu.memref_slice %arg8[%dma_wait3A_107, %dma_wait3A_108] : memref<10240x16xf32, #tpu.memory_space<vmem_shared>> -> memref<10240x16xf32, #tpu.memory_space<vmem_shared>>
        tpu.wait_indirect_dma semaphore(%run_scoped3A : memref<!tpu.dma_semaphore, #tpu.memory_space<semaphore_mem>>) src(%dma_wait3A_103 : memref<125x16xf32, #tpu.memory_space<vmem>>) dst(%dma_wait3A_109 : memref<10240x16xf32, #tpu.memory_space<vmem_shared>>)
        tpu.yield
      }) : () -> ()
      %mul3A_76 = arith.constant 16 : i32
      %mul3A_77 = arith.muli %scan3A_18, %mul3A_76 : i32
      %add3A_78 = arith.constant 12 : i32
      %add3A_79 = arith.addi %mul3A_77, %add3A_78 : i32
      "tpu.region"() ({
        %run_scoped3A = tpu.sem_alloc : memref<!tpu.dma_semaphore, #tpu.memory_space<semaphore_mem>>
        %dma_start3A_92 = arith.constant 1500 : i32
        %dma_start3A_93 = arith.constant 0 : i32
        %dma_start3A_94 = tpu.memref_slice %arg7[%dma_start3A_92, %dma_start3A_93] : memref<2000x16xf32, #tpu.memory_space<vmem>> -> memref<125x16xf32, #tpu.memory_space<vmem>>
        %dma_start3A_95 = arith.constant 0 : i32
        %dma_start3A_96 = tpu.memref_slice %arg6[%add3A_79, %dma_start3A_95] : memref<80x125xi32, #tpu.memory_space<vmem>> -> memref<1x125xi32, #tpu.memory_space<vmem>>
        %dma_start3A_97 = tpu.memref_squeeze %dma_start3A_96 : memref<1x125xi32, #tpu.memory_space<vmem>> -> memref<125xi32, #tpu.memory_space<vmem>>
        %dma_start3A_98 = arith.constant 0 : i32
        %dma_start3A_99 = arith.constant 0 : i32
        %dma_start3A_100 = tpu.memref_slice %arg8[%dma_start3A_98, %dma_start3A_99] : memref<10240x16xf32, #tpu.memory_space<vmem_shared>> -> memref<10240x16xf32, #tpu.memory_space<vmem_shared>>
        tpu.enqueue_indirect_dma source(%dma_start3A_94 : memref<125x16xf32, #tpu.memory_space<vmem>>) target(%dma_start3A_100 : memref<10240x16xf32, #tpu.memory_space<vmem_shared>>) offsets(%dma_start3A_97 : memref<125xi32, #tpu.memory_space<vmem>>) semaphore(%run_scoped3A : memref<!tpu.dma_semaphore, #tpu.memory_space<semaphore_mem>>) {add = true}
        %dma_wait3A_101 = arith.constant 1500 : i32
        %dma_wait3A_102 = arith.constant 0 : i32
        %dma_wait3A_103 = tpu.memref_slice %arg7[%dma_wait3A_101, %dma_wait3A_102] : memref<2000x16xf32, #tpu.memory_space<vmem>> -> memref<125x16xf32, #tpu.memory_space<vmem>>
        %dma_wait3A_104 = arith.constant 0 : i32
        %dma_wait3A_105 = tpu.memref_slice %arg6[%add3A_79, %dma_wait3A_104] : memref<80x125xi32, #tpu.memory_space<vmem>> -> memref<1x125xi32, #tpu.memory_space<vmem>>
        %dma_wait3A_106 = tpu.memref_squeeze %dma_wait3A_105 : memref<1x125xi32, #tpu.memory_space<vmem>> -> memref<125xi32, #tpu.memory_space<vmem>>
        %dma_wait3A_107 = arith.constant 0 : i32
        %dma_wait3A_108 = arith.constant 0 : i32
        %dma_wait3A_109 = tpu.memref_slice %arg8[%dma_wait3A_107, %dma_wait3A_108] : memref<10240x16xf32, #tpu.memory_space<vmem_shared>> -> memref<10240x16xf32, #tpu.memory_space<vmem_shared>>
        tpu.wait_indirect_dma semaphore(%run_scoped3A : memref<!tpu.dma_semaphore, #tpu.memory_space<semaphore_mem>>) src(%dma_wait3A_103 : memref<125x16xf32, #tpu.memory_space<vmem>>) dst(%dma_wait3A_109 : memref<10240x16xf32, #tpu.memory_space<vmem_shared>>)
        tpu.yield
      }) : () -> ()
      %mul3A_80 = arith.constant 16 : i32
      %mul3A_81 = arith.muli %scan3A_18, %mul3A_80 : i32
      %add3A_82 = arith.constant 13 : i32
      %add3A_83 = arith.addi %mul3A_81, %add3A_82 : i32
      "tpu.region"() ({
        %run_scoped3A = tpu.sem_alloc : memref<!tpu.dma_semaphore, #tpu.memory_space<semaphore_mem>>
        %dma_start3A_92 = arith.constant 1625 : i32
        %dma_start3A_93 = arith.constant 0 : i32
        %dma_start3A_94 = tpu.memref_slice %arg7[%dma_start3A_92, %dma_start3A_93] : memref<2000x16xf32, #tpu.memory_space<vmem>> -> memref<125x16xf32, #tpu.memory_space<vmem>>
        %dma_start3A_95 = arith.constant 0 : i32
        %dma_start3A_96 = tpu.memref_slice %arg6[%add3A_83, %dma_start3A_95] : memref<80x125xi32, #tpu.memory_space<vmem>> -> memref<1x125xi32, #tpu.memory_space<vmem>>
        %dma_start3A_97 = tpu.memref_squeeze %dma_start3A_96 : memref<1x125xi32, #tpu.memory_space<vmem>> -> memref<125xi32, #tpu.memory_space<vmem>>
        %dma_start3A_98 = arith.constant 0 : i32
        %dma_start3A_99 = arith.constant 0 : i32
        %dma_start3A_100 = tpu.memref_slice %arg8[%dma_start3A_98, %dma_start3A_99] : memref<10240x16xf32, #tpu.memory_space<vmem_shared>> -> memref<10240x16xf32, #tpu.memory_space<vmem_shared>>
        tpu.enqueue_indirect_dma source(%dma_start3A_94 : memref<125x16xf32, #tpu.memory_space<vmem>>) target(%dma_start3A_100 : memref<10240x16xf32, #tpu.memory_space<vmem_shared>>) offsets(%dma_start3A_97 : memref<125xi32, #tpu.memory_space<vmem>>) semaphore(%run_scoped3A : memref<!tpu.dma_semaphore, #tpu.memory_space<semaphore_mem>>) {add = true}
        %dma_wait3A_101 = arith.constant 1625 : i32
        %dma_wait3A_102 = arith.constant 0 : i32
        %dma_wait3A_103 = tpu.memref_slice %arg7[%dma_wait3A_101, %dma_wait3A_102] : memref<2000x16xf32, #tpu.memory_space<vmem>> -> memref<125x16xf32, #tpu.memory_space<vmem>>
        %dma_wait3A_104 = arith.constant 0 : i32
        %dma_wait3A_105 = tpu.memref_slice %arg6[%add3A_83, %dma_wait3A_104] : memref<80x125xi32, #tpu.memory_space<vmem>> -> memref<1x125xi32, #tpu.memory_space<vmem>>
        %dma_wait3A_106 = tpu.memref_squeeze %dma_wait3A_105 : memref<1x125xi32, #tpu.memory_space<vmem>> -> memref<125xi32, #tpu.memory_space<vmem>>
        %dma_wait3A_107 = arith.constant 0 : i32
        %dma_wait3A_108 = arith.constant 0 : i32
        %dma_wait3A_109 = tpu.memref_slice %arg8[%dma_wait3A_107, %dma_wait3A_108] : memref<10240x16xf32, #tpu.memory_space<vmem_shared>> -> memref<10240x16xf32, #tpu.memory_space<vmem_shared>>
        tpu.wait_indirect_dma semaphore(%run_scoped3A : memref<!tpu.dma_semaphore, #tpu.memory_space<semaphore_mem>>) src(%dma_wait3A_103 : memref<125x16xf32, #tpu.memory_space<vmem>>) dst(%dma_wait3A_109 : memref<10240x16xf32, #tpu.memory_space<vmem_shared>>)
        tpu.yield
      }) : () -> ()
      %mul3A_84 = arith.constant 16 : i32
      %mul3A_85 = arith.muli %scan3A_18, %mul3A_84 : i32
      %add3A_86 = arith.constant 14 : i32
      %add3A_87 = arith.addi %mul3A_85, %add3A_86 : i32
      "tpu.region"() ({
        %run_scoped3A = tpu.sem_alloc : memref<!tpu.dma_semaphore, #tpu.memory_space<semaphore_mem>>
        %dma_start3A_92 = arith.constant 1750 : i32
        %dma_start3A_93 = arith.constant 0 : i32
        %dma_start3A_94 = tpu.memref_slice %arg7[%dma_start3A_92, %dma_start3A_93] : memref<2000x16xf32, #tpu.memory_space<vmem>> -> memref<125x16xf32, #tpu.memory_space<vmem>>
        %dma_start3A_95 = arith.constant 0 : i32
        %dma_start3A_96 = tpu.memref_slice %arg6[%add3A_87, %dma_start3A_95] : memref<80x125xi32, #tpu.memory_space<vmem>> -> memref<1x125xi32, #tpu.memory_space<vmem>>
        %dma_start3A_97 = tpu.memref_squeeze %dma_start3A_96 : memref<1x125xi32, #tpu.memory_space<vmem>> -> memref<125xi32, #tpu.memory_space<vmem>>
        %dma_start3A_98 = arith.constant 0 : i32
        %dma_start3A_99 = arith.constant 0 : i32
        %dma_start3A_100 = tpu.memref_slice %arg8[%dma_start3A_98, %dma_start3A_99] : memref<10240x16xf32, #tpu.memory_space<vmem_shared>> -> memref<10240x16xf32, #tpu.memory_space<vmem_shared>>
        tpu.enqueue_indirect_dma source(%dma_start3A_94 : memref<125x16xf32, #tpu.memory_space<vmem>>) target(%dma_start3A_100 : memref<10240x16xf32, #tpu.memory_space<vmem_shared>>) offsets(%dma_start3A_97 : memref<125xi32, #tpu.memory_space<vmem>>) semaphore(%run_scoped3A : memref<!tpu.dma_semaphore, #tpu.memory_space<semaphore_mem>>) {add = true}
        %dma_wait3A_101 = arith.constant 1750 : i32
        %dma_wait3A_102 = arith.constant 0 : i32
        %dma_wait3A_103 = tpu.memref_slice %arg7[%dma_wait3A_101, %dma_wait3A_102] : memref<2000x16xf32, #tpu.memory_space<vmem>> -> memref<125x16xf32, #tpu.memory_space<vmem>>
        %dma_wait3A_104 = arith.constant 0 : i32
        %dma_wait3A_105 = tpu.memref_slice %arg6[%add3A_87, %dma_wait3A_104] : memref<80x125xi32, #tpu.memory_space<vmem>> -> memref<1x125xi32, #tpu.memory_space<vmem>>
        %dma_wait3A_106 = tpu.memref_squeeze %dma_wait3A_105 : memref<1x125xi32, #tpu.memory_space<vmem>> -> memref<125xi32, #tpu.memory_space<vmem>>
        %dma_wait3A_107 = arith.constant 0 : i32
        %dma_wait3A_108 = arith.constant 0 : i32
        %dma_wait3A_109 = tpu.memref_slice %arg8[%dma_wait3A_107, %dma_wait3A_108] : memref<10240x16xf32, #tpu.memory_space<vmem_shared>> -> memref<10240x16xf32, #tpu.memory_space<vmem_shared>>
        tpu.wait_indirect_dma semaphore(%run_scoped3A : memref<!tpu.dma_semaphore, #tpu.memory_space<semaphore_mem>>) src(%dma_wait3A_103 : memref<125x16xf32, #tpu.memory_space<vmem>>) dst(%dma_wait3A_109 : memref<10240x16xf32, #tpu.memory_space<vmem_shared>>)
        tpu.yield
      }) : () -> ()
      %mul3A_88 = arith.constant 16 : i32
      %mul3A_89 = arith.muli %scan3A_18, %mul3A_88 : i32
      %add3A_90 = arith.constant 15 : i32
      %add3A_91 = arith.addi %mul3A_89, %add3A_90 : i32
      "tpu.region"() ({
        %run_scoped3A = tpu.sem_alloc : memref<!tpu.dma_semaphore, #tpu.memory_space<semaphore_mem>>
        %dma_start3A_92 = arith.constant 1875 : i32
        %dma_start3A_93 = arith.constant 0 : i32
        %dma_start3A_94 = tpu.memref_slice %arg7[%dma_start3A_92, %dma_start3A_93] : memref<2000x16xf32, #tpu.memory_space<vmem>> -> memref<125x16xf32, #tpu.memory_space<vmem>>
        %dma_start3A_95 = arith.constant 0 : i32
        %dma_start3A_96 = tpu.memref_slice %arg6[%add3A_91, %dma_start3A_95] : memref<80x125xi32, #tpu.memory_space<vmem>> -> memref<1x125xi32, #tpu.memory_space<vmem>>
        %dma_start3A_97 = tpu.memref_squeeze %dma_start3A_96 : memref<1x125xi32, #tpu.memory_space<vmem>> -> memref<125xi32, #tpu.memory_space<vmem>>
        %dma_start3A_98 = arith.constant 0 : i32
        %dma_start3A_99 = arith.constant 0 : i32
        %dma_start3A_100 = tpu.memref_slice %arg8[%dma_start3A_98, %dma_start3A_99] : memref<10240x16xf32, #tpu.memory_space<vmem_shared>> -> memref<10240x16xf32, #tpu.memory_space<vmem_shared>>
        tpu.enqueue_indirect_dma source(%dma_start3A_94 : memref<125x16xf32, #tpu.memory_space<vmem>>) target(%dma_start3A_100 : memref<10240x16xf32, #tpu.memory_space<vmem_shared>>) offsets(%dma_start3A_97 : memref<125xi32, #tpu.memory_space<vmem>>) semaphore(%run_scoped3A : memref<!tpu.dma_semaphore, #tpu.memory_space<semaphore_mem>>) {add = true}
        %dma_wait3A_101 = arith.constant 1875 : i32
        %dma_wait3A_102 = arith.constant 0 : i32
        %dma_wait3A_103 = tpu.memref_slice %arg7[%dma_wait3A_101, %dma_wait3A_102] : memref<2000x16xf32, #tpu.memory_space<vmem>> -> memref<125x16xf32, #tpu.memory_space<vmem>>
        %dma_wait3A_104 = arith.constant 0 : i32
        %dma_wait3A_105 = tpu.memref_slice %arg6[%add3A_91, %dma_wait3A_104] : memref<80x125xi32, #tpu.memory_space<vmem>> -> memref<1x125xi32, #tpu.memory_space<vmem>>
        %dma_wait3A_106 = tpu.memref_squeeze %dma_wait3A_105 : memref<1x125xi32, #tpu.memory_space<vmem>> -> memref<125xi32, #tpu.memory_space<vmem>>
        %dma_wait3A_107 = arith.constant 0 : i32
        %dma_wait3A_108 = arith.constant 0 : i32
        %dma_wait3A_109 = tpu.memref_slice %arg8[%dma_wait3A_107, %dma_wait3A_108] : memref<10240x16xf32, #tpu.memory_space<vmem_shared>> -> memref<10240x16xf32, #tpu.memory_space<vmem_shared>>
        tpu.wait_indirect_dma semaphore(%run_scoped3A : memref<!tpu.dma_semaphore, #tpu.memory_space<semaphore_mem>>) src(%dma_wait3A_103 : memref<125x16xf32, #tpu.memory_space<vmem>>) dst(%dma_wait3A_109 : memref<10240x16xf32, #tpu.memory_space<vmem_shared>>)
        tpu.yield
      }) : () -> ()
    }
    %scan3A_9 = arith.constant 5 : i32
    %barrier3A_10 = arith.constant 0 : index
    tpu.barrier barrier_id(%barrier3A_10)
    %mul3A_11 = arith.constant 640 : i32
    %mul3A_12 = arith.muli %arg1, %mul3A_11 : i32
    %mul3A_13 = arith.constant 10240 : i32
    %mul3A_14 = arith.muli %arg0, %mul3A_13 : i32
    %mul3A_15 = arith.constant 640 : i32
    %mul3A_16 = arith.muli %arg1, %mul3A_15 : i32
    %add3A_17 = arith.addi %mul3A_14, %mul3A_16 : i32
    "tpu.region"() ({
      %run_scoped3A = tpu.sem_alloc : memref<!tpu.dma_semaphore, #tpu.memory_space<semaphore_mem>>
      %dma_start3A = arith.constant 0 : i32
      %dma_start3A_18 = tpu.memref_slice %arg5[%add3A_17, %dma_start3A] : memref<20480x16xf32, #tpu.memory_space<hbm>> -> memref<640x16xf32, #tpu.memory_space<hbm>>
      %dma_start3A_19 = arith.constant 0 : i32
      %dma_start3A_20 = tpu.memref_slice %arg8[%mul3A_12, %dma_start3A_19] : memref<10240x16xf32, #tpu.memory_space<vmem_shared>> -> memref<640x16xf32, #tpu.memory_space<vmem_shared>>
      tpu.enqueue_dma source(%dma_start3A_20 : memref<640x16xf32, #tpu.memory_space<vmem_shared>>) target(%dma_start3A_18 : memref<640x16xf32, #tpu.memory_space<hbm>>) target_semaphore(%run_scoped3A : memref<!tpu.dma_semaphore, #tpu.memory_space<semaphore_mem>>)
      %dma_wait3A = arith.constant 0 : i32
      %dma_wait3A_21 = tpu.memref_slice %arg5[%add3A_17, %dma_wait3A] : memref<20480x16xf32, #tpu.memory_space<hbm>> -> memref<640x16xf32, #tpu.memory_space<hbm>>
      %dma_wait3A_22 = arith.constant 0 : i32
      %dma_wait3A_23 = tpu.memref_slice %arg8[%mul3A_12, %dma_wait3A_22] : memref<10240x16xf32, #tpu.memory_space<vmem_shared>> -> memref<640x16xf32, #tpu.memory_space<vmem_shared>>
      tpu.wait_dma2 semaphore(%run_scoped3A : memref<!tpu.dma_semaphore, #tpu.memory_space<semaphore_mem>>) src(%dma_wait3A_23 : memref<640x16xf32, #tpu.memory_space<vmem_shared>>) dst(%dma_wait3A_21 : memref<640x16xf32, #tpu.memory_space<hbm>>)
      tpu.yield
    }) : () -> ()
    return
  }
}

#map = affine_map<(d0, d1) -> (0, 0, 0)>
#map1 = affine_map<(d0, d1) -> (0, 0)>
module attributes {stable_mosaic.version = 14 : i64} {
  func.func @_sc_hist(%arg0: i32, %arg1: i32, %arg2: memref<32x80x125xi32, #tpu.memory_space<hbm>>, %arg3: memref<32x80x125xi32, #tpu.memory_space<hbm>>, %arg4: memref<125x16xf32, #tpu.memory_space<hbm>>, %arg5: memref<10240x16xf32, #tpu.memory_space<hbm>>, %arg6: memref<20480x16xf32, #tpu.memory_space<hbm>>, %arg7: memref<20480x16xf32, #tpu.memory_space<hbm>>, %arg8: memref<80x125xi32, #tpu.memory_space<vmem>>, %arg9: memref<80x125xi32, #tpu.memory_space<vmem>>, %arg10: memref<125x16xf32, #tpu.memory_space<vmem>>, %arg11: memref<10240x16xf32, #tpu.memory_space<vmem_shared>>, %arg12: memref<10240x16xf32, #tpu.memory_space<vmem_shared>>) attributes {dimension_semantics = [#tpu.dimension_semantics<core_parallel>, #tpu.dimension_semantics<subcore_parallel>], iteration_bounds = array<i64: 2, 16>, scalar_prefetch = 0 : i64, scratch_operands = 5 : i64, tpu.core_type = #tpu.core_type<sc_vector_subcore>, window_params = [{transform_indices = #map}, {transform_indices = #map}, {transform_indices = #map1}, {transform_indices = #map1}, {transform_indices = #map1}, {transform_indices = #map1}]} {
    %mul3A = arith.constant 2 : i32
    %mul3A_0 = arith.muli %arg1, %mul3A : i32
    %add3A = arith.addi %mul3A_0, %arg0 : i32
    %eq3A = arith.constant 0 : i32
    %eq3A_1 = arith.cmpi eq, %arg1, %eq3A : i32
    %convert_element_type3A = arith.extui %eq3A_1 : i1 to i32
    %cond3A = arith.constant 0 : i32
    %cond3A_2 = arith.cmpi ne, %convert_element_type3A, %cond3A : i32
    scf.if %cond3A_2 {
      "tpu.region"() ({
        %run_scoped3A = tpu.sem_alloc : memref<!tpu.dma_semaphore, #tpu.memory_space<semaphore_mem>>
        tpu.enqueue_dma source(%arg5 : memref<10240x16xf32, #tpu.memory_space<hbm>>) target(%arg11 : memref<10240x16xf32, #tpu.memory_space<vmem_shared>>) target_semaphore(%run_scoped3A : memref<!tpu.dma_semaphore, #tpu.memory_space<semaphore_mem>>)
        tpu.wait_dma2 semaphore(%run_scoped3A : memref<!tpu.dma_semaphore, #tpu.memory_space<semaphore_mem>>) src(%arg5 : memref<10240x16xf32, #tpu.memory_space<hbm>>) dst(%arg11 : memref<10240x16xf32, #tpu.memory_space<vmem_shared>>)
        tpu.yield
      }) : () -> ()
      "tpu.region"() ({
        %run_scoped3A = tpu.sem_alloc : memref<!tpu.dma_semaphore, #tpu.memory_space<semaphore_mem>>
        tpu.enqueue_dma source(%arg5 : memref<10240x16xf32, #tpu.memory_space<hbm>>) target(%arg12 : memref<10240x16xf32, #tpu.memory_space<vmem_shared>>) target_semaphore(%run_scoped3A : memref<!tpu.dma_semaphore, #tpu.memory_space<semaphore_mem>>)
        tpu.wait_dma2 semaphore(%run_scoped3A : memref<!tpu.dma_semaphore, #tpu.memory_space<semaphore_mem>>) src(%arg5 : memref<10240x16xf32, #tpu.memory_space<hbm>>) dst(%arg12 : memref<10240x16xf32, #tpu.memory_space<vmem_shared>>)
        tpu.yield
      }) : () -> ()
    } else {
    }
    "tpu.region"() ({
      %run_scoped3A = tpu.sem_alloc : memref<!tpu.dma_semaphore, #tpu.memory_space<semaphore_mem>>
      tpu.enqueue_dma source(%arg4 : memref<125x16xf32, #tpu.memory_space<hbm>>) target(%arg10 : memref<125x16xf32, #tpu.memory_space<vmem>>) target_semaphore(%run_scoped3A : memref<!tpu.dma_semaphore, #tpu.memory_space<semaphore_mem>>)
      tpu.wait_dma2 semaphore(%run_scoped3A : memref<!tpu.dma_semaphore, #tpu.memory_space<semaphore_mem>>) src(%arg4 : memref<125x16xf32, #tpu.memory_space<hbm>>) dst(%arg10 : memref<125x16xf32, #tpu.memory_space<vmem>>)
      tpu.yield
    }) : () -> ()
    "tpu.region"() ({
      %run_scoped3A = tpu.sem_alloc : memref<!tpu.dma_semaphore, #tpu.memory_space<semaphore_mem>>
      %dma_start3A = arith.constant 0 : i32
      %dma_start3A_23 = arith.constant 0 : i32
      %dma_start3A_24 = tpu.memref_slice %arg2[%add3A, %dma_start3A, %dma_start3A_23] : memref<32x80x125xi32, #tpu.memory_space<hbm>> -> memref<1x80x125xi32, #tpu.memory_space<hbm>>
      %dma_start3A_25 = tpu.memref_squeeze %dma_start3A_24 : memref<1x80x125xi32, #tpu.memory_space<hbm>> -> memref<80x125xi32, #tpu.memory_space<hbm>>
      %dma_start3A_26 = arith.constant 0 : i32
      %dma_start3A_27 = arith.constant 0 : i32
      %dma_start3A_28 = tpu.memref_slice %arg2[%add3A, %dma_start3A_26, %dma_start3A_27] : memref<32x80x125xi32, #tpu.memory_space<hbm>> -> memref<1x80x125xi32, #tpu.memory_space<hbm>>
      %dma_start3A_29 = tpu.memref_squeeze %dma_start3A_28 : memref<1x80x125xi32, #tpu.memory_space<hbm>> -> memref<80x125xi32, #tpu.memory_space<hbm>>
      tpu.enqueue_dma source(%dma_start3A_29 : memref<80x125xi32, #tpu.memory_space<hbm>>) target(%arg8 : memref<80x125xi32, #tpu.memory_space<vmem>>) target_semaphore(%run_scoped3A : memref<!tpu.dma_semaphore, #tpu.memory_space<semaphore_mem>>)
      %dma_wait3A = arith.constant 0 : i32
      %dma_wait3A_30 = arith.constant 0 : i32
      %dma_wait3A_31 = tpu.memref_slice %arg2[%add3A, %dma_wait3A, %dma_wait3A_30] : memref<32x80x125xi32, #tpu.memory_space<hbm>> -> memref<1x80x125xi32, #tpu.memory_space<hbm>>
      %dma_wait3A_32 = tpu.memref_squeeze %dma_wait3A_31 : memref<1x80x125xi32, #tpu.memory_space<hbm>> -> memref<80x125xi32, #tpu.memory_space<hbm>>
      %dma_wait3A_33 = arith.constant 0 : i32
      %dma_wait3A_34 = arith.constant 0 : i32
      %dma_wait3A_35 = tpu.memref_slice %arg2[%add3A, %dma_wait3A_33, %dma_wait3A_34] : memref<32x80x125xi32, #tpu.memory_space<hbm>> -> memref<1x80x125xi32, #tpu.memory_space<hbm>>
      %dma_wait3A_36 = tpu.memref_squeeze %dma_wait3A_35 : memref<1x80x125xi32, #tpu.memory_space<hbm>> -> memref<80x125xi32, #tpu.memory_space<hbm>>
      tpu.wait_dma2 semaphore(%run_scoped3A : memref<!tpu.dma_semaphore, #tpu.memory_space<semaphore_mem>>) src(%dma_wait3A_36 : memref<80x125xi32, #tpu.memory_space<hbm>>) dst(%arg8 : memref<80x125xi32, #tpu.memory_space<vmem>>)
      tpu.yield
    }) : () -> ()
    "tpu.region"() ({
      %run_scoped3A = tpu.sem_alloc : memref<!tpu.dma_semaphore, #tpu.memory_space<semaphore_mem>>
      %dma_start3A = arith.constant 0 : i32
      %dma_start3A_23 = arith.constant 0 : i32
      %dma_start3A_24 = tpu.memref_slice %arg3[%add3A, %dma_start3A, %dma_start3A_23] : memref<32x80x125xi32, #tpu.memory_space<hbm>> -> memref<1x80x125xi32, #tpu.memory_space<hbm>>
      %dma_start3A_25 = tpu.memref_squeeze %dma_start3A_24 : memref<1x80x125xi32, #tpu.memory_space<hbm>> -> memref<80x125xi32, #tpu.memory_space<hbm>>
      %dma_start3A_26 = arith.constant 0 : i32
      %dma_start3A_27 = arith.constant 0 : i32
      %dma_start3A_28 = tpu.memref_slice %arg3[%add3A, %dma_start3A_26, %dma_start3A_27] : memref<32x80x125xi32, #tpu.memory_space<hbm>> -> memref<1x80x125xi32, #tpu.memory_space<hbm>>
      %dma_start3A_29 = tpu.memref_squeeze %dma_start3A_28 : memref<1x80x125xi32, #tpu.memory_space<hbm>> -> memref<80x125xi32, #tpu.memory_space<hbm>>
      tpu.enqueue_dma source(%dma_start3A_29 : memref<80x125xi32, #tpu.memory_space<hbm>>) target(%arg9 : memref<80x125xi32, #tpu.memory_space<vmem>>) target_semaphore(%run_scoped3A : memref<!tpu.dma_semaphore, #tpu.memory_space<semaphore_mem>>)
      %dma_wait3A = arith.constant 0 : i32
      %dma_wait3A_30 = arith.constant 0 : i32
      %dma_wait3A_31 = tpu.memref_slice %arg3[%add3A, %dma_wait3A, %dma_wait3A_30] : memref<32x80x125xi32, #tpu.memory_space<hbm>> -> memref<1x80x125xi32, #tpu.memory_space<hbm>>
      %dma_wait3A_32 = tpu.memref_squeeze %dma_wait3A_31 : memref<1x80x125xi32, #tpu.memory_space<hbm>> -> memref<80x125xi32, #tpu.memory_space<hbm>>
      %dma_wait3A_33 = arith.constant 0 : i32
      %dma_wait3A_34 = arith.constant 0 : i32
      %dma_wait3A_35 = tpu.memref_slice %arg3[%add3A, %dma_wait3A_33, %dma_wait3A_34] : memref<32x80x125xi32, #tpu.memory_space<hbm>> -> memref<1x80x125xi32, #tpu.memory_space<hbm>>
      %dma_wait3A_36 = tpu.memref_squeeze %dma_wait3A_35 : memref<1x80x125xi32, #tpu.memory_space<hbm>> -> memref<80x125xi32, #tpu.memory_space<hbm>>
      tpu.wait_dma2 semaphore(%run_scoped3A : memref<!tpu.dma_semaphore, #tpu.memory_space<semaphore_mem>>) src(%dma_wait3A_36 : memref<80x125xi32, #tpu.memory_space<hbm>>) dst(%arg9 : memref<80x125xi32, #tpu.memory_space<vmem>>)
      tpu.yield
    }) : () -> ()
    %barrier3A = arith.constant 0 : index
    tpu.barrier barrier_id(%barrier3A)
    %scan3A = arith.constant 0 : i32
    %scan3A_3 = arith.constant 0 : i32
    %scan3A_4 = arith.constant 80 : i32
    %scan3A_5 = arith.addi %scan3A_3, %scan3A_4 : i32
    %scan3A_6 = arith.constant 1 : i32
    scf.for %scan3A_23 = %scan3A_3 to %scan3A_5 step %scan3A_6  : i32 {
      "tpu.region"() ({
        %run_scoped3A = tpu.sem_alloc : memref<!tpu.dma_semaphore, #tpu.memory_space<semaphore_mem>>
        %dma_start3A = arith.constant 0 : i32
        %dma_start3A_24 = tpu.memref_slice %arg8[%scan3A_23, %dma_start3A] : memref<80x125xi32, #tpu.memory_space<vmem>> -> memref<1x125xi32, #tpu.memory_space<vmem>>
        %dma_start3A_25 = tpu.memref_squeeze %dma_start3A_24 : memref<1x125xi32, #tpu.memory_space<vmem>> -> memref<125xi32, #tpu.memory_space<vmem>>
        %dma_start3A_26 = arith.constant 0 : i32
        %dma_start3A_27 = arith.constant 0 : i32
        %dma_start3A_28 = tpu.memref_slice %arg11[%dma_start3A_26, %dma_start3A_27] : memref<10240x16xf32, #tpu.memory_space<vmem_shared>> -> memref<10240x16xf32, #tpu.memory_space<vmem_shared>>
        tpu.enqueue_indirect_dma source(%arg10 : memref<125x16xf32, #tpu.memory_space<vmem>>) target(%dma_start3A_28 : memref<10240x16xf32, #tpu.memory_space<vmem_shared>>) offsets(%dma_start3A_25 : memref<125xi32, #tpu.memory_space<vmem>>) semaphore(%run_scoped3A : memref<!tpu.dma_semaphore, #tpu.memory_space<semaphore_mem>>) {add = true}
        %dma_wait3A = arith.constant 0 : i32
        %dma_wait3A_29 = tpu.memref_slice %arg8[%scan3A_23, %dma_wait3A] : memref<80x125xi32, #tpu.memory_space<vmem>> -> memref<1x125xi32, #tpu.memory_space<vmem>>
        %dma_wait3A_30 = tpu.memref_squeeze %dma_wait3A_29 : memref<1x125xi32, #tpu.memory_space<vmem>> -> memref<125xi32, #tpu.memory_space<vmem>>
        %dma_wait3A_31 = arith.constant 0 : i32
        %dma_wait3A_32 = arith.constant 0 : i32
        %dma_wait3A_33 = tpu.memref_slice %arg11[%dma_wait3A_31, %dma_wait3A_32] : memref<10240x16xf32, #tpu.memory_space<vmem_shared>> -> memref<10240x16xf32, #tpu.memory_space<vmem_shared>>
        tpu.wait_indirect_dma semaphore(%run_scoped3A : memref<!tpu.dma_semaphore, #tpu.memory_space<semaphore_mem>>) src(%arg10 : memref<125x16xf32, #tpu.memory_space<vmem>>) dst(%dma_wait3A_33 : memref<10240x16xf32, #tpu.memory_space<vmem_shared>>)
        tpu.yield
      }) : () -> ()
      "tpu.region"() ({
        %run_scoped3A = tpu.sem_alloc : memref<!tpu.dma_semaphore, #tpu.memory_space<semaphore_mem>>
        %dma_start3A = arith.constant 0 : i32
        %dma_start3A_24 = tpu.memref_slice %arg9[%scan3A_23, %dma_start3A] : memref<80x125xi32, #tpu.memory_space<vmem>> -> memref<1x125xi32, #tpu.memory_space<vmem>>
        %dma_start3A_25 = tpu.memref_squeeze %dma_start3A_24 : memref<1x125xi32, #tpu.memory_space<vmem>> -> memref<125xi32, #tpu.memory_space<vmem>>
        %dma_start3A_26 = arith.constant 0 : i32
        %dma_start3A_27 = arith.constant 0 : i32
        %dma_start3A_28 = tpu.memref_slice %arg12[%dma_start3A_26, %dma_start3A_27] : memref<10240x16xf32, #tpu.memory_space<vmem_shared>> -> memref<10240x16xf32, #tpu.memory_space<vmem_shared>>
        tpu.enqueue_indirect_dma source(%arg10 : memref<125x16xf32, #tpu.memory_space<vmem>>) target(%dma_start3A_28 : memref<10240x16xf32, #tpu.memory_space<vmem_shared>>) offsets(%dma_start3A_25 : memref<125xi32, #tpu.memory_space<vmem>>) semaphore(%run_scoped3A : memref<!tpu.dma_semaphore, #tpu.memory_space<semaphore_mem>>) {add = true}
        %dma_wait3A = arith.constant 0 : i32
        %dma_wait3A_29 = tpu.memref_slice %arg9[%scan3A_23, %dma_wait3A] : memref<80x125xi32, #tpu.memory_space<vmem>> -> memref<1x125xi32, #tpu.memory_space<vmem>>
        %dma_wait3A_30 = tpu.memref_squeeze %dma_wait3A_29 : memref<1x125xi32, #tpu.memory_space<vmem>> -> memref<125xi32, #tpu.memory_space<vmem>>
        %dma_wait3A_31 = arith.constant 0 : i32
        %dma_wait3A_32 = arith.constant 0 : i32
        %dma_wait3A_33 = tpu.memref_slice %arg12[%dma_wait3A_31, %dma_wait3A_32] : memref<10240x16xf32, #tpu.memory_space<vmem_shared>> -> memref<10240x16xf32, #tpu.memory_space<vmem_shared>>
        tpu.wait_indirect_dma semaphore(%run_scoped3A : memref<!tpu.dma_semaphore, #tpu.memory_space<semaphore_mem>>) src(%arg10 : memref<125x16xf32, #tpu.memory_space<vmem>>) dst(%dma_wait3A_33 : memref<10240x16xf32, #tpu.memory_space<vmem_shared>>)
        tpu.yield
      }) : () -> ()
    }
    %scan3A_7 = arith.constant 80 : i32
    %barrier3A_8 = arith.constant 0 : index
    tpu.barrier barrier_id(%barrier3A_8)
    %mul3A_9 = arith.constant 640 : i32
    %mul3A_10 = arith.muli %arg1, %mul3A_9 : i32
    %mul3A_11 = arith.constant 10240 : i32
    %mul3A_12 = arith.muli %arg0, %mul3A_11 : i32
    %mul3A_13 = arith.constant 640 : i32
    %mul3A_14 = arith.muli %arg1, %mul3A_13 : i32
    %add3A_15 = arith.addi %mul3A_12, %mul3A_14 : i32
    "tpu.region"() ({
      %run_scoped3A = tpu.sem_alloc : memref<!tpu.dma_semaphore, #tpu.memory_space<semaphore_mem>>
      %dma_start3A = arith.constant 0 : i32
      %dma_start3A_23 = tpu.memref_slice %arg6[%add3A_15, %dma_start3A] : memref<20480x16xf32, #tpu.memory_space<hbm>> -> memref<640x16xf32, #tpu.memory_space<hbm>>
      %dma_start3A_24 = arith.constant 0 : i32
      %dma_start3A_25 = tpu.memref_slice %arg11[%mul3A_10, %dma_start3A_24] : memref<10240x16xf32, #tpu.memory_space<vmem_shared>> -> memref<640x16xf32, #tpu.memory_space<vmem_shared>>
      tpu.enqueue_dma source(%dma_start3A_25 : memref<640x16xf32, #tpu.memory_space<vmem_shared>>) target(%dma_start3A_23 : memref<640x16xf32, #tpu.memory_space<hbm>>) target_semaphore(%run_scoped3A : memref<!tpu.dma_semaphore, #tpu.memory_space<semaphore_mem>>)
      %dma_wait3A = arith.constant 0 : i32
      %dma_wait3A_26 = tpu.memref_slice %arg6[%add3A_15, %dma_wait3A] : memref<20480x16xf32, #tpu.memory_space<hbm>> -> memref<640x16xf32, #tpu.memory_space<hbm>>
      %dma_wait3A_27 = arith.constant 0 : i32
      %dma_wait3A_28 = tpu.memref_slice %arg11[%mul3A_10, %dma_wait3A_27] : memref<10240x16xf32, #tpu.memory_space<vmem_shared>> -> memref<640x16xf32, #tpu.memory_space<vmem_shared>>
      tpu.wait_dma2 semaphore(%run_scoped3A : memref<!tpu.dma_semaphore, #tpu.memory_space<semaphore_mem>>) src(%dma_wait3A_28 : memref<640x16xf32, #tpu.memory_space<vmem_shared>>) dst(%dma_wait3A_26 : memref<640x16xf32, #tpu.memory_space<hbm>>)
      tpu.yield
    }) : () -> ()
    %mul3A_16 = arith.constant 640 : i32
    %mul3A_17 = arith.muli %arg1, %mul3A_16 : i32
    %mul3A_18 = arith.constant 10240 : i32
    %mul3A_19 = arith.muli %arg0, %mul3A_18 : i32
    %mul3A_20 = arith.constant 640 : i32
    %mul3A_21 = arith.muli %arg1, %mul3A_20 : i32
    %add3A_22 = arith.addi %mul3A_19, %mul3A_21 : i32
    "tpu.region"() ({
      %run_scoped3A = tpu.sem_alloc : memref<!tpu.dma_semaphore, #tpu.memory_space<semaphore_mem>>
      %dma_start3A = arith.constant 0 : i32
      %dma_start3A_23 = tpu.memref_slice %arg7[%add3A_22, %dma_start3A] : memref<20480x16xf32, #tpu.memory_space<hbm>> -> memref<640x16xf32, #tpu.memory_space<hbm>>
      %dma_start3A_24 = arith.constant 0 : i32
      %dma_start3A_25 = tpu.memref_slice %arg12[%mul3A_17, %dma_start3A_24] : memref<10240x16xf32, #tpu.memory_space<vmem_shared>> -> memref<640x16xf32, #tpu.memory_space<vmem_shared>>
      tpu.enqueue_dma source(%dma_start3A_25 : memref<640x16xf32, #tpu.memory_space<vmem_shared>>) target(%dma_start3A_23 : memref<640x16xf32, #tpu.memory_space<hbm>>) target_semaphore(%run_scoped3A : memref<!tpu.dma_semaphore, #tpu.memory_space<semaphore_mem>>)
      %dma_wait3A = arith.constant 0 : i32
      %dma_wait3A_26 = tpu.memref_slice %arg7[%add3A_22, %dma_wait3A] : memref<20480x16xf32, #tpu.memory_space<hbm>> -> memref<640x16xf32, #tpu.memory_space<hbm>>
      %dma_wait3A_27 = arith.constant 0 : i32
      %dma_wait3A_28 = tpu.memref_slice %arg12[%mul3A_17, %dma_wait3A_27] : memref<10240x16xf32, #tpu.memory_space<vmem_shared>> -> memref<640x16xf32, #tpu.memory_space<vmem_shared>>
      tpu.wait_dma2 semaphore(%run_scoped3A : memref<!tpu.dma_semaphore, #tpu.memory_space<semaphore_mem>>) src(%dma_wait3A_28 : memref<640x16xf32, #tpu.memory_space<vmem_shared>>) dst(%dma_wait3A_26 : memref<640x16xf32, #tpu.memory_space<hbm>>)
      tpu.yield
    }) : () -> ()
    return
  }
}

#map = affine_map<(d0, d1) -> (0, 0)>
#map1 = affine_map<(d0, d1) -> (0, 0, 0)>
module attributes {stable_mosaic.version = 14 : i64} {
  func.func @_sc_edge(%arg0: i32, %arg1: i32, %arg2: memref<10240x16xf32, #tpu.memory_space<hbm>>, %arg3: memref<40000x128xf32, #tpu.memory_space<hbm>>, %arg4: memref<32x80x125xi32, #tpu.memory_space<hbm>>, %arg5: memref<32x80x125xi32, #tpu.memory_space<hbm>>, %arg6: memref<2x16xf32, #tpu.memory_space<hbm>>, %arg7: memref<10240x16xf32, #tpu.memory_space<hbm>>, %arg8: memref<20480x16xf32, #tpu.memory_space<hbm>>, %arg9: memref<80x125xi32, #tpu.memory_space<vmem>>, %arg10: memref<80x125xi32, #tpu.memory_space<vmem>>, %arg11: memref<2000x16xf32, #tpu.memory_space<vmem>>, %arg12: memref<250x128xf32, #tpu.memory_space<vmem>>, %arg13: memref<2x16xf32, #tpu.memory_space<vmem>>, %arg14: memref<10240x16xf32, #tpu.memory_space<vmem_shared>>, %arg15: memref<!tpu.dma_semaphore, #tpu.memory_space<semaphore_mem>>, %arg16: memref<!tpu.dma_semaphore, #tpu.memory_space<semaphore_mem>>) attributes {dimension_semantics = [#tpu.dimension_semantics<core_parallel>, #tpu.dimension_semantics<subcore_parallel>], iteration_bounds = array<i64: 2, 16>, scalar_prefetch = 0 : i64, scratch_operands = 8 : i64, tpu.core_type = #tpu.core_type<sc_vector_subcore>, window_params = [{transform_indices = #map}, {transform_indices = #map}, {transform_indices = #map1}, {transform_indices = #map1}, {transform_indices = #map}, {transform_indices = #map}, {transform_indices = #map}]} {
    %mul3A = arith.constant 2 : i32
    %mul3A_0 = arith.muli %arg1, %mul3A : i32
    %add3A = arith.addi %mul3A_0, %arg0 : i32
    %mul3A_1 = arith.constant 1250 : i32
    %mul3A_2 = arith.muli %add3A, %mul3A_1 : i32
    %eq3A = arith.constant 0 : i32
    %eq3A_3 = arith.cmpi eq, %arg1, %eq3A : i32
    %convert_element_type3A = arith.extui %eq3A_3 : i1 to i32
    %cond3A = arith.constant 0 : i32
    %cond3A_4 = arith.cmpi ne, %convert_element_type3A, %cond3A : i32
    scf.if %cond3A_4 {
      "tpu.region"() ({
        %run_scoped3A = tpu.sem_alloc : memref<!tpu.dma_semaphore, #tpu.memory_space<semaphore_mem>>
        tpu.enqueue_dma source(%arg7 : memref<10240x16xf32, #tpu.memory_space<hbm>>) target(%arg14 : memref<10240x16xf32, #tpu.memory_space<vmem_shared>>) target_semaphore(%run_scoped3A : memref<!tpu.dma_semaphore, #tpu.memory_space<semaphore_mem>>)
        tpu.wait_dma2 semaphore(%run_scoped3A : memref<!tpu.dma_semaphore, #tpu.memory_space<semaphore_mem>>) src(%arg7 : memref<10240x16xf32, #tpu.memory_space<hbm>>) dst(%arg14 : memref<10240x16xf32, #tpu.memory_space<vmem_shared>>)
        tpu.yield
      }) : () -> ()
    } else {
    }
    "tpu.region"() ({
      %run_scoped3A = tpu.sem_alloc : memref<!tpu.dma_semaphore, #tpu.memory_space<semaphore_mem>>
      tpu.enqueue_dma source(%arg6 : memref<2x16xf32, #tpu.memory_space<hbm>>) target(%arg13 : memref<2x16xf32, #tpu.memory_space<vmem>>) target_semaphore(%run_scoped3A : memref<!tpu.dma_semaphore, #tpu.memory_space<semaphore_mem>>)
      tpu.wait_dma2 semaphore(%run_scoped3A : memref<!tpu.dma_semaphore, #tpu.memory_space<semaphore_mem>>) src(%arg6 : memref<2x16xf32, #tpu.memory_space<hbm>>) dst(%arg13 : memref<2x16xf32, #tpu.memory_space<vmem>>)
      tpu.yield
    }) : () -> ()
    "tpu.region"() ({
      %run_scoped3A = tpu.sem_alloc : memref<!tpu.dma_semaphore, #tpu.memory_space<semaphore_mem>>
      %dma_start3A = arith.constant 0 : i32
      %dma_start3A_27 = arith.constant 0 : i32
      %dma_start3A_28 = tpu.memref_slice %arg4[%add3A, %dma_start3A, %dma_start3A_27] : memref<32x80x125xi32, #tpu.memory_space<hbm>> -> memref<1x80x125xi32, #tpu.memory_space<hbm>>
      %dma_start3A_29 = tpu.memref_squeeze %dma_start3A_28 : memref<1x80x125xi32, #tpu.memory_space<hbm>> -> memref<80x125xi32, #tpu.memory_space<hbm>>
      %dma_start3A_30 = arith.constant 0 : i32
      %dma_start3A_31 = arith.constant 0 : i32
      %dma_start3A_32 = tpu.memref_slice %arg4[%add3A, %dma_start3A_30, %dma_start3A_31] : memref<32x80x125xi32, #tpu.memory_space<hbm>> -> memref<1x80x125xi32, #tpu.memory_space<hbm>>
      %dma_start3A_33 = tpu.memref_squeeze %dma_start3A_32 : memref<1x80x125xi32, #tpu.memory_space<hbm>> -> memref<80x125xi32, #tpu.memory_space<hbm>>
      tpu.enqueue_dma source(%dma_start3A_33 : memref<80x125xi32, #tpu.memory_space<hbm>>) target(%arg9 : memref<80x125xi32, #tpu.memory_space<vmem>>) target_semaphore(%run_scoped3A : memref<!tpu.dma_semaphore, #tpu.memory_space<semaphore_mem>>)
      %dma_wait3A = arith.constant 0 : i32
      %dma_wait3A_34 = arith.constant 0 : i32
      %dma_wait3A_35 = tpu.memref_slice %arg4[%add3A, %dma_wait3A, %dma_wait3A_34] : memref<32x80x125xi32, #tpu.memory_space<hbm>> -> memref<1x80x125xi32, #tpu.memory_space<hbm>>
      %dma_wait3A_36 = tpu.memref_squeeze %dma_wait3A_35 : memref<1x80x125xi32, #tpu.memory_space<hbm>> -> memref<80x125xi32, #tpu.memory_space<hbm>>
      %dma_wait3A_37 = arith.constant 0 : i32
      %dma_wait3A_38 = arith.constant 0 : i32
      %dma_wait3A_39 = tpu.memref_slice %arg4[%add3A, %dma_wait3A_37, %dma_wait3A_38] : memref<32x80x125xi32, #tpu.memory_space<hbm>> -> memref<1x80x125xi32, #tpu.memory_space<hbm>>
      %dma_wait3A_40 = tpu.memref_squeeze %dma_wait3A_39 : memref<1x80x125xi32, #tpu.memory_space<hbm>> -> memref<80x125xi32, #tpu.memory_space<hbm>>
      tpu.wait_dma2 semaphore(%run_scoped3A : memref<!tpu.dma_semaphore, #tpu.memory_space<semaphore_mem>>) src(%dma_wait3A_40 : memref<80x125xi32, #tpu.memory_space<hbm>>) dst(%arg9 : memref<80x125xi32, #tpu.memory_space<vmem>>)
      tpu.yield
    }) : () -> ()
    "tpu.region"() ({
      %run_scoped3A = tpu.sem_alloc : memref<!tpu.dma_semaphore, #tpu.memory_space<semaphore_mem>>
      %dma_start3A = arith.constant 0 : i32
      %dma_start3A_27 = arith.constant 0 : i32
      %dma_start3A_28 = tpu.memref_slice %arg5[%add3A, %dma_start3A, %dma_start3A_27] : memref<32x80x125xi32, #tpu.memory_space<hbm>> -> memref<1x80x125xi32, #tpu.memory_space<hbm>>
      %dma_start3A_29 = tpu.memref_squeeze %dma_start3A_28 : memref<1x80x125xi32, #tpu.memory_space<hbm>> -> memref<80x125xi32, #tpu.memory_space<hbm>>
      %dma_start3A_30 = arith.constant 0 : i32
      %dma_start3A_31 = arith.constant 0 : i32
      %dma_start3A_32 = tpu.memref_slice %arg5[%add3A, %dma_start3A_30, %dma_start3A_31] : memref<32x80x125xi32, #tpu.memory_space<hbm>> -> memref<1x80x125xi32, #tpu.memory_space<hbm>>
      %dma_start3A_33 = tpu.memref_squeeze %dma_start3A_32 : memref<1x80x125xi32, #tpu.memory_space<hbm>> -> memref<80x125xi32, #tpu.memory_space<hbm>>
      tpu.enqueue_dma source(%dma_start3A_33 : memref<80x125xi32, #tpu.memory_space<hbm>>) target(%arg10 : memref<80x125xi32, #tpu.memory_space<vmem>>) target_semaphore(%run_scoped3A : memref<!tpu.dma_semaphore, #tpu.memory_space<semaphore_mem>>)
      %dma_wait3A = arith.constant 0 : i32
      %dma_wait3A_34 = arith.constant 0 : i32
      %dma_wait3A_35 = tpu.memref_slice %arg5[%add3A, %dma_wait3A, %dma_wait3A_34] : memref<32x80x125xi32, #tpu.memory_space<hbm>> -> memref<1x80x125xi32, #tpu.memory_space<hbm>>
      %dma_wait3A_36 = tpu.memref_squeeze %dma_wait3A_35 : memref<1x80x125xi32, #tpu.memory_space<hbm>> -> memref<80x125xi32, #tpu.memory_space<hbm>>
      %dma_wait3A_37 = arith.constant 0 : i32
      %dma_wait3A_38 = arith.constant 0 : i32
      %dma_wait3A_39 = tpu.memref_slice %arg5[%add3A, %dma_wait3A_37, %dma_wait3A_38] : memref<32x80x125xi32, #tpu.memory_space<hbm>> -> memref<1x80x125xi32, #tpu.memory_space<hbm>>
      %dma_wait3A_40 = tpu.memref_squeeze %dma_wait3A_39 : memref<1x80x125xi32, #tpu.memory_space<hbm>> -> memref<80x125xi32, #tpu.memory_space<hbm>>
      tpu.wait_dma2 semaphore(%run_scoped3A : memref<!tpu.dma_semaphore, #tpu.memory_space<semaphore_mem>>) src(%dma_wait3A_40 : memref<80x125xi32, #tpu.memory_space<hbm>>) dst(%arg10 : memref<80x125xi32, #tpu.memory_space<vmem>>)
      tpu.yield
    }) : () -> ()
    %barrier3A = arith.constant 0 : index
    tpu.barrier barrier_id(%barrier3A)
    %get3A = arith.constant 0 : i32
    %get3A_5 = arith.index_cast %get3A : i32 to index
    %get3A_6 = arith.constant 0 : index
    %get3A_7 = tpu.vector_load %arg13[%get3A_5, %get3A_6] {strides = array<i32>} : memref<2x16xf32, #tpu.memory_space<vmem>>, vector<1x16xf32>,
    %get3A_8 = vector.shape_cast %get3A_7 : vector<1x16xf32> to vector<16xf32>
    %get3A_9 = arith.constant 1 : i32
    %get3A_10 = arith.index_cast %get3A_9 : i32 to index
    %get3A_11 = arith.constant 0 : index
    %get3A_12 = tpu.vector_load %arg13[%get3A_10, %get3A_11] {strides = array<i32>} : memref<2x16xf32, #tpu.memory_space<vmem>>, vector<1x16xf32>,
    %get3A_13 = vector.shape_cast %get3A_12 : vector<1x16xf32> to vector<16xf32>
    %scan3A = arith.constant 0 : i32
    %scan3A_14 = arith.constant 0 : i32
    %scan3A_15 = arith.constant 5 : i32
    %scan3A_16 = arith.addi %scan3A_14, %scan3A_15 : i32
    %scan3A_17 = arith.constant 1 : i32
    scf.for %scan3A_27 = %scan3A_14 to %scan3A_16 step %scan3A_17  : i32 {
      %mul3A_28 = arith.constant 250 : i32
      %mul3A_29 = arith.muli %scan3A_27, %mul3A_28 : i32
      %add3A_30 = arith.addi %mul3A_2, %mul3A_29 : i32
      %dma_start3A = arith.constant 0 : i32
      %dma_start3A_31 = tpu.memref_slice %arg3[%add3A_30, %dma_start3A] : memref<40000x128xf32, #tpu.memory_space<hbm>> -> memref<250x128xf32, #tpu.memory_space<hbm>>
      %dma_start3A_32 = arith.constant 0 : i32
      %dma_start3A_33 = tpu.memref_slice %arg3[%add3A_30, %dma_start3A_32] : memref<40000x128xf32, #tpu.memory_space<hbm>> -> memref<250x128xf32, #tpu.memory_space<hbm>>
      tpu.enqueue_dma source(%dma_start3A_33 : memref<250x128xf32, #tpu.memory_space<hbm>>) target(%arg12 : memref<250x128xf32, #tpu.memory_space<vmem>>) target_semaphore(%arg16 : memref<!tpu.dma_semaphore, #tpu.memory_space<semaphore_mem>>)
      %mul3A_34 = arith.constant 16 : i32
      %mul3A_35 = arith.muli %scan3A_27, %mul3A_34 : i32
      %add3A_36 = arith.constant 0 : i32
      %add3A_37 = arith.addi %mul3A_35, %add3A_36 : i32
      %dma_start3A_38 = arith.constant 0 : i32
      %dma_start3A_39 = arith.constant 0 : i32
      %dma_start3A_40 = tpu.memref_slice %arg11[%dma_start3A_38, %dma_start3A_39] : memref<2000x16xf32, #tpu.memory_space<vmem>> -> memref<125x16xf32, #tpu.memory_space<vmem>>
      %dma_start3A_41 = arith.constant 0 : i32
      %dma_start3A_42 = tpu.memref_slice %arg9[%add3A_37, %dma_start3A_41] : memref<80x125xi32, #tpu.memory_space<vmem>> -> memref<1x125xi32, #tpu.memory_space<vmem>>
      %dma_start3A_43 = tpu.memref_squeeze %dma_start3A_42 : memref<1x125xi32, #tpu.memory_space<vmem>> -> memref<125xi32, #tpu.memory_space<vmem>>
      %dma_start3A_44 = arith.constant 0 : i32
      %dma_start3A_45 = arith.constant 0 : i32
      %dma_start3A_46 = tpu.memref_slice %arg2[%dma_start3A_44, %dma_start3A_45] : memref<10240x16xf32, #tpu.memory_space<hbm>> -> memref<10240x16xf32, #tpu.memory_space<hbm>>
      tpu.enqueue_indirect_dma source(%dma_start3A_46 : memref<10240x16xf32, #tpu.memory_space<hbm>>) target(%dma_start3A_40 : memref<125x16xf32, #tpu.memory_space<vmem>>) offsets(%dma_start3A_43 : memref<125xi32, #tpu.memory_space<vmem>>) semaphore(%arg15 : memref<!tpu.dma_semaphore, #tpu.memory_space<semaphore_mem>>)
      %mul3A_47 = arith.constant 16 : i32
      %mul3A_48 = arith.muli %scan3A_27, %mul3A_47 : i32
      %add3A_49 = arith.constant 1 : i32
      %add3A_50 = arith.addi %mul3A_48, %add3A_49 : i32
      %dma_start3A_51 = arith.constant 125 : i32
      %dma_start3A_52 = arith.constant 0 : i32
      %dma_start3A_53 = tpu.memref_slice %arg11[%dma_start3A_51, %dma_start3A_52] : memref<2000x16xf32, #tpu.memory_space<vmem>> -> memref<125x16xf32, #tpu.memory_space<vmem>>
      %dma_start3A_54 = arith.constant 0 : i32
      %dma_start3A_55 = tpu.memref_slice %arg9[%add3A_50, %dma_start3A_54] : memref<80x125xi32, #tpu.memory_space<vmem>> -> memref<1x125xi32, #tpu.memory_space<vmem>>
      %dma_start3A_56 = tpu.memref_squeeze %dma_start3A_55 : memref<1x125xi32, #tpu.memory_space<vmem>> -> memref<125xi32, #tpu.memory_space<vmem>>
      %dma_start3A_57 = arith.constant 0 : i32
      %dma_start3A_58 = arith.constant 0 : i32
      %dma_start3A_59 = tpu.memref_slice %arg2[%dma_start3A_57, %dma_start3A_58] : memref<10240x16xf32, #tpu.memory_space<hbm>> -> memref<10240x16xf32, #tpu.memory_space<hbm>>
      tpu.enqueue_indirect_dma source(%dma_start3A_59 : memref<10240x16xf32, #tpu.memory_space<hbm>>) target(%dma_start3A_53 : memref<125x16xf32, #tpu.memory_space<vmem>>) offsets(%dma_start3A_56 : memref<125xi32, #tpu.memory_space<vmem>>) semaphore(%arg15 : memref<!tpu.dma_semaphore, #tpu.memory_space<semaphore_mem>>)
      %mul3A_60 = arith.constant 16 : i32
      %mul3A_61 = arith.muli %scan3A_27, %mul3A_60 : i32
      %add3A_62 = arith.constant 2 : i32
      %add3A_63 = arith.addi %mul3A_61, %add3A_62 : i32
      %dma_start3A_64 = arith.constant 250 : i32
      %dma_start3A_65 = arith.constant 0 : i32
      %dma_start3A_66 = tpu.memref_slice %arg11[%dma_start3A_64, %dma_start3A_65] : memref<2000x16xf32, #tpu.memory_space<vmem>> -> memref<125x16xf32, #tpu.memory_space<vmem>>
      %dma_start3A_67 = arith.constant 0 : i32
      %dma_start3A_68 = tpu.memref_slice %arg9[%add3A_63, %dma_start3A_67] : memref<80x125xi32, #tpu.memory_space<vmem>> -> memref<1x125xi32, #tpu.memory_space<vmem>>
      %dma_start3A_69 = tpu.memref_squeeze %dma_start3A_68 : memref<1x125xi32, #tpu.memory_space<vmem>> -> memref<125xi32, #tpu.memory_space<vmem>>
      %dma_start3A_70 = arith.constant 0 : i32
      %dma_start3A_71 = arith.constant 0 : i32
      %dma_start3A_72 = tpu.memref_slice %arg2[%dma_start3A_70, %dma_start3A_71] : memref<10240x16xf32, #tpu.memory_space<hbm>> -> memref<10240x16xf32, #tpu.memory_space<hbm>>
      tpu.enqueue_indirect_dma source(%dma_start3A_72 : memref<10240x16xf32, #tpu.memory_space<hbm>>) target(%dma_start3A_66 : memref<125x16xf32, #tpu.memory_space<vmem>>) offsets(%dma_start3A_69 : memref<125xi32, #tpu.memory_space<vmem>>) semaphore(%arg15 : memref<!tpu.dma_semaphore, #tpu.memory_space<semaphore_mem>>)
      %mul3A_73 = arith.constant 16 : i32
      %mul3A_74 = arith.muli %scan3A_27, %mul3A_73 : i32
      %add3A_75 = arith.constant 3 : i32
      %add3A_76 = arith.addi %mul3A_74, %add3A_75 : i32
      %dma_start3A_77 = arith.constant 375 : i32
      %dma_start3A_78 = arith.constant 0 : i32
      %dma_start3A_79 = tpu.memref_slice %arg11[%dma_start3A_77, %dma_start3A_78] : memref<2000x16xf32, #tpu.memory_space<vmem>> -> memref<125x16xf32, #tpu.memory_space<vmem>>
      %dma_start3A_80 = arith.constant 0 : i32
      %dma_start3A_81 = tpu.memref_slice %arg9[%add3A_76, %dma_start3A_80] : memref<80x125xi32, #tpu.memory_space<vmem>> -> memref<1x125xi32, #tpu.memory_space<vmem>>
      %dma_start3A_82 = tpu.memref_squeeze %dma_start3A_81 : memref<1x125xi32, #tpu.memory_space<vmem>> -> memref<125xi32, #tpu.memory_space<vmem>>
      %dma_start3A_83 = arith.constant 0 : i32
      %dma_start3A_84 = arith.constant 0 : i32
      %dma_start3A_85 = tpu.memref_slice %arg2[%dma_start3A_83, %dma_start3A_84] : memref<10240x16xf32, #tpu.memory_space<hbm>> -> memref<10240x16xf32, #tpu.memory_space<hbm>>
      tpu.enqueue_indirect_dma source(%dma_start3A_85 : memref<10240x16xf32, #tpu.memory_space<hbm>>) target(%dma_start3A_79 : memref<125x16xf32, #tpu.memory_space<vmem>>) offsets(%dma_start3A_82 : memref<125xi32, #tpu.memory_space<vmem>>) semaphore(%arg15 : memref<!tpu.dma_semaphore, #tpu.memory_space<semaphore_mem>>)
      %mul3A_86 = arith.constant 16 : i32
      %mul3A_87 = arith.muli %scan3A_27, %mul3A_86 : i32
      %add3A_88 = arith.constant 4 : i32
      %add3A_89 = arith.addi %mul3A_87, %add3A_88 : i32
      %dma_start3A_90 = arith.constant 500 : i32
      %dma_start3A_91 = arith.constant 0 : i32
      %dma_start3A_92 = tpu.memref_slice %arg11[%dma_start3A_90, %dma_start3A_91] : memref<2000x16xf32, #tpu.memory_space<vmem>> -> memref<125x16xf32, #tpu.memory_space<vmem>>
      %dma_start3A_93 = arith.constant 0 : i32
      %dma_start3A_94 = tpu.memref_slice %arg9[%add3A_89, %dma_start3A_93] : memref<80x125xi32, #tpu.memory_space<vmem>> -> memref<1x125xi32, #tpu.memory_space<vmem>>
      %dma_start3A_95 = tpu.memref_squeeze %dma_start3A_94 : memref<1x125xi32, #tpu.memory_space<vmem>> -> memref<125xi32, #tpu.memory_space<vmem>>
      %dma_start3A_96 = arith.constant 0 : i32
      %dma_start3A_97 = arith.constant 0 : i32
      %dma_start3A_98 = tpu.memref_slice %arg2[%dma_start3A_96, %dma_start3A_97] : memref<10240x16xf32, #tpu.memory_space<hbm>> -> memref<10240x16xf32, #tpu.memory_space<hbm>>
      tpu.enqueue_indirect_dma source(%dma_start3A_98 : memref<10240x16xf32, #tpu.memory_space<hbm>>) target(%dma_start3A_92 : memref<125x16xf32, #tpu.memory_space<vmem>>) offsets(%dma_start3A_95 : memref<125xi32, #tpu.memory_space<vmem>>) semaphore(%arg15 : memref<!tpu.dma_semaphore, #tpu.memory_space<semaphore_mem>>)
      %mul3A_99 = arith.constant 16 : i32
      %mul3A_100 = arith.muli %scan3A_27, %mul3A_99 : i32
      %add3A_101 = arith.constant 5 : i32
      %add3A_102 = arith.addi %mul3A_100, %add3A_101 : i32
      %dma_start3A_103 = arith.constant 625 : i32
      %dma_start3A_104 = arith.constant 0 : i32
      %dma_start3A_105 = tpu.memref_slice %arg11[%dma_start3A_103, %dma_start3A_104] : memref<2000x16xf32, #tpu.memory_space<vmem>> -> memref<125x16xf32, #tpu.memory_space<vmem>>
      %dma_start3A_106 = arith.constant 0 : i32
      %dma_start3A_107 = tpu.memref_slice %arg9[%add3A_102, %dma_start3A_106] : memref<80x125xi32, #tpu.memory_space<vmem>> -> memref<1x125xi32, #tpu.memory_space<vmem>>
      %dma_start3A_108 = tpu.memref_squeeze %dma_start3A_107 : memref<1x125xi32, #tpu.memory_space<vmem>> -> memref<125xi32, #tpu.memory_space<vmem>>
      %dma_start3A_109 = arith.constant 0 : i32
      %dma_start3A_110 = arith.constant 0 : i32
      %dma_start3A_111 = tpu.memref_slice %arg2[%dma_start3A_109, %dma_start3A_110] : memref<10240x16xf32, #tpu.memory_space<hbm>> -> memref<10240x16xf32, #tpu.memory_space<hbm>>
      tpu.enqueue_indirect_dma source(%dma_start3A_111 : memref<10240x16xf32, #tpu.memory_space<hbm>>) target(%dma_start3A_105 : memref<125x16xf32, #tpu.memory_space<vmem>>) offsets(%dma_start3A_108 : memref<125xi32, #tpu.memory_space<vmem>>) semaphore(%arg15 : memref<!tpu.dma_semaphore, #tpu.memory_space<semaphore_mem>>)
      %mul3A_112 = arith.constant 16 : i32
      %mul3A_113 = arith.muli %scan3A_27, %mul3A_112 : i32
      %add3A_114 = arith.constant 6 : i32
      %add3A_115 = arith.addi %mul3A_113, %add3A_114 : i32
      %dma_start3A_116 = arith.constant 750 : i32
      %dma_start3A_117 = arith.constant 0 : i32
      %dma_start3A_118 = tpu.memref_slice %arg11[%dma_start3A_116, %dma_start3A_117] : memref<2000x16xf32, #tpu.memory_space<vmem>> -> memref<125x16xf32, #tpu.memory_space<vmem>>
      %dma_start3A_119 = arith.constant 0 : i32
      %dma_start3A_120 = tpu.memref_slice %arg9[%add3A_115, %dma_start3A_119] : memref<80x125xi32, #tpu.memory_space<vmem>> -> memref<1x125xi32, #tpu.memory_space<vmem>>
      %dma_start3A_121 = tpu.memref_squeeze %dma_start3A_120 : memref<1x125xi32, #tpu.memory_space<vmem>> -> memref<125xi32, #tpu.memory_space<vmem>>
      %dma_start3A_122 = arith.constant 0 : i32
      %dma_start3A_123 = arith.constant 0 : i32
      %dma_start3A_124 = tpu.memref_slice %arg2[%dma_start3A_122, %dma_start3A_123] : memref<10240x16xf32, #tpu.memory_space<hbm>> -> memref<10240x16xf32, #tpu.memory_space<hbm>>
      tpu.enqueue_indirect_dma source(%dma_start3A_124 : memref<10240x16xf32, #tpu.memory_space<hbm>>) target(%dma_start3A_118 : memref<125x16xf32, #tpu.memory_space<vmem>>) offsets(%dma_start3A_121 : memref<125xi32, #tpu.memory_space<vmem>>) semaphore(%arg15 : memref<!tpu.dma_semaphore, #tpu.memory_space<semaphore_mem>>)
      %mul3A_125 = arith.constant 16 : i32
      %mul3A_126 = arith.muli %scan3A_27, %mul3A_125 : i32
      %add3A_127 = arith.constant 7 : i32
      %add3A_128 = arith.addi %mul3A_126, %add3A_127 : i32
      %dma_start3A_129 = arith.constant 875 : i32
      %dma_start3A_130 = arith.constant 0 : i32
      %dma_start3A_131 = tpu.memref_slice %arg11[%dma_start3A_129, %dma_start3A_130] : memref<2000x16xf32, #tpu.memory_space<vmem>> -> memref<125x16xf32, #tpu.memory_space<vmem>>
      %dma_start3A_132 = arith.constant 0 : i32
      %dma_start3A_133 = tpu.memref_slice %arg9[%add3A_128, %dma_start3A_132] : memref<80x125xi32, #tpu.memory_space<vmem>> -> memref<1x125xi32, #tpu.memory_space<vmem>>
      %dma_start3A_134 = tpu.memref_squeeze %dma_start3A_133 : memref<1x125xi32, #tpu.memory_space<vmem>> -> memref<125xi32, #tpu.memory_space<vmem>>
      %dma_start3A_135 = arith.constant 0 : i32
      %dma_start3A_136 = arith.constant 0 : i32
      %dma_start3A_137 = tpu.memref_slice %arg2[%dma_start3A_135, %dma_start3A_136] : memref<10240x16xf32, #tpu.memory_space<hbm>> -> memref<10240x16xf32, #tpu.memory_space<hbm>>
      tpu.enqueue_indirect_dma source(%dma_start3A_137 : memref<10240x16xf32, #tpu.memory_space<hbm>>) target(%dma_start3A_131 : memref<125x16xf32, #tpu.memory_space<vmem>>) offsets(%dma_start3A_134 : memref<125xi32, #tpu.memory_space<vmem>>) semaphore(%arg15 : memref<!tpu.dma_semaphore, #tpu.memory_space<semaphore_mem>>)
      %mul3A_138 = arith.constant 16 : i32
      %mul3A_139 = arith.muli %scan3A_27, %mul3A_138 : i32
      %add3A_140 = arith.constant 8 : i32
      %add3A_141 = arith.addi %mul3A_139, %add3A_140 : i32
      %dma_start3A_142 = arith.constant 1000 : i32
      %dma_start3A_143 = arith.constant 0 : i32
      %dma_start3A_144 = tpu.memref_slice %arg11[%dma_start3A_142, %dma_start3A_143] : memref<2000x16xf32, #tpu.memory_space<vmem>> -> memref<125x16xf32, #tpu.memory_space<vmem>>
      %dma_start3A_145 = arith.constant 0 : i32
      %dma_start3A_146 = tpu.memref_slice %arg9[%add3A_141, %dma_start3A_145] : memref<80x125xi32, #tpu.memory_space<vmem>> -> memref<1x125xi32, #tpu.memory_space<vmem>>
      %dma_start3A_147 = tpu.memref_squeeze %dma_start3A_146 : memref<1x125xi32, #tpu.memory_space<vmem>> -> memref<125xi32, #tpu.memory_space<vmem>>
      %dma_start3A_148 = arith.constant 0 : i32
      %dma_start3A_149 = arith.constant 0 : i32
      %dma_start3A_150 = tpu.memref_slice %arg2[%dma_start3A_148, %dma_start3A_149] : memref<10240x16xf32, #tpu.memory_space<hbm>> -> memref<10240x16xf32, #tpu.memory_space<hbm>>
      tpu.enqueue_indirect_dma source(%dma_start3A_150 : memref<10240x16xf32, #tpu.memory_space<hbm>>) target(%dma_start3A_144 : memref<125x16xf32, #tpu.memory_space<vmem>>) offsets(%dma_start3A_147 : memref<125xi32, #tpu.memory_space<vmem>>) semaphore(%arg15 : memref<!tpu.dma_semaphore, #tpu.memory_space<semaphore_mem>>)
      %mul3A_151 = arith.constant 16 : i32
      %mul3A_152 = arith.muli %scan3A_27, %mul3A_151 : i32
      %add3A_153 = arith.constant 9 : i32
      %add3A_154 = arith.addi %mul3A_152, %add3A_153 : i32
      %dma_start3A_155 = arith.constant 1125 : i32
      %dma_start3A_156 = arith.constant 0 : i32
      %dma_start3A_157 = tpu.memref_slice %arg11[%dma_start3A_155, %dma_start3A_156] : memref<2000x16xf32, #tpu.memory_space<vmem>> -> memref<125x16xf32, #tpu.memory_space<vmem>>
      %dma_start3A_158 = arith.constant 0 : i32
      %dma_start3A_159 = tpu.memref_slice %arg9[%add3A_154, %dma_start3A_158] : memref<80x125xi32, #tpu.memory_space<vmem>> -> memref<1x125xi32, #tpu.memory_space<vmem>>
      %dma_start3A_160 = tpu.memref_squeeze %dma_start3A_159 : memref<1x125xi32, #tpu.memory_space<vmem>> -> memref<125xi32, #tpu.memory_space<vmem>>
      %dma_start3A_161 = arith.constant 0 : i32
      %dma_start3A_162 = arith.constant 0 : i32
      %dma_start3A_163 = tpu.memref_slice %arg2[%dma_start3A_161, %dma_start3A_162] : memref<10240x16xf32, #tpu.memory_space<hbm>> -> memref<10240x16xf32, #tpu.memory_space<hbm>>
      tpu.enqueue_indirect_dma source(%dma_start3A_163 : memref<10240x16xf32, #tpu.memory_space<hbm>>) target(%dma_start3A_157 : memref<125x16xf32, #tpu.memory_space<vmem>>) offsets(%dma_start3A_160 : memref<125xi32, #tpu.memory_space<vmem>>) semaphore(%arg15 : memref<!tpu.dma_semaphore, #tpu.memory_space<semaphore_mem>>)
      %mul3A_164 = arith.constant 16 : i32
      %mul3A_165 = arith.muli %scan3A_27, %mul3A_164 : i32
      %add3A_166 = arith.constant 10 : i32
      %add3A_167 = arith.addi %mul3A_165, %add3A_166 : i32
      %dma_start3A_168 = arith.constant 1250 : i32
      %dma_start3A_169 = arith.constant 0 : i32
      %dma_start3A_170 = tpu.memref_slice %arg11[%dma_start3A_168, %dma_start3A_169] : memref<2000x16xf32, #tpu.memory_space<vmem>> -> memref<125x16xf32, #tpu.memory_space<vmem>>
      %dma_start3A_171 = arith.constant 0 : i32
      %dma_start3A_172 = tpu.memref_slice %arg9[%add3A_167, %dma_start3A_171] : memref<80x125xi32, #tpu.memory_space<vmem>> -> memref<1x125xi32, #tpu.memory_space<vmem>>
      %dma_start3A_173 = tpu.memref_squeeze %dma_start3A_172 : memref<1x125xi32, #tpu.memory_space<vmem>> -> memref<125xi32, #tpu.memory_space<vmem>>
      %dma_start3A_174 = arith.constant 0 : i32
      %dma_start3A_175 = arith.constant 0 : i32
      %dma_start3A_176 = tpu.memref_slice %arg2[%dma_start3A_174, %dma_start3A_175] : memref<10240x16xf32, #tpu.memory_space<hbm>> -> memref<10240x16xf32, #tpu.memory_space<hbm>>
      tpu.enqueue_indirect_dma source(%dma_start3A_176 : memref<10240x16xf32, #tpu.memory_space<hbm>>) target(%dma_start3A_170 : memref<125x16xf32, #tpu.memory_space<vmem>>) offsets(%dma_start3A_173 : memref<125xi32, #tpu.memory_space<vmem>>) semaphore(%arg15 : memref<!tpu.dma_semaphore, #tpu.memory_space<semaphore_mem>>)
      %mul3A_177 = arith.constant 16 : i32
      %mul3A_178 = arith.muli %scan3A_27, %mul3A_177 : i32
      %add3A_179 = arith.constant 11 : i32
      %add3A_180 = arith.addi %mul3A_178, %add3A_179 : i32
      %dma_start3A_181 = arith.constant 1375 : i32
      %dma_start3A_182 = arith.constant 0 : i32
      %dma_start3A_183 = tpu.memref_slice %arg11[%dma_start3A_181, %dma_start3A_182] : memref<2000x16xf32, #tpu.memory_space<vmem>> -> memref<125x16xf32, #tpu.memory_space<vmem>>
      %dma_start3A_184 = arith.constant 0 : i32
      %dma_start3A_185 = tpu.memref_slice %arg9[%add3A_180, %dma_start3A_184] : memref<80x125xi32, #tpu.memory_space<vmem>> -> memref<1x125xi32, #tpu.memory_space<vmem>>
      %dma_start3A_186 = tpu.memref_squeeze %dma_start3A_185 : memref<1x125xi32, #tpu.memory_space<vmem>> -> memref<125xi32, #tpu.memory_space<vmem>>
      %dma_start3A_187 = arith.constant 0 : i32
      %dma_start3A_188 = arith.constant 0 : i32
      %dma_start3A_189 = tpu.memref_slice %arg2[%dma_start3A_187, %dma_start3A_188] : memref<10240x16xf32, #tpu.memory_space<hbm>> -> memref<10240x16xf32, #tpu.memory_space<hbm>>
      tpu.enqueue_indirect_dma source(%dma_start3A_189 : memref<10240x16xf32, #tpu.memory_space<hbm>>) target(%dma_start3A_183 : memref<125x16xf32, #tpu.memory_space<vmem>>) offsets(%dma_start3A_186 : memref<125xi32, #tpu.memory_space<vmem>>) semaphore(%arg15 : memref<!tpu.dma_semaphore, #tpu.memory_space<semaphore_mem>>)
      %mul3A_190 = arith.constant 16 : i32
      %mul3A_191 = arith.muli %scan3A_27, %mul3A_190 : i32
      %add3A_192 = arith.constant 12 : i32
      %add3A_193 = arith.addi %mul3A_191, %add3A_192 : i32
      %dma_start3A_194 = arith.constant 1500 : i32
      %dma_start3A_195 = arith.constant 0 : i32
      %dma_start3A_196 = tpu.memref_slice %arg11[%dma_start3A_194, %dma_start3A_195] : memref<2000x16xf32, #tpu.memory_space<vmem>> -> memref<125x16xf32, #tpu.memory_space<vmem>>
      %dma_start3A_197 = arith.constant 0 : i32
      %dma_start3A_198 = tpu.memref_slice %arg9[%add3A_193, %dma_start3A_197] : memref<80x125xi32, #tpu.memory_space<vmem>> -> memref<1x125xi32, #tpu.memory_space<vmem>>
      %dma_start3A_199 = tpu.memref_squeeze %dma_start3A_198 : memref<1x125xi32, #tpu.memory_space<vmem>> -> memref<125xi32, #tpu.memory_space<vmem>>
      %dma_start3A_200 = arith.constant 0 : i32
      %dma_start3A_201 = arith.constant 0 : i32
      %dma_start3A_202 = tpu.memref_slice %arg2[%dma_start3A_200, %dma_start3A_201] : memref<10240x16xf32, #tpu.memory_space<hbm>> -> memref<10240x16xf32, #tpu.memory_space<hbm>>
      tpu.enqueue_indirect_dma source(%dma_start3A_202 : memref<10240x16xf32, #tpu.memory_space<hbm>>) target(%dma_start3A_196 : memref<125x16xf32, #tpu.memory_space<vmem>>) offsets(%dma_start3A_199 : memref<125xi32, #tpu.memory_space<vmem>>) semaphore(%arg15 : memref<!tpu.dma_semaphore, #tpu.memory_space<semaphore_mem>>)
      %mul3A_203 = arith.constant 16 : i32
      %mul3A_204 = arith.muli %scan3A_27, %mul3A_203 : i32
      %add3A_205 = arith.constant 13 : i32
      %add3A_206 = arith.addi %mul3A_204, %add3A_205 : i32
      %dma_start3A_207 = arith.constant 1625 : i32
      %dma_start3A_208 = arith.constant 0 : i32
      %dma_start3A_209 = tpu.memref_slice %arg11[%dma_start3A_207, %dma_start3A_208] : memref<2000x16xf32, #tpu.memory_space<vmem>> -> memref<125x16xf32, #tpu.memory_space<vmem>>
      %dma_start3A_210 = arith.constant 0 : i32
      %dma_start3A_211 = tpu.memref_slice %arg9[%add3A_206, %dma_start3A_210] : memref<80x125xi32, #tpu.memory_space<vmem>> -> memref<1x125xi32, #tpu.memory_space<vmem>>
      %dma_start3A_212 = tpu.memref_squeeze %dma_start3A_211 : memref<1x125xi32, #tpu.memory_space<vmem>> -> memref<125xi32, #tpu.memory_space<vmem>>
      %dma_start3A_213 = arith.constant 0 : i32
      %dma_start3A_214 = arith.constant 0 : i32
      %dma_start3A_215 = tpu.memref_slice %arg2[%dma_start3A_213, %dma_start3A_214] : memref<10240x16xf32, #tpu.memory_space<hbm>> -> memref<10240x16xf32, #tpu.memory_space<hbm>>
      tpu.enqueue_indirect_dma source(%dma_start3A_215 : memref<10240x16xf32, #tpu.memory_space<hbm>>) target(%dma_start3A_209 : memref<125x16xf32, #tpu.memory_space<vmem>>) offsets(%dma_start3A_212 : memref<125xi32, #tpu.memory_space<vmem>>) semaphore(%arg15 : memref<!tpu.dma_semaphore, #tpu.memory_space<semaphore_mem>>)
      %mul3A_216 = arith.constant 16 : i32
      %mul3A_217 = arith.muli %scan3A_27, %mul3A_216 : i32
      %add3A_218 = arith.constant 14 : i32
      %add3A_219 = arith.addi %mul3A_217, %add3A_218 : i32
      %dma_start3A_220 = arith.constant 1750 : i32
      %dma_start3A_221 = arith.constant 0 : i32
      %dma_start3A_222 = tpu.memref_slice %arg11[%dma_start3A_220, %dma_start3A_221] : memref<2000x16xf32, #tpu.memory_space<vmem>> -> memref<125x16xf32, #tpu.memory_space<vmem>>
      %dma_start3A_223 = arith.constant 0 : i32
      %dma_start3A_224 = tpu.memref_slice %arg9[%add3A_219, %dma_start3A_223] : memref<80x125xi32, #tpu.memory_space<vmem>> -> memref<1x125xi32, #tpu.memory_space<vmem>>
      %dma_start3A_225 = tpu.memref_squeeze %dma_start3A_224 : memref<1x125xi32, #tpu.memory_space<vmem>> -> memref<125xi32, #tpu.memory_space<vmem>>
      %dma_start3A_226 = arith.constant 0 : i32
      %dma_start3A_227 = arith.constant 0 : i32
      %dma_start3A_228 = tpu.memref_slice %arg2[%dma_start3A_226, %dma_start3A_227] : memref<10240x16xf32, #tpu.memory_space<hbm>> -> memref<10240x16xf32, #tpu.memory_space<hbm>>
      tpu.enqueue_indirect_dma source(%dma_start3A_228 : memref<10240x16xf32, #tpu.memory_space<hbm>>) target(%dma_start3A_222 : memref<125x16xf32, #tpu.memory_space<vmem>>) offsets(%dma_start3A_225 : memref<125xi32, #tpu.memory_space<vmem>>) semaphore(%arg15 : memref<!tpu.dma_semaphore, #tpu.memory_space<semaphore_mem>>)
      %mul3A_229 = arith.constant 16 : i32
      %mul3A_230 = arith.muli %scan3A_27, %mul3A_229 : i32
      %add3A_231 = arith.constant 15 : i32
      %add3A_232 = arith.addi %mul3A_230, %add3A_231 : i32
      %dma_start3A_233 = arith.constant 1875 : i32
      %dma_start3A_234 = arith.constant 0 : i32
      %dma_start3A_235 = tpu.memref_slice %arg11[%dma_start3A_233, %dma_start3A_234] : memref<2000x16xf32, #tpu.memory_space<vmem>> -> memref<125x16xf32, #tpu.memory_space<vmem>>
      %dma_start3A_236 = arith.constant 0 : i32
      %dma_start3A_237 = tpu.memref_slice %arg9[%add3A_232, %dma_start3A_236] : memref<80x125xi32, #tpu.memory_space<vmem>> -> memref<1x125xi32, #tpu.memory_space<vmem>>
      %dma_start3A_238 = tpu.memref_squeeze %dma_start3A_237 : memref<1x125xi32, #tpu.memory_space<vmem>> -> memref<125xi32, #tpu.memory_space<vmem>>
      %dma_start3A_239 = arith.constant 0 : i32
      %dma_start3A_240 = arith.constant 0 : i32
      %dma_start3A_241 = tpu.memref_slice %arg2[%dma_start3A_239, %dma_start3A_240] : memref<10240x16xf32, #tpu.memory_space<hbm>> -> memref<10240x16xf32, #tpu.memory_space<hbm>>
      tpu.enqueue_indirect_dma source(%dma_start3A_241 : memref<10240x16xf32, #tpu.memory_space<hbm>>) target(%dma_start3A_235 : memref<125x16xf32, #tpu.memory_space<vmem>>) offsets(%dma_start3A_238 : memref<125xi32, #tpu.memory_space<vmem>>) semaphore(%arg15 : memref<!tpu.dma_semaphore, #tpu.memory_space<semaphore_mem>>)
      %dma_wait3A = arith.constant 0 : i32
      %dma_wait3A_242 = tpu.memref_slice %arg3[%add3A_30, %dma_wait3A] : memref<40000x128xf32, #tpu.memory_space<hbm>> -> memref<250x128xf32, #tpu.memory_space<hbm>>
      %dma_wait3A_243 = arith.constant 0 : i32
      %dma_wait3A_244 = tpu.memref_slice %arg3[%add3A_30, %dma_wait3A_243] : memref<40000x128xf32, #tpu.memory_space<hbm>> -> memref<250x128xf32, #tpu.memory_space<hbm>>
      tpu.wait_dma2 semaphore(%arg16 : memref<!tpu.dma_semaphore, #tpu.memory_space<semaphore_mem>>) src(%dma_wait3A_244 : memref<250x128xf32, #tpu.memory_space<hbm>>) dst(%arg12 : memref<250x128xf32, #tpu.memory_space<vmem>>)
      %dma_wait3A_245 = arith.constant 0 : i32
      %dma_wait3A_246 = arith.constant 0 : i32
      %dma_wait3A_247 = tpu.memref_slice %arg11[%dma_wait3A_245, %dma_wait3A_246] : memref<2000x16xf32, #tpu.memory_space<vmem>> -> memref<125x16xf32, #tpu.memory_space<vmem>>
      %dma_wait3A_248 = arith.constant 0 : i32
      %dma_wait3A_249 = tpu.memref_slice %arg9[%add3A_37, %dma_wait3A_248] : memref<80x125xi32, #tpu.memory_space<vmem>> -> memref<1x125xi32, #tpu.memory_space<vmem>>
      %dma_wait3A_250 = tpu.memref_squeeze %dma_wait3A_249 : memref<1x125xi32, #tpu.memory_space<vmem>> -> memref<125xi32, #tpu.memory_space<vmem>>
      %dma_wait3A_251 = arith.constant 0 : i32
      %dma_wait3A_252 = arith.constant 0 : i32
      %dma_wait3A_253 = tpu.memref_slice %arg2[%dma_wait3A_251, %dma_wait3A_252] : memref<10240x16xf32, #tpu.memory_space<hbm>> -> memref<10240x16xf32, #tpu.memory_space<hbm>>
      tpu.wait_indirect_dma semaphore(%arg15 : memref<!tpu.dma_semaphore, #tpu.memory_space<semaphore_mem>>) src(%dma_wait3A_253 : memref<10240x16xf32, #tpu.memory_space<hbm>>) dst(%dma_wait3A_247 : memref<125x16xf32, #tpu.memory_space<vmem>>)
      %dma_wait3A_254 = arith.constant 125 : i32
      %dma_wait3A_255 = arith.constant 0 : i32
      %dma_wait3A_256 = tpu.memref_slice %arg11[%dma_wait3A_254, %dma_wait3A_255] : memref<2000x16xf32, #tpu.memory_space<vmem>> -> memref<125x16xf32, #tpu.memory_space<vmem>>
      %dma_wait3A_257 = arith.constant 0 : i32
      %dma_wait3A_258 = tpu.memref_slice %arg9[%add3A_50, %dma_wait3A_257] : memref<80x125xi32, #tpu.memory_space<vmem>> -> memref<1x125xi32, #tpu.memory_space<vmem>>
      %dma_wait3A_259 = tpu.memref_squeeze %dma_wait3A_258 : memref<1x125xi32, #tpu.memory_space<vmem>> -> memref<125xi32, #tpu.memory_space<vmem>>
      %dma_wait3A_260 = arith.constant 0 : i32
      %dma_wait3A_261 = arith.constant 0 : i32
      %dma_wait3A_262 = tpu.memref_slice %arg2[%dma_wait3A_260, %dma_wait3A_261] : memref<10240x16xf32, #tpu.memory_space<hbm>> -> memref<10240x16xf32, #tpu.memory_space<hbm>>
      tpu.wait_indirect_dma semaphore(%arg15 : memref<!tpu.dma_semaphore, #tpu.memory_space<semaphore_mem>>) src(%dma_wait3A_262 : memref<10240x16xf32, #tpu.memory_space<hbm>>) dst(%dma_wait3A_256 : memref<125x16xf32, #tpu.memory_space<vmem>>)
      %dma_wait3A_263 = arith.constant 250 : i32
      %dma_wait3A_264 = arith.constant 0 : i32
      %dma_wait3A_265 = tpu.memref_slice %arg11[%dma_wait3A_263, %dma_wait3A_264] : memref<2000x16xf32, #tpu.memory_space<vmem>> -> memref<125x16xf32, #tpu.memory_space<vmem>>
      %dma_wait3A_266 = arith.constant 0 : i32
      %dma_wait3A_267 = tpu.memref_slice %arg9[%add3A_63, %dma_wait3A_266] : memref<80x125xi32, #tpu.memory_space<vmem>> -> memref<1x125xi32, #tpu.memory_space<vmem>>
      %dma_wait3A_268 = tpu.memref_squeeze %dma_wait3A_267 : memref<1x125xi32, #tpu.memory_space<vmem>> -> memref<125xi32, #tpu.memory_space<vmem>>
      %dma_wait3A_269 = arith.constant 0 : i32
      %dma_wait3A_270 = arith.constant 0 : i32
      %dma_wait3A_271 = tpu.memref_slice %arg2[%dma_wait3A_269, %dma_wait3A_270] : memref<10240x16xf32, #tpu.memory_space<hbm>> -> memref<10240x16xf32, #tpu.memory_space<hbm>>
      tpu.wait_indirect_dma semaphore(%arg15 : memref<!tpu.dma_semaphore, #tpu.memory_space<semaphore_mem>>) src(%dma_wait3A_271 : memref<10240x16xf32, #tpu.memory_space<hbm>>) dst(%dma_wait3A_265 : memref<125x16xf32, #tpu.memory_space<vmem>>)
      %dma_wait3A_272 = arith.constant 375 : i32
      %dma_wait3A_273 = arith.constant 0 : i32
      %dma_wait3A_274 = tpu.memref_slice %arg11[%dma_wait3A_272, %dma_wait3A_273] : memref<2000x16xf32, #tpu.memory_space<vmem>> -> memref<125x16xf32, #tpu.memory_space<vmem>>
      %dma_wait3A_275 = arith.constant 0 : i32
      %dma_wait3A_276 = tpu.memref_slice %arg9[%add3A_76, %dma_wait3A_275] : memref<80x125xi32, #tpu.memory_space<vmem>> -> memref<1x125xi32, #tpu.memory_space<vmem>>
      %dma_wait3A_277 = tpu.memref_squeeze %dma_wait3A_276 : memref<1x125xi32, #tpu.memory_space<vmem>> -> memref<125xi32, #tpu.memory_space<vmem>>
      %dma_wait3A_278 = arith.constant 0 : i32
      %dma_wait3A_279 = arith.constant 0 : i32
      %dma_wait3A_280 = tpu.memref_slice %arg2[%dma_wait3A_278, %dma_wait3A_279] : memref<10240x16xf32, #tpu.memory_space<hbm>> -> memref<10240x16xf32, #tpu.memory_space<hbm>>
      tpu.wait_indirect_dma semaphore(%arg15 : memref<!tpu.dma_semaphore, #tpu.memory_space<semaphore_mem>>) src(%dma_wait3A_280 : memref<10240x16xf32, #tpu.memory_space<hbm>>) dst(%dma_wait3A_274 : memref<125x16xf32, #tpu.memory_space<vmem>>)
      %dma_wait3A_281 = arith.constant 500 : i32
      %dma_wait3A_282 = arith.constant 0 : i32
      %dma_wait3A_283 = tpu.memref_slice %arg11[%dma_wait3A_281, %dma_wait3A_282] : memref<2000x16xf32, #tpu.memory_space<vmem>> -> memref<125x16xf32, #tpu.memory_space<vmem>>
      %dma_wait3A_284 = arith.constant 0 : i32
      %dma_wait3A_285 = tpu.memref_slice %arg9[%add3A_89, %dma_wait3A_284] : memref<80x125xi32, #tpu.memory_space<vmem>> -> memref<1x125xi32, #tpu.memory_space<vmem>>
      %dma_wait3A_286 = tpu.memref_squeeze %dma_wait3A_285 : memref<1x125xi32, #tpu.memory_space<vmem>> -> memref<125xi32, #tpu.memory_space<vmem>>
      %dma_wait3A_287 = arith.constant 0 : i32
      %dma_wait3A_288 = arith.constant 0 : i32
      %dma_wait3A_289 = tpu.memref_slice %arg2[%dma_wait3A_287, %dma_wait3A_288] : memref<10240x16xf32, #tpu.memory_space<hbm>> -> memref<10240x16xf32, #tpu.memory_space<hbm>>
      tpu.wait_indirect_dma semaphore(%arg15 : memref<!tpu.dma_semaphore, #tpu.memory_space<semaphore_mem>>) src(%dma_wait3A_289 : memref<10240x16xf32, #tpu.memory_space<hbm>>) dst(%dma_wait3A_283 : memref<125x16xf32, #tpu.memory_space<vmem>>)
      %dma_wait3A_290 = arith.constant 625 : i32
      %dma_wait3A_291 = arith.constant 0 : i32
      %dma_wait3A_292 = tpu.memref_slice %arg11[%dma_wait3A_290, %dma_wait3A_291] : memref<2000x16xf32, #tpu.memory_space<vmem>> -> memref<125x16xf32, #tpu.memory_space<vmem>>
      %dma_wait3A_293 = arith.constant 0 : i32
      %dma_wait3A_294 = tpu.memref_slice %arg9[%add3A_102, %dma_wait3A_293] : memref<80x125xi32, #tpu.memory_space<vmem>> -> memref<1x125xi32, #tpu.memory_space<vmem>>
      %dma_wait3A_295 = tpu.memref_squeeze %dma_wait3A_294 : memref<1x125xi32, #tpu.memory_space<vmem>> -> memref<125xi32, #tpu.memory_space<vmem>>
      %dma_wait3A_296 = arith.constant 0 : i32
      %dma_wait3A_297 = arith.constant 0 : i32
      %dma_wait3A_298 = tpu.memref_slice %arg2[%dma_wait3A_296, %dma_wait3A_297] : memref<10240x16xf32, #tpu.memory_space<hbm>> -> memref<10240x16xf32, #tpu.memory_space<hbm>>
      tpu.wait_indirect_dma semaphore(%arg15 : memref<!tpu.dma_semaphore, #tpu.memory_space<semaphore_mem>>) src(%dma_wait3A_298 : memref<10240x16xf32, #tpu.memory_space<hbm>>) dst(%dma_wait3A_292 : memref<125x16xf32, #tpu.memory_space<vmem>>)
      %dma_wait3A_299 = arith.constant 750 : i32
      %dma_wait3A_300 = arith.constant 0 : i32
      %dma_wait3A_301 = tpu.memref_slice %arg11[%dma_wait3A_299, %dma_wait3A_300] : memref<2000x16xf32, #tpu.memory_space<vmem>> -> memref<125x16xf32, #tpu.memory_space<vmem>>
      %dma_wait3A_302 = arith.constant 0 : i32
      %dma_wait3A_303 = tpu.memref_slice %arg9[%add3A_115, %dma_wait3A_302] : memref<80x125xi32, #tpu.memory_space<vmem>> -> memref<1x125xi32, #tpu.memory_space<vmem>>
      %dma_wait3A_304 = tpu.memref_squeeze %dma_wait3A_303 : memref<1x125xi32, #tpu.memory_space<vmem>> -> memref<125xi32, #tpu.memory_space<vmem>>
      %dma_wait3A_305 = arith.constant 0 : i32
      %dma_wait3A_306 = arith.constant 0 : i32
      %dma_wait3A_307 = tpu.memref_slice %arg2[%dma_wait3A_305, %dma_wait3A_306] : memref<10240x16xf32, #tpu.memory_space<hbm>> -> memref<10240x16xf32, #tpu.memory_space<hbm>>
      tpu.wait_indirect_dma semaphore(%arg15 : memref<!tpu.dma_semaphore, #tpu.memory_space<semaphore_mem>>) src(%dma_wait3A_307 : memref<10240x16xf32, #tpu.memory_space<hbm>>) dst(%dma_wait3A_301 : memref<125x16xf32, #tpu.memory_space<vmem>>)
      %dma_wait3A_308 = arith.constant 875 : i32
      %dma_wait3A_309 = arith.constant 0 : i32
      %dma_wait3A_310 = tpu.memref_slice %arg11[%dma_wait3A_308, %dma_wait3A_309] : memref<2000x16xf32, #tpu.memory_space<vmem>> -> memref<125x16xf32, #tpu.memory_space<vmem>>
      %dma_wait3A_311 = arith.constant 0 : i32
      %dma_wait3A_312 = tpu.memref_slice %arg9[%add3A_128, %dma_wait3A_311] : memref<80x125xi32, #tpu.memory_space<vmem>> -> memref<1x125xi32, #tpu.memory_space<vmem>>
      %dma_wait3A_313 = tpu.memref_squeeze %dma_wait3A_312 : memref<1x125xi32, #tpu.memory_space<vmem>> -> memref<125xi32, #tpu.memory_space<vmem>>
      %dma_wait3A_314 = arith.constant 0 : i32
      %dma_wait3A_315 = arith.constant 0 : i32
      %dma_wait3A_316 = tpu.memref_slice %arg2[%dma_wait3A_314, %dma_wait3A_315] : memref<10240x16xf32, #tpu.memory_space<hbm>> -> memref<10240x16xf32, #tpu.memory_space<hbm>>
      tpu.wait_indirect_dma semaphore(%arg15 : memref<!tpu.dma_semaphore, #tpu.memory_space<semaphore_mem>>) src(%dma_wait3A_316 : memref<10240x16xf32, #tpu.memory_space<hbm>>) dst(%dma_wait3A_310 : memref<125x16xf32, #tpu.memory_space<vmem>>)
      %dma_wait3A_317 = arith.constant 1000 : i32
      %dma_wait3A_318 = arith.constant 0 : i32
      %dma_wait3A_319 = tpu.memref_slice %arg11[%dma_wait3A_317, %dma_wait3A_318] : memref<2000x16xf32, #tpu.memory_space<vmem>> -> memref<125x16xf32, #tpu.memory_space<vmem>>
      %dma_wait3A_320 = arith.constant 0 : i32
      %dma_wait3A_321 = tpu.memref_slice %arg9[%add3A_141, %dma_wait3A_320] : memref<80x125xi32, #tpu.memory_space<vmem>> -> memref<1x125xi32, #tpu.memory_space<vmem>>
      %dma_wait3A_322 = tpu.memref_squeeze %dma_wait3A_321 : memref<1x125xi32, #tpu.memory_space<vmem>> -> memref<125xi32, #tpu.memory_space<vmem>>
      %dma_wait3A_323 = arith.constant 0 : i32
      %dma_wait3A_324 = arith.constant 0 : i32
      %dma_wait3A_325 = tpu.memref_slice %arg2[%dma_wait3A_323, %dma_wait3A_324] : memref<10240x16xf32, #tpu.memory_space<hbm>> -> memref<10240x16xf32, #tpu.memory_space<hbm>>
      tpu.wait_indirect_dma semaphore(%arg15 : memref<!tpu.dma_semaphore, #tpu.memory_space<semaphore_mem>>) src(%dma_wait3A_325 : memref<10240x16xf32, #tpu.memory_space<hbm>>) dst(%dma_wait3A_319 : memref<125x16xf32, #tpu.memory_space<vmem>>)
      %dma_wait3A_326 = arith.constant 1125 : i32
      %dma_wait3A_327 = arith.constant 0 : i32
      %dma_wait3A_328 = tpu.memref_slice %arg11[%dma_wait3A_326, %dma_wait3A_327] : memref<2000x16xf32, #tpu.memory_space<vmem>> -> memref<125x16xf32, #tpu.memory_space<vmem>>
      %dma_wait3A_329 = arith.constant 0 : i32
      %dma_wait3A_330 = tpu.memref_slice %arg9[%add3A_154, %dma_wait3A_329] : memref<80x125xi32, #tpu.memory_space<vmem>> -> memref<1x125xi32, #tpu.memory_space<vmem>>
      %dma_wait3A_331 = tpu.memref_squeeze %dma_wait3A_330 : memref<1x125xi32, #tpu.memory_space<vmem>> -> memref<125xi32, #tpu.memory_space<vmem>>
      %dma_wait3A_332 = arith.constant 0 : i32
      %dma_wait3A_333 = arith.constant 0 : i32
      %dma_wait3A_334 = tpu.memref_slice %arg2[%dma_wait3A_332, %dma_wait3A_333] : memref<10240x16xf32, #tpu.memory_space<hbm>> -> memref<10240x16xf32, #tpu.memory_space<hbm>>
      tpu.wait_indirect_dma semaphore(%arg15 : memref<!tpu.dma_semaphore, #tpu.memory_space<semaphore_mem>>) src(%dma_wait3A_334 : memref<10240x16xf32, #tpu.memory_space<hbm>>) dst(%dma_wait3A_328 : memref<125x16xf32, #tpu.memory_space<vmem>>)
      %dma_wait3A_335 = arith.constant 1250 : i32
      %dma_wait3A_336 = arith.constant 0 : i32
      %dma_wait3A_337 = tpu.memref_slice %arg11[%dma_wait3A_335, %dma_wait3A_336] : memref<2000x16xf32, #tpu.memory_space<vmem>> -> memref<125x16xf32, #tpu.memory_space<vmem>>
      %dma_wait3A_338 = arith.constant 0 : i32
      %dma_wait3A_339 = tpu.memref_slice %arg9[%add3A_167, %dma_wait3A_338] : memref<80x125xi32, #tpu.memory_space<vmem>> -> memref<1x125xi32, #tpu.memory_space<vmem>>
      %dma_wait3A_340 = tpu.memref_squeeze %dma_wait3A_339 : memref<1x125xi32, #tpu.memory_space<vmem>> -> memref<125xi32, #tpu.memory_space<vmem>>
      %dma_wait3A_341 = arith.constant 0 : i32
      %dma_wait3A_342 = arith.constant 0 : i32
      %dma_wait3A_343 = tpu.memref_slice %arg2[%dma_wait3A_341, %dma_wait3A_342] : memref<10240x16xf32, #tpu.memory_space<hbm>> -> memref<10240x16xf32, #tpu.memory_space<hbm>>
      tpu.wait_indirect_dma semaphore(%arg15 : memref<!tpu.dma_semaphore, #tpu.memory_space<semaphore_mem>>) src(%dma_wait3A_343 : memref<10240x16xf32, #tpu.memory_space<hbm>>) dst(%dma_wait3A_337 : memref<125x16xf32, #tpu.memory_space<vmem>>)
      %dma_wait3A_344 = arith.constant 1375 : i32
      %dma_wait3A_345 = arith.constant 0 : i32
      %dma_wait3A_346 = tpu.memref_slice %arg11[%dma_wait3A_344, %dma_wait3A_345] : memref<2000x16xf32, #tpu.memory_space<vmem>> -> memref<125x16xf32, #tpu.memory_space<vmem>>
      %dma_wait3A_347 = arith.constant 0 : i32
      %dma_wait3A_348 = tpu.memref_slice %arg9[%add3A_180, %dma_wait3A_347] : memref<80x125xi32, #tpu.memory_space<vmem>> -> memref<1x125xi32, #tpu.memory_space<vmem>>
      %dma_wait3A_349 = tpu.memref_squeeze %dma_wait3A_348 : memref<1x125xi32, #tpu.memory_space<vmem>> -> memref<125xi32, #tpu.memory_space<vmem>>
      %dma_wait3A_350 = arith.constant 0 : i32
      %dma_wait3A_351 = arith.constant 0 : i32
      %dma_wait3A_352 = tpu.memref_slice %arg2[%dma_wait3A_350, %dma_wait3A_351] : memref<10240x16xf32, #tpu.memory_space<hbm>> -> memref<10240x16xf32, #tpu.memory_space<hbm>>
      tpu.wait_indirect_dma semaphore(%arg15 : memref<!tpu.dma_semaphore, #tpu.memory_space<semaphore_mem>>) src(%dma_wait3A_352 : memref<10240x16xf32, #tpu.memory_space<hbm>>) dst(%dma_wait3A_346 : memref<125x16xf32, #tpu.memory_space<vmem>>)
      %dma_wait3A_353 = arith.constant 1500 : i32
      %dma_wait3A_354 = arith.constant 0 : i32
      %dma_wait3A_355 = tpu.memref_slice %arg11[%dma_wait3A_353, %dma_wait3A_354] : memref<2000x16xf32, #tpu.memory_space<vmem>> -> memref<125x16xf32, #tpu.memory_space<vmem>>
      %dma_wait3A_356 = arith.constant 0 : i32
      %dma_wait3A_357 = tpu.memref_slice %arg9[%add3A_193, %dma_wait3A_356] : memref<80x125xi32, #tpu.memory_space<vmem>> -> memref<1x125xi32, #tpu.memory_space<vmem>>
      %dma_wait3A_358 = tpu.memref_squeeze %dma_wait3A_357 : memref<1x125xi32, #tpu.memory_space<vmem>> -> memref<125xi32, #tpu.memory_space<vmem>>
      %dma_wait3A_359 = arith.constant 0 : i32
      %dma_wait3A_360 = arith.constant 0 : i32
      %dma_wait3A_361 = tpu.memref_slice %arg2[%dma_wait3A_359, %dma_wait3A_360] : memref<10240x16xf32, #tpu.memory_space<hbm>> -> memref<10240x16xf32, #tpu.memory_space<hbm>>
      tpu.wait_indirect_dma semaphore(%arg15 : memref<!tpu.dma_semaphore, #tpu.memory_space<semaphore_mem>>) src(%dma_wait3A_361 : memref<10240x16xf32, #tpu.memory_space<hbm>>) dst(%dma_wait3A_355 : memref<125x16xf32, #tpu.memory_space<vmem>>)
      %dma_wait3A_362 = arith.constant 1625 : i32
      %dma_wait3A_363 = arith.constant 0 : i32
      %dma_wait3A_364 = tpu.memref_slice %arg11[%dma_wait3A_362, %dma_wait3A_363] : memref<2000x16xf32, #tpu.memory_space<vmem>> -> memref<125x16xf32, #tpu.memory_space<vmem>>
      %dma_wait3A_365 = arith.constant 0 : i32
      %dma_wait3A_366 = tpu.memref_slice %arg9[%add3A_206, %dma_wait3A_365] : memref<80x125xi32, #tpu.memory_space<vmem>> -> memref<1x125xi32, #tpu.memory_space<vmem>>
      %dma_wait3A_367 = tpu.memref_squeeze %dma_wait3A_366 : memref<1x125xi32, #tpu.memory_space<vmem>> -> memref<125xi32, #tpu.memory_space<vmem>>
      %dma_wait3A_368 = arith.constant 0 : i32
      %dma_wait3A_369 = arith.constant 0 : i32
      %dma_wait3A_370 = tpu.memref_slice %arg2[%dma_wait3A_368, %dma_wait3A_369] : memref<10240x16xf32, #tpu.memory_space<hbm>> -> memref<10240x16xf32, #tpu.memory_space<hbm>>
      tpu.wait_indirect_dma semaphore(%arg15 : memref<!tpu.dma_semaphore, #tpu.memory_space<semaphore_mem>>) src(%dma_wait3A_370 : memref<10240x16xf32, #tpu.memory_space<hbm>>) dst(%dma_wait3A_364 : memref<125x16xf32, #tpu.memory_space<vmem>>)
      %dma_wait3A_371 = arith.constant 1750 : i32
      %dma_wait3A_372 = arith.constant 0 : i32
      %dma_wait3A_373 = tpu.memref_slice %arg11[%dma_wait3A_371, %dma_wait3A_372] : memref<2000x16xf32, #tpu.memory_space<vmem>> -> memref<125x16xf32, #tpu.memory_space<vmem>>
      %dma_wait3A_374 = arith.constant 0 : i32
      %dma_wait3A_375 = tpu.memref_slice %arg9[%add3A_219, %dma_wait3A_374] : memref<80x125xi32, #tpu.memory_space<vmem>> -> memref<1x125xi32, #tpu.memory_space<vmem>>
      %dma_wait3A_376 = tpu.memref_squeeze %dma_wait3A_375 : memref<1x125xi32, #tpu.memory_space<vmem>> -> memref<125xi32, #tpu.memory_space<vmem>>
      %dma_wait3A_377 = arith.constant 0 : i32
      %dma_wait3A_378 = arith.constant 0 : i32
      %dma_wait3A_379 = tpu.memref_slice %arg2[%dma_wait3A_377, %dma_wait3A_378] : memref<10240x16xf32, #tpu.memory_space<hbm>> -> memref<10240x16xf32, #tpu.memory_space<hbm>>
      tpu.wait_indirect_dma semaphore(%arg15 : memref<!tpu.dma_semaphore, #tpu.memory_space<semaphore_mem>>) src(%dma_wait3A_379 : memref<10240x16xf32, #tpu.memory_space<hbm>>) dst(%dma_wait3A_373 : memref<125x16xf32, #tpu.memory_space<vmem>>)
      %dma_wait3A_380 = arith.constant 1875 : i32
      %dma_wait3A_381 = arith.constant 0 : i32
      %dma_wait3A_382 = tpu.memref_slice %arg11[%dma_wait3A_380, %dma_wait3A_381] : memref<2000x16xf32, #tpu.memory_space<vmem>> -> memref<125x16xf32, #tpu.memory_space<vmem>>
      %dma_wait3A_383 = arith.constant 0 : i32
      %dma_wait3A_384 = tpu.memref_slice %arg9[%add3A_232, %dma_wait3A_383] : memref<80x125xi32, #tpu.memory_space<vmem>> -> memref<1x125xi32, #tpu.memory_space<vmem>>
      %dma_wait3A_385 = tpu.memref_squeeze %dma_wait3A_384 : memref<1x125xi32, #tpu.memory_space<vmem>> -> memref<125xi32, #tpu.memory_space<vmem>>
      %dma_wait3A_386 = arith.constant 0 : i32
      %dma_wait3A_387 = arith.constant 0 : i32
      %dma_wait3A_388 = tpu.memref_slice %arg2[%dma_wait3A_386, %dma_wait3A_387] : memref<10240x16xf32, #tpu.memory_space<hbm>> -> memref<10240x16xf32, #tpu.memory_space<hbm>>
      tpu.wait_indirect_dma semaphore(%arg15 : memref<!tpu.dma_semaphore, #tpu.memory_space<semaphore_mem>>) src(%dma_wait3A_388 : memref<10240x16xf32, #tpu.memory_space<hbm>>) dst(%dma_wait3A_382 : memref<125x16xf32, #tpu.memory_space<vmem>>)
      %scan3A_389 = arith.constant 0 : i32
      %scan3A_390 = arith.constant 0 : i32
      %scan3A_391 = arith.constant 250 : i32
      %scan3A_392 = arith.addi %scan3A_390, %scan3A_391 : i32
      %scan3A_393 = arith.constant 1 : i32
      scf.for %scan3A_459 = %scan3A_390 to %scan3A_392 step %scan3A_393  : i32 {
        %mul3A_460 = arith.constant 8 : i32
        %mul3A_461 = arith.muli %scan3A_459, %mul3A_460 : i32
        %add3A_462 = arith.constant 0 : i32
        %add3A_463 = arith.addi %mul3A_461, %add3A_462 : i32
        %get3A_464 = arith.index_cast %add3A_463 : i32 to index
        %get3A_465 = arith.constant 0 : index
        %get3A_466 = tpu.vector_load %arg11[%get3A_464, %get3A_465] {strides = array<i32>} : memref<2000x16xf32, #tpu.memory_space<vmem>>, vector<1x16xf32>,
        %get3A_467 = vector.shape_cast %get3A_466 : vector<1x16xf32> to vector<16xf32>
        %get3A_468 = arith.index_cast %scan3A_459 : i32 to index
        %get3A_469 = arith.constant 0 : index
        %get3A_470 = tpu.vector_load %arg12[%get3A_468, %get3A_469] {strides = array<i32>} : memref<250x128xf32, #tpu.memory_space<vmem>>, vector<1x16xf32>,
        %get3A_471 = vector.shape_cast %get3A_470 : vector<1x16xf32> to vector<16xf32>
        %add3A_472 = arith.addf %get3A_467, %get3A_471 : vector<16xf32>
        %mul3A_473 = arith.mulf %add3A_472, %get3A_8 : vector<16xf32>
        %add3A_474 = arith.addf %mul3A_473, %get3A_13 : vector<16xf32>
        %max3A = arith.constant 0.000000e+00 : f32
        %max3A_475 = vector.broadcast %max3A : f32 to vector<16xf32>
        %max3A_476 = arith.maximumf %add3A_474, %max3A_475 : vector<16xf32>
        %swap3A = arith.index_cast %add3A_463 : i32 to index
        %swap3A_477 = arith.constant 0 : index
        %swap3A_478 = tpu.vector_load %arg11[%swap3A, %swap3A_477] {strides = array<i32>} : memref<2000x16xf32, #tpu.memory_space<vmem>>, vector<1x16xf32>,
        %swap3A_479 = vector.shape_cast %swap3A_478 : vector<1x16xf32> to vector<16xf32>
        %swap3A_480 = vector.shape_cast %max3A_476 : vector<16xf32> to vector<1x16xf32>
        tpu.vector_store %arg11[%swap3A, %swap3A_477], %swap3A_480 {strides = array<i32>} : memref<2000x16xf32, #tpu.memory_space<vmem>>, vector<1x16xf32>,
        %mul3A_481 = arith.constant 8 : i32
        %mul3A_482 = arith.muli %scan3A_459, %mul3A_481 : i32
        %add3A_483 = arith.constant 1 : i32
        %add3A_484 = arith.addi %mul3A_482, %add3A_483 : i32
        %get3A_485 = arith.index_cast %add3A_484 : i32 to index
        %get3A_486 = arith.constant 0 : index
        %get3A_487 = tpu.vector_load %arg11[%get3A_485, %get3A_486] {strides = array<i32>} : memref<2000x16xf32, #tpu.memory_space<vmem>>, vector<1x16xf32>,
        %get3A_488 = vector.shape_cast %get3A_487 : vector<1x16xf32> to vector<16xf32>
        %get3A_489 = arith.index_cast %scan3A_459 : i32 to index
        %get3A_490 = arith.constant 16 : index
        %get3A_491 = tpu.vector_load %arg12[%get3A_489, %get3A_490] {strides = array<i32>} : memref<250x128xf32, #tpu.memory_space<vmem>>, vector<1x16xf32>,
        %get3A_492 = vector.shape_cast %get3A_491 : vector<1x16xf32> to vector<16xf32>
        %add3A_493 = arith.addf %get3A_488, %get3A_492 : vector<16xf32>
        %mul3A_494 = arith.mulf %add3A_493, %get3A_8 : vector<16xf32>
        %add3A_495 = arith.addf %mul3A_494, %get3A_13 : vector<16xf32>
        %max3A_496 = arith.constant 0.000000e+00 : f32
        %max3A_497 = vector.broadcast %max3A_496 : f32 to vector<16xf32>
        %max3A_498 = arith.maximumf %add3A_495, %max3A_497 : vector<16xf32>
        %swap3A_499 = arith.index_cast %add3A_484 : i32 to index
        %swap3A_500 = arith.constant 0 : index
        %swap3A_501 = tpu.vector_load %arg11[%swap3A_499, %swap3A_500] {strides = array<i32>} : memref<2000x16xf32, #tpu.memory_space<vmem>>, vector<1x16xf32>,
        %swap3A_502 = vector.shape_cast %swap3A_501 : vector<1x16xf32> to vector<16xf32>
        %swap3A_503 = vector.shape_cast %max3A_498 : vector<16xf32> to vector<1x16xf32>
        tpu.vector_store %arg11[%swap3A_499, %swap3A_500], %swap3A_503 {strides = array<i32>} : memref<2000x16xf32, #tpu.memory_space<vmem>>, vector<1x16xf32>,
        %mul3A_504 = arith.constant 8 : i32
        %mul3A_505 = arith.muli %scan3A_459, %mul3A_504 : i32
        %add3A_506 = arith.constant 2 : i32
        %add3A_507 = arith.addi %mul3A_505, %add3A_506 : i32
        %get3A_508 = arith.index_cast %add3A_507 : i32 to index
        %get3A_509 = arith.constant 0 : index
        %get3A_510 = tpu.vector_load %arg11[%get3A_508, %get3A_509] {strides = array<i32>} : memref<2000x16xf32, #tpu.memory_space<vmem>>, vector<1x16xf32>,
        %get3A_511 = vector.shape_cast %get3A_510 : vector<1x16xf32> to vector<16xf32>
        %get3A_512 = arith.index_cast %scan3A_459 : i32 to index
        %get3A_513 = arith.constant 32 : index
        %get3A_514 = tpu.vector_load %arg12[%get3A_512, %get3A_513] {strides = array<i32>} : memref<250x128xf32, #tpu.memory_space<vmem>>, vector<1x16xf32>,
        %get3A_515 = vector.shape_cast %get3A_514 : vector<1x16xf32> to vector<16xf32>
        %add3A_516 = arith.addf %get3A_511, %get3A_515 : vector<16xf32>
        %mul3A_517 = arith.mulf %add3A_516, %get3A_8 : vector<16xf32>
        %add3A_518 = arith.addf %mul3A_517, %get3A_13 : vector<16xf32>
        %max3A_519 = arith.constant 0.000000e+00 : f32
        %max3A_520 = vector.broadcast %max3A_519 : f32 to vector<16xf32>
        %max3A_521 = arith.maximumf %add3A_518, %max3A_520 : vector<16xf32>
        %swap3A_522 = arith.index_cast %add3A_507 : i32 to index
        %swap3A_523 = arith.constant 0 : index
        %swap3A_524 = tpu.vector_load %arg11[%swap3A_522, %swap3A_523] {strides = array<i32>} : memref<2000x16xf32, #tpu.memory_space<vmem>>, vector<1x16xf32>,
        %swap3A_525 = vector.shape_cast %swap3A_524 : vector<1x16xf32> to vector<16xf32>
        %swap3A_526 = vector.shape_cast %max3A_521 : vector<16xf32> to vector<1x16xf32>
        tpu.vector_store %arg11[%swap3A_522, %swap3A_523], %swap3A_526 {strides = array<i32>} : memref<2000x16xf32, #tpu.memory_space<vmem>>, vector<1x16xf32>,
        %mul3A_527 = arith.constant 8 : i32
        %mul3A_528 = arith.muli %scan3A_459, %mul3A_527 : i32
        %add3A_529 = arith.constant 3 : i32
        %add3A_530 = arith.addi %mul3A_528, %add3A_529 : i32
        %get3A_531 = arith.index_cast %add3A_530 : i32 to index
        %get3A_532 = arith.constant 0 : index
        %get3A_533 = tpu.vector_load %arg11[%get3A_531, %get3A_532] {strides = array<i32>} : memref<2000x16xf32, #tpu.memory_space<vmem>>, vector<1x16xf32>,
        %get3A_534 = vector.shape_cast %get3A_533 : vector<1x16xf32> to vector<16xf32>
        %get3A_535 = arith.index_cast %scan3A_459 : i32 to index
        %get3A_536 = arith.constant 48 : index
        %get3A_537 = tpu.vector_load %arg12[%get3A_535, %get3A_536] {strides = array<i32>} : memref<250x128xf32, #tpu.memory_space<vmem>>, vector<1x16xf32>,
        %get3A_538 = vector.shape_cast %get3A_537 : vector<1x16xf32> to vector<16xf32>
        %add3A_539 = arith.addf %get3A_534, %get3A_538 : vector<16xf32>
        %mul3A_540 = arith.mulf %add3A_539, %get3A_8 : vector<16xf32>
        %add3A_541 = arith.addf %mul3A_540, %get3A_13 : vector<16xf32>
        %max3A_542 = arith.constant 0.000000e+00 : f32
        %max3A_543 = vector.broadcast %max3A_542 : f32 to vector<16xf32>
        %max3A_544 = arith.maximumf %add3A_541, %max3A_543 : vector<16xf32>
        %swap3A_545 = arith.index_cast %add3A_530 : i32 to index
        %swap3A_546 = arith.constant 0 : index
        %swap3A_547 = tpu.vector_load %arg11[%swap3A_545, %swap3A_546] {strides = array<i32>} : memref<2000x16xf32, #tpu.memory_space<vmem>>, vector<1x16xf32>,
        %swap3A_548 = vector.shape_cast %swap3A_547 : vector<1x16xf32> to vector<16xf32>
        %swap3A_549 = vector.shape_cast %max3A_544 : vector<16xf32> to vector<1x16xf32>
        tpu.vector_store %arg11[%swap3A_545, %swap3A_546], %swap3A_549 {strides = array<i32>} : memref<2000x16xf32, #tpu.memory_space<vmem>>, vector<1x16xf32>,
        %mul3A_550 = arith.constant 8 : i32
        %mul3A_551 = arith.muli %scan3A_459, %mul3A_550 : i32
        %add3A_552 = arith.constant 4 : i32
        %add3A_553 = arith.addi %mul3A_551, %add3A_552 : i32
        %get3A_554 = arith.index_cast %add3A_553 : i32 to index
        %get3A_555 = arith.constant 0 : index
        %get3A_556 = tpu.vector_load %arg11[%get3A_554, %get3A_555] {strides = array<i32>} : memref<2000x16xf32, #tpu.memory_space<vmem>>, vector<1x16xf32>,
        %get3A_557 = vector.shape_cast %get3A_556 : vector<1x16xf32> to vector<16xf32>
        %get3A_558 = arith.index_cast %scan3A_459 : i32 to index
        %get3A_559 = arith.constant 64 : index
        %get3A_560 = tpu.vector_load %arg12[%get3A_558, %get3A_559] {strides = array<i32>} : memref<250x128xf32, #tpu.memory_space<vmem>>, vector<1x16xf32>,
        %get3A_561 = vector.shape_cast %get3A_560 : vector<1x16xf32> to vector<16xf32>
        %add3A_562 = arith.addf %get3A_557, %get3A_561 : vector<16xf32>
        %mul3A_563 = arith.mulf %add3A_562, %get3A_8 : vector<16xf32>
        %add3A_564 = arith.addf %mul3A_563, %get3A_13 : vector<16xf32>
        %max3A_565 = arith.constant 0.000000e+00 : f32
        %max3A_566 = vector.broadcast %max3A_565 : f32 to vector<16xf32>
        %max3A_567 = arith.maximumf %add3A_564, %max3A_566 : vector<16xf32>
        %swap3A_568 = arith.index_cast %add3A_553 : i32 to index
        %swap3A_569 = arith.constant 0 : index
        %swap3A_570 = tpu.vector_load %arg11[%swap3A_568, %swap3A_569] {strides = array<i32>} : memref<2000x16xf32, #tpu.memory_space<vmem>>, vector<1x16xf32>,
        %swap3A_571 = vector.shape_cast %swap3A_570 : vector<1x16xf32> to vector<16xf32>
        %swap3A_572 = vector.shape_cast %max3A_567 : vector<16xf32> to vector<1x16xf32>
        tpu.vector_store %arg11[%swap3A_568, %swap3A_569], %swap3A_572 {strides = array<i32>} : memref<2000x16xf32, #tpu.memory_space<vmem>>, vector<1x16xf32>,
        %mul3A_573 = arith.constant 8 : i32
        %mul3A_574 = arith.muli %scan3A_459, %mul3A_573 : i32
        %add3A_575 = arith.constant 5 : i32
        %add3A_576 = arith.addi %mul3A_574, %add3A_575 : i32
        %get3A_577 = arith.index_cast %add3A_576 : i32 to index
        %get3A_578 = arith.constant 0 : index
        %get3A_579 = tpu.vector_load %arg11[%get3A_577, %get3A_578] {strides = array<i32>} : memref<2000x16xf32, #tpu.memory_space<vmem>>, vector<1x16xf32>,
        %get3A_580 = vector.shape_cast %get3A_579 : vector<1x16xf32> to vector<16xf32>
        %get3A_581 = arith.index_cast %scan3A_459 : i32 to index
        %get3A_582 = arith.constant 80 : index
        %get3A_583 = tpu.vector_load %arg12[%get3A_581, %get3A_582] {strides = array<i32>} : memref<250x128xf32, #tpu.memory_space<vmem>>, vector<1x16xf32>,
        %get3A_584 = vector.shape_cast %get3A_583 : vector<1x16xf32> to vector<16xf32>
        %add3A_585 = arith.addf %get3A_580, %get3A_584 : vector<16xf32>
        %mul3A_586 = arith.mulf %add3A_585, %get3A_8 : vector<16xf32>
        %add3A_587 = arith.addf %mul3A_586, %get3A_13 : vector<16xf32>
        %max3A_588 = arith.constant 0.000000e+00 : f32
        %max3A_589 = vector.broadcast %max3A_588 : f32 to vector<16xf32>
        %max3A_590 = arith.maximumf %add3A_587, %max3A_589 : vector<16xf32>
        %swap3A_591 = arith.index_cast %add3A_576 : i32 to index
        %swap3A_592 = arith.constant 0 : index
        %swap3A_593 = tpu.vector_load %arg11[%swap3A_591, %swap3A_592] {strides = array<i32>} : memref<2000x16xf32, #tpu.memory_space<vmem>>, vector<1x16xf32>,
        %swap3A_594 = vector.shape_cast %swap3A_593 : vector<1x16xf32> to vector<16xf32>
        %swap3A_595 = vector.shape_cast %max3A_590 : vector<16xf32> to vector<1x16xf32>
        tpu.vector_store %arg11[%swap3A_591, %swap3A_592], %swap3A_595 {strides = array<i32>} : memref<2000x16xf32, #tpu.memory_space<vmem>>, vector<1x16xf32>,
        %mul3A_596 = arith.constant 8 : i32
        %mul3A_597 = arith.muli %scan3A_459, %mul3A_596 : i32
        %add3A_598 = arith.constant 6 : i32
        %add3A_599 = arith.addi %mul3A_597, %add3A_598 : i32
        %get3A_600 = arith.index_cast %add3A_599 : i32 to index
        %get3A_601 = arith.constant 0 : index
        %get3A_602 = tpu.vector_load %arg11[%get3A_600, %get3A_601] {strides = array<i32>} : memref<2000x16xf32, #tpu.memory_space<vmem>>, vector<1x16xf32>,
        %get3A_603 = vector.shape_cast %get3A_602 : vector<1x16xf32> to vector<16xf32>
        %get3A_604 = arith.index_cast %scan3A_459 : i32 to index
        %get3A_605 = arith.constant 96 : index
        %get3A_606 = tpu.vector_load %arg12[%get3A_604, %get3A_605] {strides = array<i32>} : memref<250x128xf32, #tpu.memory_space<vmem>>, vector<1x16xf32>,
        %get3A_607 = vector.shape_cast %get3A_606 : vector<1x16xf32> to vector<16xf32>
        %add3A_608 = arith.addf %get3A_603, %get3A_607 : vector<16xf32>
        %mul3A_609 = arith.mulf %add3A_608, %get3A_8 : vector<16xf32>
        %add3A_610 = arith.addf %mul3A_609, %get3A_13 : vector<16xf32>
        %max3A_611 = arith.constant 0.000000e+00 : f32
        %max3A_612 = vector.broadcast %max3A_611 : f32 to vector<16xf32>
        %max3A_613 = arith.maximumf %add3A_610, %max3A_612 : vector<16xf32>
        %swap3A_614 = arith.index_cast %add3A_599 : i32 to index
        %swap3A_615 = arith.constant 0 : index
        %swap3A_616 = tpu.vector_load %arg11[%swap3A_614, %swap3A_615] {strides = array<i32>} : memref<2000x16xf32, #tpu.memory_space<vmem>>, vector<1x16xf32>,
        %swap3A_617 = vector.shape_cast %swap3A_616 : vector<1x16xf32> to vector<16xf32>
        %swap3A_618 = vector.shape_cast %max3A_613 : vector<16xf32> to vector<1x16xf32>
        tpu.vector_store %arg11[%swap3A_614, %swap3A_615], %swap3A_618 {strides = array<i32>} : memref<2000x16xf32, #tpu.memory_space<vmem>>, vector<1x16xf32>,
        %mul3A_619 = arith.constant 8 : i32
        %mul3A_620 = arith.muli %scan3A_459, %mul3A_619 : i32
        %add3A_621 = arith.constant 7 : i32
        %add3A_622 = arith.addi %mul3A_620, %add3A_621 : i32
        %get3A_623 = arith.index_cast %add3A_622 : i32 to index
        %get3A_624 = arith.constant 0 : index
        %get3A_625 = tpu.vector_load %arg11[%get3A_623, %get3A_624] {strides = array<i32>} : memref<2000x16xf32, #tpu.memory_space<vmem>>, vector<1x16xf32>,
        %get3A_626 = vector.shape_cast %get3A_625 : vector<1x16xf32> to vector<16xf32>
        %get3A_627 = arith.index_cast %scan3A_459 : i32 to index
        %get3A_628 = arith.constant 112 : index
        %get3A_629 = tpu.vector_load %arg12[%get3A_627, %get3A_628] {strides = array<i32>} : memref<250x128xf32, #tpu.memory_space<vmem>>, vector<1x16xf32>,
        %get3A_630 = vector.shape_cast %get3A_629 : vector<1x16xf32> to vector<16xf32>
        %add3A_631 = arith.addf %get3A_626, %get3A_630 : vector<16xf32>
        %mul3A_632 = arith.mulf %add3A_631, %get3A_8 : vector<16xf32>
        %add3A_633 = arith.addf %mul3A_632, %get3A_13 : vector<16xf32>
        %max3A_634 = arith.constant 0.000000e+00 : f32
        %max3A_635 = vector.broadcast %max3A_634 : f32 to vector<16xf32>
        %max3A_636 = arith.maximumf %add3A_633, %max3A_635 : vector<16xf32>
        %swap3A_637 = arith.index_cast %add3A_622 : i32 to index
        %swap3A_638 = arith.constant 0 : index
        %swap3A_639 = tpu.vector_load %arg11[%swap3A_637, %swap3A_638] {strides = array<i32>} : memref<2000x16xf32, #tpu.memory_space<vmem>>, vector<1x16xf32>,
        %swap3A_640 = vector.shape_cast %swap3A_639 : vector<1x16xf32> to vector<16xf32>
        %swap3A_641 = vector.shape_cast %max3A_636 : vector<16xf32> to vector<1x16xf32>
        tpu.vector_store %arg11[%swap3A_637, %swap3A_638], %swap3A_641 {strides = array<i32>} : memref<2000x16xf32, #tpu.memory_space<vmem>>, vector<1x16xf32>,
      }
      %scan3A_394 = arith.constant 250 : i32
      %mul3A_395 = arith.constant 16 : i32
      %mul3A_396 = arith.muli %scan3A_27, %mul3A_395 : i32
      %add3A_397 = arith.constant 0 : i32
      %add3A_398 = arith.addi %mul3A_396, %add3A_397 : i32
      "tpu.region"() ({
        %run_scoped3A = tpu.sem_alloc : memref<!tpu.dma_semaphore, #tpu.memory_space<semaphore_mem>>
        %dma_start3A_459 = arith.constant 0 : i32
        %dma_start3A_460 = arith.constant 0 : i32
        %dma_start3A_461 = tpu.memref_slice %arg11[%dma_start3A_459, %dma_start3A_460] : memref<2000x16xf32, #tpu.memory_space<vmem>> -> memref<125x16xf32, #tpu.memory_space<vmem>>
        %dma_start3A_462 = arith.constant 0 : i32
        %dma_start3A_463 = tpu.memref_slice %arg10[%add3A_398, %dma_start3A_462] : memref<80x125xi32, #tpu.memory_space<vmem>> -> memref<1x125xi32, #tpu.memory_space<vmem>>
        %dma_start3A_464 = tpu.memref_squeeze %dma_start3A_463 : memref<1x125xi32, #tpu.memory_space<vmem>> -> memref<125xi32, #tpu.memory_space<vmem>>
        %dma_start3A_465 = arith.constant 0 : i32
        %dma_start3A_466 = arith.constant 0 : i32
        %dma_start3A_467 = tpu.memref_slice %arg14[%dma_start3A_465, %dma_start3A_466] : memref<10240x16xf32, #tpu.memory_space<vmem_shared>> -> memref<10240x16xf32, #tpu.memory_space<vmem_shared>>
        tpu.enqueue_indirect_dma source(%dma_start3A_461 : memref<125x16xf32, #tpu.memory_space<vmem>>) target(%dma_start3A_467 : memref<10240x16xf32, #tpu.memory_space<vmem_shared>>) offsets(%dma_start3A_464 : memref<125xi32, #tpu.memory_space<vmem>>) semaphore(%run_scoped3A : memref<!tpu.dma_semaphore, #tpu.memory_space<semaphore_mem>>) {add = true}
        %dma_wait3A_468 = arith.constant 0 : i32
        %dma_wait3A_469 = arith.constant 0 : i32
        %dma_wait3A_470 = tpu.memref_slice %arg11[%dma_wait3A_468, %dma_wait3A_469] : memref<2000x16xf32, #tpu.memory_space<vmem>> -> memref<125x16xf32, #tpu.memory_space<vmem>>
        %dma_wait3A_471 = arith.constant 0 : i32
        %dma_wait3A_472 = tpu.memref_slice %arg10[%add3A_398, %dma_wait3A_471] : memref<80x125xi32, #tpu.memory_space<vmem>> -> memref<1x125xi32, #tpu.memory_space<vmem>>
        %dma_wait3A_473 = tpu.memref_squeeze %dma_wait3A_472 : memref<1x125xi32, #tpu.memory_space<vmem>> -> memref<125xi32, #tpu.memory_space<vmem>>
        %dma_wait3A_474 = arith.constant 0 : i32
        %dma_wait3A_475 = arith.constant 0 : i32
        %dma_wait3A_476 = tpu.memref_slice %arg14[%dma_wait3A_474, %dma_wait3A_475] : memref<10240x16xf32, #tpu.memory_space<vmem_shared>> -> memref<10240x16xf32, #tpu.memory_space<vmem_shared>>
        tpu.wait_indirect_dma semaphore(%run_scoped3A : memref<!tpu.dma_semaphore, #tpu.memory_space<semaphore_mem>>) src(%dma_wait3A_470 : memref<125x16xf32, #tpu.memory_space<vmem>>) dst(%dma_wait3A_476 : memref<10240x16xf32, #tpu.memory_space<vmem_shared>>)
        tpu.yield
      }) : () -> ()
      %mul3A_399 = arith.constant 16 : i32
      %mul3A_400 = arith.muli %scan3A_27, %mul3A_399 : i32
      %add3A_401 = arith.constant 1 : i32
      %add3A_402 = arith.addi %mul3A_400, %add3A_401 : i32
      "tpu.region"() ({
        %run_scoped3A = tpu.sem_alloc : memref<!tpu.dma_semaphore, #tpu.memory_space<semaphore_mem>>
        %dma_start3A_459 = arith.constant 125 : i32
        %dma_start3A_460 = arith.constant 0 : i32
        %dma_start3A_461 = tpu.memref_slice %arg11[%dma_start3A_459, %dma_start3A_460] : memref<2000x16xf32, #tpu.memory_space<vmem>> -> memref<125x16xf32, #tpu.memory_space<vmem>>
        %dma_start3A_462 = arith.constant 0 : i32
        %dma_start3A_463 = tpu.memref_slice %arg10[%add3A_402, %dma_start3A_462] : memref<80x125xi32, #tpu.memory_space<vmem>> -> memref<1x125xi32, #tpu.memory_space<vmem>>
        %dma_start3A_464 = tpu.memref_squeeze %dma_start3A_463 : memref<1x125xi32, #tpu.memory_space<vmem>> -> memref<125xi32, #tpu.memory_space<vmem>>
        %dma_start3A_465 = arith.constant 0 : i32
        %dma_start3A_466 = arith.constant 0 : i32
        %dma_start3A_467 = tpu.memref_slice %arg14[%dma_start3A_465, %dma_start3A_466] : memref<10240x16xf32, #tpu.memory_space<vmem_shared>> -> memref<10240x16xf32, #tpu.memory_space<vmem_shared>>
        tpu.enqueue_indirect_dma source(%dma_start3A_461 : memref<125x16xf32, #tpu.memory_space<vmem>>) target(%dma_start3A_467 : memref<10240x16xf32, #tpu.memory_space<vmem_shared>>) offsets(%dma_start3A_464 : memref<125xi32, #tpu.memory_space<vmem>>) semaphore(%run_scoped3A : memref<!tpu.dma_semaphore, #tpu.memory_space<semaphore_mem>>) {add = true}
        %dma_wait3A_468 = arith.constant 125 : i32
        %dma_wait3A_469 = arith.constant 0 : i32
        %dma_wait3A_470 = tpu.memref_slice %arg11[%dma_wait3A_468, %dma_wait3A_469] : memref<2000x16xf32, #tpu.memory_space<vmem>> -> memref<125x16xf32, #tpu.memory_space<vmem>>
        %dma_wait3A_471 = arith.constant 0 : i32
        %dma_wait3A_472 = tpu.memref_slice %arg10[%add3A_402, %dma_wait3A_471] : memref<80x125xi32, #tpu.memory_space<vmem>> -> memref<1x125xi32, #tpu.memory_space<vmem>>
        %dma_wait3A_473 = tpu.memref_squeeze %dma_wait3A_472 : memref<1x125xi32, #tpu.memory_space<vmem>> -> memref<125xi32, #tpu.memory_space<vmem>>
        %dma_wait3A_474 = arith.constant 0 : i32
        %dma_wait3A_475 = arith.constant 0 : i32
        %dma_wait3A_476 = tpu.memref_slice %arg14[%dma_wait3A_474, %dma_wait3A_475] : memref<10240x16xf32, #tpu.memory_space<vmem_shared>> -> memref<10240x16xf32, #tpu.memory_space<vmem_shared>>
        tpu.wait_indirect_dma semaphore(%run_scoped3A : memref<!tpu.dma_semaphore, #tpu.memory_space<semaphore_mem>>) src(%dma_wait3A_470 : memref<125x16xf32, #tpu.memory_space<vmem>>) dst(%dma_wait3A_476 : memref<10240x16xf32, #tpu.memory_space<vmem_shared>>)
        tpu.yield
      }) : () -> ()
      %mul3A_403 = arith.constant 16 : i32
      %mul3A_404 = arith.muli %scan3A_27, %mul3A_403 : i32
      %add3A_405 = arith.constant 2 : i32
      %add3A_406 = arith.addi %mul3A_404, %add3A_405 : i32
      "tpu.region"() ({
        %run_scoped3A = tpu.sem_alloc : memref<!tpu.dma_semaphore, #tpu.memory_space<semaphore_mem>>
        %dma_start3A_459 = arith.constant 250 : i32
        %dma_start3A_460 = arith.constant 0 : i32
        %dma_start3A_461 = tpu.memref_slice %arg11[%dma_start3A_459, %dma_start3A_460] : memref<2000x16xf32, #tpu.memory_space<vmem>> -> memref<125x16xf32, #tpu.memory_space<vmem>>
        %dma_start3A_462 = arith.constant 0 : i32
        %dma_start3A_463 = tpu.memref_slice %arg10[%add3A_406, %dma_start3A_462] : memref<80x125xi32, #tpu.memory_space<vmem>> -> memref<1x125xi32, #tpu.memory_space<vmem>>
        %dma_start3A_464 = tpu.memref_squeeze %dma_start3A_463 : memref<1x125xi32, #tpu.memory_space<vmem>> -> memref<125xi32, #tpu.memory_space<vmem>>
        %dma_start3A_465 = arith.constant 0 : i32
        %dma_start3A_466 = arith.constant 0 : i32
        %dma_start3A_467 = tpu.memref_slice %arg14[%dma_start3A_465, %dma_start3A_466] : memref<10240x16xf32, #tpu.memory_space<vmem_shared>> -> memref<10240x16xf32, #tpu.memory_space<vmem_shared>>
        tpu.enqueue_indirect_dma source(%dma_start3A_461 : memref<125x16xf32, #tpu.memory_space<vmem>>) target(%dma_start3A_467 : memref<10240x16xf32, #tpu.memory_space<vmem_shared>>) offsets(%dma_start3A_464 : memref<125xi32, #tpu.memory_space<vmem>>) semaphore(%run_scoped3A : memref<!tpu.dma_semaphore, #tpu.memory_space<semaphore_mem>>) {add = true}
        %dma_wait3A_468 = arith.constant 250 : i32
        %dma_wait3A_469 = arith.constant 0 : i32
        %dma_wait3A_470 = tpu.memref_slice %arg11[%dma_wait3A_468, %dma_wait3A_469] : memref<2000x16xf32, #tpu.memory_space<vmem>> -> memref<125x16xf32, #tpu.memory_space<vmem>>
        %dma_wait3A_471 = arith.constant 0 : i32
        %dma_wait3A_472 = tpu.memref_slice %arg10[%add3A_406, %dma_wait3A_471] : memref<80x125xi32, #tpu.memory_space<vmem>> -> memref<1x125xi32, #tpu.memory_space<vmem>>
        %dma_wait3A_473 = tpu.memref_squeeze %dma_wait3A_472 : memref<1x125xi32, #tpu.memory_space<vmem>> -> memref<125xi32, #tpu.memory_space<vmem>>
        %dma_wait3A_474 = arith.constant 0 : i32
        %dma_wait3A_475 = arith.constant 0 : i32
        %dma_wait3A_476 = tpu.memref_slice %arg14[%dma_wait3A_474, %dma_wait3A_475] : memref<10240x16xf32, #tpu.memory_space<vmem_shared>> -> memref<10240x16xf32, #tpu.memory_space<vmem_shared>>
        tpu.wait_indirect_dma semaphore(%run_scoped3A : memref<!tpu.dma_semaphore, #tpu.memory_space<semaphore_mem>>) src(%dma_wait3A_470 : memref<125x16xf32, #tpu.memory_space<vmem>>) dst(%dma_wait3A_476 : memref<10240x16xf32, #tpu.memory_space<vmem_shared>>)
        tpu.yield
      }) : () -> ()
      %mul3A_407 = arith.constant 16 : i32
      %mul3A_408 = arith.muli %scan3A_27, %mul3A_407 : i32
      %add3A_409 = arith.constant 3 : i32
      %add3A_410 = arith.addi %mul3A_408, %add3A_409 : i32
      "tpu.region"() ({
        %run_scoped3A = tpu.sem_alloc : memref<!tpu.dma_semaphore, #tpu.memory_space<semaphore_mem>>
        %dma_start3A_459 = arith.constant 375 : i32
        %dma_start3A_460 = arith.constant 0 : i32
        %dma_start3A_461 = tpu.memref_slice %arg11[%dma_start3A_459, %dma_start3A_460] : memref<2000x16xf32, #tpu.memory_space<vmem>> -> memref<125x16xf32, #tpu.memory_space<vmem>>
        %dma_start3A_462 = arith.constant 0 : i32
        %dma_start3A_463 = tpu.memref_slice %arg10[%add3A_410, %dma_start3A_462] : memref<80x125xi32, #tpu.memory_space<vmem>> -> memref<1x125xi32, #tpu.memory_space<vmem>>
        %dma_start3A_464 = tpu.memref_squeeze %dma_start3A_463 : memref<1x125xi32, #tpu.memory_space<vmem>> -> memref<125xi32, #tpu.memory_space<vmem>>
        %dma_start3A_465 = arith.constant 0 : i32
        %dma_start3A_466 = arith.constant 0 : i32
        %dma_start3A_467 = tpu.memref_slice %arg14[%dma_start3A_465, %dma_start3A_466] : memref<10240x16xf32, #tpu.memory_space<vmem_shared>> -> memref<10240x16xf32, #tpu.memory_space<vmem_shared>>
        tpu.enqueue_indirect_dma source(%dma_start3A_461 : memref<125x16xf32, #tpu.memory_space<vmem>>) target(%dma_start3A_467 : memref<10240x16xf32, #tpu.memory_space<vmem_shared>>) offsets(%dma_start3A_464 : memref<125xi32, #tpu.memory_space<vmem>>) semaphore(%run_scoped3A : memref<!tpu.dma_semaphore, #tpu.memory_space<semaphore_mem>>) {add = true}
        %dma_wait3A_468 = arith.constant 375 : i32
        %dma_wait3A_469 = arith.constant 0 : i32
        %dma_wait3A_470 = tpu.memref_slice %arg11[%dma_wait3A_468, %dma_wait3A_469] : memref<2000x16xf32, #tpu.memory_space<vmem>> -> memref<125x16xf32, #tpu.memory_space<vmem>>
        %dma_wait3A_471 = arith.constant 0 : i32
        %dma_wait3A_472 = tpu.memref_slice %arg10[%add3A_410, %dma_wait3A_471] : memref<80x125xi32, #tpu.memory_space<vmem>> -> memref<1x125xi32, #tpu.memory_space<vmem>>
        %dma_wait3A_473 = tpu.memref_squeeze %dma_wait3A_472 : memref<1x125xi32, #tpu.memory_space<vmem>> -> memref<125xi32, #tpu.memory_space<vmem>>
        %dma_wait3A_474 = arith.constant 0 : i32
        %dma_wait3A_475 = arith.constant 0 : i32
        %dma_wait3A_476 = tpu.memref_slice %arg14[%dma_wait3A_474, %dma_wait3A_475] : memref<10240x16xf32, #tpu.memory_space<vmem_shared>> -> memref<10240x16xf32, #tpu.memory_space<vmem_shared>>
        tpu.wait_indirect_dma semaphore(%run_scoped3A : memref<!tpu.dma_semaphore, #tpu.memory_space<semaphore_mem>>) src(%dma_wait3A_470 : memref<125x16xf32, #tpu.memory_space<vmem>>) dst(%dma_wait3A_476 : memref<10240x16xf32, #tpu.memory_space<vmem_shared>>)
        tpu.yield
      }) : () -> ()
      %mul3A_411 = arith.constant 16 : i32
      %mul3A_412 = arith.muli %scan3A_27, %mul3A_411 : i32
      %add3A_413 = arith.constant 4 : i32
      %add3A_414 = arith.addi %mul3A_412, %add3A_413 : i32
      "tpu.region"() ({
        %run_scoped3A = tpu.sem_alloc : memref<!tpu.dma_semaphore, #tpu.memory_space<semaphore_mem>>
        %dma_start3A_459 = arith.constant 500 : i32
        %dma_start3A_460 = arith.constant 0 : i32
        %dma_start3A_461 = tpu.memref_slice %arg11[%dma_start3A_459, %dma_start3A_460] : memref<2000x16xf32, #tpu.memory_space<vmem>> -> memref<125x16xf32, #tpu.memory_space<vmem>>
        %dma_start3A_462 = arith.constant 0 : i32
        %dma_start3A_463 = tpu.memref_slice %arg10[%add3A_414, %dma_start3A_462] : memref<80x125xi32, #tpu.memory_space<vmem>> -> memref<1x125xi32, #tpu.memory_space<vmem>>
        %dma_start3A_464 = tpu.memref_squeeze %dma_start3A_463 : memref<1x125xi32, #tpu.memory_space<vmem>> -> memref<125xi32, #tpu.memory_space<vmem>>
        %dma_start3A_465 = arith.constant 0 : i32
        %dma_start3A_466 = arith.constant 0 : i32
        %dma_start3A_467 = tpu.memref_slice %arg14[%dma_start3A_465, %dma_start3A_466] : memref<10240x16xf32, #tpu.memory_space<vmem_shared>> -> memref<10240x16xf32, #tpu.memory_space<vmem_shared>>
        tpu.enqueue_indirect_dma source(%dma_start3A_461 : memref<125x16xf32, #tpu.memory_space<vmem>>) target(%dma_start3A_467 : memref<10240x16xf32, #tpu.memory_space<vmem_shared>>) offsets(%dma_start3A_464 : memref<125xi32, #tpu.memory_space<vmem>>) semaphore(%run_scoped3A : memref<!tpu.dma_semaphore, #tpu.memory_space<semaphore_mem>>) {add = true}
        %dma_wait3A_468 = arith.constant 500 : i32
        %dma_wait3A_469 = arith.constant 0 : i32
        %dma_wait3A_470 = tpu.memref_slice %arg11[%dma_wait3A_468, %dma_wait3A_469] : memref<2000x16xf32, #tpu.memory_space<vmem>> -> memref<125x16xf32, #tpu.memory_space<vmem>>
        %dma_wait3A_471 = arith.constant 0 : i32
        %dma_wait3A_472 = tpu.memref_slice %arg10[%add3A_414, %dma_wait3A_471] : memref<80x125xi32, #tpu.memory_space<vmem>> -> memref<1x125xi32, #tpu.memory_space<vmem>>
        %dma_wait3A_473 = tpu.memref_squeeze %dma_wait3A_472 : memref<1x125xi32, #tpu.memory_space<vmem>> -> memref<125xi32, #tpu.memory_space<vmem>>
        %dma_wait3A_474 = arith.constant 0 : i32
        %dma_wait3A_475 = arith.constant 0 : i32
        %dma_wait3A_476 = tpu.memref_slice %arg14[%dma_wait3A_474, %dma_wait3A_475] : memref<10240x16xf32, #tpu.memory_space<vmem_shared>> -> memref<10240x16xf32, #tpu.memory_space<vmem_shared>>
        tpu.wait_indirect_dma semaphore(%run_scoped3A : memref<!tpu.dma_semaphore, #tpu.memory_space<semaphore_mem>>) src(%dma_wait3A_470 : memref<125x16xf32, #tpu.memory_space<vmem>>) dst(%dma_wait3A_476 : memref<10240x16xf32, #tpu.memory_space<vmem_shared>>)
        tpu.yield
      }) : () -> ()
      %mul3A_415 = arith.constant 16 : i32
      %mul3A_416 = arith.muli %scan3A_27, %mul3A_415 : i32
      %add3A_417 = arith.constant 5 : i32
      %add3A_418 = arith.addi %mul3A_416, %add3A_417 : i32
      "tpu.region"() ({
        %run_scoped3A = tpu.sem_alloc : memref<!tpu.dma_semaphore, #tpu.memory_space<semaphore_mem>>
        %dma_start3A_459 = arith.constant 625 : i32
        %dma_start3A_460 = arith.constant 0 : i32
        %dma_start3A_461 = tpu.memref_slice %arg11[%dma_start3A_459, %dma_start3A_460] : memref<2000x16xf32, #tpu.memory_space<vmem>> -> memref<125x16xf32, #tpu.memory_space<vmem>>
        %dma_start3A_462 = arith.constant 0 : i32
        %dma_start3A_463 = tpu.memref_slice %arg10[%add3A_418, %dma_start3A_462] : memref<80x125xi32, #tpu.memory_space<vmem>> -> memref<1x125xi32, #tpu.memory_space<vmem>>
        %dma_start3A_464 = tpu.memref_squeeze %dma_start3A_463 : memref<1x125xi32, #tpu.memory_space<vmem>> -> memref<125xi32, #tpu.memory_space<vmem>>
        %dma_start3A_465 = arith.constant 0 : i32
        %dma_start3A_466 = arith.constant 0 : i32
        %dma_start3A_467 = tpu.memref_slice %arg14[%dma_start3A_465, %dma_start3A_466] : memref<10240x16xf32, #tpu.memory_space<vmem_shared>> -> memref<10240x16xf32, #tpu.memory_space<vmem_shared>>
        tpu.enqueue_indirect_dma source(%dma_start3A_461 : memref<125x16xf32, #tpu.memory_space<vmem>>) target(%dma_start3A_467 : memref<10240x16xf32, #tpu.memory_space<vmem_shared>>) offsets(%dma_start3A_464 : memref<125xi32, #tpu.memory_space<vmem>>) semaphore(%run_scoped3A : memref<!tpu.dma_semaphore, #tpu.memory_space<semaphore_mem>>) {add = true}
        %dma_wait3A_468 = arith.constant 625 : i32
        %dma_wait3A_469 = arith.constant 0 : i32
        %dma_wait3A_470 = tpu.memref_slice %arg11[%dma_wait3A_468, %dma_wait3A_469] : memref<2000x16xf32, #tpu.memory_space<vmem>> -> memref<125x16xf32, #tpu.memory_space<vmem>>
        %dma_wait3A_471 = arith.constant 0 : i32
        %dma_wait3A_472 = tpu.memref_slice %arg10[%add3A_418, %dma_wait3A_471] : memref<80x125xi32, #tpu.memory_space<vmem>> -> memref<1x125xi32, #tpu.memory_space<vmem>>
        %dma_wait3A_473 = tpu.memref_squeeze %dma_wait3A_472 : memref<1x125xi32, #tpu.memory_space<vmem>> -> memref<125xi32, #tpu.memory_space<vmem>>
        %dma_wait3A_474 = arith.constant 0 : i32
        %dma_wait3A_475 = arith.constant 0 : i32
        %dma_wait3A_476 = tpu.memref_slice %arg14[%dma_wait3A_474, %dma_wait3A_475] : memref<10240x16xf32, #tpu.memory_space<vmem_shared>> -> memref<10240x16xf32, #tpu.memory_space<vmem_shared>>
        tpu.wait_indirect_dma semaphore(%run_scoped3A : memref<!tpu.dma_semaphore, #tpu.memory_space<semaphore_mem>>) src(%dma_wait3A_470 : memref<125x16xf32, #tpu.memory_space<vmem>>) dst(%dma_wait3A_476 : memref<10240x16xf32, #tpu.memory_space<vmem_shared>>)
        tpu.yield
      }) : () -> ()
      %mul3A_419 = arith.constant 16 : i32
      %mul3A_420 = arith.muli %scan3A_27, %mul3A_419 : i32
      %add3A_421 = arith.constant 6 : i32
      %add3A_422 = arith.addi %mul3A_420, %add3A_421 : i32
      "tpu.region"() ({
        %run_scoped3A = tpu.sem_alloc : memref<!tpu.dma_semaphore, #tpu.memory_space<semaphore_mem>>
        %dma_start3A_459 = arith.constant 750 : i32
        %dma_start3A_460 = arith.constant 0 : i32
        %dma_start3A_461 = tpu.memref_slice %arg11[%dma_start3A_459, %dma_start3A_460] : memref<2000x16xf32, #tpu.memory_space<vmem>> -> memref<125x16xf32, #tpu.memory_space<vmem>>
        %dma_start3A_462 = arith.constant 0 : i32
        %dma_start3A_463 = tpu.memref_slice %arg10[%add3A_422, %dma_start3A_462] : memref<80x125xi32, #tpu.memory_space<vmem>> -> memref<1x125xi32, #tpu.memory_space<vmem>>
        %dma_start3A_464 = tpu.memref_squeeze %dma_start3A_463 : memref<1x125xi32, #tpu.memory_space<vmem>> -> memref<125xi32, #tpu.memory_space<vmem>>
        %dma_start3A_465 = arith.constant 0 : i32
        %dma_start3A_466 = arith.constant 0 : i32
        %dma_start3A_467 = tpu.memref_slice %arg14[%dma_start3A_465, %dma_start3A_466] : memref<10240x16xf32, #tpu.memory_space<vmem_shared>> -> memref<10240x16xf32, #tpu.memory_space<vmem_shared>>
        tpu.enqueue_indirect_dma source(%dma_start3A_461 : memref<125x16xf32, #tpu.memory_space<vmem>>) target(%dma_start3A_467 : memref<10240x16xf32, #tpu.memory_space<vmem_shared>>) offsets(%dma_start3A_464 : memref<125xi32, #tpu.memory_space<vmem>>) semaphore(%run_scoped3A : memref<!tpu.dma_semaphore, #tpu.memory_space<semaphore_mem>>) {add = true}
        %dma_wait3A_468 = arith.constant 750 : i32
        %dma_wait3A_469 = arith.constant 0 : i32
        %dma_wait3A_470 = tpu.memref_slice %arg11[%dma_wait3A_468, %dma_wait3A_469] : memref<2000x16xf32, #tpu.memory_space<vmem>> -> memref<125x16xf32, #tpu.memory_space<vmem>>
        %dma_wait3A_471 = arith.constant 0 : i32
        %dma_wait3A_472 = tpu.memref_slice %arg10[%add3A_422, %dma_wait3A_471] : memref<80x125xi32, #tpu.memory_space<vmem>> -> memref<1x125xi32, #tpu.memory_space<vmem>>
        %dma_wait3A_473 = tpu.memref_squeeze %dma_wait3A_472 : memref<1x125xi32, #tpu.memory_space<vmem>> -> memref<125xi32, #tpu.memory_space<vmem>>
        %dma_wait3A_474 = arith.constant 0 : i32
        %dma_wait3A_475 = arith.constant 0 : i32
        %dma_wait3A_476 = tpu.memref_slice %arg14[%dma_wait3A_474, %dma_wait3A_475] : memref<10240x16xf32, #tpu.memory_space<vmem_shared>> -> memref<10240x16xf32, #tpu.memory_space<vmem_shared>>
        tpu.wait_indirect_dma semaphore(%run_scoped3A : memref<!tpu.dma_semaphore, #tpu.memory_space<semaphore_mem>>) src(%dma_wait3A_470 : memref<125x16xf32, #tpu.memory_space<vmem>>) dst(%dma_wait3A_476 : memref<10240x16xf32, #tpu.memory_space<vmem_shared>>)
        tpu.yield
      }) : () -> ()
      %mul3A_423 = arith.constant 16 : i32
      %mul3A_424 = arith.muli %scan3A_27, %mul3A_423 : i32
      %add3A_425 = arith.constant 7 : i32
      %add3A_426 = arith.addi %mul3A_424, %add3A_425 : i32
      "tpu.region"() ({
        %run_scoped3A = tpu.sem_alloc : memref<!tpu.dma_semaphore, #tpu.memory_space<semaphore_mem>>
        %dma_start3A_459 = arith.constant 875 : i32
        %dma_start3A_460 = arith.constant 0 : i32
        %dma_start3A_461 = tpu.memref_slice %arg11[%dma_start3A_459, %dma_start3A_460] : memref<2000x16xf32, #tpu.memory_space<vmem>> -> memref<125x16xf32, #tpu.memory_space<vmem>>
        %dma_start3A_462 = arith.constant 0 : i32
        %dma_start3A_463 = tpu.memref_slice %arg10[%add3A_426, %dma_start3A_462] : memref<80x125xi32, #tpu.memory_space<vmem>> -> memref<1x125xi32, #tpu.memory_space<vmem>>
        %dma_start3A_464 = tpu.memref_squeeze %dma_start3A_463 : memref<1x125xi32, #tpu.memory_space<vmem>> -> memref<125xi32, #tpu.memory_space<vmem>>
        %dma_start3A_465 = arith.constant 0 : i32
        %dma_start3A_466 = arith.constant 0 : i32
        %dma_start3A_467 = tpu.memref_slice %arg14[%dma_start3A_465, %dma_start3A_466] : memref<10240x16xf32, #tpu.memory_space<vmem_shared>> -> memref<10240x16xf32, #tpu.memory_space<vmem_shared>>
        tpu.enqueue_indirect_dma source(%dma_start3A_461 : memref<125x16xf32, #tpu.memory_space<vmem>>) target(%dma_start3A_467 : memref<10240x16xf32, #tpu.memory_space<vmem_shared>>) offsets(%dma_start3A_464 : memref<125xi32, #tpu.memory_space<vmem>>) semaphore(%run_scoped3A : memref<!tpu.dma_semaphore, #tpu.memory_space<semaphore_mem>>) {add = true}
        %dma_wait3A_468 = arith.constant 875 : i32
        %dma_wait3A_469 = arith.constant 0 : i32
        %dma_wait3A_470 = tpu.memref_slice %arg11[%dma_wait3A_468, %dma_wait3A_469] : memref<2000x16xf32, #tpu.memory_space<vmem>> -> memref<125x16xf32, #tpu.memory_space<vmem>>
        %dma_wait3A_471 = arith.constant 0 : i32
        %dma_wait3A_472 = tpu.memref_slice %arg10[%add3A_426, %dma_wait3A_471] : memref<80x125xi32, #tpu.memory_space<vmem>> -> memref<1x125xi32, #tpu.memory_space<vmem>>
        %dma_wait3A_473 = tpu.memref_squeeze %dma_wait3A_472 : memref<1x125xi32, #tpu.memory_space<vmem>> -> memref<125xi32, #tpu.memory_space<vmem>>
        %dma_wait3A_474 = arith.constant 0 : i32
        %dma_wait3A_475 = arith.constant 0 : i32
        %dma_wait3A_476 = tpu.memref_slice %arg14[%dma_wait3A_474, %dma_wait3A_475] : memref<10240x16xf32, #tpu.memory_space<vmem_shared>> -> memref<10240x16xf32, #tpu.memory_space<vmem_shared>>
        tpu.wait_indirect_dma semaphore(%run_scoped3A : memref<!tpu.dma_semaphore, #tpu.memory_space<semaphore_mem>>) src(%dma_wait3A_470 : memref<125x16xf32, #tpu.memory_space<vmem>>) dst(%dma_wait3A_476 : memref<10240x16xf32, #tpu.memory_space<vmem_shared>>)
        tpu.yield
      }) : () -> ()
      %mul3A_427 = arith.constant 16 : i32
      %mul3A_428 = arith.muli %scan3A_27, %mul3A_427 : i32
      %add3A_429 = arith.constant 8 : i32
      %add3A_430 = arith.addi %mul3A_428, %add3A_429 : i32
      "tpu.region"() ({
        %run_scoped3A = tpu.sem_alloc : memref<!tpu.dma_semaphore, #tpu.memory_space<semaphore_mem>>
        %dma_start3A_459 = arith.constant 1000 : i32
        %dma_start3A_460 = arith.constant 0 : i32
        %dma_start3A_461 = tpu.memref_slice %arg11[%dma_start3A_459, %dma_start3A_460] : memref<2000x16xf32, #tpu.memory_space<vmem>> -> memref<125x16xf32, #tpu.memory_space<vmem>>
        %dma_start3A_462 = arith.constant 0 : i32
        %dma_start3A_463 = tpu.memref_slice %arg10[%add3A_430, %dma_start3A_462] : memref<80x125xi32, #tpu.memory_space<vmem>> -> memref<1x125xi32, #tpu.memory_space<vmem>>
        %dma_start3A_464 = tpu.memref_squeeze %dma_start3A_463 : memref<1x125xi32, #tpu.memory_space<vmem>> -> memref<125xi32, #tpu.memory_space<vmem>>
        %dma_start3A_465 = arith.constant 0 : i32
        %dma_start3A_466 = arith.constant 0 : i32
        %dma_start3A_467 = tpu.memref_slice %arg14[%dma_start3A_465, %dma_start3A_466] : memref<10240x16xf32, #tpu.memory_space<vmem_shared>> -> memref<10240x16xf32, #tpu.memory_space<vmem_shared>>
        tpu.enqueue_indirect_dma source(%dma_start3A_461 : memref<125x16xf32, #tpu.memory_space<vmem>>) target(%dma_start3A_467 : memref<10240x16xf32, #tpu.memory_space<vmem_shared>>) offsets(%dma_start3A_464 : memref<125xi32, #tpu.memory_space<vmem>>) semaphore(%run_scoped3A : memref<!tpu.dma_semaphore, #tpu.memory_space<semaphore_mem>>) {add = true}
        %dma_wait3A_468 = arith.constant 1000 : i32
        %dma_wait3A_469 = arith.constant 0 : i32
        %dma_wait3A_470 = tpu.memref_slice %arg11[%dma_wait3A_468, %dma_wait3A_469] : memref<2000x16xf32, #tpu.memory_space<vmem>> -> memref<125x16xf32, #tpu.memory_space<vmem>>
        %dma_wait3A_471 = arith.constant 0 : i32
        %dma_wait3A_472 = tpu.memref_slice %arg10[%add3A_430, %dma_wait3A_471] : memref<80x125xi32, #tpu.memory_space<vmem>> -> memref<1x125xi32, #tpu.memory_space<vmem>>
        %dma_wait3A_473 = tpu.memref_squeeze %dma_wait3A_472 : memref<1x125xi32, #tpu.memory_space<vmem>> -> memref<125xi32, #tpu.memory_space<vmem>>
        %dma_wait3A_474 = arith.constant 0 : i32
        %dma_wait3A_475 = arith.constant 0 : i32
        %dma_wait3A_476 = tpu.memref_slice %arg14[%dma_wait3A_474, %dma_wait3A_475] : memref<10240x16xf32, #tpu.memory_space<vmem_shared>> -> memref<10240x16xf32, #tpu.memory_space<vmem_shared>>
        tpu.wait_indirect_dma semaphore(%run_scoped3A : memref<!tpu.dma_semaphore, #tpu.memory_space<semaphore_mem>>) src(%dma_wait3A_470 : memref<125x16xf32, #tpu.memory_space<vmem>>) dst(%dma_wait3A_476 : memref<10240x16xf32, #tpu.memory_space<vmem_shared>>)
        tpu.yield
      }) : () -> ()
      %mul3A_431 = arith.constant 16 : i32
      %mul3A_432 = arith.muli %scan3A_27, %mul3A_431 : i32
      %add3A_433 = arith.constant 9 : i32
      %add3A_434 = arith.addi %mul3A_432, %add3A_433 : i32
      "tpu.region"() ({
        %run_scoped3A = tpu.sem_alloc : memref<!tpu.dma_semaphore, #tpu.memory_space<semaphore_mem>>
        %dma_start3A_459 = arith.constant 1125 : i32
        %dma_start3A_460 = arith.constant 0 : i32
        %dma_start3A_461 = tpu.memref_slice %arg11[%dma_start3A_459, %dma_start3A_460] : memref<2000x16xf32, #tpu.memory_space<vmem>> -> memref<125x16xf32, #tpu.memory_space<vmem>>
        %dma_start3A_462 = arith.constant 0 : i32
        %dma_start3A_463 = tpu.memref_slice %arg10[%add3A_434, %dma_start3A_462] : memref<80x125xi32, #tpu.memory_space<vmem>> -> memref<1x125xi32, #tpu.memory_space<vmem>>
        %dma_start3A_464 = tpu.memref_squeeze %dma_start3A_463 : memref<1x125xi32, #tpu.memory_space<vmem>> -> memref<125xi32, #tpu.memory_space<vmem>>
        %dma_start3A_465 = arith.constant 0 : i32
        %dma_start3A_466 = arith.constant 0 : i32
        %dma_start3A_467 = tpu.memref_slice %arg14[%dma_start3A_465, %dma_start3A_466] : memref<10240x16xf32, #tpu.memory_space<vmem_shared>> -> memref<10240x16xf32, #tpu.memory_space<vmem_shared>>
        tpu.enqueue_indirect_dma source(%dma_start3A_461 : memref<125x16xf32, #tpu.memory_space<vmem>>) target(%dma_start3A_467 : memref<10240x16xf32, #tpu.memory_space<vmem_shared>>) offsets(%dma_start3A_464 : memref<125xi32, #tpu.memory_space<vmem>>) semaphore(%run_scoped3A : memref<!tpu.dma_semaphore, #tpu.memory_space<semaphore_mem>>) {add = true}
        %dma_wait3A_468 = arith.constant 1125 : i32
        %dma_wait3A_469 = arith.constant 0 : i32
        %dma_wait3A_470 = tpu.memref_slice %arg11[%dma_wait3A_468, %dma_wait3A_469] : memref<2000x16xf32, #tpu.memory_space<vmem>> -> memref<125x16xf32, #tpu.memory_space<vmem>>
        %dma_wait3A_471 = arith.constant 0 : i32
        %dma_wait3A_472 = tpu.memref_slice %arg10[%add3A_434, %dma_wait3A_471] : memref<80x125xi32, #tpu.memory_space<vmem>> -> memref<1x125xi32, #tpu.memory_space<vmem>>
        %dma_wait3A_473 = tpu.memref_squeeze %dma_wait3A_472 : memref<1x125xi32, #tpu.memory_space<vmem>> -> memref<125xi32, #tpu.memory_space<vmem>>
        %dma_wait3A_474 = arith.constant 0 : i32
        %dma_wait3A_475 = arith.constant 0 : i32
        %dma_wait3A_476 = tpu.memref_slice %arg14[%dma_wait3A_474, %dma_wait3A_475] : memref<10240x16xf32, #tpu.memory_space<vmem_shared>> -> memref<10240x16xf32, #tpu.memory_space<vmem_shared>>
        tpu.wait_indirect_dma semaphore(%run_scoped3A : memref<!tpu.dma_semaphore, #tpu.memory_space<semaphore_mem>>) src(%dma_wait3A_470 : memref<125x16xf32, #tpu.memory_space<vmem>>) dst(%dma_wait3A_476 : memref<10240x16xf32, #tpu.memory_space<vmem_shared>>)
        tpu.yield
      }) : () -> ()
      %mul3A_435 = arith.constant 16 : i32
      %mul3A_436 = arith.muli %scan3A_27, %mul3A_435 : i32
      %add3A_437 = arith.constant 10 : i32
      %add3A_438 = arith.addi %mul3A_436, %add3A_437 : i32
      "tpu.region"() ({
        %run_scoped3A = tpu.sem_alloc : memref<!tpu.dma_semaphore, #tpu.memory_space<semaphore_mem>>
        %dma_start3A_459 = arith.constant 1250 : i32
        %dma_start3A_460 = arith.constant 0 : i32
        %dma_start3A_461 = tpu.memref_slice %arg11[%dma_start3A_459, %dma_start3A_460] : memref<2000x16xf32, #tpu.memory_space<vmem>> -> memref<125x16xf32, #tpu.memory_space<vmem>>
        %dma_start3A_462 = arith.constant 0 : i32
        %dma_start3A_463 = tpu.memref_slice %arg10[%add3A_438, %dma_start3A_462] : memref<80x125xi32, #tpu.memory_space<vmem>> -> memref<1x125xi32, #tpu.memory_space<vmem>>
        %dma_start3A_464 = tpu.memref_squeeze %dma_start3A_463 : memref<1x125xi32, #tpu.memory_space<vmem>> -> memref<125xi32, #tpu.memory_space<vmem>>
        %dma_start3A_465 = arith.constant 0 : i32
        %dma_start3A_466 = arith.constant 0 : i32
        %dma_start3A_467 = tpu.memref_slice %arg14[%dma_start3A_465, %dma_start3A_466] : memref<10240x16xf32, #tpu.memory_space<vmem_shared>> -> memref<10240x16xf32, #tpu.memory_space<vmem_shared>>
        tpu.enqueue_indirect_dma source(%dma_start3A_461 : memref<125x16xf32, #tpu.memory_space<vmem>>) target(%dma_start3A_467 : memref<10240x16xf32, #tpu.memory_space<vmem_shared>>) offsets(%dma_start3A_464 : memref<125xi32, #tpu.memory_space<vmem>>) semaphore(%run_scoped3A : memref<!tpu.dma_semaphore, #tpu.memory_space<semaphore_mem>>) {add = true}
        %dma_wait3A_468 = arith.constant 1250 : i32
        %dma_wait3A_469 = arith.constant 0 : i32
        %dma_wait3A_470 = tpu.memref_slice %arg11[%dma_wait3A_468, %dma_wait3A_469] : memref<2000x16xf32, #tpu.memory_space<vmem>> -> memref<125x16xf32, #tpu.memory_space<vmem>>
        %dma_wait3A_471 = arith.constant 0 : i32
        %dma_wait3A_472 = tpu.memref_slice %arg10[%add3A_438, %dma_wait3A_471] : memref<80x125xi32, #tpu.memory_space<vmem>> -> memref<1x125xi32, #tpu.memory_space<vmem>>
        %dma_wait3A_473 = tpu.memref_squeeze %dma_wait3A_472 : memref<1x125xi32, #tpu.memory_space<vmem>> -> memref<125xi32, #tpu.memory_space<vmem>>
        %dma_wait3A_474 = arith.constant 0 : i32
        %dma_wait3A_475 = arith.constant 0 : i32
        %dma_wait3A_476 = tpu.memref_slice %arg14[%dma_wait3A_474, %dma_wait3A_475] : memref<10240x16xf32, #tpu.memory_space<vmem_shared>> -> memref<10240x16xf32, #tpu.memory_space<vmem_shared>>
        tpu.wait_indirect_dma semaphore(%run_scoped3A : memref<!tpu.dma_semaphore, #tpu.memory_space<semaphore_mem>>) src(%dma_wait3A_470 : memref<125x16xf32, #tpu.memory_space<vmem>>) dst(%dma_wait3A_476 : memref<10240x16xf32, #tpu.memory_space<vmem_shared>>)
        tpu.yield
      }) : () -> ()
      %mul3A_439 = arith.constant 16 : i32
      %mul3A_440 = arith.muli %scan3A_27, %mul3A_439 : i32
      %add3A_441 = arith.constant 11 : i32
      %add3A_442 = arith.addi %mul3A_440, %add3A_441 : i32
      "tpu.region"() ({
        %run_scoped3A = tpu.sem_alloc : memref<!tpu.dma_semaphore, #tpu.memory_space<semaphore_mem>>
        %dma_start3A_459 = arith.constant 1375 : i32
        %dma_start3A_460 = arith.constant 0 : i32
        %dma_start3A_461 = tpu.memref_slice %arg11[%dma_start3A_459, %dma_start3A_460] : memref<2000x16xf32, #tpu.memory_space<vmem>> -> memref<125x16xf32, #tpu.memory_space<vmem>>
        %dma_start3A_462 = arith.constant 0 : i32
        %dma_start3A_463 = tpu.memref_slice %arg10[%add3A_442, %dma_start3A_462] : memref<80x125xi32, #tpu.memory_space<vmem>> -> memref<1x125xi32, #tpu.memory_space<vmem>>
        %dma_start3A_464 = tpu.memref_squeeze %dma_start3A_463 : memref<1x125xi32, #tpu.memory_space<vmem>> -> memref<125xi32, #tpu.memory_space<vmem>>
        %dma_start3A_465 = arith.constant 0 : i32
        %dma_start3A_466 = arith.constant 0 : i32
        %dma_start3A_467 = tpu.memref_slice %arg14[%dma_start3A_465, %dma_start3A_466] : memref<10240x16xf32, #tpu.memory_space<vmem_shared>> -> memref<10240x16xf32, #tpu.memory_space<vmem_shared>>
        tpu.enqueue_indirect_dma source(%dma_start3A_461 : memref<125x16xf32, #tpu.memory_space<vmem>>) target(%dma_start3A_467 : memref<10240x16xf32, #tpu.memory_space<vmem_shared>>) offsets(%dma_start3A_464 : memref<125xi32, #tpu.memory_space<vmem>>) semaphore(%run_scoped3A : memref<!tpu.dma_semaphore, #tpu.memory_space<semaphore_mem>>) {add = true}
        %dma_wait3A_468 = arith.constant 1375 : i32
        %dma_wait3A_469 = arith.constant 0 : i32
        %dma_wait3A_470 = tpu.memref_slice %arg11[%dma_wait3A_468, %dma_wait3A_469] : memref<2000x16xf32, #tpu.memory_space<vmem>> -> memref<125x16xf32, #tpu.memory_space<vmem>>
        %dma_wait3A_471 = arith.constant 0 : i32
        %dma_wait3A_472 = tpu.memref_slice %arg10[%add3A_442, %dma_wait3A_471] : memref<80x125xi32, #tpu.memory_space<vmem>> -> memref<1x125xi32, #tpu.memory_space<vmem>>
        %dma_wait3A_473 = tpu.memref_squeeze %dma_wait3A_472 : memref<1x125xi32, #tpu.memory_space<vmem>> -> memref<125xi32, #tpu.memory_space<vmem>>
        %dma_wait3A_474 = arith.constant 0 : i32
        %dma_wait3A_475 = arith.constant 0 : i32
        %dma_wait3A_476 = tpu.memref_slice %arg14[%dma_wait3A_474, %dma_wait3A_475] : memref<10240x16xf32, #tpu.memory_space<vmem_shared>> -> memref<10240x16xf32, #tpu.memory_space<vmem_shared>>
        tpu.wait_indirect_dma semaphore(%run_scoped3A : memref<!tpu.dma_semaphore, #tpu.memory_space<semaphore_mem>>) src(%dma_wait3A_470 : memref<125x16xf32, #tpu.memory_space<vmem>>) dst(%dma_wait3A_476 : memref<10240x16xf32, #tpu.memory_space<vmem_shared>>)
        tpu.yield
      }) : () -> ()
      %mul3A_443 = arith.constant 16 : i32
      %mul3A_444 = arith.muli %scan3A_27, %mul3A_443 : i32
      %add3A_445 = arith.constant 12 : i32
      %add3A_446 = arith.addi %mul3A_444, %add3A_445 : i32
      "tpu.region"() ({
        %run_scoped3A = tpu.sem_alloc : memref<!tpu.dma_semaphore, #tpu.memory_space<semaphore_mem>>
        %dma_start3A_459 = arith.constant 1500 : i32
        %dma_start3A_460 = arith.constant 0 : i32
        %dma_start3A_461 = tpu.memref_slice %arg11[%dma_start3A_459, %dma_start3A_460] : memref<2000x16xf32, #tpu.memory_space<vmem>> -> memref<125x16xf32, #tpu.memory_space<vmem>>
        %dma_start3A_462 = arith.constant 0 : i32
        %dma_start3A_463 = tpu.memref_slice %arg10[%add3A_446, %dma_start3A_462] : memref<80x125xi32, #tpu.memory_space<vmem>> -> memref<1x125xi32, #tpu.memory_space<vmem>>
        %dma_start3A_464 = tpu.memref_squeeze %dma_start3A_463 : memref<1x125xi32, #tpu.memory_space<vmem>> -> memref<125xi32, #tpu.memory_space<vmem>>
        %dma_start3A_465 = arith.constant 0 : i32
        %dma_start3A_466 = arith.constant 0 : i32
        %dma_start3A_467 = tpu.memref_slice %arg14[%dma_start3A_465, %dma_start3A_466] : memref<10240x16xf32, #tpu.memory_space<vmem_shared>> -> memref<10240x16xf32, #tpu.memory_space<vmem_shared>>
        tpu.enqueue_indirect_dma source(%dma_start3A_461 : memref<125x16xf32, #tpu.memory_space<vmem>>) target(%dma_start3A_467 : memref<10240x16xf32, #tpu.memory_space<vmem_shared>>) offsets(%dma_start3A_464 : memref<125xi32, #tpu.memory_space<vmem>>) semaphore(%run_scoped3A : memref<!tpu.dma_semaphore, #tpu.memory_space<semaphore_mem>>) {add = true}
        %dma_wait3A_468 = arith.constant 1500 : i32
        %dma_wait3A_469 = arith.constant 0 : i32
        %dma_wait3A_470 = tpu.memref_slice %arg11[%dma_wait3A_468, %dma_wait3A_469] : memref<2000x16xf32, #tpu.memory_space<vmem>> -> memref<125x16xf32, #tpu.memory_space<vmem>>
        %dma_wait3A_471 = arith.constant 0 : i32
        %dma_wait3A_472 = tpu.memref_slice %arg10[%add3A_446, %dma_wait3A_471] : memref<80x125xi32, #tpu.memory_space<vmem>> -> memref<1x125xi32, #tpu.memory_space<vmem>>
        %dma_wait3A_473 = tpu.memref_squeeze %dma_wait3A_472 : memref<1x125xi32, #tpu.memory_space<vmem>> -> memref<125xi32, #tpu.memory_space<vmem>>
        %dma_wait3A_474 = arith.constant 0 : i32
        %dma_wait3A_475 = arith.constant 0 : i32
        %dma_wait3A_476 = tpu.memref_slice %arg14[%dma_wait3A_474, %dma_wait3A_475] : memref<10240x16xf32, #tpu.memory_space<vmem_shared>> -> memref<10240x16xf32, #tpu.memory_space<vmem_shared>>
        tpu.wait_indirect_dma semaphore(%run_scoped3A : memref<!tpu.dma_semaphore, #tpu.memory_space<semaphore_mem>>) src(%dma_wait3A_470 : memref<125x16xf32, #tpu.memory_space<vmem>>) dst(%dma_wait3A_476 : memref<10240x16xf32, #tpu.memory_space<vmem_shared>>)
        tpu.yield
      }) : () -> ()
      %mul3A_447 = arith.constant 16 : i32
      %mul3A_448 = arith.muli %scan3A_27, %mul3A_447 : i32
      %add3A_449 = arith.constant 13 : i32
      %add3A_450 = arith.addi %mul3A_448, %add3A_449 : i32
      "tpu.region"() ({
        %run_scoped3A = tpu.sem_alloc : memref<!tpu.dma_semaphore, #tpu.memory_space<semaphore_mem>>
        %dma_start3A_459 = arith.constant 1625 : i32
        %dma_start3A_460 = arith.constant 0 : i32
        %dma_start3A_461 = tpu.memref_slice %arg11[%dma_start3A_459, %dma_start3A_460] : memref<2000x16xf32, #tpu.memory_space<vmem>> -> memref<125x16xf32, #tpu.memory_space<vmem>>
        %dma_start3A_462 = arith.constant 0 : i32
        %dma_start3A_463 = tpu.memref_slice %arg10[%add3A_450, %dma_start3A_462] : memref<80x125xi32, #tpu.memory_space<vmem>> -> memref<1x125xi32, #tpu.memory_space<vmem>>
        %dma_start3A_464 = tpu.memref_squeeze %dma_start3A_463 : memref<1x125xi32, #tpu.memory_space<vmem>> -> memref<125xi32, #tpu.memory_space<vmem>>
        %dma_start3A_465 = arith.constant 0 : i32
        %dma_start3A_466 = arith.constant 0 : i32
        %dma_start3A_467 = tpu.memref_slice %arg14[%dma_start3A_465, %dma_start3A_466] : memref<10240x16xf32, #tpu.memory_space<vmem_shared>> -> memref<10240x16xf32, #tpu.memory_space<vmem_shared>>
        tpu.enqueue_indirect_dma source(%dma_start3A_461 : memref<125x16xf32, #tpu.memory_space<vmem>>) target(%dma_start3A_467 : memref<10240x16xf32, #tpu.memory_space<vmem_shared>>) offsets(%dma_start3A_464 : memref<125xi32, #tpu.memory_space<vmem>>) semaphore(%run_scoped3A : memref<!tpu.dma_semaphore, #tpu.memory_space<semaphore_mem>>) {add = true}
        %dma_wait3A_468 = arith.constant 1625 : i32
        %dma_wait3A_469 = arith.constant 0 : i32
        %dma_wait3A_470 = tpu.memref_slice %arg11[%dma_wait3A_468, %dma_wait3A_469] : memref<2000x16xf32, #tpu.memory_space<vmem>> -> memref<125x16xf32, #tpu.memory_space<vmem>>
        %dma_wait3A_471 = arith.constant 0 : i32
        %dma_wait3A_472 = tpu.memref_slice %arg10[%add3A_450, %dma_wait3A_471] : memref<80x125xi32, #tpu.memory_space<vmem>> -> memref<1x125xi32, #tpu.memory_space<vmem>>
        %dma_wait3A_473 = tpu.memref_squeeze %dma_wait3A_472 : memref<1x125xi32, #tpu.memory_space<vmem>> -> memref<125xi32, #tpu.memory_space<vmem>>
        %dma_wait3A_474 = arith.constant 0 : i32
        %dma_wait3A_475 = arith.constant 0 : i32
        %dma_wait3A_476 = tpu.memref_slice %arg14[%dma_wait3A_474, %dma_wait3A_475] : memref<10240x16xf32, #tpu.memory_space<vmem_shared>> -> memref<10240x16xf32, #tpu.memory_space<vmem_shared>>
        tpu.wait_indirect_dma semaphore(%run_scoped3A : memref<!tpu.dma_semaphore, #tpu.memory_space<semaphore_mem>>) src(%dma_wait3A_470 : memref<125x16xf32, #tpu.memory_space<vmem>>) dst(%dma_wait3A_476 : memref<10240x16xf32, #tpu.memory_space<vmem_shared>>)
        tpu.yield
      }) : () -> ()
      %mul3A_451 = arith.constant 16 : i32
      %mul3A_452 = arith.muli %scan3A_27, %mul3A_451 : i32
      %add3A_453 = arith.constant 14 : i32
      %add3A_454 = arith.addi %mul3A_452, %add3A_453 : i32
      "tpu.region"() ({
        %run_scoped3A = tpu.sem_alloc : memref<!tpu.dma_semaphore, #tpu.memory_space<semaphore_mem>>
        %dma_start3A_459 = arith.constant 1750 : i32
        %dma_start3A_460 = arith.constant 0 : i32
        %dma_start3A_461 = tpu.memref_slice %arg11[%dma_start3A_459, %dma_start3A_460] : memref<2000x16xf32, #tpu.memory_space<vmem>> -> memref<125x16xf32, #tpu.memory_space<vmem>>
        %dma_start3A_462 = arith.constant 0 : i32
        %dma_start3A_463 = tpu.memref_slice %arg10[%add3A_454, %dma_start3A_462] : memref<80x125xi32, #tpu.memory_space<vmem>> -> memref<1x125xi32, #tpu.memory_space<vmem>>
        %dma_start3A_464 = tpu.memref_squeeze %dma_start3A_463 : memref<1x125xi32, #tpu.memory_space<vmem>> -> memref<125xi32, #tpu.memory_space<vmem>>
        %dma_start3A_465 = arith.constant 0 : i32
        %dma_start3A_466 = arith.constant 0 : i32
        %dma_start3A_467 = tpu.memref_slice %arg14[%dma_start3A_465, %dma_start3A_466] : memref<10240x16xf32, #tpu.memory_space<vmem_shared>> -> memref<10240x16xf32, #tpu.memory_space<vmem_shared>>
        tpu.enqueue_indirect_dma source(%dma_start3A_461 : memref<125x16xf32, #tpu.memory_space<vmem>>) target(%dma_start3A_467 : memref<10240x16xf32, #tpu.memory_space<vmem_shared>>) offsets(%dma_start3A_464 : memref<125xi32, #tpu.memory_space<vmem>>) semaphore(%run_scoped3A : memref<!tpu.dma_semaphore, #tpu.memory_space<semaphore_mem>>) {add = true}
        %dma_wait3A_468 = arith.constant 1750 : i32
        %dma_wait3A_469 = arith.constant 0 : i32
        %dma_wait3A_470 = tpu.memref_slice %arg11[%dma_wait3A_468, %dma_wait3A_469] : memref<2000x16xf32, #tpu.memory_space<vmem>> -> memref<125x16xf32, #tpu.memory_space<vmem>>
        %dma_wait3A_471 = arith.constant 0 : i32
        %dma_wait3A_472 = tpu.memref_slice %arg10[%add3A_454, %dma_wait3A_471] : memref<80x125xi32, #tpu.memory_space<vmem>> -> memref<1x125xi32, #tpu.memory_space<vmem>>
        %dma_wait3A_473 = tpu.memref_squeeze %dma_wait3A_472 : memref<1x125xi32, #tpu.memory_space<vmem>> -> memref<125xi32, #tpu.memory_space<vmem>>
        %dma_wait3A_474 = arith.constant 0 : i32
        %dma_wait3A_475 = arith.constant 0 : i32
        %dma_wait3A_476 = tpu.memref_slice %arg14[%dma_wait3A_474, %dma_wait3A_475] : memref<10240x16xf32, #tpu.memory_space<vmem_shared>> -> memref<10240x16xf32, #tpu.memory_space<vmem_shared>>
        tpu.wait_indirect_dma semaphore(%run_scoped3A : memref<!tpu.dma_semaphore, #tpu.memory_space<semaphore_mem>>) src(%dma_wait3A_470 : memref<125x16xf32, #tpu.memory_space<vmem>>) dst(%dma_wait3A_476 : memref<10240x16xf32, #tpu.memory_space<vmem_shared>>)
        tpu.yield
      }) : () -> ()
      %mul3A_455 = arith.constant 16 : i32
      %mul3A_456 = arith.muli %scan3A_27, %mul3A_455 : i32
      %add3A_457 = arith.constant 15 : i32
      %add3A_458 = arith.addi %mul3A_456, %add3A_457 : i32
      "tpu.region"() ({
        %run_scoped3A = tpu.sem_alloc : memref<!tpu.dma_semaphore, #tpu.memory_space<semaphore_mem>>
        %dma_start3A_459 = arith.constant 1875 : i32
        %dma_start3A_460 = arith.constant 0 : i32
        %dma_start3A_461 = tpu.memref_slice %arg11[%dma_start3A_459, %dma_start3A_460] : memref<2000x16xf32, #tpu.memory_space<vmem>> -> memref<125x16xf32, #tpu.memory_space<vmem>>
        %dma_start3A_462 = arith.constant 0 : i32
        %dma_start3A_463 = tpu.memref_slice %arg10[%add3A_458, %dma_start3A_462] : memref<80x125xi32, #tpu.memory_space<vmem>> -> memref<1x125xi32, #tpu.memory_space<vmem>>
        %dma_start3A_464 = tpu.memref_squeeze %dma_start3A_463 : memref<1x125xi32, #tpu.memory_space<vmem>> -> memref<125xi32, #tpu.memory_space<vmem>>
        %dma_start3A_465 = arith.constant 0 : i32
        %dma_start3A_466 = arith.constant 0 : i32
        %dma_start3A_467 = tpu.memref_slice %arg14[%dma_start3A_465, %dma_start3A_466] : memref<10240x16xf32, #tpu.memory_space<vmem_shared>> -> memref<10240x16xf32, #tpu.memory_space<vmem_shared>>
        tpu.enqueue_indirect_dma source(%dma_start3A_461 : memref<125x16xf32, #tpu.memory_space<vmem>>) target(%dma_start3A_467 : memref<10240x16xf32, #tpu.memory_space<vmem_shared>>) offsets(%dma_start3A_464 : memref<125xi32, #tpu.memory_space<vmem>>) semaphore(%run_scoped3A : memref<!tpu.dma_semaphore, #tpu.memory_space<semaphore_mem>>) {add = true}
        %dma_wait3A_468 = arith.constant 1875 : i32
        %dma_wait3A_469 = arith.constant 0 : i32
        %dma_wait3A_470 = tpu.memref_slice %arg11[%dma_wait3A_468, %dma_wait3A_469] : memref<2000x16xf32, #tpu.memory_space<vmem>> -> memref<125x16xf32, #tpu.memory_space<vmem>>
        %dma_wait3A_471 = arith.constant 0 : i32
        %dma_wait3A_472 = tpu.memref_slice %arg10[%add3A_458, %dma_wait3A_471] : memref<80x125xi32, #tpu.memory_space<vmem>> -> memref<1x125xi32, #tpu.memory_space<vmem>>
        %dma_wait3A_473 = tpu.memref_squeeze %dma_wait3A_472 : memref<1x125xi32, #tpu.memory_space<vmem>> -> memref<125xi32, #tpu.memory_space<vmem>>
        %dma_wait3A_474 = arith.constant 0 : i32
        %dma_wait3A_475 = arith.constant 0 : i32
        %dma_wait3A_476 = tpu.memref_slice %arg14[%dma_wait3A_474, %dma_wait3A_475] : memref<10240x16xf32, #tpu.memory_space<vmem_shared>> -> memref<10240x16xf32, #tpu.memory_space<vmem_shared>>
        tpu.wait_indirect_dma semaphore(%run_scoped3A : memref<!tpu.dma_semaphore, #tpu.memory_space<semaphore_mem>>) src(%dma_wait3A_470 : memref<125x16xf32, #tpu.memory_space<vmem>>) dst(%dma_wait3A_476 : memref<10240x16xf32, #tpu.memory_space<vmem_shared>>)
        tpu.yield
      }) : () -> ()
    }
    %scan3A_18 = arith.constant 5 : i32
    %barrier3A_19 = arith.constant 0 : index
    tpu.barrier barrier_id(%barrier3A_19)
    %mul3A_20 = arith.constant 640 : i32
    %mul3A_21 = arith.muli %arg1, %mul3A_20 : i32
    %mul3A_22 = arith.constant 10240 : i32
    %mul3A_23 = arith.muli %arg0, %mul3A_22 : i32
    %mul3A_24 = arith.constant 640 : i32
    %mul3A_25 = arith.muli %arg1, %mul3A_24 : i32
    %add3A_26 = arith.addi %mul3A_23, %mul3A_25 : i32
    "tpu.region"() ({
      %run_scoped3A = tpu.sem_alloc : memref<!tpu.dma_semaphore, #tpu.memory_space<semaphore_mem>>
      %dma_start3A = arith.constant 0 : i32
      %dma_start3A_27 = tpu.memref_slice %arg8[%add3A_26, %dma_start3A] : memref<20480x16xf32, #tpu.memory_space<hbm>> -> memref<640x16xf32, #tpu.memory_space<hbm>>
      %dma_start3A_28 = arith.constant 0 : i32
      %dma_start3A_29 = tpu.memref_slice %arg14[%mul3A_21, %dma_start3A_28] : memref<10240x16xf32, #tpu.memory_space<vmem_shared>> -> memref<640x16xf32, #tpu.memory_space<vmem_shared>>
      tpu.enqueue_dma source(%dma_start3A_29 : memref<640x16xf32, #tpu.memory_space<vmem_shared>>) target(%dma_start3A_27 : memref<640x16xf32, #tpu.memory_space<hbm>>) target_semaphore(%run_scoped3A : memref<!tpu.dma_semaphore, #tpu.memory_space<semaphore_mem>>)
      %dma_wait3A = arith.constant 0 : i32
      %dma_wait3A_30 = tpu.memref_slice %arg8[%add3A_26, %dma_wait3A] : memref<20480x16xf32, #tpu.memory_space<hbm>> -> memref<640x16xf32, #tpu.memory_space<hbm>>
      %dma_wait3A_31 = arith.constant 0 : i32
      %dma_wait3A_32 = tpu.memref_slice %arg14[%mul3A_21, %dma_wait3A_31] : memref<10240x16xf32, #tpu.memory_space<vmem_shared>> -> memref<640x16xf32, #tpu.memory_space<vmem_shared>>
      tpu.wait_dma2 semaphore(%run_scoped3A : memref<!tpu.dma_semaphore, #tpu.memory_space<semaphore_mem>>) src(%dma_wait3A_32 : memref<640x16xf32, #tpu.memory_space<vmem_shared>>) dst(%dma_wait3A_30 : memref<640x16xf32, #tpu.memory_space<hbm>>)
      tpu.yield
    }) : () -> ()
    return
  }
}

module attributes {stable_mosaic.version = 14 : i64} {
  func.func @_edge_lin_body(%arg0: i32, %arg1: memref<2000x128xf32, #tpu.memory_space<vmem>>, %arg2: memref<128x128xf32, #tpu.memory_space<vmem>>, %arg3: memref<2000x128xf32, #tpu.memory_space<vmem>>, %arg4: memref<2000x128xf32, #tpu.memory_space<vmem>>, %arg5: memref<128x128xf32, #tpu.memory_space<vmem>>, %arg6: memref<8x128xf32, #tpu.memory_space<vmem>>) attributes {dimension_semantics = [#tpu.dimension_semantics<arbitrary>], iteration_bounds = array<i64: 20>, scalar_prefetch = 0 : i64, scratch_operands = 0 : i64, tpu.core_type = #tpu.core_type<tc>, window_params = [{transform_indices = @transform_0, window_bounds = array<i64: 2000, 128>}, {pipeline_mode = #tpu.pipeline_mode<synchronous>, transform_indices = @transform_1, window_bounds = array<i64: 128, 128>}, {transform_indices = @transform_2, window_bounds = array<i64: 2000, 128>}, {transform_indices = @transform_3, window_bounds = array<i64: 2000, 128>}, {pipeline_mode = #tpu.pipeline_mode<synchronous>, transform_indices = @transform_4, window_bounds = array<i64: 128, 128>}, {pipeline_mode = #tpu.pipeline_mode<synchronous>, transform_indices = @transform_5, window_bounds = array<i64: 8, 128>}]} {
    %get3A = arith.constant 0 : index
    %get3A_0 = arith.constant 0 : index
    %get3A_1 = vector.load %arg1[%get3A, %get3A_0] : memref<2000x128xf32, #tpu.memory_space<vmem>>, vector<2000x128xf32>
    %get3A_2 = arith.constant 0 : index
    %get3A_3 = arith.constant 0 : index
    %get3A_4 = vector.load %arg2[%get3A_2, %get3A_3] : memref<128x128xf32, #tpu.memory_space<vmem>>, vector<128x128xf32>
    %dot_general3A = arith.constant dense<0.000000e+00> : vector<2000x128xf32>
    %dot_general3A_5 = tpu.matmul %get3A_1, %get3A_4, %dot_general3A {dimension_numbers = #tpu.dot_dimension_numbers<[1], [0], [0], [1], [0, 0, 1, 1], [], []>, precision = #tpu.contract_precision<fp32>, transpose_lhs_hint = false} : vector<2000x128xf32>, vector<128x128xf32>, vector<2000x128xf32> -> vector<2000x128xf32>
    %swap3A = arith.constant 0 : index
    %swap3A_6 = arith.constant 0 : index
    %swap3A_7 = vector.load %arg3[%swap3A, %swap3A_6] : memref<2000x128xf32, #tpu.memory_space<vmem>>, vector<2000x128xf32>
    tpu.vector_store %arg3[%swap3A, %swap3A_6], %dot_general3A_5 {strides = array<i32>} : memref<2000x128xf32, #tpu.memory_space<vmem>>, vector<2000x128xf32>,
    %swap3A_8 = arith.constant 0 : index
    %swap3A_9 = arith.constant 0 : index
    %swap3A_10 = vector.load %arg4[%swap3A_8, %swap3A_9] : memref<2000x128xf32, #tpu.memory_space<vmem>>, vector<2000x128xf32>
    tpu.vector_store %arg4[%swap3A_8, %swap3A_9], %get3A_1 {strides = array<i32>} : memref<2000x128xf32, #tpu.memory_space<vmem>>, vector<2000x128xf32>,
    %dot_general3A_11 = arith.constant dense<0.000000e+00> : vector<128x128xf32>
    %dot_general3A_12 = tpu.matmul %get3A_1, %get3A_1, %dot_general3A_11 {dimension_numbers = #tpu.dot_dimension_numbers<[0], [0], [1], [1], [0, 1, 1, 1], [], []>, precision = #tpu.contract_precision<fp32>, transpose_lhs_hint = false} : vector<2000x128xf32>, vector<2000x128xf32>, vector<128x128xf32> -> vector<128x128xf32>
    %reduce_sum3A = arith.constant dense<0.000000e+00> : vector<128xf32>
    %reduce_sum3A_13 = vector.multi_reduction <add>, %get3A_1, %reduce_sum3A [0] : vector<2000x128xf32> to vector<128xf32>
    %broadcast_in_dim3A = vector.shape_cast %reduce_sum3A_13 : vector<128xf32> to vector<1x128xf32>
    %broadcast_in_dim3A_14 = arith.constant 0.000000e+00 : f32
    %broadcast_in_dim3A_15 = vector.broadcast %broadcast_in_dim3A_14 : f32 to vector<7x128xf32>
    %concatenate3A = tpu.concatenate %broadcast_in_dim3A, %broadcast_in_dim3A_15 in 0 : vector<1x128xf32>, vector<7x128xf32> -> vector<8x128xf32>
    %eq3A = arith.constant 0 : i32
    %eq3A_16 = arith.cmpi eq, %arg0, %eq3A : i32
    %convert_element_type3A = arith.extui %eq3A_16 : i1 to i32
    %cond3A = arith.constant 0 : i32
    %cond3A_17 = arith.cmpi ne, %convert_element_type3A, %cond3A : i32
    scf.if %cond3A_17 {
      %broadcast_in_dim3A_31 = arith.constant 0.000000e+00 : f32
      %broadcast_in_dim3A_32 = vector.broadcast %broadcast_in_dim3A_31 : f32 to vector<128x128xf32>
      %swap3A_33 = arith.constant 0 : index
      %swap3A_34 = arith.constant 0 : index
      %swap3A_35 = vector.load %arg5[%swap3A_33, %swap3A_34] : memref<128x128xf32, #tpu.memory_space<vmem>>, vector<128x128xf32>
      tpu.vector_store %arg5[%swap3A_33, %swap3A_34], %broadcast_in_dim3A_32 {strides = array<i32>} : memref<128x128xf32, #tpu.memory_space<vmem>>, vector<128x128xf32>,
      %broadcast_in_dim3A_36 = arith.constant 0.000000e+00 : f32
      %broadcast_in_dim3A_37 = vector.broadcast %broadcast_in_dim3A_36 : f32 to vector<8x128xf32>
      %swap3A_38 = arith.constant 0 : index
      %swap3A_39 = arith.constant 0 : index
      %swap3A_40 = vector.load %arg6[%swap3A_38, %swap3A_39] : memref<8x128xf32, #tpu.memory_space<vmem>>, vector<8x128xf32>
      tpu.vector_store %arg6[%swap3A_38, %swap3A_39], %broadcast_in_dim3A_37 {strides = array<i32>} : memref<8x128xf32, #tpu.memory_space<vmem>>, vector<8x128xf32>,
    } else {
    }
    %get3A_18 = arith.constant 0 : index
    %get3A_19 = arith.constant 0 : index
    %get3A_20 = vector.load %arg5[%get3A_18, %get3A_19] : memref<128x128xf32, #tpu.memory_space<vmem>>, vector<128x128xf32>
    %add3A = arith.addf %get3A_20, %dot_general3A_12 : vector<128x128xf32>
    %swap3A_21 = arith.constant 0 : index
    %swap3A_22 = arith.constant 0 : index
    %swap3A_23 = vector.load %arg5[%swap3A_21, %swap3A_22] : memref<128x128xf32, #tpu.memory_space<vmem>>, vector<128x128xf32>
    tpu.vector_store %arg5[%swap3A_21, %swap3A_22], %add3A {strides = array<i32>} : memref<128x128xf32, #tpu.memory_space<vmem>>, vector<128x128xf32>,
    %get3A_24 = arith.constant 0 : index
    %get3A_25 = arith.constant 0 : index
    %get3A_26 = vector.load %arg6[%get3A_24, %get3A_25] : memref<8x128xf32, #tpu.memory_space<vmem>>, vector<8x128xf32>
    %add3A_27 = arith.addf %get3A_26, %concatenate3A : vector<8x128xf32>
    %swap3A_28 = arith.constant 0 : index
    %swap3A_29 = arith.constant 0 : index
    %swap3A_30 = vector.load %arg6[%swap3A_28, %swap3A_29] : memref<8x128xf32, #tpu.memory_space<vmem>>, vector<8x128xf32>
    tpu.vector_store %arg6[%swap3A_28, %swap3A_29], %add3A_27 {strides = array<i32>} : memref<8x128xf32, #tpu.memory_space<vmem>>, vector<8x128xf32>,
    return
  }
  func.func @transform_0(%arg0: i32) -> (i32, i32) {
    %c0_i32 = arith.constant 0 : i32
    %c0_i32_0 = arith.constant 0 : i32
    return %arg0, %c0_i32 : i32, i32
  }
  func.func @transform_1(%arg0: i32) -> (i32, i32) {
    %c0_i32 = arith.constant 0 : i32
    %c0_i32_0 = arith.constant 0 : i32
    %c0_i32_1 = arith.constant 0 : i32
    return %c0_i32, %c0_i32_0 : i32, i32
  }
  func.func @transform_2(%arg0: i32) -> (i32, i32) {
    %c0_i32 = arith.constant 0 : i32
    %c0_i32_0 = arith.constant 0 : i32
    return %arg0, %c0_i32 : i32, i32
  }
  func.func @transform_3(%arg0: i32) -> (i32, i32) {
    %c0_i32 = arith.constant 0 : i32
    %c0_i32_0 = arith.constant 0 : i32
    return %arg0, %c0_i32 : i32, i32
  }
  func.func @transform_4(%arg0: i32) -> (i32, i32) {
    %c0_i32 = arith.constant 0 : i32
    %c0_i32_0 = arith.constant 0 : i32
    %c0_i32_1 = arith.constant 0 : i32
    return %c0_i32, %c0_i32_0 : i32, i32
  }
  func.func @transform_5(%arg0: i32) -> (i32, i32) {
    %c0_i32 = arith.constant 0 : i32
    %c0_i32_0 = arith.constant 0 : i32
    %c0_i32_1 = arith.constant 0 : i32
    return %c0_i32, %c0_i32_0 : i32, i32
  }
}

module attributes {stable_mosaic.version = 14 : i64} {
  func.func @_pq_body(%arg0: memref<10000x128xf32, #tpu.memory_space<vmem>>, %arg1: memref<128x16xf32, #tpu.memory_space<vmem>>, %arg2: memref<128x16xf32, #tpu.memory_space<vmem>>, %arg3: memref<10240x16xf32, #tpu.memory_space<vmem>>, %arg4: memref<10000x16xf32, #tpu.memory_space<vmem>>) attributes {dimension_semantics = [], scalar_prefetch = 0 : i64, scratch_operands = 0 : i64, tpu.core_type = #tpu.core_type<tc>} {
    %get3A = arith.constant 0 : index
    %get3A_0 = arith.constant 0 : index
    %get3A_1 = vector.load %arg0[%get3A, %get3A_0] : memref<10000x128xf32, #tpu.memory_space<vmem>>, vector<10000x128xf32>
    %get3A_2 = arith.constant 0 : index
    %get3A_3 = arith.constant 0 : index
    %get3A_4 = vector.load %arg1[%get3A_2, %get3A_3] : memref<128x16xf32, #tpu.memory_space<vmem>>, vector<128x16xf32>
    %dot_general3A = arith.constant dense<0.000000e+00> : vector<10000x16xf32>
    %dot_general3A_5 = tpu.matmul %get3A_1, %get3A_4, %dot_general3A {dimension_numbers = #tpu.dot_dimension_numbers<[1], [0], [0], [1], [0, 0, 1, 1], [], []>, precision = #tpu.contract_precision<fp32>, transpose_lhs_hint = false} : vector<10000x128xf32>, vector<128x16xf32>, vector<10000x16xf32> -> vector<10000x16xf32>
    %broadcast_in_dim3A = arith.constant 0.000000e+00 : f32
    %broadcast_in_dim3A_6 = vector.broadcast %broadcast_in_dim3A : f32 to vector<240x16xf32>
    %concatenate3A = tpu.concatenate %dot_general3A_5, %broadcast_in_dim3A_6 in 0 : vector<10000x16xf32>, vector<240x16xf32> -> vector<10240x16xf32>
    %swap3A = arith.constant 0 : index
    %swap3A_7 = arith.constant 0 : index
    %swap3A_8 = vector.load %arg3[%swap3A, %swap3A_7] : memref<10240x16xf32, #tpu.memory_space<vmem>>, vector<10240x16xf32>
    tpu.vector_store %arg3[%swap3A, %swap3A_7], %concatenate3A {strides = array<i32>} : memref<10240x16xf32, #tpu.memory_space<vmem>>, vector<10240x16xf32>,
    %get3A_9 = arith.constant 0 : index
    %get3A_10 = arith.constant 0 : index
    %get3A_11 = vector.load %arg2[%get3A_9, %get3A_10] : memref<128x16xf32, #tpu.memory_space<vmem>>, vector<128x16xf32>
    %dot_general3A_12 = arith.constant dense<0.000000e+00> : vector<10000x16xf32>
    %dot_general3A_13 = tpu.matmul %get3A_1, %get3A_11, %dot_general3A_12 {dimension_numbers = #tpu.dot_dimension_numbers<[1], [0], [0], [1], [0, 0, 1, 1], [], []>, precision = #tpu.contract_precision<fp32>, transpose_lhs_hint = false} : vector<10000x128xf32>, vector<128x16xf32>, vector<10000x16xf32> -> vector<10000x16xf32>
    %swap3A_14 = arith.constant 0 : index
    %swap3A_15 = arith.constant 0 : index
    %swap3A_16 = vector.load %arg4[%swap3A_14, %swap3A_15] : memref<10000x16xf32, #tpu.memory_space<vmem>>, vector<10000x16xf32>
    tpu.vector_store %arg4[%swap3A_14, %swap3A_15], %dot_general3A_13 {strides = array<i32>} : memref<10000x16xf32, #tpu.memory_space<vmem>>, vector<10000x16xf32>,
    return
  }
}

module attributes {stable_mosaic.version = 14 : i64} {
  func.func @_stats_body(%arg0: memref<128x128xf32, #tpu.memory_space<vmem>>, %arg1: memref<8x128xf32, #tpu.memory_space<vmem>>, %arg2: memref<16x16xf32, #tpu.memory_space<vmem>>, %arg3: memref<128x128xf32, #tpu.memory_space<vmem>>, %arg4: memref<128x128xf32, #tpu.memory_space<vmem>>, %arg5: memref<2560x128xf32, #tpu.memory_space<vmem>>, %arg6: memref<2560x128xf32, #tpu.memory_space<vmem>>, %arg7: memref<1280x128xf32, #tpu.memory_space<vmem>>, %arg8: memref<1x16xf32, #tpu.memory_space<vmem>>, %arg9: memref<1x16xf32, #tpu.memory_space<vmem>>, %arg10: memref<2x16xf32, #tpu.memory_space<vmem>>) attributes {dimension_semantics = [], scalar_prefetch = 0 : i64, scratch_operands = 0 : i64, tpu.core_type = #tpu.core_type<tc>} {
    %get3A = arith.constant 0 : index
    %get3A_0 = arith.constant 0 : index
    %get3A_1 = vector.load %arg2[%get3A, %get3A_0] : memref<16x16xf32, #tpu.memory_space<vmem>>, vector<16x16xf32>
    %get3A_2 = arith.constant 0 : index
    %get3A_3 = arith.constant 0 : index
    %get3A_4 = vector.load %arg1[%get3A_2, %get3A_3] : memref<8x128xf32, #tpu.memory_space<vmem>>, vector<8x128xf32>
    %slice3A = vector.extract_strided_slice %get3A_4 {offsets = [0, 0], sizes = [1, 128], strides = [1, 1]} : vector<8x128xf32> to vector<1x128xf32>
    %slice3A_5 = vector.extract_strided_slice %slice3A {offsets = [0, 0], sizes = [1, 16], strides = [1, 1]} : vector<1x128xf32> to vector<1x16xf32>
    %add3A = arith.constant 0.000000e+00 : f32
    %add3A_6 = vector.broadcast %add3A : f32 to vector<1x16xf32>
    %add3A_7 = arith.addf %add3A_6, %slice3A_5 : vector<1x16xf32>
    %slice3A_8 = vector.extract_strided_slice %slice3A {offsets = [0, 16], sizes = [1, 16], strides = [1, 1]} : vector<1x128xf32> to vector<1x16xf32>
    %add3A_9 = arith.addf %add3A_7, %slice3A_8 : vector<1x16xf32>
    %slice3A_10 = vector.extract_strided_slice %slice3A {offsets = [0, 32], sizes = [1, 16], strides = [1, 1]} : vector<1x128xf32> to vector<1x16xf32>
    %add3A_11 = arith.addf %add3A_9, %slice3A_10 : vector<1x16xf32>
    %slice3A_12 = vector.extract_strided_slice %slice3A {offsets = [0, 48], sizes = [1, 16], strides = [1, 1]} : vector<1x128xf32> to vector<1x16xf32>
    %add3A_13 = arith.addf %add3A_11, %slice3A_12 : vector<1x16xf32>
    %slice3A_14 = vector.extract_strided_slice %slice3A {offsets = [0, 64], sizes = [1, 16], strides = [1, 1]} : vector<1x128xf32> to vector<1x16xf32>
    %add3A_15 = arith.addf %add3A_13, %slice3A_14 : vector<1x16xf32>
    %slice3A_16 = vector.extract_strided_slice %slice3A {offsets = [0, 80], sizes = [1, 16], strides = [1, 1]} : vector<1x128xf32> to vector<1x16xf32>
    %add3A_17 = arith.addf %add3A_15, %slice3A_16 : vector<1x16xf32>
    %slice3A_18 = vector.extract_strided_slice %slice3A {offsets = [0, 96], sizes = [1, 16], strides = [1, 1]} : vector<1x128xf32> to vector<1x16xf32>
    %add3A_19 = arith.addf %add3A_17, %slice3A_18 : vector<1x16xf32>
    %slice3A_20 = vector.extract_strided_slice %slice3A {offsets = [0, 112], sizes = [1, 16], strides = [1, 1]} : vector<1x128xf32> to vector<1x16xf32>
    %add3A_21 = arith.addf %add3A_19, %slice3A_20 : vector<1x16xf32>
    %dot_general3A = arith.constant dense<0.000000e+00> : vector<1x16xf32>
    %dot_general3A_22 = tpu.matmul %add3A_21, %get3A_1, %dot_general3A {dimension_numbers = #tpu.dot_dimension_numbers<[1], [0], [0], [1], [0, 0, 1, 1], [], []>, precision = #tpu.contract_precision<fp32>, transpose_lhs_hint = false} : vector<1x16xf32>, vector<16x16xf32>, vector<1x16xf32> -> vector<1x16xf32>
    %get3A_23 = arith.constant 0 : index
    %get3A_24 = arith.constant 0 : index
    %get3A_25 = vector.load %arg0[%get3A_23, %get3A_24] : memref<128x128xf32, #tpu.memory_space<vmem>>, vector<16x16xf32>
    %add3A_26 = arith.constant 0.000000e+00 : f32
    %add3A_27 = vector.broadcast %add3A_26 : f32 to vector<16x16xf32>
    %add3A_28 = arith.addf %add3A_27, %get3A_25 : vector<16x16xf32>
    %get3A_29 = arith.constant 16 : index
    %get3A_30 = arith.constant 16 : index
    %get3A_31 = vector.load %arg0[%get3A_29, %get3A_30] : memref<128x128xf32, #tpu.memory_space<vmem>>, vector<16x16xf32>
    %add3A_32 = arith.addf %add3A_28, %get3A_31 : vector<16x16xf32>
    %get3A_33 = arith.constant 32 : index
    %get3A_34 = arith.constant 32 : index
    %get3A_35 = vector.load %arg0[%get3A_33, %get3A_34] : memref<128x128xf32, #tpu.memory_space<vmem>>, vector<16x16xf32>
    %add3A_36 = arith.addf %add3A_32, %get3A_35 : vector<16x16xf32>
    %get3A_37 = arith.constant 48 : index
    %get3A_38 = arith.constant 48 : index
    %get3A_39 = vector.load %arg0[%get3A_37, %get3A_38] : memref<128x128xf32, #tpu.memory_space<vmem>>, vector<16x16xf32>
    %add3A_40 = arith.addf %add3A_36, %get3A_39 : vector<16x16xf32>
    %get3A_41 = arith.constant 64 : index
    %get3A_42 = arith.constant 64 : index
    %get3A_43 = vector.load %arg0[%get3A_41, %get3A_42] : memref<128x128xf32, #tpu.memory_space<vmem>>, vector<16x16xf32>
    %add3A_44 = arith.addf %add3A_40, %get3A_43 : vector<16x16xf32>
    %get3A_45 = arith.constant 80 : index
    %get3A_46 = arith.constant 80 : index
    %get3A_47 = vector.load %arg0[%get3A_45, %get3A_46] : memref<128x128xf32, #tpu.memory_space<vmem>>, vector<16x16xf32>
    %add3A_48 = arith.addf %add3A_44, %get3A_47 : vector<16x16xf32>
    %get3A_49 = arith.constant 96 : index
    %get3A_50 = arith.constant 96 : index
    %get3A_51 = vector.load %arg0[%get3A_49, %get3A_50] : memref<128x128xf32, #tpu.memory_space<vmem>>, vector<16x16xf32>
    %add3A_52 = arith.addf %add3A_48, %get3A_51 : vector<16x16xf32>
    %get3A_53 = arith.constant 112 : index
    %get3A_54 = arith.constant 112 : index
    %get3A_55 = vector.load %arg0[%get3A_53, %get3A_54] : memref<128x128xf32, #tpu.memory_space<vmem>>, vector<16x16xf32>
    %add3A_56 = arith.addf %add3A_52, %get3A_55 : vector<16x16xf32>
    %dot_general3A_57 = arith.constant dense<0.000000e+00> : vector<16x16xf32>
    %dot_general3A_58 = tpu.matmul %get3A_1, %add3A_56, %dot_general3A_57 {dimension_numbers = #tpu.dot_dimension_numbers<[0], [0], [1], [1], [0, 1, 1, 1], [], []>, precision = #tpu.contract_precision<fp32>, transpose_lhs_hint = false} : vector<16x16xf32>, vector<16x16xf32>, vector<16x16xf32> -> vector<16x16xf32>
    %dot_general3A_59 = arith.constant dense<0.000000e+00> : vector<16x16xf32>
    %dot_general3A_60 = tpu.matmul %dot_general3A_58, %get3A_1, %dot_general3A_59 {dimension_numbers = #tpu.dot_dimension_numbers<[1], [0], [0], [1], [0, 0, 1, 1], [], []>, precision = #tpu.contract_precision<fp32>, transpose_lhs_hint = false} : vector<16x16xf32>, vector<16x16xf32>, vector<16x16xf32> -> vector<16x16xf32>
    %iota3A = tpu.iota {dimensions = array<i32: 0>} : vector<16x16xi32>
    %iota3A_61 = tpu.iota {dimensions = array<i32: 1>} : vector<16x16xi32>
    %add3A_62 = arith.constant 0 : i32
    %add3A_63 = vector.broadcast %add3A_62 : i32 to vector<16x16xi32>
    %add3A_64 = arith.addi %iota3A, %add3A_63 : vector<16x16xi32>
    %eq3A = arith.cmpi eq, %add3A_64, %iota3A_61 : vector<16x16xi32>
    %convert_element_type3A = arith.extui %eq3A : vector<16x16xi1> to vector<16x16xi32>
    %convert_element_type3A_65 = arith.sitofp %convert_element_type3A : vector<16x16xi32> to vector<16x16xf32>
    %mul3A = arith.mulf %dot_general3A_60, %convert_element_type3A_65 : vector<16x16xf32>
    %reduce_sum3A = arith.constant dense<0.000000e+00> : vector<16xf32>
    %reduce_sum3A_66 = vector.multi_reduction <add>, %mul3A, %reduce_sum3A [0] : vector<16x16xf32> to vector<16xf32>
    %broadcast_in_dim3A = vector.shape_cast %reduce_sum3A_66 : vector<16xf32> to vector<1x16xf32>
    %get3A_67 = arith.constant 0 : index
    %get3A_68 = arith.constant 0 : index
    %get3A_69 = vector.load %arg5[%get3A_67, %get3A_68] : memref<2560x128xf32, #tpu.memory_space<vmem>>, vector<1280x128xf32>
    %get3A_70 = arith.constant 1280 : index
    %get3A_71 = arith.constant 0 : index
    %get3A_72 = vector.load %arg5[%get3A_70, %get3A_71] : memref<2560x128xf32, #tpu.memory_space<vmem>>, vector<1280x128xf32>
    %add3A_73 = arith.addf %get3A_69, %get3A_72 : vector<1280x128xf32>
    %get3A_74 = arith.constant 0 : index
    %get3A_75 = arith.constant 0 : index
    %get3A_76 = vector.load %arg3[%get3A_74, %get3A_75] : memref<128x128xf32, #tpu.memory_space<vmem>>, vector<128x128xf32>
    %dot_general3A_77 = arith.constant dense<0.000000e+00> : vector<1280x128xf32>
    %dot_general3A_78 = tpu.matmul %add3A_73, %get3A_76, %dot_general3A_77 {dimension_numbers = #tpu.dot_dimension_numbers<[1], [0], [0], [1], [0, 0, 1, 1], [], []>, precision = #tpu.contract_precision<fp32>, transpose_lhs_hint = false} : vector<1280x128xf32>, vector<128x128xf32>, vector<1280x128xf32> -> vector<1280x128xf32>
    %get3A_79 = arith.constant 0 : index
    %get3A_80 = arith.constant 0 : index
    %get3A_81 = vector.load %arg6[%get3A_79, %get3A_80] : memref<2560x128xf32, #tpu.memory_space<vmem>>, vector<1280x128xf32>
    %get3A_82 = arith.constant 1280 : index
    %get3A_83 = arith.constant 0 : index
    %get3A_84 = vector.load %arg6[%get3A_82, %get3A_83] : memref<2560x128xf32, #tpu.memory_space<vmem>>, vector<1280x128xf32>
    %add3A_85 = arith.addf %get3A_81, %get3A_84 : vector<1280x128xf32>
    %get3A_86 = arith.constant 0 : index
    %get3A_87 = arith.constant 0 : index
    %get3A_88 = vector.load %arg4[%get3A_86, %get3A_87] : memref<128x128xf32, #tpu.memory_space<vmem>>, vector<128x128xf32>
    %dot_general3A_89 = arith.constant dense<0.000000e+00> : vector<1280x128xf32>
    %dot_general3A_90 = tpu.matmul %add3A_85, %get3A_88, %dot_general3A_89 {dimension_numbers = #tpu.dot_dimension_numbers<[1], [0], [0], [1], [0, 0, 1, 1], [], []>, precision = #tpu.contract_precision<fp32>, transpose_lhs_hint = false} : vector<1280x128xf32>, vector<128x128xf32>, vector<1280x128xf32> -> vector<1280x128xf32>
    %get3A_91 = arith.constant 0 : index
    %get3A_92 = arith.constant 0 : index
    %get3A_93 = vector.load %arg7[%get3A_91, %get3A_92] : memref<1280x128xf32, #tpu.memory_space<vmem>>, vector<1280x128xf32>
    %mul3A_94 = arith.mulf %dot_general3A_90, %get3A_93 : vector<1280x128xf32>
    %reduce_sum3A_95 = arith.constant dense<0.000000e+00> : vector<128xf32>
    %reduce_sum3A_96 = vector.multi_reduction <add>, %mul3A_94, %reduce_sum3A_95 [0] : vector<1280x128xf32> to vector<128xf32>
    %broadcast_in_dim3A_97 = vector.shape_cast %reduce_sum3A_96 : vector<128xf32> to vector<1x128xf32>
    %slice3A_98 = vector.extract_strided_slice %broadcast_in_dim3A_97 {offsets = [0, 0], sizes = [1, 16], strides = [1, 1]} : vector<1x128xf32> to vector<1x16xf32>
    %add3A_99 = arith.constant 0.000000e+00 : f32
    %add3A_100 = vector.broadcast %add3A_99 : f32 to vector<1x16xf32>
    %add3A_101 = arith.addf %add3A_100, %slice3A_98 : vector<1x16xf32>
    %slice3A_102 = vector.extract_strided_slice %broadcast_in_dim3A_97 {offsets = [0, 16], sizes = [1, 16], strides = [1, 1]} : vector<1x128xf32> to vector<1x16xf32>
    %add3A_103 = arith.addf %add3A_101, %slice3A_102 : vector<1x16xf32>
    %slice3A_104 = vector.extract_strided_slice %broadcast_in_dim3A_97 {offsets = [0, 32], sizes = [1, 16], strides = [1, 1]} : vector<1x128xf32> to vector<1x16xf32>
    %add3A_105 = arith.addf %add3A_103, %slice3A_104 : vector<1x16xf32>
    %slice3A_106 = vector.extract_strided_slice %broadcast_in_dim3A_97 {offsets = [0, 48], sizes = [1, 16], strides = [1, 1]} : vector<1x128xf32> to vector<1x16xf32>
    %add3A_107 = arith.addf %add3A_105, %slice3A_106 : vector<1x16xf32>
    %slice3A_108 = vector.extract_strided_slice %broadcast_in_dim3A_97 {offsets = [0, 64], sizes = [1, 16], strides = [1, 1]} : vector<1x128xf32> to vector<1x16xf32>
    %add3A_109 = arith.addf %add3A_107, %slice3A_108 : vector<1x16xf32>
    %slice3A_110 = vector.extract_strided_slice %broadcast_in_dim3A_97 {offsets = [0, 80], sizes = [1, 16], strides = [1, 1]} : vector<1x128xf32> to vector<1x16xf32>
    %add3A_111 = arith.addf %add3A_109, %slice3A_110 : vector<1x16xf32>
    %slice3A_112 = vector.extract_strided_slice %broadcast_in_dim3A_97 {offsets = [0, 96], sizes = [1, 16], strides = [1, 1]} : vector<1x128xf32> to vector<1x16xf32>
    %add3A_113 = arith.addf %add3A_111, %slice3A_112 : vector<1x16xf32>
    %slice3A_114 = vector.extract_strided_slice %broadcast_in_dim3A_97 {offsets = [0, 112], sizes = [1, 16], strides = [1, 1]} : vector<1x128xf32> to vector<1x16xf32>
    %add3A_115 = arith.addf %add3A_113, %slice3A_114 : vector<1x16xf32>
    %add3A_116 = arith.addf %dot_general3A_22, %add3A_115 : vector<1x16xf32>
    %mul3A_117 = arith.mulf %dot_general3A_90, %get3A_93 : vector<1280x128xf32>
    %mul3A_118 = arith.mulf %mul3A_117, %get3A_93 : vector<1280x128xf32>
    %reduce_sum3A_119 = arith.constant dense<0.000000e+00> : vector<128xf32>
    %reduce_sum3A_120 = vector.multi_reduction <add>, %mul3A_118, %reduce_sum3A_119 [0] : vector<1280x128xf32> to vector<128xf32>
    %broadcast_in_dim3A_121 = vector.shape_cast %reduce_sum3A_120 : vector<128xf32> to vector<1x128xf32>
    %slice3A_122 = vector.extract_strided_slice %broadcast_in_dim3A_121 {offsets = [0, 0], sizes = [1, 16], strides = [1, 1]} : vector<1x128xf32> to vector<1x16xf32>
    %add3A_123 = arith.constant 0.000000e+00 : f32
    %add3A_124 = vector.broadcast %add3A_123 : f32 to vector<1x16xf32>
    %add3A_125 = arith.addf %add3A_124, %slice3A_122 : vector<1x16xf32>
    %slice3A_126 = vector.extract_strided_slice %broadcast_in_dim3A_121 {offsets = [0, 16], sizes = [1, 16], strides = [1, 1]} : vector<1x128xf32> to vector<1x16xf32>
    %add3A_127 = arith.addf %add3A_125, %slice3A_126 : vector<1x16xf32>
    %slice3A_128 = vector.extract_strided_slice %broadcast_in_dim3A_121 {offsets = [0, 32], sizes = [1, 16], strides = [1, 1]} : vector<1x128xf32> to vector<1x16xf32>
    %add3A_129 = arith.addf %add3A_127, %slice3A_128 : vector<1x16xf32>
    %slice3A_130 = vector.extract_strided_slice %broadcast_in_dim3A_121 {offsets = [0, 48], sizes = [1, 16], strides = [1, 1]} : vector<1x128xf32> to vector<1x16xf32>
    %add3A_131 = arith.addf %add3A_129, %slice3A_130 : vector<1x16xf32>
    %slice3A_132 = vector.extract_strided_slice %broadcast_in_dim3A_121 {offsets = [0, 64], sizes = [1, 16], strides = [1, 1]} : vector<1x128xf32> to vector<1x16xf32>
    %add3A_133 = arith.addf %add3A_131, %slice3A_132 : vector<1x16xf32>
    %slice3A_134 = vector.extract_strided_slice %broadcast_in_dim3A_121 {offsets = [0, 80], sizes = [1, 16], strides = [1, 1]} : vector<1x128xf32> to vector<1x16xf32>
    %add3A_135 = arith.addf %add3A_133, %slice3A_134 : vector<1x16xf32>
    %slice3A_136 = vector.extract_strided_slice %broadcast_in_dim3A_121 {offsets = [0, 96], sizes = [1, 16], strides = [1, 1]} : vector<1x128xf32> to vector<1x16xf32>
    %add3A_137 = arith.addf %add3A_135, %slice3A_136 : vector<1x16xf32>
    %slice3A_138 = vector.extract_strided_slice %broadcast_in_dim3A_121 {offsets = [0, 112], sizes = [1, 16], strides = [1, 1]} : vector<1x128xf32> to vector<1x16xf32>
    %add3A_139 = arith.addf %add3A_137, %slice3A_138 : vector<1x16xf32>
    %add3A_140 = arith.addf %broadcast_in_dim3A, %add3A_139 : vector<1x16xf32>
    %mul3A_141 = arith.mulf %get3A_93, %dot_general3A_78 : vector<1280x128xf32>
    %reduce_sum3A_142 = arith.constant dense<0.000000e+00> : vector<128xf32>
    %reduce_sum3A_143 = vector.multi_reduction <add>, %mul3A_141, %reduce_sum3A_142 [0] : vector<1280x128xf32> to vector<128xf32>
    %broadcast_in_dim3A_144 = vector.shape_cast %reduce_sum3A_143 : vector<128xf32> to vector<1x128xf32>
    %slice3A_145 = vector.extract_strided_slice %broadcast_in_dim3A_144 {offsets = [0, 0], sizes = [1, 16], strides = [1, 1]} : vector<1x128xf32> to vector<1x16xf32>
    %add3A_146 = arith.constant 0.000000e+00 : f32
    %add3A_147 = vector.broadcast %add3A_146 : f32 to vector<1x16xf32>
    %add3A_148 = arith.addf %add3A_147, %slice3A_145 : vector<1x16xf32>
    %slice3A_149 = vector.extract_strided_slice %broadcast_in_dim3A_144 {offsets = [0, 16], sizes = [1, 16], strides = [1, 1]} : vector<1x128xf32> to vector<1x16xf32>
    %add3A_150 = arith.addf %add3A_148, %slice3A_149 : vector<1x16xf32>
    %slice3A_151 = vector.extract_strided_slice %broadcast_in_dim3A_144 {offsets = [0, 32], sizes = [1, 16], strides = [1, 1]} : vector<1x128xf32> to vector<1x16xf32>
    %add3A_152 = arith.addf %add3A_150, %slice3A_151 : vector<1x16xf32>
    %slice3A_153 = vector.extract_strided_slice %broadcast_in_dim3A_144 {offsets = [0, 48], sizes = [1, 16], strides = [1, 1]} : vector<1x128xf32> to vector<1x16xf32>
    %add3A_154 = arith.addf %add3A_152, %slice3A_153 : vector<1x16xf32>
    %slice3A_155 = vector.extract_strided_slice %broadcast_in_dim3A_144 {offsets = [0, 64], sizes = [1, 16], strides = [1, 1]} : vector<1x128xf32> to vector<1x16xf32>
    %add3A_156 = arith.addf %add3A_154, %slice3A_155 : vector<1x16xf32>
    %slice3A_157 = vector.extract_strided_slice %broadcast_in_dim3A_144 {offsets = [0, 80], sizes = [1, 16], strides = [1, 1]} : vector<1x128xf32> to vector<1x16xf32>
    %add3A_158 = arith.addf %add3A_156, %slice3A_157 : vector<1x16xf32>
    %slice3A_159 = vector.extract_strided_slice %broadcast_in_dim3A_144 {offsets = [0, 96], sizes = [1, 16], strides = [1, 1]} : vector<1x128xf32> to vector<1x16xf32>
    %add3A_160 = arith.addf %add3A_158, %slice3A_159 : vector<1x16xf32>
    %slice3A_161 = vector.extract_strided_slice %broadcast_in_dim3A_144 {offsets = [0, 112], sizes = [1, 16], strides = [1, 1]} : vector<1x128xf32> to vector<1x16xf32>
    %add3A_162 = arith.addf %add3A_160, %slice3A_161 : vector<1x16xf32>
    %mul3A_163 = arith.constant 2.000000e+00 : f32
    %mul3A_164 = vector.broadcast %mul3A_163 : f32 to vector<1x16xf32>
    %mul3A_165 = arith.mulf %mul3A_164, %add3A_162 : vector<1x16xf32>
    %add3A_166 = arith.addf %add3A_140, %mul3A_165 : vector<1x16xf32>
    %div3A = arith.constant 3.200000e+05 : f32
    %div3A_167 = vector.broadcast %div3A : f32 to vector<1x16xf32>
    %div3A_168 = arith.divf %add3A_116, %div3A_167 : vector<1x16xf32>
    %div3A_169 = arith.constant 3.200000e+05 : f32
    %div3A_170 = vector.broadcast %div3A_169 : f32 to vector<1x16xf32>
    %div3A_171 = arith.divf %add3A_166, %div3A_170 : vector<1x16xf32>
    %mul3A_172 = arith.mulf %div3A_168, %div3A_168 : vector<1x16xf32>
    %sub3A = arith.subf %div3A_171, %mul3A_172 : vector<1x16xf32>
    %get3A_173 = arith.constant 0 : index
    %get3A_174 = arith.constant 0 : index
    %get3A_175 = vector.load %arg8[%get3A_173, %get3A_174] : memref<1x16xf32, #tpu.memory_space<vmem>>, vector<1x16xf32>
    %add3A_176 = arith.constant 9.99999974E-6 : f32
    %add3A_177 = vector.broadcast %add3A_176 : f32 to vector<1x16xf32>
    %add3A_178 = arith.addf %sub3A, %add3A_177 : vector<1x16xf32>
    %rsqrt3A = math.rsqrt %add3A_178 : vector<1x16xf32>
    %mul3A_179 = arith.mulf %get3A_175, %rsqrt3A : vector<1x16xf32>
    %get3A_180 = arith.constant 0 : index
    %get3A_181 = arith.constant 0 : index
    %get3A_182 = vector.load %arg9[%get3A_180, %get3A_181] : memref<1x16xf32, #tpu.memory_space<vmem>>, vector<1x16xf32>
    %mul3A_183 = arith.mulf %div3A_168, %mul3A_179 : vector<1x16xf32>
    %sub3A_184 = arith.subf %get3A_182, %mul3A_183 : vector<1x16xf32>
    %concatenate3A = tpu.concatenate %mul3A_179, %sub3A_184 in 0 : vector<1x16xf32>, vector<1x16xf32> -> vector<2x16xf32>
    %swap3A = arith.constant 0 : index
    %swap3A_185 = arith.constant 0 : index
    %swap3A_186 = vector.load %arg10[%swap3A, %swap3A_185] : memref<2x16xf32, #tpu.memory_space<vmem>>, vector<2x16xf32>
    tpu.vector_store %arg10[%swap3A, %swap3A_185], %concatenate3A {strides = array<i32>} : memref<2x16xf32, #tpu.memory_space<vmem>>, vector<2x16xf32>,
    return
  }
}

module attributes {stable_mosaic.version = 14 : i64} {
  func.func @_final_body(%arg0: memref<1250x128xf32, #tpu.memory_space<vmem>>, %arg1: memref<2560x128xf32, #tpu.memory_space<vmem>>, %arg2: memref<2560x128xf32, #tpu.memory_space<vmem>>, %arg3: memref<128x128xf32, #tpu.memory_space<vmem>>, %arg4: memref<1x128xf32, #tpu.memory_space<vmem>>, %arg5: memref<128x128xf32, #tpu.memory_space<vmem>>, %arg6: memref<1x128xf32, #tpu.memory_space<vmem>>, %arg7: memref<1x128xf32, #tpu.memory_space<vmem>>, %arg8: memref<1x128xf32, #tpu.memory_space<vmem>>, %arg9: memref<128x128xf32, #tpu.memory_space<vmem>>, %arg10: memref<1x128xf32, #tpu.memory_space<vmem>>, %arg11: memref<128x128xf32, #tpu.memory_space<vmem>>, %arg12: memref<1250x128xf32, #tpu.memory_space<vmem>>) attributes {dimension_semantics = [], scalar_prefetch = 0 : i64, scratch_operands = 0 : i64, tpu.core_type = #tpu.core_type<tc>} {
    %get3A = arith.constant 0 : index
    %get3A_0 = arith.constant 0 : index
    %get3A_1 = vector.load %arg1[%get3A, %get3A_0] : memref<2560x128xf32, #tpu.memory_space<vmem>>, vector<1250x128xf32>
    %get3A_2 = arith.constant 1280 : index
    %get3A_3 = arith.constant 0 : index
    %get3A_4 = vector.load %arg1[%get3A_2, %get3A_3] : memref<2560x128xf32, #tpu.memory_space<vmem>>, vector<1250x128xf32>
    %add3A = arith.addf %get3A_1, %get3A_4 : vector<1250x128xf32>
    %get3A_5 = arith.constant 0 : index
    %get3A_6 = arith.constant 0 : index
    %get3A_7 = vector.load %arg2[%get3A_5, %get3A_6] : memref<2560x128xf32, #tpu.memory_space<vmem>>, vector<1250x128xf32>
    %get3A_8 = arith.constant 1280 : index
    %get3A_9 = arith.constant 0 : index
    %get3A_10 = vector.load %arg2[%get3A_8, %get3A_9] : memref<2560x128xf32, #tpu.memory_space<vmem>>, vector<1250x128xf32>
    %add3A_11 = arith.addf %get3A_7, %get3A_10 : vector<1250x128xf32>
    %get3A_12 = arith.constant 0 : index
    %get3A_13 = arith.constant 0 : index
    %get3A_14 = vector.load %arg11[%get3A_12, %get3A_13] : memref<128x128xf32, #tpu.memory_space<vmem>>, vector<128x128xf32>
    %dot_general3A = arith.constant dense<0.000000e+00> : vector<1250x128xf32>
    %dot_general3A_15 = tpu.matmul %add3A_11, %get3A_14, %dot_general3A {dimension_numbers = #tpu.dot_dimension_numbers<[1], [0], [0], [1], [0, 0, 1, 1], [], []>, precision = #tpu.contract_precision<fp32>, transpose_lhs_hint = false} : vector<1250x128xf32>, vector<128x128xf32>, vector<1250x128xf32> -> vector<1250x128xf32>
    %max3A = arith.constant 1.000000e+00 : f32
    %max3A_16 = vector.broadcast %max3A : f32 to vector<1250x128xf32>
    %max3A_17 = arith.maximumf %dot_general3A_15, %max3A_16 : vector<1250x128xf32>
    %div3A = arith.divf %add3A, %max3A_17 : vector<1250x128xf32>
    %get3A_18 = arith.constant 0 : index
    %get3A_19 = arith.constant 0 : index
    %get3A_20 = vector.load %arg3[%get3A_18, %get3A_19] : memref<128x128xf32, #tpu.memory_space<vmem>>, vector<128x128xf32>
    %dot_general3A_21 = arith.constant dense<0.000000e+00> : vector<1250x128xf32>
    %dot_general3A_22 = tpu.matmul %div3A, %get3A_20, %dot_general3A_21 {dimension_numbers = #tpu.dot_dimension_numbers<[1], [0], [0], [1], [0, 0, 1, 1], [], []>, precision = #tpu.contract_precision<fp32>, transpose_lhs_hint = false} : vector<1250x128xf32>, vector<128x128xf32>, vector<1250x128xf32> -> vector<1250x128xf32>
    %get3A_23 = arith.constant 0 : index
    %get3A_24 = arith.constant 0 : index
    %get3A_25 = vector.load %arg4[%get3A_23, %get3A_24] : memref<1x128xf32, #tpu.memory_space<vmem>>, vector<1x128xf32>
    %gt3A = arith.constant 0.000000e+00 : f32
    %gt3A_26 = vector.broadcast %gt3A : f32 to vector<1250x128xf32>
    %gt3A_27 = arith.cmpf ogt, %dot_general3A_15, %gt3A_26 : vector<1250x128xf32>
    %convert_element_type3A = arith.extui %gt3A_27 : vector<1250x128xi1> to vector<1250x128xi32>
    %convert_element_type3A_28 = arith.sitofp %convert_element_type3A : vector<1250x128xi32> to vector<1250x128xf32>
    %mul3A = vector.broadcast %get3A_25 : vector<1x128xf32> to vector<1250x128xf32>
    %mul3A_29 = arith.mulf %mul3A, %convert_element_type3A_28 : vector<1250x128xf32>
    %add3A_30 = arith.addf %dot_general3A_22, %mul3A_29 : vector<1250x128xf32>
    %get3A_31 = arith.constant 0 : index
    %get3A_32 = arith.constant 0 : index
    %get3A_33 = vector.load %arg0[%get3A_31, %get3A_32] : memref<1250x128xf32, #tpu.memory_space<vmem>>, vector<1250x128xf32>
    %get3A_34 = arith.constant 0 : index
    %get3A_35 = arith.constant 0 : index
    %get3A_36 = vector.load %arg5[%get3A_34, %get3A_35] : memref<128x128xf32, #tpu.memory_space<vmem>>, vector<128x128xf32>
    %dot_general3A_37 = arith.constant dense<0.000000e+00> : vector<1250x128xf32>
    %dot_general3A_38 = tpu.matmul %add3A_30, %get3A_36, %dot_general3A_37 {dimension_numbers = #tpu.dot_dimension_numbers<[1], [0], [0], [1], [0, 0, 1, 1], [], []>, precision = #tpu.contract_precision<fp32>, transpose_lhs_hint = false} : vector<1250x128xf32>, vector<128x128xf32>, vector<1250x128xf32> -> vector<1250x128xf32>
    %add3A_39 = arith.addf %get3A_33, %dot_general3A_38 : vector<1250x128xf32>
    %get3A_40 = arith.constant 0 : index
    %get3A_41 = arith.constant 0 : index
    %get3A_42 = vector.load %arg6[%get3A_40, %get3A_41] : memref<1x128xf32, #tpu.memory_space<vmem>>, vector<1x128xf32>
    %add3A_43 = vector.broadcast %get3A_42 : vector<1x128xf32> to vector<1250x128xf32>
    %add3A_44 = arith.addf %add3A_39, %add3A_43 : vector<1250x128xf32>
    %reduce_sum3A = arith.constant dense<0.000000e+00> : vector<128xf32>
    %reduce_sum3A_45 = vector.multi_reduction <add>, %add3A_44, %reduce_sum3A [0] : vector<1250x128xf32> to vector<128xf32>
    %broadcast_in_dim3A = vector.shape_cast %reduce_sum3A_45 : vector<128xf32> to vector<1x128xf32>
    %mul3A_46 = arith.mulf %add3A_44, %add3A_44 : vector<1250x128xf32>
    %reduce_sum3A_47 = arith.constant dense<0.000000e+00> : vector<128xf32>
    %reduce_sum3A_48 = vector.multi_reduction <add>, %mul3A_46, %reduce_sum3A_47 [0] : vector<1250x128xf32> to vector<128xf32>
    %broadcast_in_dim3A_49 = vector.shape_cast %reduce_sum3A_48 : vector<128xf32> to vector<1x128xf32>
    %slice3A = vector.extract_strided_slice %broadcast_in_dim3A {offsets = [0, 0], sizes = [1, 16], strides = [1, 1]} : vector<1x128xf32> to vector<1x16xf32>
    %add3A_50 = arith.constant 0.000000e+00 : f32
    %add3A_51 = vector.broadcast %add3A_50 : f32 to vector<1x16xf32>
    %add3A_52 = arith.addf %add3A_51, %slice3A : vector<1x16xf32>
    %slice3A_53 = vector.extract_strided_slice %broadcast_in_dim3A {offsets = [0, 16], sizes = [1, 16], strides = [1, 1]} : vector<1x128xf32> to vector<1x16xf32>
    %add3A_54 = arith.addf %add3A_52, %slice3A_53 : vector<1x16xf32>
    %slice3A_55 = vector.extract_strided_slice %broadcast_in_dim3A {offsets = [0, 32], sizes = [1, 16], strides = [1, 1]} : vector<1x128xf32> to vector<1x16xf32>
    %add3A_56 = arith.addf %add3A_54, %slice3A_55 : vector<1x16xf32>
    %slice3A_57 = vector.extract_strided_slice %broadcast_in_dim3A {offsets = [0, 48], sizes = [1, 16], strides = [1, 1]} : vector<1x128xf32> to vector<1x16xf32>
    %add3A_58 = arith.addf %add3A_56, %slice3A_57 : vector<1x16xf32>
    %slice3A_59 = vector.extract_strided_slice %broadcast_in_dim3A {offsets = [0, 64], sizes = [1, 16], strides = [1, 1]} : vector<1x128xf32> to vector<1x16xf32>
    %add3A_60 = arith.addf %add3A_58, %slice3A_59 : vector<1x16xf32>
    %slice3A_61 = vector.extract_strided_slice %broadcast_in_dim3A {offsets = [0, 80], sizes = [1, 16], strides = [1, 1]} : vector<1x128xf32> to vector<1x16xf32>
    %add3A_62 = arith.addf %add3A_60, %slice3A_61 : vector<1x16xf32>
    %slice3A_63 = vector.extract_strided_slice %broadcast_in_dim3A {offsets = [0, 96], sizes = [1, 16], strides = [1, 1]} : vector<1x128xf32> to vector<1x16xf32>
    %add3A_64 = arith.addf %add3A_62, %slice3A_63 : vector<1x16xf32>
    %slice3A_65 = vector.extract_strided_slice %broadcast_in_dim3A {offsets = [0, 112], sizes = [1, 16], strides = [1, 1]} : vector<1x128xf32> to vector<1x16xf32>
    %add3A_66 = arith.addf %add3A_64, %slice3A_65 : vector<1x16xf32>
    %div3A_67 = arith.constant 1.000000e+04 : f32
    %div3A_68 = vector.broadcast %div3A_67 : f32 to vector<1x16xf32>
    %div3A_69 = arith.divf %add3A_66, %div3A_68 : vector<1x16xf32>
    %slice3A_70 = vector.extract_strided_slice %broadcast_in_dim3A_49 {offsets = [0, 0], sizes = [1, 16], strides = [1, 1]} : vector<1x128xf32> to vector<1x16xf32>
    %add3A_71 = arith.constant 0.000000e+00 : f32
    %add3A_72 = vector.broadcast %add3A_71 : f32 to vector<1x16xf32>
    %add3A_73 = arith.addf %add3A_72, %slice3A_70 : vector<1x16xf32>
    %slice3A_74 = vector.extract_strided_slice %broadcast_in_dim3A_49 {offsets = [0, 16], sizes = [1, 16], strides = [1, 1]} : vector<1x128xf32> to vector<1x16xf32>
    %add3A_75 = arith.addf %add3A_73, %slice3A_74 : vector<1x16xf32>
    %slice3A_76 = vector.extract_strided_slice %broadcast_in_dim3A_49 {offsets = [0, 32], sizes = [1, 16], strides = [1, 1]} : vector<1x128xf32> to vector<1x16xf32>
    %add3A_77 = arith.addf %add3A_75, %slice3A_76 : vector<1x16xf32>
    %slice3A_78 = vector.extract_strided_slice %broadcast_in_dim3A_49 {offsets = [0, 48], sizes = [1, 16], strides = [1, 1]} : vector<1x128xf32> to vector<1x16xf32>
    %add3A_79 = arith.addf %add3A_77, %slice3A_78 : vector<1x16xf32>
    %slice3A_80 = vector.extract_strided_slice %broadcast_in_dim3A_49 {offsets = [0, 64], sizes = [1, 16], strides = [1, 1]} : vector<1x128xf32> to vector<1x16xf32>
    %add3A_81 = arith.addf %add3A_79, %slice3A_80 : vector<1x16xf32>
    %slice3A_82 = vector.extract_strided_slice %broadcast_in_dim3A_49 {offsets = [0, 80], sizes = [1, 16], strides = [1, 1]} : vector<1x128xf32> to vector<1x16xf32>
    %add3A_83 = arith.addf %add3A_81, %slice3A_82 : vector<1x16xf32>
    %slice3A_84 = vector.extract_strided_slice %broadcast_in_dim3A_49 {offsets = [0, 96], sizes = [1, 16], strides = [1, 1]} : vector<1x128xf32> to vector<1x16xf32>
    %add3A_85 = arith.addf %add3A_83, %slice3A_84 : vector<1x16xf32>
    %slice3A_86 = vector.extract_strided_slice %broadcast_in_dim3A_49 {offsets = [0, 112], sizes = [1, 16], strides = [1, 1]} : vector<1x128xf32> to vector<1x16xf32>
    %add3A_87 = arith.addf %add3A_85, %slice3A_86 : vector<1x16xf32>
    %div3A_88 = arith.constant 1.000000e+04 : f32
    %div3A_89 = vector.broadcast %div3A_88 : f32 to vector<1x16xf32>
    %div3A_90 = arith.divf %add3A_87, %div3A_89 : vector<1x16xf32>
    %concatenate3A = tpu.concatenate %div3A_69, %div3A_69, %div3A_69, %div3A_69, %div3A_69, %div3A_69, %div3A_69, %div3A_69 in 1 : vector<1x16xf32>, vector<1x16xf32>, vector<1x16xf32>, vector<1x16xf32>, vector<1x16xf32>, vector<1x16xf32>, vector<1x16xf32>, vector<1x16xf32> -> vector<1x128xf32>
    %concatenate3A_91 = tpu.concatenate %div3A_90, %div3A_90, %div3A_90, %div3A_90, %div3A_90, %div3A_90, %div3A_90, %div3A_90 in 1 : vector<1x16xf32>, vector<1x16xf32>, vector<1x16xf32>, vector<1x16xf32>, vector<1x16xf32>, vector<1x16xf32>, vector<1x16xf32>, vector<1x16xf32> -> vector<1x128xf32>
    %mul3A_92 = arith.mulf %concatenate3A, %concatenate3A : vector<1x128xf32>
    %sub3A = arith.subf %concatenate3A_91, %mul3A_92 : vector<1x128xf32>
    %sub3A_93 = vector.broadcast %concatenate3A : vector<1x128xf32> to vector<1250x128xf32>
    %sub3A_94 = arith.subf %add3A_44, %sub3A_93 : vector<1250x128xf32>
    %add3A_95 = arith.constant 9.99999974E-6 : f32
    %add3A_96 = vector.broadcast %add3A_95 : f32 to vector<1x128xf32>
    %add3A_97 = arith.addf %sub3A, %add3A_96 : vector<1x128xf32>
    %rsqrt3A = math.rsqrt %add3A_97 : vector<1x128xf32>
    %mul3A_98 = vector.broadcast %rsqrt3A : vector<1x128xf32> to vector<1250x128xf32>
    %mul3A_99 = arith.mulf %sub3A_94, %mul3A_98 : vector<1250x128xf32>
    %get3A_100 = arith.constant 0 : index
    %get3A_101 = arith.constant 0 : index
    %get3A_102 = vector.load %arg7[%get3A_100, %get3A_101] : memref<1x128xf32, #tpu.memory_space<vmem>>, vector<1x128xf32>
    %mul3A_103 = vector.broadcast %get3A_102 : vector<1x128xf32> to vector<1250x128xf32>
    %mul3A_104 = arith.mulf %mul3A_99, %mul3A_103 : vector<1250x128xf32>
    %get3A_105 = arith.constant 0 : index
    %get3A_106 = arith.constant 0 : index
    %get3A_107 = vector.load %arg8[%get3A_105, %get3A_106] : memref<1x128xf32, #tpu.memory_space<vmem>>, vector<1x128xf32>
    %add3A_108 = vector.broadcast %get3A_107 : vector<1x128xf32> to vector<1250x128xf32>
    %add3A_109 = arith.addf %mul3A_104, %add3A_108 : vector<1250x128xf32>
    %max3A_110 = arith.constant 0.000000e+00 : f32
    %max3A_111 = vector.broadcast %max3A_110 : f32 to vector<1250x128xf32>
    %max3A_112 = arith.maximumf %add3A_109, %max3A_111 : vector<1250x128xf32>
    %get3A_113 = arith.constant 0 : index
    %get3A_114 = arith.constant 0 : index
    %get3A_115 = vector.load %arg9[%get3A_113, %get3A_114] : memref<128x128xf32, #tpu.memory_space<vmem>>, vector<128x128xf32>
    %dot_general3A_116 = arith.constant dense<0.000000e+00> : vector<1250x128xf32>
    %dot_general3A_117 = tpu.matmul %max3A_112, %get3A_115, %dot_general3A_116 {dimension_numbers = #tpu.dot_dimension_numbers<[1], [0], [0], [1], [0, 0, 1, 1], [], []>, precision = #tpu.contract_precision<fp32>, transpose_lhs_hint = false} : vector<1250x128xf32>, vector<128x128xf32>, vector<1250x128xf32> -> vector<1250x128xf32>
    %get3A_118 = arith.constant 0 : index
    %get3A_119 = arith.constant 0 : index
    %get3A_120 = vector.load %arg10[%get3A_118, %get3A_119] : memref<1x128xf32, #tpu.memory_space<vmem>>, vector<1x128xf32>
    %add3A_121 = vector.broadcast %get3A_120 : vector<1x128xf32> to vector<1250x128xf32>
    %add3A_122 = arith.addf %dot_general3A_117, %add3A_121 : vector<1250x128xf32>
    %swap3A = arith.constant 0 : index
    %swap3A_123 = arith.constant 0 : index
    %swap3A_124 = vector.load %arg12[%swap3A, %swap3A_123] : memref<1250x128xf32, #tpu.memory_space<vmem>>, vector<1250x128xf32>
    tpu.vector_store %arg12[%swap3A, %swap3A_123], %add3A_122 {strides = array<i32>} : memref<1250x128xf32, #tpu.memory_space<vmem>>, vector<1250x128xf32>,
    return
  }
}

</mosaic_0001>

<sc_bundles>
// kernel: kernel.12.cloned.1.call-start
scs
__scs_entry_jumppad:
0x0: {  	(pc) =	sbr.rel $0x88, $3  }
0x1: {  	(tag) =	ssettag $0x0;
	lr =	simm.s32 $0x1  }
0x2: {  	[smem:$0x3F93] =	sst lr;
	_ =	strace $0xD0000000  }
0x3: {  	_ = 	snop  }
0x4: {  	_ = 	snop  }
0x5: {  	_ = 	snop  }
0x6: {  	_ = 	snop  }
0x7: {  	_ = 	snop  }
__scs_overlays_trampoline_lowered:
0x8: {  	[smem:$0x3FA2] =	sst s0  }
0x9: {  	[smem:$0x3FA3] =	sst s1  }
0xa: {  	[smem:$0x3FA4] =	sst s2  }
0xb: {  	[smem:$0x3FA5] =	sst s3  }
0xc: {  	[smem:$0x3FA6] =	sst s4  }
0xd: {  	[smem:$0x3FA7] =	sst s5  }
0xe: {  	[smem:$0x3FA8] =	sst s6  }
0xf: {  	[smem:$0x3FA9] =	sst s7  }
0x10: {  	[smem:$0x3FAA] =	sst s8  }
0x11: {  	[smem:$0x3FAB] =	sst s9;
	s0 =	simm.s32 @!p0 $0x0  }
0x12: {  	s1 =	sld [smem:$0x3F91];
	s0 =	simm.s32 @p0 $0x1  }
0x13: {  	[smem:$0x3FAC] =	sst s0;
	s0 =	simm.s32 @!p1 $0x0  }
0x14: {  	s2 =	sld [smem:$0x3F90];
	s0 =	simm.s32 @p1 $0x1  }
0x15: {  	[smem:$0x3FAD] =	sst s0;
	s0 =	simm.s32 @!p2 $0x0  }
0x16: {  	s3 =	sld [smem:$0x3FDB];
	s0 =	simm.s32 @p2 $0x1  }
0x17: {  	s4 =	simm.s32 $0x1BF5;
	[smem:$0x3FAF] =	sst s0  }
0x18: {  	s0 =	sld [smem:$0x3F92];
	_ =	swait.ge [sflag:s4], $0x0  }
0x19: {  	s7 =	sld [smem:$0x3F93]  }
0x1a: {  	s8 =	sadd.s32 $0xFFFFE003, lr  }
0x1b: {  	s9 =	sadd.s32 $0xFFFFFEF7, lr;
	s5 =	simm.s32 $0xFFFFFFFF;
	p2 =	slt.u32 s8, $0xFFFFF086  }
0x1c: {  	p1 =	slt.u32 s9, $0xF7A;
	s5 =	simm.s32 @!p2 $0x0  }
0x1d: {  	s5 =	simm.s32 @p1 $0x1;
	p0 =	seq.s32 s7, s2  }
0x1e: {  	s7 =	smul.u32 @!p0 $0xF7A, s2;
	p2 =	seq.s32 @!p0 s5, $0x0  }
0x1f: {  	s9 =	smul.u32 $0xF7A, s1;
	s8 =	simm.s32 @!p0 $0x1BF5;
	p2 =	por !p2, p0  }
0x20: {  	[sflag:s8] =	ssyncset.s32 @!p0 $0xFFFFF086;
	s6 =	sadd.s32 @!p0 s3, s7;
	s7 =	simm.s32 @!p0 $0x108  }
0x21: {  	s3 =	sadd.s32 s3, s9;
	s6 =	sadd.s32 @!p0 $0x88, s6;
	s7 =	simm.s32 @p2 $0x1082  }
0x22: {  	[simem:s7], [sflag:s8] =	dma.local @!p0 [hbm:s6], $0xF7A  }
0x23: {  	s9 =	sor.u32 $0xD0000000, s2;
	s6 =	simm.s32 $0x108;
	_ =	swait.ge @!p0 [sflag:s8], $0x0  }
0x24: {  	s3 =	sadd.s32 $0x88, s3;
	s6 =	simm.s32 @!p1 $0x1082;
	[sflag:s4] =	ssyncset.s32 $0xFFFFF086  }
0x25: {  	[simem:s6], [sflag:s4] =	dma.local [hbm:s3], $0xF7A  }
0x26: {  	[smem:$0x3F93] =	sst s1;
	(tag) =	ssettag s2;
	_ =	strace s9  }
0x27: {  	s1 =	sld [smem:$0x3FA3]  }
0x28: {  	s2 =	sld [smem:$0x3FA4]  }
0x29: {  	s4 =	sld [smem:$0x3FA6]  }
0x2a: {  	p0 =	seq.s32 s5, $0x0;
	s5 =	sld [smem:$0x3FA7]  }
0x2b: {  	s6 =	sld [smem:$0x3FA8]  }
0x2c: {  	s7 =	sld [smem:$0x3FA9]  }
0x2d: {  	s3 =	simm.s32 $0x108;
	s8 =	sld [smem:$0x3FAA]  }
0x2e: {  	s3 =	simm.s32 @!p0 $0x1082;
	s9 =	sld [smem:$0x3FAB]  }
0x2f: {  	lr =	sadd.s32 s0, s3;
	s0 =	sld [smem:$0x3FA2]  }
0x30: {  	s3 =	sld [smem:$0x3FA5]  }
0x31: {  	[smem:$0x3FAE] =	sst s10  }
0x32: {  	s10 =	sld [smem:$0x3FAC];
	_ =	sdelay $0x3  }
0x33: {  	p0 =	seq.s32 s10, $0x1;
	s10 =	sld [smem:$0x3FAE];
	_ =	sdelay $0x3  }
0x34: {  	[smem:$0x3FAE] =	sst s10  }
0x35: {  	s10 =	sld [smem:$0x3FAD];
	_ =	sdelay $0x3  }
0x36: {  	p1 =	seq.s32 s10, $0x1;
	s10 =	sld [smem:$0x3FAE];
	_ =	sdelay $0x3  }
0x37: {  	[smem:$0x3FAE] =	sst s10  }
0x38: {  	s10 =	sld [smem:$0x3FAF]  }
0x39: {  	_ = 	snop;
	(pc) =	sbr.ind lr, $3  }
0x3a: {  	_ = 	snop  }
0x3b: {  	_ = 	snop  }
0x3c: {  	p2 =	seq.s32 s10, $0x1;
	s10 =	sld [smem:$0x3FAE]  }
0x3d: {  	_ =	shalt  }
0x3e: {  	_ =	shalt  }
0x3f: {  	_ =	shalt  }
0x40: {  	_ =	shalt  }
0x41: {  	_ =	shalt  }
0x42: {  	_ =	shalt  }
0x43: {  	_ =	shalt  }
0x44: {  	_ =	shalt  }
0x45: {  	_ =	shalt  }
0x46: {  	_ =	shalt  }
0x47: {  	_ =	shalt  }
0x48: {  	_ =	shalt  }
0x49: {  	_ =	shalt  }
0x4a: {  	_ =	shalt  }
0x4b: {  	_ =	shalt  }
0x4c: {  	_ =	shalt  }
0x4d: {  	_ =	shalt  }
0x4e: {  	_ =	shalt  }
0x4f: {  	_ =	shalt  }
0x50: {  	_ =	shalt  }
0x51: {  	_ =	shalt  }
0x52: {  	_ =	shalt  }
0x53: {  	_ =	shalt  }
0x54: {  	_ =	shalt  }
0x55: {  	_ =	shalt  }
0x56: {  	_ =	shalt  }
0x57: {  	_ =	shalt  }
0x58: {  	_ =	shalt  }
0x59: {  	_ =	shalt  }
0x5a: {  	_ =	shalt  }
0x5b: {  	_ =	shalt  }
0x5c: {  	_ =	shalt  }
0x5d: {  	_ =	shalt  }
0x5e: {  	_ =	shalt  }
0x5f: {  	_ =	shalt  }
0x60: {  	_ =	shalt  }
0x61: {  	_ =	shalt  }
0x62: {  	_ =	shalt  }
0x63: {  	_ =	shalt  }
0x64: {  	_ =	shalt  }
0x65: {  	_ =	shalt  }
0x66: {  	_ =	shalt  }
0x67: {  	_ =	shalt  }
0x68: {  	_ =	shalt  }
0x69: {  	_ =	shalt  }
0x6a: {  	_ =	shalt  }
0x6b: {  	_ =	shalt  }
0x6c: {  	_ =	shalt  }
0x6d: {  	_ =	shalt  }
0x6e: {  	_ =	shalt  }
0x6f: {  	_ =	shalt  }
0x70: {  	_ =	shalt  }
0x71: {  	_ =	shalt  }
0x72: {  	_ =	shalt  }
0x73: {  	_ =	shalt  }
0x74: {  	_ =	shalt  }
0x75: {  	_ =	shalt  }
0x76: {  	_ =	shalt  }
0x77: {  	_ =	shalt  }
0x78: {  	_ =	shalt  }
0x79: {  	_ =	shalt  }
0x7a: {  	_ =	shalt  }
0x7b: {  	_ =	shalt  }
0x7c: {  	_ =	shalt  }
0x7d: {  	_ =	shalt  }
0x7e: {  	_ =	shalt  }
0x7f: {  	_ =	shalt  }
0x80: {  	_ =	shalt  }
0x81: {  	_ =	shalt  }
0x82: {  	_ =	shalt  }
0x83: {  	_ =	shalt  }
0x84: {  	_ =	shalt  }
0x85: {  	_ =	shalt  }
0x86: {  	_ =	shalt  }
0x87: {  	_ =	shalt  }
.Lfunc_end0:
.L_simem_size_0:
called_computation.1_lowered:
.L_overlay_start_0:
0x88: {  	s2 =	sld [smem:$0x3FD9]  }
0x89: {  	s3 =	sld [smem:$0x3FFE];
	_ =	sdelay $0x1  }
0x8a: {  	s1 =	srdreg.scid  }
0x8b: {  	s0 =	sand.u32 $0x1, s1  }
0x8c: {  	s16 =	sshll.u32 s0, $0xA;
	s2 =	sadd.s32 s3, s2  }
0x8d: {  	s2 =	sadd.s32 s2, s16  }
0x8e: {  	[smem:$0x3FBA] =	sst s2  }
0x8f: {  	_ = 	snop  }
0x90: {  	(tm) =	ssettm $0x1  }
0x91: {  	s17 =	sld [smem:$0x3FFB];
	_ =	sdelay $0x3  }
0x92: {  	_ =	strace s17  }
0x93: {  	s2 =	sld [smem:$0x3FFC];
	_ =	sdelay $0x3  }
0x94: {  	_ =	strace s2  }
0x95: {  	s2 =	sld [smem:$0x3FFD];
	_ =	sdelay $0x3  }
0x96: {  	_ =	strace s2  }
0x97: {  	_ =	strace $0x8FFFFFFF  }
0x98: {  	s18 =	sld [smem:$0x3FDB];
	_ =	sdelay $0x1  }
0x99: {  	s19 =	simm.s32 $_scs_section_size  }
0x9a: {  	s4 =	simm.s32 $_size__tile_overlayer_lowered;
	s5 =	simm.s32 $_tile_overlayer_lowered  }
0x9b: {  	s22 =	simm.s32 $0x1BFF;
	s21 =	sshll.u32 s5, $0x1;
	s2 =	sadd.s32 s19, s18  }
0x9c: {  	s6 =	simm.s32 $0x0;
	s20 =	sshll.u32 s4, $0x1;
	s4 =	sadd.s32 s21, s2  }
0x9d: {  	[timem:s6], [sflag:s22] =	dma.local [hbm:s4], s20  }
0x9e: {  	_ =	swait.ge [sflag:s22], s20  }
0x9f: {  	s3 =	ssub.s32 $0x0, s20;
	[sflag:s22] =	ssyncset.done $0x0  }
0xa0: {  	[sflag:s22] =	ssyncadd.s32 s3;
	_ =	sdelay $0x1  }
0xa1: {  	s23 =	simm.s32 $0x1B8B  }
0xa2: {  	_ =	swait.ge [sflag:s23], $0x1  }
0xa3: {  	[sflag:s23] =	ssyncset.done $0x0  }
0xa4: {  	s25 =	simm.s32 $0x1B8E;
	s24 =	sld [smem:$0x3FFE];
	[sflag:s23] =	ssyncadd.s32 $0xFFFFFFFF  }
0xa5: {  	s26 =	simm.s32 $execute0_lowered;
	[smem:$0x3FD2] =	sst s25  }
0xa6: {  	s4 =	sshll.u32 s26, $0x1;
	_ =	strace $0x80000046;
	[dreg:$0x1] =	wrdreg $0xFFFFFFFF  }
0xa7: {  	s28 =	simm.s32 $_size_execute0_lowered;
	s2 =	sadd.s32 s2, s4;
	[dreg:$0x0] =	wrdreg $0x0  }
0xa8: {  	s4 =	sshll.u32 s28, $0x1;
	[dreg:$0x2] =	wrdreg s2  }
0xa9: {  	[dreg:$0x3] =	wrdreg s4  }
0xaa: {  	[dreg:$0x4] =	wrdreg $0xC0  }
0xab: {  	_ =	task [dreg:s6], $0x5FFFF  }
0xac: {  	[dreg:$0x1] =	wrdreg $0xFFFFFFFF  }
0xad: {  	[dreg:$0x0] =	wrdreg $0x60  }
0xae: {  	[dreg:$0x2] =	wrdreg s24  }
0xaf: {  	[dreg:$0x3] =	wrdreg $0xA5000  }
0xb0: {  	[dreg:$0x4] =	wrdreg $0xA  }
0xb1: {  	_ =	task.clear_ibuf [dreg:s6], $0x5FFFF;
	_ =	strace $0x90000046  }
0xb2: {  	s29 =	simm.s32 $0xA;
	_ =	strace $0x80000048  }
0xb3: {  	_ =	swait.ge [sflag:s29], $0x1  }
0xb4: {  	[sflag:s29] =	ssyncadd.s32 $0xFFFFFFFF  }
0xb5: {  	_ =	strace $0x90000048  }
0xb6: {  	_ =	sfence  }
0xb7: {  	s30 =	sld [smem:$0x0];
	_ =	sdelay $0x2  }
0xb8: {  	s31 =	sshll.u32 s1, $0xD;
	s1 =	sshrl.u32 s1, $0x2  }
0xb9: {  	s3 =	sand.u32 $0x4000, s31;
	s1 =	sadd.s32 s1, s30  }
0xba: {  	s0 =	sor.u32 s3, s0;
	s1 =	sshll.u32 s1, $0x11  }
0xbb: {  	s0 =	sor.u32 s1, s0  }
0xbc: {  	s0 =	sadd.s32 $0x8F2B, s0  }
0xbd: {  	[sflag:s0] =	ssyncadd.remote.s32 $0x1  }
0xbe: {  	_ =	sfence.sel $0xFFFF  }
0xbf: {  	[dreg:$0x0] =	wrdreg $0xFFFFFFFF;
	(pc) =	sbr.abs _section_cstart, $3  }
0xc0: {  	[dreg:$0x1] =	wrdreg $0xFFFFFFFF  }
0xc1: {  	_ =	task.clear_ibuf [dreg:s6], $0x2FFFF;
	_ =	strace $0x9FFFFFFF  }
0xc2: {  	(tm) =	ssettm $0x7FFFFFFF  }
0xc3: {  	_ =	shalt  }
tec
execute0_lowered:
.L_overlay_start_1:
0x0: {  	(tag) =	ssettag $0x1  }
0x1: {  	s0 =	stileid.u32;
	s6 =	rddreg [dreg:$0x0]  }
0x2: {  	s1 =	srdreg.scid;
	s2 =	rddreg [dreg:$0x1];
	s3 =	simm.s32 $0x0  }
0x3: {  	s28 =	simm.s32 $0x2FD0;
	s29 =	simm.s32 $0x37A0;
	s30 =	simm.s32 $0x3F70  }
0x4: {  	s31 =	simm.s32 $0x4740;
	s12 =	simm.s32 $0x4F10;
	s13 =	simm.s32 $0x56E0  }
0x5: {  	s14 =	simm.s32 $0x5EB0;
	s15 =	simm.s32 $0x6E50;
	s16 =	simm.s32 $0x7620  }
0x6: {  	s17 =	simm.s32 $0x7DF0;
	s18 =	simm.s32 $0x85C0;
	s19 =	simm.s32 $0x8D90  }
0x7: {  	s5 =	sand.u32 $0x1, s1;
	s21 =	sshll.u32 s0, $0x1;
	s4 =	smul.u32 $0x9C40, s0  }
0x8: {  	[smem:$0x7FF] =	sst s3;
	s9 =	smul.u32 $0x500, s0;
	s1 =	sor.u32 s5, s21  }
0x9: {  	s20 =	simm.s32 $0x9560;
	s7 =	smul.u32 $0x500, s1;
	s1 =	rddreg [dreg:$0x2]  }
0xa: {  	s11 =	smul.u32 $0xA000, s0;
	_ =	strace $0x80000047;
	[dreg:$0x3] =	wrdreg s28  }
0xb: {  	p0 =	sne.s32 s0, $0x0;
	s8 =	smul.u32 $0x5000, s5;
	[dreg:$0x4] =	wrdreg s29  }
0xc: {  	s22 =	ssub.s32 $0x2, s5;
	s25 =	smul.u32 $0x4E20, s5;
	[dreg:$0x5] =	wrdreg s30  }
0xd: {  	s21 =	simm.s32 $0x9D30;
	s10 =	sadd.s32 s4, s6;
	[dreg:$0x6] =	wrdreg s31  }
0xe: {  	s4 =	sadd.s32 $0x14E000, s6;
	s23 =	sshrl.u32 s22, $0x1;
	[dreg:$0x7] =	wrdreg s12  }
0xf: {  	s24 =	sshrl.u32 s11, $0x2;
	s11 =	simm.s32 $0x2800;
	[dreg:$0x8] =	wrdreg s13  }
0x10: {  	s12 =	simm.s32 $0x1;
	s13 =	simm.s32 $0x7D;
	[dreg:$0x9] =	wrdreg s14  }
0x11: {  	s14 =	simm.s32 $0x6680;
	s8 =	sadd.s32 s9, s8;
	s26 =	sadd.s32 s25, s10  }
0x12: {  	s9 =	sshrl.u32 @!p0 s2, $0x3;
	s10 =	simm.s32 $0x2;
	s7 =	sadd.s32 s7, s6  }
0x13: {  	s6 =	sadd.s32 s8, s6;
	s8 =	ssub.s32 s22, s23;
	s22 =	sadd.s32 s24, s2  }
0x14: {  	s23 =	simm.s32 $0x0;
	s5 =	sadd.s32 $0x144000, s7;
	s6 =	sadd.s32 $0x153000, s6  }
0x15: {  	s7 =	smax.u32 s8, $0x1;
	s8 =	sadd.s32 $0xB800, s26;
	s22 =	sshrl.u32 s22, $0x3  }
.LBB2_1:
0x16: {  	s24 =	simm.s32 @!p0 $0x1C02  }
0x17: {  	[spmem:s9], [sflag:s24] =	dma.local @!p0 [hbm:s4], $0x5000  }
0x18: {  	s24 =	simm.s32 @!p0 $0x2  }
0x19: {  	_ =	swait.ge @!p0 [sflag:s24], $0x5000  }
0x1a: {  	[sflag:s24] =	ssyncset.done @!p0 $0x0  }
0x1b: {  	[sflag:s24] =	ssyncadd.s32 @!p0 $0xFFFFB000  }
0x1c: {  	[tilespmem:s3], [sflag:$0x2] =	stream.linear.gather [hbm4b:s5+s3], $0x2800, $0x38;
	[tilespmem:$0xCD00] =	vst v63  }
0x1d: {  	_ =	swait.ge [sflag:s10], $0x2800  }
0x1e: {  	[sflag:s10] =	ssyncset.done $0x0  }
0x1f: {  	[sflag:s10] =	ssyncadd.s32 $0xFFFFD800  }
0x20: {  	[bflag:$0x0] =	sbarrier.arrive $0xFFFF  }
0x21: {  	[tilespmem:s11], [sflag:$0x1] =	stream.linear.gather [hbm4b:s8+s3], $0x7D00, $0x38;
	[tilespmem:$0xCD00] =	vst v63  }
0x22: {  	_ =	swait.ge [sflag:s12], $0x7D00  }
0x23: {  	[sflag:s12] =	ssyncset.done $0x0  }
0x24: {  	s28 =	simm.s32 $0x0;
	[sflag:s12] =	ssyncadd.s32 $0xFFFF8300  }
0x25: {  	[spmem:s2] =	stream.indirect.scatter.add.f32 [tilespmem:s11], [sflag:$0x2], $0x10, s28, s13, $0xb8;
	[tilespmem:$0xCD00] =	vst v63  }
0x26: {  	_ =	swait.ge [sflag:s10], $0x7D0  }
0x27: {  	[sflag:s10] =	ssyncset.done $0x0  }
0x28: {  	s25 =	simm.s32 $0x80;
	s29 =	rddreg [dreg:$0x3];
	[sflag:s10] =	ssyncadd.s32 $0xFFFFF830  }
0x29: {  	[spmem:s2] =	stream.indirect.scatter.add.f32 [tilespmem:s29], [sflag:$0x2], $0x10, s25, s13, $0xb8;
	[tilespmem:$0xCD00] =	vst v63  }
0x2a: {  	_ =	swait.ge [sflag:s10], $0x7D0  }
0x2b: {  	[sflag:s10] =	ssyncset.done $0x0  }
0x2c: {  	s31 =	simm.s32 $0x100;
	s30 =	rddreg [dreg:$0x4];
	[sflag:s10] =	ssyncadd.s32 $0xFFFFF830  }
0x2d: {  	[spmem:s2] =	stream.indirect.scatter.add.f32 [tilespmem:s30], [sflag:$0x2], $0x10, s31, s13, $0xb8;
	[tilespmem:$0xCD00] =	vst v63  }
0x2e: {  	_ =	swait.ge [sflag:s10], $0x7D0  }
0x2f: {  	[sflag:s10] =	ssyncset.done $0x0  }
0x30: {  	s26 =	simm.s32 $0x180;
	s25 =	rddreg [dreg:$0x5];
	[sflag:s10] =	ssyncadd.s32 $0xFFFFF830  }
0x31: {  	[spmem:s2] =	stream.indirect.scatter.add.f32 [tilespmem:s25], [sflag:$0x2], $0x10, s26, s13, $0xb8;
	[tilespmem:$0xCD00] =	vst v63  }
0x32: {  	_ =	swait.ge [sflag:s10], $0x7D0  }
0x33: {  	[sflag:s10] =	ssyncset.done $0x0  }
0x34: {  	s29 =	simm.s32 $0x200;
	s28 =	rddreg [dreg:$0x6];
	[sflag:s10] =	ssyncadd.s32 $0xFFFFF830  }
0x35: {  	[spmem:s2] =	stream.indirect.scatter.add.f32 [tilespmem:s28], [sflag:$0x2], $0x10, s29, s13, $0xb8;
	[tilespmem:$0xCD00] =	vst v63  }
0x36: {  	_ =	swait.ge [sflag:s10], $0x7D0  }
0x37: {  	[sflag:s10] =	ssyncset.done $0x0  }
0x38: {  	s31 =	simm.s32 $0x280;
	s30 =	rddreg [dreg:$0x7];
	[sflag:s10] =	ssyncadd.s32 $0xFFFFF830  }
0x39: {  	[spmem:s2] =	stream.indirect.scatter.add.f32 [tilespmem:s30], [sflag:$0x2], $0x10, s31, s13, $0xb8;
	[tilespmem:$0xCD00] =	vst v63  }
0x3a: {  	_ =	swait.ge [sflag:s10], $0x7D0  }
0x3b: {  	[sflag:s10] =	ssyncset.done $0x0  }
0x3c: {  	s26 =	simm.s32 $0x300;
	s25 =	rddreg [dreg:$0x8];
	[sflag:s10] =	ssyncadd.s32 $0xFFFFF830  }
0x3d: {  	[spmem:s2] =	stream.indirect.scatter.add.f32 [tilespmem:s25], [sflag:$0x2], $0x10, s26, s13, $0xb8;
	[tilespmem:$0xCD00] =	vst v63  }
0x3e: {  	_ =	swait.ge [sflag:s10], $0x7D0  }
0x3f: {  	[sflag:s10] =	ssyncset.done $0x0  }
0x40: {  	s29 =	simm.s32 $0x380;
	s28 =	rddreg [dreg:$0x9];
	[sflag:s10] =	ssyncadd.s32 $0xFFFFF830  }
0x41: {  	[spmem:s2] =	stream.indirect.scatter.add.f32 [tilespmem:s28], [sflag:$0x2], $0x10, s29, s13, $0xb8;
	[tilespmem:$0xCD00] =	vst v63  }
0x42: {  	_ =	swait.ge [sflag:s10], $0x7D0  }
0x43: {  	[sflag:s10] =	ssyncset.done $0x0  }
0x44: {  	s30 =	simm.s32 $0x400;
	[sflag:s10] =	ssyncadd.s32 $0xFFFFF830  }
0x45: {  	[spmem:s2] =	stream.indirect.scatter.add.f32 [tilespmem:s14], [sflag:$0x2], $0x10, s30, s13, $0xb8;
	[tilespmem:$0xCD00] =	vst v63  }
0x46: {  	_ =	swait.ge [sflag:s10], $0x7D0  }
0x47: {  	[sflag:s10] =	ssyncset.done $0x0  }
0x48: {  	s31 =	simm.s32 $0x480;
	[sflag:s10] =	ssyncadd.s32 $0xFFFFF830  }
0x49: {  	[spmem:s2] =	stream.indirect.scatter.add.f32 [tilespmem:s15], [sflag:$0x2], $0x10, s31, s13, $0xb8;
	[tilespmem:$0xCD00] =	vst v63  }
0x4a: {  	_ =	swait.ge [sflag:s10], $0x7D0  }
0x4b: {  	[sflag:s10] =	ssyncset.done $0x0  }
0x4c: {  	s25 =	simm.s32 $0x500;
	[sflag:s10] =	ssyncadd.s32 $0xFFFFF830  }
0x4d: {  	[spmem:s2] =	stream.indirect.scatter.add.f32 [tilespmem:s16], [sflag:$0x2], $0x10, s25, s13, $0xb8;
	[tilespmem:$0xCD00] =	vst v63  }
0x4e: {  	_ =	swait.ge [sflag:s10], $0x7D0  }
0x4f: {  	[sflag:s10] =	ssyncset.done $0x0  }
0x50: {  	s26 =	simm.s32 $0x580;
	[sflag:s10] =	ssyncadd.s32 $0xFFFFF830  }
0x51: {  	[spmem:s2] =	stream.indirect.scatter.add.f32 [tilespmem:s17], [sflag:$0x2], $0x10, s26, s13, $0xb8;
	[tilespmem:$0xCD00] =	vst v63  }
0x52: {  	_ =	swait.ge [sflag:s10], $0x7D0  }
0x53: {  	[sflag:s10] =	ssyncset.done $0x0  }
0x54: {  	s28 =	simm.s32 $0x600;
	[sflag:s10] =	ssyncadd.s32 $0xFFFFF830  }
0x55: {  	[spmem:s2] =	stream.indirect.scatter.add.f32 [tilespmem:s18], [sflag:$0x2], $0x10, s28, s13, $0xb8;
	[tilespmem:$0xCD00] =	vst v63  }
0x56: {  	_ =	swait.ge [sflag:s10], $0x7D0  }
0x57: {  	[sflag:s10] =	ssyncset.done $0x0  }
0x58: {  	s29 =	simm.s32 $0x680;
	[sflag:s10] =	ssyncadd.s32 $0xFFFFF830  }
0x59: {  	[spmem:s2] =	stream.indirect.scatter.add.f32 [tilespmem:s19], [sflag:$0x2], $0x10, s29, s13, $0xb8;
	[tilespmem:$0xCD00] =	vst v63  }
0x5a: {  	_ =	swait.ge [sflag:s10], $0x7D0  }
0x5b: {  	[sflag:s10] =	ssyncset.done $0x0  }
0x5c: {  	s30 =	simm.s32 $0x700;
	[sflag:s10] =	ssyncadd.s32 $0xFFFFF830  }
0x5d: {  	[spmem:s2] =	stream.indirect.scatter.add.f32 [tilespmem:s20], [sflag:$0x2], $0x10, s30, s13, $0xb8;
	[tilespmem:$0xCD00] =	vst v63  }
0x5e: {  	_ =	swait.ge [sflag:s10], $0x7D0  }
0x5f: {  	[sflag:s10] =	ssyncset.done $0x0  }
0x60: {  	s31 =	simm.s32 $0x780;
	[sflag:s10] =	ssyncadd.s32 $0xFFFFF830  }
0x61: {  	[spmem:s2] =	stream.indirect.scatter.add.f32 [tilespmem:s21], [sflag:$0x2], $0x10, s31, s13, $0xb8;
	[tilespmem:$0xCD00] =	vst v63  }
0x62: {  	_ =	swait.ge [sflag:s10], $0x7D0  }
0x63: {  	s24 =	simm.s32 $0x2000;
	s25 =	smov.u32 s8;
	[sflag:s10] =	ssyncset.done $0x0  }
.LBB2_2:
0x64: {  	[sflag:s10] =	ssyncadd.s32 $0xFFFFF830;
	s25 =	sadd.s32 $0xFA0, s25  }
0x65: {  	[tilespmem:s11], [sflag:$0x1] =	stream.linear.gather [hbm4b:s25+s3], $0x7D00, $0x38;
	[tilespmem:$0xCD00] =	vst v63  }
0x66: {  	_ =	swait.ge [sflag:s12], $0x7D00  }
0x67: {  	s26 =	smov.u32 s24;
	[sflag:s12] =	ssyncset.done $0x0  }
0x68: {  	s26 =	sshra.s32 s26, $0x2;
	[sflag:s12] =	ssyncadd.s32 $0xFFFF8300  }
0x69: {  	[spmem:s2] =	stream.indirect.scatter.add.f32 [tilespmem:s11], [sflag:$0x2], $0x10, s26, s13, $0xb8;
	[tilespmem:$0xCD00] =	vst v63  }
0x6a: {  	_ =	swait.ge [sflag:s10], $0x7D0  }
0x6b: {  	[sflag:s10] =	ssyncset.done $0x0  }
0x6c: {  	s29 =	sadd.s32 $0x80, s26;
	s28 =	rddreg [dreg:$0x3];
	[sflag:s10] =	ssyncadd.s32 $0xFFFFF830  }
0x6d: {  	[spmem:s2] =	stream.indirect.scatter.add.f32 [tilespmem:s28], [sflag:$0x2], $0x10, s29, s13, $0xb8;
	[tilespmem:$0xCD00] =	vst v63  }
0x6e: {  	_ =	swait.ge [sflag:s10], $0x7D0  }
0x6f: {  	[sflag:s10] =	ssyncset.done $0x0  }
0x70: {  	s30 =	sadd.s32 $0x100, s26;
	s31 =	rddreg [dreg:$0x4];
	[sflag:s10] =	ssyncadd.s32 $0xFFFFF830  }
0x71: {  	[spmem:s2] =	stream.indirect.scatter.add.f32 [tilespmem:s31], [sflag:$0x2], $0x10, s30, s13, $0xb8;
	[tilespmem:$0xCD00] =	vst v63  }
0x72: {  	_ =	swait.ge [sflag:s10], $0x7D0  }
0x73: {  	[sflag:s10] =	ssyncset.done $0x0  }
0x74: {  	s30 =	sadd.s32 $0x180, s26;
	s31 =	rddreg [dreg:$0x5];
	[sflag:s10] =	ssyncadd.s32 $0xFFFFF830  }
0x75: {  	[spmem:s2] =	stream.indirect.scatter.add.f32 [tilespmem:s31], [sflag:$0x2], $0x10, s30, s13, $0xb8;
	[tilespmem:$0xCD00] =	vst v63  }
0x76: {  	_ =	swait.ge [sflag:s10], $0x7D0  }
0x77: {  	[sflag:s10] =	ssyncset.done $0x0  }
0x78: {  	s30 =	sadd.s32 $0x200, s26;
	s31 =	rddreg [dreg:$0x6];
	[sflag:s10] =	ssyncadd.s32 $0xFFFFF830  }
0x79: {  	[spmem:s2] =	stream.indirect.scatter.add.f32 [tilespmem:s31], [sflag:$0x2], $0x10, s30, s13, $0xb8;
	[tilespmem:$0xCD00] =	vst v63  }
0x7a: {  	_ =	swait.ge [sflag:s10], $0x7D0  }
0x7b: {  	[sflag:s10] =	ssyncset.done $0x0  }
0x7c: {  	s30 =	sadd.s32 $0x280, s26;
	s31 =	rddreg [dreg:$0x7];
	[sflag:s10] =	ssyncadd.s32 $0xFFFFF830  }
0x7d: {  	[spmem:s2] =	stream.indirect.scatter.add.f32 [tilespmem:s31], [sflag:$0x2], $0x10, s30, s13, $0xb8;
	[tilespmem:$0xCD00] =	vst v63  }
0x7e: {  	_ =	swait.ge [sflag:s10], $0x7D0  }
0x7f: {  	[sflag:s10] =	ssyncset.done $0x0  }
0x80: {  	s30 =	sadd.s32 $0x300, s26;
	s31 =	rddreg [dreg:$0x8];
	[sflag:s10] =	ssyncadd.s32 $0xFFFFF830  }
0x81: {  	[spmem:s2] =	stream.indirect.scatter.add.f32 [tilespmem:s31], [sflag:$0x2], $0x10, s30, s13, $0xb8;
	[tilespmem:$0xCD00] =	vst v63  }
0x82: {  	_ =	swait.ge [sflag:s10], $0x7D0  }
0x83: {  	[sflag:s10] =	ssyncset.done $0x0  }
0x84: {  	s30 =	sadd.s32 $0x380, s26;
	s31 =	rddreg [dreg:$0x9];
	[sflag:s10] =	ssyncadd.s32 $0xFFFFF830  }
0x85: {  	[spmem:s2] =	stream.indirect.scatter.add.f32 [tilespmem:s31], [sflag:$0x2], $0x10, s30, s13, $0xb8;
	[tilespmem:$0xCD00] =	vst v63  }
0x86: {  	_ =	swait.ge [sflag:s10], $0x7D0  }
0x87: {  	[sflag:s10] =	ssyncset.done $0x0  }
0x88: {  	s31 =	sadd.s32 $0x400, s26;
	[sflag:s10] =	ssyncadd.s32 $0xFFFFF830  }
0x89: {  	[spmem:s2] =	stream.indirect.scatter.add.f32 [tilespmem:s14], [sflag:$0x2], $0x10, s31, s13, $0xb8;
	[tilespmem:$0xCD00] =	vst v63  }
0x8a: {  	_ =	swait.ge [sflag:s10], $0x7D0  }
0x8b: {  	[sflag:s10] =	ssyncset.done $0x0  }
0x8c: {  	s29 =	sadd.s32 $0x480, s26;
	[sflag:s10] =	ssyncadd.s32 $0xFFFFF830  }
0x8d: {  	[spmem:s2] =	stream.indirect.scatter.add.f32 [tilespmem:s15], [sflag:$0x2], $0x10, s29, s13, $0xb8;
	[tilespmem:$0xCD00] =	vst v63  }
0x8e: {  	_ =	swait.ge [sflag:s10], $0x7D0  }
0x8f: {  	[sflag:s10] =	ssyncset.done $0x0  }
0x90: {  	s30 =	sadd.s32 $0x500, s26;
	[sflag:s10] =	ssyncadd.s32 $0xFFFFF830  }
0x91: {  	[spmem:s2] =	stream.indirect.scatter.add.f32 [tilespmem:s16], [sflag:$0x2], $0x10, s30, s13, $0xb8;
	[tilespmem:$0xCD00] =	vst v63  }
0x92: {  	_ =	swait.ge [sflag:s10], $0x7D0  }
0x93: {  	[sflag:s10] =	ssyncset.done $0x0  }
0x94: {  	s31 =	sadd.s32 $0x580, s26;
	[sflag:s10] =	ssyncadd.s32 $0xFFFFF830  }
0x95: {  	[spmem:s2] =	stream.indirect.scatter.add.f32 [tilespmem:s17], [sflag:$0x2], $0x10, s31, s13, $0xb8;
	[tilespmem:$0xCD00] =	vst v63  }
0x96: {  	_ =	swait.ge [sflag:s10], $0x7D0  }
0x97: {  	[sflag:s10] =	ssyncset.done $0x0  }
0x98: {  	s29 =	sadd.s32 $0x600, s26;
	[sflag:s10] =	ssyncadd.s32 $0xFFFFF830  }
0x99: {  	[spmem:s2] =	stream.indirect.scatter.add.f32 [tilespmem:s18], [sflag:$0x2], $0x10, s29, s13, $0xb8;
	[tilespmem:$0xCD00] =	vst v63  }
0x9a: {  	_ =	swait.ge [sflag:s10], $0x7D0  }
0x9b: {  	[sflag:s10] =	ssyncset.done $0x0  }
0x9c: {  	s30 =	sadd.s32 $0x680, s26;
	[sflag:s10] =	ssyncadd.s32 $0xFFFFF830  }
0x9d: {  	[spmem:s2] =	stream.indirect.scatter.add.f32 [tilespmem:s19], [sflag:$0x2], $0x10, s30, s13, $0xb8;
	[tilespmem:$0xCD00] =	vst v63  }
0x9e: {  	_ =	swait.ge [sflag:s10], $0x7D0  }
0x9f: {  	[sflag:s10] =	ssyncset.done $0x0  }
0xa0: {  	s31 =	sadd.s32 $0x700, s26;
	[sflag:s10] =	ssyncadd.s32 $0xFFFFF830  }
0xa1: {  	[spmem:s2] =	stream.indirect.scatter.add.f32 [tilespmem:s20], [sflag:$0x2], $0x10, s31, s13, $0xb8;
	[tilespmem:$0xCD00] =	vst v63  }
0xa2: {  	p1 =	sne.s32 s24, $0x8000;
	_ =	swait.ge [sflag:s10], $0x7D0  }
.Ltmp0:
0xa3: {  	[sflag:s10] =	ssyncset.done $0x0;
	(pc) =	sbr.rel @p1 .LBB2_2-.Ltmp0, $4  }
0xa4: {  	s26 =	sadd.s32 $0x780, s26;
	[sflag:s10] =	ssyncadd.s32 $0xFFFFF830  }
0xa5: {  	[spmem:s2] =	stream.indirect.scatter.add.f32 [tilespmem:s21], [sflag:$0x2], $0x10, s26, s13, $0xb8;
	[tilespmem:$0xCD00] =	vst v63  }
0xa6: {  	_ =	swait.ge [sflag:s10], $0x7D0  }
0xa7: {  	s24 =	sadd.s32 $0x2000, s24;
	[sflag:s10] =	ssyncset.done $0x0  }
0xa8: {  	s23 =	sadd.s32 $0x1, s23  }
0xa9: {  	[sflag:s10] =	ssyncadd.s32 $0xFFFFF830;
	s24 =	sshll.u32 s0, $0x6;
	p1 =	sne.s32 s23, s7  }
.Ltmp1:
0xaa: {  	[bflag:$0x0] =	sbarrier.arrive $0xFFFF;
	s24 =	sor.u32 $0x1C02, s24;
	(pc) =	sbr.rel @p1 .LBB2_1-.Ltmp1, $4  }
0xab: {  	[hbm:s6], [sflag:s24] =	dma.local [spmem:s22], $0x500  }
0xac: {  	_ =	swait.ge [sflag:s10], $0x500  }
0xad: {  	[sflag:s10] =	ssyncset.done $0x0  }
0xae: {  	[sflag:s10] =	ssyncadd.s32 $0xFFFFFB00  }
0xaf: {  	_ =	sfence.sel $0x180000  }
0xb0: {  	[bflag:$0x0] =	sbarrier.arrive $0xFFFF  }
0xb1: {  	_ =	strace $0x90000047  }
0xb2: {  	s0 =	sadd.s32 @!p0 $0x100000, s1;
	[bflag:$0x2] =	sbarrier.arrive $0xFFFF  }
0xb3: {  	[sflag:s0] =	ssyncadd.tile.s32 @!p0 $0x1;
	_ =	shalt  }
.Lfunc_end2:
_tile_overlayer_lowered:
.L_overlay_start_2:
0xb4: {  	(tag) =	ssettag $0x2  }
0xb5: {  	s0 =	rddreg [dreg:$0x0];
	s2 =	stileid.u32  }
0xb6: {  	s1 =	rddreg [dreg:$0x1];
	p0 =	sne.s32 s2, $0x0  }
0xb7: {  	s3 =	rddreg [dreg:$0x2];
	[bflag:$0x3] =	sbarrier.arrive $0xFFFF;
	s2 =	simm.s32 @!p0 $0x1C02  }
0xb8: {  	[timem:s3], [sflag:s2] =	dma.local @!p0 [hbm:s0], s1  }
0xb9: {  	s0 =	simm.s32 @!p0 $0x2  }
0xba: {  	_ =	swait.ge @!p0 [sflag:s0], s1  }
0xbb: {  	s1 =	ssub.s32 @!p0 $0x0, s1;
	[sflag:s0] =	ssyncset.done @!p0 $0x0  }
0xbc: {  	[sflag:s0] =	ssyncadd.s32 @!p0 s1  }
0xbd: {  	[bflag:$0x3] =	sbarrier.arrive $0xFFFF  }
0xbe: {  	_ =	shalt  }

// kernel: kernel.15.cloned.1.call-start
scs
__scs_entry_jumppad:
0x0: {  	(pc) =	sbr.rel $0x88, $3  }
0x1: {  	(tag) =	ssettag $0x0;
	lr =	simm.s32 $0x1  }
0x2: {  	[smem:$0x3F93] =	sst lr;
	_ =	strace $0xD0000000  }
0x3: {  	_ = 	snop  }
0x4: {  	_ = 	snop  }
0x5: {  	_ = 	snop  }
0x6: {  	_ = 	snop  }
0x7: {  	_ = 	snop  }
__scs_overlays_trampoline_lowered:
0x8: {  	[smem:$0x3FA2] =	sst s0  }
0x9: {  	[smem:$0x3FA3] =	sst s1  }
0xa: {  	[smem:$0x3FA4] =	sst s2  }
0xb: {  	[smem:$0x3FA5] =	sst s3  }
0xc: {  	[smem:$0x3FA6] =	sst s4  }
0xd: {  	[smem:$0x3FA7] =	sst s5  }
0xe: {  	[smem:$0x3FA8] =	sst s6  }
0xf: {  	[smem:$0x3FA9] =	sst s7  }
0x10: {  	[smem:$0x3FAA] =	sst s8  }
0x11: {  	[smem:$0x3FAB] =	sst s9;
	s0 =	simm.s32 @!p0 $0x0  }
0x12: {  	s1 =	sld [smem:$0x3F91];
	s0 =	simm.s32 @p0 $0x1  }
0x13: {  	[smem:$0x3FAC] =	sst s0;
	s0 =	simm.s32 @!p1 $0x0  }
0x14: {  	s2 =	sld [smem:$0x3F90];
	s0 =	simm.s32 @p1 $0x1  }
0x15: {  	[smem:$0x3FAD] =	sst s0;
	s0 =	simm.s32 @!p2 $0x0  }
0x16: {  	s3 =	sld [smem:$0x3FDB];
	s0 =	simm.s32 @p2 $0x1  }
0x17: {  	s4 =	simm.s32 $0x1BF5;
	[smem:$0x3FAF] =	sst s0  }
0x18: {  	s0 =	sld [smem:$0x3F92];
	_ =	swait.ge [sflag:s4], $0x0  }
0x19: {  	s7 =	sld [smem:$0x3F93]  }
0x1a: {  	s8 =	sadd.s32 $0xFFFFE003, lr  }
0x1b: {  	s9 =	sadd.s32 $0xFFFFFEF7, lr;
	s5 =	simm.s32 $0xFFFFFFFF;
	p2 =	slt.u32 s8, $0xFFFFF086  }
0x1c: {  	p1 =	slt.u32 s9, $0xF7A;
	s5 =	simm.s32 @!p2 $0x0  }
0x1d: {  	s5 =	simm.s32 @p1 $0x1;
	p0 =	seq.s32 s7, s2  }
0x1e: {  	s7 =	smul.u32 @!p0 $0xF7A, s2;
	p2 =	seq.s32 @!p0 s5, $0x0  }
0x1f: {  	s9 =	smul.u32 $0xF7A, s1;
	s8 =	simm.s32 @!p0 $0x1BF5;
	p2 =	por !p2, p0  }
0x20: {  	[sflag:s8] =	ssyncset.s32 @!p0 $0xFFFFF086;
	s6 =	sadd.s32 @!p0 s3, s7;
	s7 =	simm.s32 @!p0 $0x108  }
0x21: {  	s3 =	sadd.s32 s3, s9;
	s6 =	sadd.s32 @!p0 $0x88, s6;
	s7 =	simm.s32 @p2 $0x1082  }
0x22: {  	[simem:s7], [sflag:s8] =	dma.local @!p0 [hbm:s6], $0xF7A  }
0x23: {  	s9 =	sor.u32 $0xD0000000, s2;
	s6 =	simm.s32 $0x108;
	_ =	swait.ge @!p0 [sflag:s8], $0x0  }
0x24: {  	s3 =	sadd.s32 $0x88, s3;
	s6 =	simm.s32 @!p1 $0x1082;
	[sflag:s4] =	ssyncset.s32 $0xFFFFF086  }
0x25: {  	[simem:s6], [sflag:s4] =	dma.local [hbm:s3], $0xF7A  }
0x26: {  	[smem:$0x3F93] =	sst s1;
	(tag) =	ssettag s2;
	_ =	strace s9  }
0x27: {  	s1 =	sld [smem:$0x3FA3]  }
0x28: {  	s2 =	sld [smem:$0x3FA4]  }
0x29: {  	s4 =	sld [smem:$0x3FA6]  }
0x2a: {  	p0 =	seq.s32 s5, $0x0;
	s5 =	sld [smem:$0x3FA7]  }
0x2b: {  	s6 =	sld [smem:$0x3FA8]  }
0x2c: {  	s7 =	sld [smem:$0x3FA9]  }
0x2d: {  	s3 =	simm.s32 $0x108;
	s8 =	sld [smem:$0x3FAA]  }
0x2e: {  	s3 =	simm.s32 @!p0 $0x1082;
	s9 =	sld [smem:$0x3FAB]  }
0x2f: {  	lr =	sadd.s32 s0, s3;
	s0 =	sld [smem:$0x3FA2]  }
0x30: {  	s3 =	sld [smem:$0x3FA5]  }
0x31: {  	[smem:$0x3FAE] =	sst s10  }
0x32: {  	s10 =	sld [smem:$0x3FAC];
	_ =	sdelay $0x3  }
0x33: {  	p0 =	seq.s32 s10, $0x1;
	s10 =	sld [smem:$0x3FAE];
	_ =	sdelay $0x3  }
0x34: {  	[smem:$0x3FAE] =	sst s10  }
0x35: {  	s10 =	sld [smem:$0x3FAD];
	_ =	sdelay $0x3  }
0x36: {  	p1 =	seq.s32 s10, $0x1;
	s10 =	sld [smem:$0x3FAE];
	_ =	sdelay $0x3  }
0x37: {  	[smem:$0x3FAE] =	sst s10  }
0x38: {  	s10 =	sld [smem:$0x3FAF]  }
0x39: {  	_ = 	snop;
	(pc) =	sbr.ind lr, $3  }
0x3a: {  	_ = 	snop  }
0x3b: {  	_ = 	snop  }
0x3c: {  	p2 =	seq.s32 s10, $0x1;
	s10 =	sld [smem:$0x3FAE]  }
0x3d: {  	_ =	shalt  }
0x3e: {  	_ =	shalt  }
0x3f: {  	_ =	shalt  }
0x40: {  	_ =	shalt  }
0x41: {  	_ =	shalt  }
0x42: {  	_ =	shalt  }
0x43: {  	_ =	shalt  }
0x44: {  	_ =	shalt  }
0x45: {  	_ =	shalt  }
0x46: {  	_ =	shalt  }
0x47: {  	_ =	shalt  }
0x48: {  	_ =	shalt  }
0x49: {  	_ =	shalt  }
0x4a: {  	_ =	shalt  }
0x4b: {  	_ =	shalt  }
0x4c: {  	_ =	shalt  }
0x4d: {  	_ =	shalt  }
0x4e: {  	_ =	shalt  }
0x4f: {  	_ =	shalt  }
0x50: {  	_ =	shalt  }
0x51: {  	_ =	shalt  }
0x52: {  	_ =	shalt  }
0x53: {  	_ =	shalt  }
0x54: {  	_ =	shalt  }
0x55: {  	_ =	shalt  }
0x56: {  	_ =	shalt  }
0x57: {  	_ =	shalt  }
0x58: {  	_ =	shalt  }
0x59: {  	_ =	shalt  }
0x5a: {  	_ =	shalt  }
0x5b: {  	_ =	shalt  }
0x5c: {  	_ =	shalt  }
0x5d: {  	_ =	shalt  }
0x5e: {  	_ =	shalt  }
0x5f: {  	_ =	shalt  }
0x60: {  	_ =	shalt  }
0x61: {  	_ =	shalt  }
0x62: {  	_ =	shalt  }
0x63: {  	_ =	shalt  }
0x64: {  	_ =	shalt  }
0x65: {  	_ =	shalt  }
0x66: {  	_ =	shalt  }
0x67: {  	_ =	shalt  }
0x68: {  	_ =	shalt  }
0x69: {  	_ =	shalt  }
0x6a: {  	_ =	shalt  }
0x6b: {  	_ =	shalt  }
0x6c: {  	_ =	shalt  }
0x6d: {  	_ =	shalt  }
0x6e: {  	_ =	shalt  }
0x6f: {  	_ =	shalt  }
0x70: {  	_ =	shalt  }
0x71: {  	_ =	shalt  }
0x72: {  	_ =	shalt  }
0x73: {  	_ =	shalt  }
0x74: {  	_ =	shalt  }
0x75: {  	_ =	shalt  }
0x76: {  	_ =	shalt  }
0x77: {  	_ =	shalt  }
0x78: {  	_ =	shalt  }
0x79: {  	_ =	shalt  }
0x7a: {  	_ =	shalt  }
0x7b: {  	_ =	shalt  }
0x7c: {  	_ =	shalt  }
0x7d: {  	_ =	shalt  }
0x7e: {  	_ =	shalt  }
0x7f: {  	_ =	shalt  }
0x80: {  	_ =	shalt  }
0x81: {  	_ =	shalt  }
0x82: {  	_ =	shalt  }
0x83: {  	_ =	shalt  }
0x84: {  	_ =	shalt  }
0x85: {  	_ =	shalt  }
0x86: {  	_ =	shalt  }
0x87: {  	_ =	shalt  }
.Lfunc_end0:
.L_simem_size_0:
called_computation.2_lowered:
.L_overlay_start_0:
0x88: {  	s2 =	sld [smem:$0x3FD9]  }
0x89: {  	s3 =	sld [smem:$0x3FFE];
	_ =	sdelay $0x1  }
0x8a: {  	s1 =	srdreg.scid  }
0x8b: {  	s0 =	sand.u32 $0x1, s1  }
0x8c: {  	s16 =	sshll.u32 s0, $0xA;
	s2 =	sadd.s32 s3, s2  }
0x8d: {  	s2 =	sadd.s32 s2, s16  }
0x8e: {  	[smem:$0x3FBA] =	sst s2  }
0x8f: {  	_ = 	snop  }
0x90: {  	(tm) =	ssettm $0x1  }
0x91: {  	s17 =	sld [smem:$0x3FFB];
	_ =	sdelay $0x3  }
0x92: {  	_ =	strace s17  }
0x93: {  	s2 =	sld [smem:$0x3FFC];
	_ =	sdelay $0x3  }
0x94: {  	_ =	strace s2  }
0x95: {  	s2 =	sld [smem:$0x3FFD];
	_ =	sdelay $0x3  }
0x96: {  	_ =	strace s2  }
0x97: {  	_ =	strace $0x8FFFFFFF  }
0x98: {  	s18 =	sld [smem:$0x3FDB];
	_ =	sdelay $0x1  }
0x99: {  	s19 =	simm.s32 $_scs_section_size  }
0x9a: {  	s4 =	simm.s32 $_size__tile_overlayer_lowered;
	s5 =	simm.s32 $_tile_overlayer_lowered  }
0x9b: {  	s22 =	simm.s32 $0x1BFF;
	s21 =	sshll.u32 s5, $0x1;
	s2 =	sadd.s32 s19, s18  }
0x9c: {  	s6 =	simm.s32 $0x0;
	s20 =	sshll.u32 s4, $0x1;
	s4 =	sadd.s32 s21, s2  }
0x9d: {  	[timem:s6], [sflag:s22] =	dma.local [hbm:s4], s20  }
0x9e: {  	_ =	swait.ge [sflag:s22], s20  }
0x9f: {  	s3 =	ssub.s32 $0x0, s20;
	[sflag:s22] =	ssyncset.done $0x0  }
0xa0: {  	[sflag:s22] =	ssyncadd.s32 s3;
	_ =	sdelay $0x1  }
0xa1: {  	s23 =	simm.s32 $0x1B8B  }
0xa2: {  	_ =	swait.ge [sflag:s23], $0x1  }
0xa3: {  	[sflag:s23] =	ssyncset.done $0x0  }
0xa4: {  	s25 =	simm.s32 $0x1B8E;
	s24 =	sld [smem:$0x3FFE];
	[sflag:s23] =	ssyncadd.s32 $0xFFFFFFFF  }
0xa5: {  	s26 =	simm.s32 $execute0_lowered;
	[smem:$0x3FD2] =	sst s25  }
0xa6: {  	s4 =	sshll.u32 s26, $0x1;
	_ =	strace $0x8000004C;
	[dreg:$0x1] =	wrdreg $0xFFFFFFFF  }
0xa7: {  	s28 =	simm.s32 $_size_execute0_lowered;
	s2 =	sadd.s32 s2, s4;
	[dreg:$0x0] =	wrdreg $0x0  }
0xa8: {  	s4 =	sshll.u32 s28, $0x1;
	[dreg:$0x2] =	wrdreg s2  }
0xa9: {  	[dreg:$0x3] =	wrdreg s4  }
0xaa: {  	[dreg:$0x4] =	wrdreg $0xC0  }
0xab: {  	_ =	task [dreg:s6], $0x5FFFF  }
0xac: {  	[dreg:$0x1] =	wrdreg $0xFFFFFFFF  }
0xad: {  	[dreg:$0x0] =	wrdreg $0x60  }
0xae: {  	[dreg:$0x2] =	wrdreg s24  }
0xaf: {  	[dreg:$0x3] =	wrdreg $0x14A200  }
0xb0: {  	[dreg:$0x4] =	wrdreg $0x9  }
0xb1: {  	_ =	task.clear_ibuf [dreg:s6], $0x5FFFF;
	_ =	strace $0x9000004C  }
0xb2: {  	s29 =	simm.s32 $0x9;
	_ =	strace $0x8000004E  }
0xb3: {  	_ =	swait.ge [sflag:s29], $0x1  }
0xb4: {  	[sflag:s29] =	ssyncadd.s32 $0xFFFFFFFF  }
0xb5: {  	_ =	strace $0x9000004E  }
0xb6: {  	_ =	sfence  }
0xb7: {  	s30 =	sld [smem:$0x0];
	_ =	sdelay $0x2  }
0xb8: {  	s31 =	sshll.u32 s1, $0xD;
	s1 =	sshrl.u32 s1, $0x2  }
0xb9: {  	s3 =	sand.u32 $0x4000, s31;
	s1 =	sadd.s32 s1, s30  }
0xba: {  	s0 =	sor.u32 s3, s0;
	s1 =	sshll.u32 s1, $0x11  }
0xbb: {  	s0 =	sor.u32 s1, s0  }
0xbc: {  	s0 =	sadd.s32 $0x8F2B, s0  }
0xbd: {  	[sflag:s0] =	ssyncadd.remote.s32 $0x1  }
0xbe: {  	_ =	sfence.sel $0xFFFF  }
0xbf: {  	[dreg:$0x0] =	wrdreg $0xFFFFFFFF;
	(pc) =	sbr.abs _section_cstart, $3  }
0xc0: {  	[dreg:$0x1] =	wrdreg $0xFFFFFFFF  }
0xc1: {  	_ =	task.clear_ibuf [dreg:s6], $0x2FFFF;
	_ =	strace $0x9FFFFFFF  }
0xc2: {  	(tm) =	ssettm $0x7FFFFFFF  }
0xc3: {  	_ =	shalt  }
tec
execute0_lowered:
.L_overlay_start_1:
0x0: {  	(tag) =	ssettag $0x1  }
0x1: {  	s0 =	rddreg [dreg:$0x0]  }
0x2: {  	s1 =	rddreg [dreg:$0x1]  }
0x3: {  	s2 =	srdreg.scid;
	s9 =	stileid.u32  }
0x4: {  	s4 =	simm.s32 $0x0;
	s15 =	simm.s32 $0x3;
	s18 =	simm.s32 $0x7D  }
0x5: {  	s29 =	simm.s32 $0x5000;
	s30 =	simm.s32 $0x57D0;
	s31 =	simm.s32 $0x5FA0  }
0x6: {  	s10 =	simm.s32 $0x6770;
	s12 =	simm.s32 $0x6F40;
	s13 =	simm.s32 $0x7710  }
0x7: {  	s17 =	simm.s32 $0x7EE0;
	s14 =	simm.s32 $0xADC0;
	s16 =	simm.s32 $0xB590  }
0x8: {  	s2 =	sand.u32 $0x1, s2;
	s3 =	sshll.u32 s9, $0x1;
	[smem:$0x7FF] =	sst s4  }
0x9: {  	s4 =	sadd.s32 $0x17B200, s0;
	s7 =	sadd.s32 $0xA7C00, s0;
	s20 =	smul.u32 $0x500, s9  }
0xa: {  	s8 =	sadd.s32 $0x153000, s0;
	s21 =	sadd.s32 $0x14E000, s0;
	s23 =	smul.u32 $0xA000, s9  }
0xb: {  	p0 =	sne.s32 s9, $0x0;
	s9 =	simm.s32 $0x1;
	s3 =	sor.u32 s2, s3  }
0xc: {  	_ =	strace $0x8000004D;
	s6 =	smul.u32 $0x5000, s2;
	[dreg:$0x3] =	wrdreg s7  }
0xd: {  	[dreg:$0x4] =	wrdreg s8;
	s2 =	ssub.s32 $0x2, s2;
	s5 =	smul.u32 $0x500, s3  }
0xe: {  	[dreg:$0x5] =	wrdreg s21;
	s22 =	sshrl.u32 s2, $0x1;
	s3 =	smul.u32 $0x4E2, s3  }
0xf: {  	s7 =	simm.s32 $0x2;
	s26 =	sshrl.u32 s23, $0x2;
	s2 =	ssub.s32 s2, s22  }
0x10: {  	s5 =	sadd.s32 s5, s0;
	[dreg:$0x6] =	wrdreg s3;
	s2 =	smax.u32 s2, $0x1  }
0x11: {  	s6 =	sadd.s32 s20, s6;
	s24 =	sadd.s32 $0x144000, s5;
	[dreg:$0xa] =	wrdreg s2  }
0x12: {  	s0 =	sadd.s32 s6, s0;
	s25 =	sadd.s32 $0x15D000, s5;
	[dreg:$0x7] =	wrdreg s24  }
0x13: {  	s28 =	sadd.s32 s26, s1;
	s0 =	sadd.s32 $0x167000, s0;
	[dreg:$0x8] =	wrdreg s25  }
0x14: {  	s6 =	simm.s32 $0xC530;
	s2 =	sshrl.u32 @!p0 s1, $0x3;
	[dreg:$0x9] =	wrdreg s0  }
0x15: {  	s5 =	simm.s32 $0x0;
	[dreg:$0xb] =	wrdreg s2;
	s0 =	sshrl.u32 s28, $0x3  }
0x16: {  	s2 =	simm.s32 $0xBD60;
	[dreg:$0xc] =	wrdreg s0;
	s0 =	simm.s32 $0xA5F0  }
.LBB2_1:
0x17: {  	[dreg:$0xd] =	wrdreg s5  }
0x18: {  	s5 =	rddreg [dreg:$0x5]  }
0x19: {  	s3 =	simm.s32 @!p0 $0x1C03;
	s8 =	rddreg [dreg:$0xb]  }
0x1a: {  	[spmem:s8], [sflag:s3] =	dma.local @!p0 [hbm:s5], $0x5000  }
0x1b: {  	s3 =	simm.s32 @!p0 $0x3  }
0x1c: {  	_ =	swait.ge @!p0 [sflag:s3], $0x5000  }
0x1d: {  	s22 =	simm.s32 $0x0;
	[sflag:s3] =	ssyncset.done @!p0 $0x0  }
0x1e: {  	s24 =	simm.s32 $0x14A00;
	s23 =	rddreg [dreg:$0x4];
	[sflag:s3] =	ssyncadd.s32 @!p0 $0xFFFFB000  }
0x1f: {  	[tilespmem:s24], [sflag:$0x3] =	stream.linear.gather [hbm4b:s23+s22], $0x20, $0x38;
	[tilespmem:$0x17220] =	vst v63  }
0x20: {  	_ =	swait.ge [sflag:s15], $0x20  }
0x21: {  	[sflag:s15] =	ssyncset.done $0x0  }
0x22: {  	s25 =	rddreg [dreg:$0x7];
	[sflag:s15] =	ssyncadd.s32 $0xFFFFFFE0  }
0x23: {  	[tilespmem:s22], [sflag:$0x3] =	stream.linear.gather [hbm4b:s25+s22], $0x2800, $0x38;
	[tilespmem:$0x17220] =	vst v63  }
0x24: {  	_ =	swait.ge [sflag:s15], $0x2800  }
0x25: {  	[sflag:s15] =	ssyncset.done $0x0  }
0x26: {  	s28 =	simm.s32 $0x2800;
	s26 =	rddreg [dreg:$0x8];
	[sflag:s15] =	ssyncadd.s32 $0xFFFFD800  }
0x27: {  	[tilespmem:s28], [sflag:$0x3] =	stream.linear.gather [hbm4b:s26+s22], $0x2800, $0x38;
	[tilespmem:$0x17220] =	vst v63  }
0x28: {  	_ =	swait.ge [sflag:s15], $0x2800  }
0x29: {  	[sflag:s15] =	ssyncset.done $0x0  }
0x2a: {  	[sflag:s15] =	ssyncadd.s32 $0xFFFFD800  }
0x2b: {  	[bflag:$0x0] =	sbarrier.arrive $0xFFFF  }
0x2c: {  	v1 =	vld [tilespmem:$0x14A10];
	_ =	sdelay $0x1  }
0x2d: {  	v0 =	vld [tilespmem:$0x14A00];
	_ =	sdelay $0x1  }
0x2e: {  	s11 =	simm.s32 $0x0  }
.LBB2_2:
0x2f: {  	s3 =	smul.u32 $0xFA, s11  }
0x30: {  	s5 =	rddreg [dreg:$0x6]  }
0x31: {  	s3 =	sadd.s32 s5, s3  }
0x32: {  	s25 =	rddreg [dreg:$0x3];
	s3 =	sshll.u32 s3, $0x4  }
0x33: {  	s26 =	simm.s32 $0x0;
	s8 =	simm.s32 $0xCD00;
	s3 =	sadd.s32 s25, s3  }
0x34: {  	[tilespmem:s8], [sflag:$0x2] =	stream.linear.gather [hbm4b:s3+s26], $0x7D00, $0x38;
	[tilespmem:$0x17220] =	vst v63  }
0x35: {  	s28 =	sshll.u32 s11, $0xB  }
0x36: {  	[tilespmem:s29], [sflag:$0x1] =	stream.indirect.gather [hbm4b:s4+s18], $0x10, s28, s18, $0xb8;
	[tilespmem:$0x17220] =	vst v63  }
0x37: {  	s26 =	sor.u32 $0x80, s28  }
0x38: {  	[tilespmem:s30], [sflag:$0x1] =	stream.indirect.gather [hbm4b:s4+s18], $0x10, s26, s18, $0xb8;
	[tilespmem:$0x17220] =	vst v63  }
0x39: {  	s24 =	sor.u32 $0x100, s28  }
0x3a: {  	[tilespmem:s31], [sflag:$0x1] =	stream.indirect.gather [hbm4b:s4+s18], $0x10, s24, s18, $0xb8;
	[tilespmem:$0x17220] =	vst v63  }
0x3b: {  	s23 =	sor.u32 $0x180, s28  }
0x3c: {  	[tilespmem:s10], [sflag:$0x1] =	stream.indirect.gather [hbm4b:s4+s18], $0x10, s23, s18, $0xb8;
	[tilespmem:$0x17220] =	vst v63  }
0x3d: {  	s22 =	sor.u32 $0x200, s28  }
0x3e: {  	[tilespmem:s12], [sflag:$0x1] =	stream.indirect.gather [hbm4b:s4+s18], $0x10, s22, s18, $0xb8;
	[tilespmem:$0x17220] =	vst v63  }
0x3f: {  	s21 =	sor.u32 $0x280, s28  }
0x40: {  	[tilespmem:s13], [sflag:$0x1] =	stream.indirect.gather [hbm4b:s4+s18], $0x10, s21, s18, $0xb8;
	[tilespmem:$0x17220] =	vst v63  }
0x41: {  	s20 =	sor.u32 $0x300, s28  }
0x42: {  	[tilespmem:s17], [sflag:$0x1] =	stream.indirect.gather [hbm4b:s4+s18], $0x10, s20, s18, $0xb8;
	[tilespmem:$0x17220] =	vst v63  }
0x43: {  	s19 =	sor.u32 $0x380, s28;
	s13 =	simm.s32 $0x86B0  }
0x44: {  	[tilespmem:s13], [sflag:$0x1] =	stream.indirect.gather [hbm4b:s4+s18], $0x10, s19, s18, $0xb8;
	[tilespmem:$0x17220] =	vst v63  }
0x45: {  	s8 =	sor.u32 $0x400, s28;
	s17 =	simm.s32 $0x8E80  }
0x46: {  	[tilespmem:s17], [sflag:$0x1] =	stream.indirect.gather [hbm4b:s4+s18], $0x10, s8, s18, $0xb8;
	[tilespmem:$0x17220] =	vst v63  }
0x47: {  	s5 =	sor.u32 $0x480, s28;
	s25 =	simm.s32 $0x9650  }
0x48: {  	[tilespmem:s25], [sflag:$0x1] =	stream.indirect.gather [hbm4b:s4+s18], $0x10, s5, s18, $0xb8;
	[tilespmem:$0x17220] =	vst v63  }
0x49: {  	s31 =	simm.s32 $0x9E20;
	s17 =	sor.u32 $0x500, s28  }
0x4a: {  	[tilespmem:s31], [sflag:$0x1] =	stream.indirect.gather [hbm4b:s4+s18], $0x10, s17, s18, $0xb8;
	[tilespmem:$0x17220] =	vst v63  }
0x4b: {  	s10 =	sor.u32 $0x580, s28  }
0x4c: {  	[tilespmem:s0], [sflag:$0x1] =	stream.indirect.gather [hbm4b:s4+s18], $0x10, s10, s18, $0xb8;
	[tilespmem:$0x17220] =	vst v63  }
0x4d: {  	s3 =	sor.u32 $0x600, s28  }
0x4e: {  	[tilespmem:s14], [sflag:$0x1] =	stream.indirect.gather [hbm4b:s4+s18], $0x10, s3, s18, $0xb8;
	[tilespmem:$0x17220] =	vst v63  }
0x4f: {  	s25 =	sor.u32 $0x680, s28  }
0x50: {  	[tilespmem:s16], [sflag:$0x1] =	stream.indirect.gather [hbm4b:s4+s18], $0x10, s25, s18, $0xb8;
	[tilespmem:$0x17220] =	vst v63  }
0x51: {  	s13 =	sor.u32 $0x700, s28  }
0x52: {  	[tilespmem:s2], [sflag:$0x1] =	stream.indirect.gather [hbm4b:s4+s18], $0x10, s13, s18, $0xb8;
	[tilespmem:$0x17220] =	vst v63  }
0x53: {  	s12 =	sor.u32 $0x780, s28  }
0x54: {  	[tilespmem:s6], [sflag:$0x1] =	stream.indirect.gather [hbm4b:s4+s18], $0x10, s12, s18, $0xb8;
	[tilespmem:$0x17220] =	vst v63  }
0x55: {  	_ =	swait.ge [sflag:s7], $0x7D00  }
0x56: {  	[sflag:s7] =	ssyncset.done $0x0  }
0x57: {  	[sflag:s7] =	ssyncadd.s32 $0xFFFF8300  }
0x58: {  	_ =	swait.ge [sflag:s9], $0x7D0  }
0x59: {  	[sflag:s9] =	ssyncset.done $0x0  }
0x5a: {  	[sflag:s9] =	ssyncadd.s32 $0xFFFFF830  }
0x5b: {  	_ =	swait.ge [sflag:s9], $0x7D0  }
0x5c: {  	[sflag:s9] =	ssyncset.done $0x0  }
0x5d: {  	[sflag:s9] =	ssyncadd.s32 $0xFFFFF830  }
0x5e: {  	_ =	swait.ge [sflag:s9], $0x7D0  }
0x5f: {  	[sflag:s9] =	ssyncset.done $0x0  }
0x60: {  	[sflag:s9] =	ssyncadd.s32 $0xFFFFF830  }
0x61: {  	_ =	swait.ge [sflag:s9], $0x7D0  }
0x62: {  	[sflag:s9] =	ssyncset.done $0x0  }
0x63: {  	[sflag:s9] =	ssyncadd.s32 $0xFFFFF830  }
0x64: {  	_ =	swait.ge [sflag:s9], $0x7D0  }
0x65: {  	[sflag:s9] =	ssyncset.done $0x0  }
0x66: {  	[sflag:s9] =	ssyncadd.s32 $0xFFFFF830  }
0x67: {  	_ =	swait.ge [sflag:s9], $0x7D0  }
0x68: {  	[sflag:s9] =	ssyncset.done $0x0  }
0x69: {  	[sflag:s9] =	ssyncadd.s32 $0xFFFFF830  }
0x6a: {  	_ =	swait.ge [sflag:s9], $0x7D0  }
0x6b: {  	[sflag:s9] =	ssyncset.done $0x0  }
0x6c: {  	[sflag:s9] =	ssyncadd.s32 $0xFFFFF830  }
0x6d: {  	_ =	swait.ge [sflag:s9], $0x7D0  }
0x6e: {  	[sflag:s9] =	ssyncset.done $0x0  }
0x6f: {  	[sflag:s9] =	ssyncadd.s32 $0xFFFFF830  }
0x70: {  	_ =	swait.ge [sflag:s9], $0x7D0  }
0x71: {  	[sflag:s9] =	ssyncset.done $0x0  }
0x72: {  	[sflag:s9] =	ssyncadd.s32 $0xFFFFF830  }
0x73: {  	_ =	swait.ge [sflag:s9], $0x7D0  }
0x74: {  	[sflag:s9] =	ssyncset.done $0x0  }
0x75: {  	[sflag:s9] =	ssyncadd.s32 $0xFFFFF830  }
0x76: {  	_ =	swait.ge [sflag:s9], $0x7D0  }
0x77: {  	[sflag:s9] =	ssyncset.done $0x0  }
0x78: {  	[sflag:s9] =	ssyncadd.s32 $0xFFFFF830  }
0x79: {  	_ =	swait.ge [sflag:s9], $0x7D0  }
0x7a: {  	[sflag:s9] =	ssyncset.done $0x0  }
0x7b: {  	[sflag:s9] =	ssyncadd.s32 $0xFFFFF830  }
0x7c: {  	_ =	swait.ge [sflag:s9], $0x7D0  }
0x7d: {  	[sflag:s9] =	ssyncset.done $0x0  }
0x7e: {  	[sflag:s9] =	ssyncadd.s32 $0xFFFFF830  }
0x7f: {  	_ =	swait.ge [sflag:s9], $0x7D0  }
0x80: {  	[sflag:s9] =	ssyncset.done $0x0  }
0x81: {  	[sflag:s9] =	ssyncadd.s32 $0xFFFFF830  }
0x82: {  	_ =	swait.ge [sflag:s9], $0x7D0  }
0x83: {  	[sflag:s9] =	ssyncset.done $0x0  }
0x84: {  	[sflag:s9] =	ssyncadd.s32 $0xFFFFF830  }
0x85: {  	_ =	swait.ge [sflag:s9], $0x7D0  }
0x86: {  	[sflag:s9] =	ssyncset.done $0x0  }
0x87: {  	s29 =	simm.s32 $0x0;
	[sflag:s9] =	ssyncadd.s32 $0xFFFFF830  }
0x88: {  	v8 =	vld [tilespmem:s29+$0xCD00]  }
0x89: {  	v9 =	vld [tilespmem:s29+$0xCD10]  }
0x8a: {  	v5 =	vld [tilespmem:s29+$0xCD20]  }
0x8b: {  	v4 =	vld [tilespmem:s29+$0xCD30]  }
0x8c: {  	v3 =	vld [tilespmem:s29+$0xCD40]  }
0x8d: {  	v2 =	vld [tilespmem:s29+$0xCD50]  }
0x8e: {  	v11 =	vld [tilespmem:s29+$0x5000]  }
0x8f: {  	v13 =	vld [tilespmem:s29+$0x5010]  }
0x90: {  	v7 =	vld [tilespmem:s29+$0xCD60]  }
0x91: {  	v6 =	vld [tilespmem:s29+$0xCD70]  }
0x92: {  	v12 =	vld [tilespmem:s29+$0x5020]  }
0x93: {  	v10 =	vld [tilespmem:s29+$0x5030];
	v8 =	vadd.f32 v8, v11  }
0x94: {  	v13 =	vadd.f32 v9, v13;
	v11 =	vld [tilespmem:s29+$0x5040]  }
0x95: {  	v9 =	vld [tilespmem:s29+$0x5050];
	v14 =	vmul.f32 v8, v0  }
0x96: {  	s30 =	simm.s32 $0x200;
	v13 =	vmul.f32 v13, v0;
	v8 =	vld [tilespmem:s29+$0x5060]  }
.LBB2_3:
0x97: {  	s31 =	sshra.s32 s30, $0x2;
	p1 =	sne.s32 s30, $0x1F200;
	v14 =	vadd.f32 v14, v1;
	v5 =	vadd.f32 v5, v12;
	v12 =	vld [tilespmem:s29+$0x5070]  }
0x98: {  	v15 =	vld [tilespmem:s31+$0xCD00];
	v13 =	vadd.f32 v13, v1;
	v4 =	vadd.f32 v4, v10  }
0x99: {  	v16 =	vld [tilespmem:s31+$0xCD10];
	v10 =	vmax.f32 v14, $0.0e+00;
	v14 =	vmul.f32 v5, v0;
	v3 =	vadd.f32 v3, v11  }
0x9a: {  	v5 =	vld [tilespmem:s31+$0xCD20];
	v11 =	vmax.f32 v13, $0.0e+00;
	v13 =	vmul.f32 v4, v0;
	v2 =	vadd.f32 v2, v9  }
0x9b: {  	v4 =	vld [tilespmem:s31+$0xCD30];
	v9 =	vadd.f32 v14, v1;
	v14 =	vmul.f32 v3, v0;
	v7 =	vadd.f32 v7, v8  }
0x9c: {  	v3 =	vld [tilespmem:s31+$0xCD40];
	[tilespmem:s29+$0x5000] =	vst v10;
	v8 =	vadd.f32 v13, v1;
	v10 =	vmul.f32 v2, v0;
	v6 =	vadd.f32 v6, v12  }
0x9d: {  	v2 =	vld [tilespmem:s31+$0xCD50];
	[tilespmem:s29+$0x5010] =	vst v11;
	v9 =	vmax.f32 v9, $0.0e+00;
	v11 =	vadd.f32 v14, v1;
	v7 =	vmul.f32 v7, v0  }
0x9e: {  	v13 =	vld [tilespmem:s31+$0x5000];
	[tilespmem:s29+$0x5020] =	vst v9;
	v8 =	vmax.f32 v8, $0.0e+00;
	v9 =	vadd.f32 v10, v1;
	v6 =	vmul.f32 v6, v0  }
0x9f: {  	v14 =	vld [tilespmem:s31+$0x5010];
	[tilespmem:s29+$0x5030] =	vst v8;
	v8 =	vmax.f32 v11, $0.0e+00;
	v10 =	vadd.f32 v7, v1  }
0xa0: {  	v7 =	vld [tilespmem:s31+$0xCD60];
	[tilespmem:s29+$0x5040] =	vst v8;
	v8 =	vmax.f32 v9, $0.0e+00;
	v9 =	vadd.f32 v6, v1  }
0xa1: {  	v6 =	vld [tilespmem:s31+$0xCD70];
	[tilespmem:s29+$0x5050] =	vst v8;
	v8 =	vmax.f32 v10, $0.0e+00  }
.Ltmp0:
0xa2: {  	v12 =	vld [tilespmem:s31+$0x5020];
	[tilespmem:s29+$0x5060] =	vst v8;
	v8 =	vmax.f32 v9, $0.0e+00;
	(pc) =	sbr.rel @p1 .LBB2_3-.Ltmp0, $4  }
0xa3: {  	v9 =	vadd.f32 v15, v13;
	v10 =	vld [tilespmem:s31+$0x5030];
	[tilespmem:s29+$0x5070] =	vst v8;
	s29 =	smov.u32 s31  }
0xa4: {  	v8 =	vadd.f32 v16, v14;
	v11 =	vld [tilespmem:s29+$0x5040]  }
0xa5: {  	v14 =	vmul.f32 v9, v0;
	v9 =	vld [tilespmem:s29+$0x5050]  }
0xa6: {  	s30 =	sadd.s32 $0x200, s30;
	v13 =	vmul.f32 v8, v0;
	v8 =	vld [tilespmem:s29+$0x5060]  }
0xa7: {  	v14 =	vadd.f32 v14, v1;
	v5 =	vadd.f32 v5, v12;
	v59 =	vld [tilespmem:s29+$0x5070]  }
0xa8: {  	v13 =	vadd.f32 v13, v1;
	v4 =	vadd.f32 v4, v10  }
0xa9: {  	v60 =	vmax.f32 v14, $0.0e+00;
	v5 =	vmul.f32 v5, v0;
	v3 =	vadd.f32 v3, v11  }
0xaa: {  	v61 =	vmax.f32 v13, $0.0e+00;
	v4 =	vmul.f32 v4, v0;
	v2 =	vadd.f32 v2, v9  }
0xab: {  	v5 =	vadd.f32 v5, v1;
	v3 =	vmul.f32 v3, v0;
	v7 =	vadd.f32 v7, v8  }
0xac: {  	[tilespmem:s29+$0x5000] =	vst v60;
	v4 =	vadd.f32 v4, v1;
	v2 =	vmul.f32 v2, v0;
	v6 =	vadd.f32 v6, v59  }
0xad: {  	[tilespmem:s29+$0x5010] =	vst v61;
	v5 =	vmax.f32 v5, $0.0e+00;
	v3 =	vadd.f32 v3, v1;
	v7 =	vmul.f32 v7, v0  }
0xae: {  	[tilespmem:s29+$0x5020] =	vst v5;
	v4 =	vmax.f32 v4, $0.0e+00;
	v2 =	vadd.f32 v2, v1;
	v62 =	vmul.f32 v6, v0  }
0xaf: {  	[tilespmem:s29+$0x5030] =	vst v4;
	v3 =	vmax.f32 v3, $0.0e+00;
	v63 =	vadd.f32 v7, v1  }
0xb0: {  	[tilespmem:s29+$0x5040] =	vst v3;
	v2 =	vmax.f32 v2, $0.0e+00;
	v3 =	vadd.f32 v62, v1  }
0xb1: {  	[tilespmem:s29+$0x5050] =	vst v2;
	v2 =	vmax.f32 v63, $0.0e+00  }
0xb2: {  	[tilespmem:s29+$0x5060] =	vst v2;
	v2 =	vmax.f32 v3, $0.0e+00  }
0xb3: {  	s28 =	sadd.s32 $0x2800, s28;
	[tilespmem:s29+$0x5070] =	vst v2;
	s29 =	simm.s32 $0x5000  }
0xb4: {  	[spmem:s1] =	stream.indirect.scatter.add.f32 [tilespmem:s29], [sflag:$0x3], $0x10, s28, s18, $0xb8;
	[tilespmem:$0x17220] =	vst v63  }
0xb5: {  	_ =	swait.ge [sflag:s15], $0x7D0  }
0xb6: {  	[sflag:s15] =	ssyncset.done $0x0  }
0xb7: {  	s26 =	sadd.s32 $0x2800, s26;
	s30 =	simm.s32 $0x57D0;
	[sflag:s15] =	ssyncadd.s32 $0xFFFFF830  }
0xb8: {  	[spmem:s1] =	stream.indirect.scatter.add.f32 [tilespmem:s30], [sflag:$0x3], $0x10, s26, s18, $0xb8;
	[tilespmem:$0x17220] =	vst v63  }
0xb9: {  	_ =	swait.ge [sflag:s15], $0x7D0  }
0xba: {  	[sflag:s15] =	ssyncset.done $0x0  }
0xbb: {  	s24 =	sadd.s32 $0x2800, s24;
	s31 =	simm.s32 $0x5FA0;
	[sflag:s15] =	ssyncadd.s32 $0xFFFFF830  }
0xbc: {  	[spmem:s1] =	stream.indirect.scatter.add.f32 [tilespmem:s31], [sflag:$0x3], $0x10, s24, s18, $0xb8;
	[tilespmem:$0x17220] =	vst v63  }
0xbd: {  	_ =	swait.ge [sflag:s15], $0x7D0  }
0xbe: {  	[sflag:s15] =	ssyncset.done $0x0  }
0xbf: {  	s23 =	sadd.s32 $0x2800, s23;
	s26 =	simm.s32 $0x6770;
	[sflag:s15] =	ssyncadd.s32 $0xFFFFF830  }
0xc0: {  	[spmem:s1] =	stream.indirect.scatter.add.f32 [tilespmem:s26], [sflag:$0x3], $0x10, s23, s18, $0xb8;
	[tilespmem:$0x17220] =	vst v63  }
0xc1: {  	_ =	swait.ge [sflag:s15], $0x7D0  }
0xc2: {  	[sflag:s15] =	ssyncset.done $0x0  }
0xc3: {  	s22 =	sadd.s32 $0x2800, s22;
	s28 =	simm.s32 $0x6F40;
	[sflag:s15] =	ssyncadd.s32 $0xFFFFF830  }
0xc4: {  	[spmem:s1] =	stream.indirect.scatter.add.f32 [tilespmem:s28], [sflag:$0x3], $0x10, s22, s18, $0xb8;
	[tilespmem:$0x17220] =	vst v63  }
0xc5: {  	_ =	swait.ge [sflag:s15], $0x7D0  }
0xc6: {  	[sflag:s15] =	ssyncset.done $0x0  }
0xc7: {  	s21 =	sadd.s32 $0x2800, s21;
	s24 =	simm.s32 $0x7710;
	[sflag:s15] =	ssyncadd.s32 $0xFFFFF830  }
0xc8: {  	[spmem:s1] =	stream.indirect.scatter.add.f32 [tilespmem:s24], [sflag:$0x3], $0x10, s21, s18, $0xb8;
	[tilespmem:$0x17220] =	vst v63  }
0xc9: {  	_ =	swait.ge [sflag:s15], $0x7D0  }
0xca: {  	[sflag:s15] =	ssyncset.done $0x0  }
0xcb: {  	s20 =	sadd.s32 $0x2800, s20;
	s26 =	simm.s32 $0x7EE0;
	[sflag:s15] =	ssyncadd.s32 $0xFFFFF830  }
0xcc: {  	[spmem:s1] =	stream.indirect.scatter.add.f32 [tilespmem:s26], [sflag:$0x3], $0x10, s20, s18, $0xb8;
	[tilespmem:$0x17220] =	vst v63  }
0xcd: {  	_ =	swait.ge [sflag:s15], $0x7D0  }
0xce: {  	[sflag:s15] =	ssyncset.done $0x0  }
0xcf: {  	s19 =	sadd.s32 $0x2800, s19;
	s28 =	simm.s32 $0x86B0;
	[sflag:s15] =	ssyncadd.s32 $0xFFFFF830  }
0xd0: {  	[spmem:s1] =	stream.indirect.scatter.add.f32 [tilespmem:s28], [sflag:$0x3], $0x10, s19, s18, $0xb8;
	[tilespmem:$0x17220] =	vst v63  }
0xd1: {  	_ =	swait.ge [sflag:s15], $0x7D0  }
0xd2: {  	[sflag:s15] =	ssyncset.done $0x0  }
0xd3: {  	s8 =	sadd.s32 $0x2800, s8;
	s20 =	simm.s32 $0x8E80;
	[sflag:s15] =	ssyncadd.s32 $0xFFFFF830  }
0xd4: {  	[spmem:s1] =	stream.indirect.scatter.add.f32 [tilespmem:s20], [sflag:$0x3], $0x10, s8, s18, $0xb8;
	[tilespmem:$0x17220] =	vst v63  }
0xd5: {  	_ =	swait.ge [sflag:s15], $0x7D0  }
0xd6: {  	[sflag:s15] =	ssyncset.done $0x0  }
0xd7: {  	s5 =	sadd.s32 $0x2800, s5;
	s21 =	simm.s32 $0x9650;
	[sflag:s15] =	ssyncadd.s32 $0xFFFFF830  }
0xd8: {  	[spmem:s1] =	stream.indirect.scatter.add.f32 [tilespmem:s21], [sflag:$0x3], $0x10, s5, s18, $0xb8;
	[tilespmem:$0x17220] =	vst v63  }
0xd9: {  	_ =	swait.ge [sflag:s15], $0x7D0  }
0xda: {  	[sflag:s15] =	ssyncset.done $0x0  }
0xdb: {  	s23 =	simm.s32 $0x9E20;
	s22 =	sadd.s32 $0x2800, s17;
	[sflag:s15] =	ssyncadd.s32 $0xFFFFF830  }
0xdc: {  	[spmem:s1] =	stream.indirect.scatter.add.f32 [tilespmem:s23], [sflag:$0x3], $0x10, s22, s18, $0xb8;
	[tilespmem:$0x17220] =	vst v63  }
0xdd: {  	_ =	swait.ge [sflag:s15], $0x7D0  }
0xde: {  	[sflag:s15] =	ssyncset.done $0x0  }
0xdf: {  	s24 =	sadd.s32 $0x2800, s10;
	[sflag:s15] =	ssyncadd.s32 $0xFFFFF830  }
0xe0: {  	[spmem:s1] =	stream.indirect.scatter.add.f32 [tilespmem:s0], [sflag:$0x3], $0x10, s24, s18, $0xb8;
	[tilespmem:$0x17220] =	vst v63  }
0xe1: {  	_ =	swait.ge [sflag:s15], $0x7D0  }
0xe2: {  	[sflag:s15] =	ssyncset.done $0x0  }
0xe3: {  	s3 =	sadd.s32 $0x2800, s3;
	[sflag:s15] =	ssyncadd.s32 $0xFFFFF830  }
0xe4: {  	[spmem:s1] =	stream.indirect.scatter.add.f32 [tilespmem:s14], [sflag:$0x3], $0x10, s3, s18, $0xb8;
	[tilespmem:$0x17220] =	vst v63  }
0xe5: {  	_ =	swait.ge [sflag:s15], $0x7D0  }
0xe6: {  	[sflag:s15] =	ssyncset.done $0x0  }
0xe7: {  	s25 =	sadd.s32 $0x2800, s25;
	[sflag:s15] =	ssyncadd.s32 $0xFFFFF830  }
0xe8: {  	[spmem:s1] =	stream.indirect.scatter.add.f32 [tilespmem:s16], [sflag:$0x3], $0x10, s25, s18, $0xb8;
	[tilespmem:$0x17220] =	vst v63  }
0xe9: {  	_ =	swait.ge [sflag:s15], $0x7D0  }
0xea: {  	[sflag:s15] =	ssyncset.done $0x0  }
0xeb: {  	s26 =	sadd.s32 $0x2800, s13;
	[sflag:s15] =	ssyncadd.s32 $0xFFFFF830  }
0xec: {  	[spmem:s1] =	stream.indirect.scatter.add.f32 [tilespmem:s2], [sflag:$0x3], $0x10, s26, s18, $0xb8;
	[tilespmem:$0x17220] =	vst v63  }
0xed: {  	s11 =	sadd.s32 $0x1, s11;
	_ =	swait.ge [sflag:s15], $0x7D0  }
0xee: {  	p1 =	sne.s32 s11, $0x5;
	[sflag:s15] =	ssyncset.done $0x0  }
.Ltmp1:
0xef: {  	s28 =	sadd.s32 $0x2800, s12;
	[sflag:s15] =	ssyncadd.s32 $0xFFFFF830;
	(pc) =	sbr.rel @p1 .LBB2_2-.Ltmp1, $4  }
0xf0: {  	[spmem:s1] =	stream.indirect.scatter.add.f32 [tilespmem:s6], [sflag:$0x3], $0x10, s28, s18, $0xb8;
	[tilespmem:$0x17220] =	vst v63  }
0xf1: {  	_ =	swait.ge [sflag:s15], $0x7D0  }
0xf2: {  	s17 =	simm.s32 $0x7EE0;
	s10 =	simm.s32 $0x6770;
	[sflag:s15] =	ssyncset.done $0x0  }
0xf3: {  	s13 =	simm.s32 $0x7710;
	s12 =	simm.s32 $0x6F40;
	[sflag:s15] =	ssyncadd.s32 $0xFFFFF830  }
0xf4: {  	s3 =	stileid.u32;
	[bflag:$0x0] =	sbarrier.arrive $0xFFFF  }
0xf5: {  	s3 =	sshll.u32 s3, $0x6;
	s5 =	rddreg [dreg:$0x9]  }
0xf6: {  	s8 =	rddreg [dreg:$0xc];
	s3 =	sor.u32 $0x1C03, s3  }
0xf7: {  	[hbm:s5], [sflag:s3] =	dma.local [spmem:s8], $0x500  }
0xf8: {  	_ =	swait.ge [sflag:s15], $0x500  }
0xf9: {  	s26 =	rddreg [dreg:$0xd]  }
0xfa: {  	s28 =	rddreg [dreg:$0xa];
	s5 =	sadd.s32 $0x1, s26  }
0xfb: {  	p1 =	sne.s32 s5, s28  }
.Ltmp2:
0xfc: {  	_ = 	snop;
	(pc) =	sbr.rel @p1 .LBB2_1-.Ltmp2, $3  }
0xfd: {  	_ =	sdelay $0x1  }
0xfe: {  	[sflag:s15] =	ssyncset.done $0x0  }
0xff: {  	[sflag:s15] =	ssyncadd.s32 $0xFFFFFB00  }
0x100: {  	_ =	sfence.sel $0x180000  }
0x101: {  	[bflag:$0x0] =	sbarrier.arrive $0xFFFF  }
0x102: {  	_ =	strace $0x9000004D  }
0x103: {  	[bflag:$0x2] =	sbarrier.arrive $0xFFFF  }
0x104: {  	s0 =	rddreg [dreg:$0x2]  }
0x105: {  	s0 =	sadd.s32 @!p0 $0x100000, s0  }
0x106: {  	[sflag:s0] =	ssyncadd.tile.s32 @!p0 $0x1;
	_ =	shalt  }
.Lfunc_end2:
_tile_overlayer_lowered:
.L_overlay_start_2:
0x107: {  	(tag) =	ssettag $0x2  }
0x108: {  	s0 =	rddreg [dreg:$0x0];
	s2 =	stileid.u32  }
0x109: {  	s1 =	rddreg [dreg:$0x1];
	p0 =	sne.s32 s2, $0x0  }
0x10a: {  	s3 =	rddreg [dreg:$0x2];
	[bflag:$0x3] =	sbarrier.arrive $0xFFFF;
	s2 =	simm.s32 @!p0 $0x1C03  }
0x10b: {  	[timem:s3], [sflag:s2] =	dma.local @!p0 [hbm:s0], s1  }
0x10c: {  	s0 =	simm.s32 @!p0 $0x3  }
0x10d: {  	_ =	swait.ge @!p0 [sflag:s0], s1  }
0x10e: {  	s1 =	ssub.s32 @!p0 $0x0, s1;
	[sflag:s0] =	ssyncset.done @!p0 $0x0  }
0x10f: {  	[sflag:s0] =	ssyncadd.s32 @!p0 s1  }
0x110: {  	[bflag:$0x3] =	sbarrier.arrive $0xFFFF  }
0x111: {  	_ =	shalt  }

// kernel: kernel.9.cloned.1.call-start
scs
__scs_entry_jumppad:
0x0: {  	(pc) =	sbr.rel $0x88, $3  }
0x1: {  	(tag) =	ssettag $0x0;
	lr =	simm.s32 $0x1  }
0x2: {  	[smem:$0x3F93] =	sst lr;
	_ =	strace $0xD0000000  }
0x3: {  	_ = 	snop  }
0x4: {  	_ = 	snop  }
0x5: {  	_ = 	snop  }
0x6: {  	_ = 	snop  }
0x7: {  	_ = 	snop  }
__scs_overlays_trampoline_lowered:
0x8: {  	[smem:$0x3FA2] =	sst s0  }
0x9: {  	[smem:$0x3FA3] =	sst s1  }
0xa: {  	[smem:$0x3FA4] =	sst s2  }
0xb: {  	[smem:$0x3FA5] =	sst s3  }
0xc: {  	[smem:$0x3FA6] =	sst s4  }
0xd: {  	[smem:$0x3FA7] =	sst s5  }
0xe: {  	[smem:$0x3FA8] =	sst s6  }
0xf: {  	[smem:$0x3FA9] =	sst s7  }
0x10: {  	[smem:$0x3FAA] =	sst s8  }
0x11: {  	[smem:$0x3FAB] =	sst s9;
	s0 =	simm.s32 @!p0 $0x0  }
0x12: {  	s1 =	sld [smem:$0x3F91];
	s0 =	simm.s32 @p0 $0x1  }
0x13: {  	[smem:$0x3FAC] =	sst s0;
	s0 =	simm.s32 @!p1 $0x0  }
0x14: {  	s2 =	sld [smem:$0x3F90];
	s0 =	simm.s32 @p1 $0x1  }
0x15: {  	[smem:$0x3FAD] =	sst s0;
	s0 =	simm.s32 @!p2 $0x0  }
0x16: {  	s3 =	sld [smem:$0x3FDB];
	s0 =	simm.s32 @p2 $0x1  }
0x17: {  	s4 =	simm.s32 $0x1BF5;
	[smem:$0x3FAF] =	sst s0  }
0x18: {  	s0 =	sld [smem:$0x3F92];
	_ =	swait.ge [sflag:s4], $0x0  }
0x19: {  	s7 =	sld [smem:$0x3F93]  }
0x1a: {  	s8 =	sadd.s32 $0xFFFFE003, lr  }
0x1b: {  	s9 =	sadd.s32 $0xFFFFFEF7, lr;
	s5 =	simm.s32 $0xFFFFFFFF;
	p2 =	slt.u32 s8, $0xFFFFF086  }
0x1c: {  	p1 =	slt.u32 s9, $0xF7A;
	s5 =	simm.s32 @!p2 $0x0  }
0x1d: {  	s5 =	simm.s32 @p1 $0x1;
	p0 =	seq.s32 s7, s2  }
0x1e: {  	s7 =	smul.u32 @!p0 $0xF7A, s2;
	p2 =	seq.s32 @!p0 s5, $0x0  }
0x1f: {  	s9 =	smul.u32 $0xF7A, s1;
	s8 =	simm.s32 @!p0 $0x1BF5;
	p2 =	por !p2, p0  }
0x20: {  	[sflag:s8] =	ssyncset.s32 @!p0 $0xFFFFF086;
	s6 =	sadd.s32 @!p0 s3, s7;
	s7 =	simm.s32 @!p0 $0x108  }
0x21: {  	s3 =	sadd.s32 s3, s9;
	s6 =	sadd.s32 @!p0 $0x88, s6;
	s7 =	simm.s32 @p2 $0x1082  }
0x22: {  	[simem:s7], [sflag:s8] =	dma.local @!p0 [hbm:s6], $0xF7A  }
0x23: {  	s9 =	sor.u32 $0xD0000000, s2;
	s6 =	simm.s32 $0x108;
	_ =	swait.ge @!p0 [sflag:s8], $0x0  }
0x24: {  	s3 =	sadd.s32 $0x88, s3;
	s6 =	simm.s32 @!p1 $0x1082;
	[sflag:s4] =	ssyncset.s32 $0xFFFFF086  }
0x25: {  	[simem:s6], [sflag:s4] =	dma.local [hbm:s3], $0xF7A  }
0x26: {  	[smem:$0x3F93] =	sst s1;
	(tag) =	ssettag s2;
	_ =	strace s9  }
0x27: {  	s1 =	sld [smem:$0x3FA3]  }
0x28: {  	s2 =	sld [smem:$0x3FA4]  }
0x29: {  	s4 =	sld [smem:$0x3FA6]  }
0x2a: {  	p0 =	seq.s32 s5, $0x0;
	s5 =	sld [smem:$0x3FA7]  }
0x2b: {  	s6 =	sld [smem:$0x3FA8]  }
0x2c: {  	s7 =	sld [smem:$0x3FA9]  }
0x2d: {  	s3 =	simm.s32 $0x108;
	s8 =	sld [smem:$0x3FAA]  }
0x2e: {  	s3 =	simm.s32 @!p0 $0x1082;
	s9 =	sld [smem:$0x3FAB]  }
0x2f: {  	lr =	sadd.s32 s0, s3;
	s0 =	sld [smem:$0x3FA2]  }
0x30: {  	s3 =	sld [smem:$0x3FA5]  }
0x31: {  	[smem:$0x3FAE] =	sst s10  }
0x32: {  	s10 =	sld [smem:$0x3FAC];
	_ =	sdelay $0x3  }
0x33: {  	p0 =	seq.s32 s10, $0x1;
	s10 =	sld [smem:$0x3FAE];
	_ =	sdelay $0x3  }
0x34: {  	[smem:$0x3FAE] =	sst s10  }
0x35: {  	s10 =	sld [smem:$0x3FAD];
	_ =	sdelay $0x3  }
0x36: {  	p1 =	seq.s32 s10, $0x1;
	s10 =	sld [smem:$0x3FAE];
	_ =	sdelay $0x3  }
0x37: {  	[smem:$0x3FAE] =	sst s10  }
0x38: {  	s10 =	sld [smem:$0x3FAF]  }
0x39: {  	_ = 	snop;
	(pc) =	sbr.ind lr, $3  }
0x3a: {  	_ = 	snop  }
0x3b: {  	_ = 	snop  }
0x3c: {  	p2 =	seq.s32 s10, $0x1;
	s10 =	sld [smem:$0x3FAE]  }
0x3d: {  	_ =	shalt  }
0x3e: {  	_ =	shalt  }
0x3f: {  	_ =	shalt  }
0x40: {  	_ =	shalt  }
0x41: {  	_ =	shalt  }
0x42: {  	_ =	shalt  }
0x43: {  	_ =	shalt  }
0x44: {  	_ =	shalt  }
0x45: {  	_ =	shalt  }
0x46: {  	_ =	shalt  }
0x47: {  	_ =	shalt  }
0x48: {  	_ =	shalt  }
0x49: {  	_ =	shalt  }
0x4a: {  	_ =	shalt  }
0x4b: {  	_ =	shalt  }
0x4c: {  	_ =	shalt  }
0x4d: {  	_ =	shalt  }
0x4e: {  	_ =	shalt  }
0x4f: {  	_ =	shalt  }
0x50: {  	_ =	shalt  }
0x51: {  	_ =	shalt  }
0x52: {  	_ =	shalt  }
0x53: {  	_ =	shalt  }
0x54: {  	_ =	shalt  }
0x55: {  	_ =	shalt  }
0x56: {  	_ =	shalt  }
0x57: {  	_ =	shalt  }
0x58: {  	_ =	shalt  }
0x59: {  	_ =	shalt  }
0x5a: {  	_ =	shalt  }
0x5b: {  	_ =	shalt  }
0x5c: {  	_ =	shalt  }
0x5d: {  	_ =	shalt  }
0x5e: {  	_ =	shalt  }
0x5f: {  	_ =	shalt  }
0x60: {  	_ =	shalt  }
0x61: {  	_ =	shalt  }
0x62: {  	_ =	shalt  }
0x63: {  	_ =	shalt  }
0x64: {  	_ =	shalt  }
0x65: {  	_ =	shalt  }
0x66: {  	_ =	shalt  }
0x67: {  	_ =	shalt  }
0x68: {  	_ =	shalt  }
0x69: {  	_ =	shalt  }
0x6a: {  	_ =	shalt  }
0x6b: {  	_ =	shalt  }
0x6c: {  	_ =	shalt  }
0x6d: {  	_ =	shalt  }
0x6e: {  	_ =	shalt  }
0x6f: {  	_ =	shalt  }
0x70: {  	_ =	shalt  }
0x71: {  	_ =	shalt  }
0x72: {  	_ =	shalt  }
0x73: {  	_ =	shalt  }
0x74: {  	_ =	shalt  }
0x75: {  	_ =	shalt  }
0x76: {  	_ =	shalt  }
0x77: {  	_ =	shalt  }
0x78: {  	_ =	shalt  }
0x79: {  	_ =	shalt  }
0x7a: {  	_ =	shalt  }
0x7b: {  	_ =	shalt  }
0x7c: {  	_ =	shalt  }
0x7d: {  	_ =	shalt  }
0x7e: {  	_ =	shalt  }
0x7f: {  	_ =	shalt  }
0x80: {  	_ =	shalt  }
0x81: {  	_ =	shalt  }
0x82: {  	_ =	shalt  }
0x83: {  	_ =	shalt  }
0x84: {  	_ =	shalt  }
0x85: {  	_ =	shalt  }
0x86: {  	_ =	shalt  }
0x87: {  	_ =	shalt  }
.Lfunc_end0:
.L_simem_size_0:
called_computation_lowered:
.L_overlay_start_0:
0x88: {  	s2 =	sld [smem:$0x3FD9]  }
0x89: {  	s3 =	sld [smem:$0x3FFE];
	_ =	sdelay $0x1  }
0x8a: {  	s1 =	srdreg.scid  }
0x8b: {  	s0 =	sand.u32 $0x1, s1  }
0x8c: {  	s17 =	sshll.u32 s0, $0xA;
	s2 =	sadd.s32 s3, s2  }
0x8d: {  	s2 =	sadd.s32 s2, s17  }
0x8e: {  	[smem:$0x3FBA] =	sst s2  }
0x8f: {  	_ = 	snop  }
0x90: {  	(tm) =	ssettm $0x1  }
0x91: {  	s18 =	sld [smem:$0x3FFB];
	_ =	sdelay $0x3  }
0x92: {  	_ =	strace s18  }
0x93: {  	s2 =	sld [smem:$0x3FFC];
	_ =	sdelay $0x3  }
0x94: {  	_ =	strace s2  }
0x95: {  	s2 =	sld [smem:$0x3FFD];
	_ =	sdelay $0x3  }
0x96: {  	_ =	strace s2  }
0x97: {  	_ =	strace $0x8FFFFFFF  }
0x98: {  	s19 =	sld [smem:$0x3FDB];
	_ =	sdelay $0x1  }
0x99: {  	s20 =	simm.s32 $_scs_section_size  }
0x9a: {  	s4 =	simm.s32 $_size__tile_overlayer_lowered;
	s5 =	simm.s32 $_tile_overlayer_lowered  }
0x9b: {  	s6 =	simm.s32 $0x1BFF;
	s21 =	sshll.u32 s5, $0x1;
	s3 =	sadd.s32 s20, s19  }
0x9c: {  	s22 =	simm.s32 $0x0;
	s4 =	sshll.u32 s4, $0x1;
	s5 =	sadd.s32 s21, s3  }
0x9d: {  	[timem:s22], [sflag:s6] =	dma.local [hbm:s5], s4  }
0x9e: {  	_ =	swait.ge [sflag:s6], s4  }
0x9f: {  	s4 =	ssub.s32 $0x0, s4;
	[sflag:s6] =	ssyncset.done $0x0  }
0xa0: {  	[sflag:s6] =	ssyncadd.s32 s4;
	_ =	sdelay $0x1  }
0xa1: {  	s23 =	simm.s32 $0x1B8B  }
0xa2: {  	_ =	swait.ge [sflag:s23], $0x1  }
0xa3: {  	[sflag:s23] =	ssyncset.done $0x0  }
0xa4: {  	[sflag:s23] =	ssyncadd.s32 $0xFFFFFFFF  }
0xa5: {  	s4 =	sld [smem:$0x0]  }
0xa6: {  	s5 =	sand.u32 $0xFFFFFFFE, s1  }
0xa7: {  	p0 =	sne.s32 s1, s5  }
0xa8: {  	s5 =	sshll.u32 @p0 s5, $0xE  }
0xa9: {  	s5 =	sadd.s32 @p0 $0x11B8D, s5;
	s6 =	sshll.u32 @p0 s4, $0x11  }
0xaa: {  	s5 =	sor.u32 @p0 s6, s5  }
0xab: {  	[sflag:s5] =	ssyncadd.remote.s32 @p0 $0x1;
	_ =	sdelay $0x1  }
0xac: {  	s5 =	simm.s32 @p0 $0x1B8D  }
0xad: {  	_ =	swait.eq @p0 [sflag:s5], $0x1  }
0xae: {  	[sflag:s5] =	ssyncadd.s32 @p0 $0xFFFFFFFF  }
0xaf: {  	s6 =	sshll.u32 @!p0 s1, $0xE  }
0xb0: {  	s6 =	sor.u32 @!p0 $0x4000, s6;
	s5 =	simm.s32 @!p0 $0x1B8D  }
0xb1: {  	s4 =	sshll.u32 @!p0 s4, $0x11;
	s6 =	sadd.s32 @!p0 $0x11B8D, s6;
	_ =	swait.eq @!p0 [sflag:s5], $0x1  }
0xb2: {  	s4 =	sor.u32 @!p0 s4, s6;
	[sflag:s5] =	ssyncadd.s32 @!p0 $0xFFFFFFFF  }
0xb3: {  	s25 =	simm.s32 $0x1B8E;
	s24 =	sld [smem:$0x3FFE];
	[sflag:s4] =	ssyncadd.remote.s32 @!p0 $0x1  }
0xb4: {  	s26 =	simm.s32 $execute0_lowered;
	[smem:$0x3FD2] =	sst s25  }
0xb5: {  	s5 =	sshll.u32 s26, $0x1;
	_ =	strace $0x80000049;
	[dreg:$0x1] =	wrdreg $0xFFFFFFFF  }
0xb6: {  	s28 =	simm.s32 $_size_execute0_lowered;
	s3 =	sadd.s32 s3, s5;
	[dreg:$0x0] =	wrdreg $0x0  }
0xb7: {  	s5 =	sshll.u32 s28, $0x1;
	[dreg:$0x2] =	wrdreg s3  }
0xb8: {  	[dreg:$0x3] =	wrdreg s5  }
0xb9: {  	[dreg:$0x4] =	wrdreg $0xC0  }
0xba: {  	_ =	task [dreg:s22], $0x5FFFF  }
0xbb: {  	[dreg:$0x1] =	wrdreg $0xFFFFFFFF  }
0xbc: {  	[dreg:$0x0] =	wrdreg $0x60  }
0xbd: {  	[dreg:$0x2] =	wrdreg s24  }
0xbe: {  	[dreg:$0x3] =	wrdreg $0x57D00  }
0xbf: {  	[dreg:$0x4] =	wrdreg $0x7FD00  }
0xc0: {  	[dreg:$0x5] =	wrdreg $0x9  }
0xc1: {  	_ =	task.clear_ibuf [dreg:s22], $0x6FFFF;
	_ =	strace $0x90000049  }
0xc2: {  	s29 =	simm.s32 $0x9;
	_ =	strace $0x8000004B  }
0xc3: {  	_ =	swait.ge [sflag:s29], $0x1  }
0xc4: {  	[sflag:s29] =	ssyncadd.s32 $0xFFFFFFFF  }
0xc5: {  	_ =	strace $0x9000004B  }
0xc6: {  	_ =	sfence  }
0xc7: {  	s30 =	sld [smem:$0x0];
	_ =	sdelay $0x2  }
0xc8: {  	s31 =	sshll.u32 s1, $0xD;
	s1 =	sshrl.u32 s1, $0x2  }
0xc9: {  	s4 =	sand.u32 $0x4000, s31;
	s1 =	sadd.s32 s1, s30  }
0xca: {  	s0 =	sor.u32 s4, s0;
	s1 =	sshll.u32 s1, $0x11  }
0xcb: {  	s0 =	sor.u32 s1, s0  }
0xcc: {  	s0 =	sadd.s32 $0x8F2B, s0  }
0xcd: {  	[sflag:s0] =	ssyncadd.remote.s32 $0x1  }
0xce: {  	_ =	sfence.sel $0xFFFF  }
0xcf: {  	[dreg:$0x0] =	wrdreg $0xFFFFFFFF;
	(pc) =	sbr.abs _section_cstart, $3  }
0xd0: {  	[dreg:$0x1] =	wrdreg $0xFFFFFFFF  }
0xd1: {  	_ =	task.clear_ibuf [dreg:s22], $0x2FFFF;
	_ =	strace $0x9FFFFFFF  }
0xd2: {  	(tm) =	ssettm $0x7FFFFFFF  }
0xd3: {  	_ =	shalt  }
tec
execute0_lowered:
.L_overlay_start_1:
0x0: {  	(tag) =	ssettag $0x1  }
0x1: {  	s6 =	rddreg [dreg:$0x0]  }
0x2: {  	s0 =	srdreg.scid;
	s1 =	rddreg [dreg:$0x1]  }
0x3: {  	s15 =	stileid.u32;
	s2 =	rddreg [dreg:$0x2]  }
0x4: {  	s3 =	simm.s32 $0x0;
	s14 =	simm.s32 $0x1;
	s16 =	simm.s32 $0x7D  }
0x5: {  	s20 =	simm.s32 $0x0;
	s7 =	sand.u32 $0x1, s0;
	s30 =	sshll.u32 s15, $0x1  }
0x6: {  	[smem:$0x7FF] =	sst s3;
	s9 =	smul.u32 $0x280, s15;
	s5 =	sadd.s32 $0x14E000, s6  }
0x7: {  	s11 =	smul.u32 $0x2800, s15;
	p0 =	sne.s32 s15, $0x0;
	s17 =	sshll.u32 s15, $0x6  }
0x8: {  	s15 =	simm.s32 $0x2800;
	s0 =	sor.u32 s7, s30;
	s8 =	smul.u32 $0x2800, s7  }
0x9: {  	s7 =	ssub.s32 $0x2, s7;
	s17 =	sor.u32 $0x1C01, s17;
	s4 =	smul.u32 $0x500, s0  }
0xa: {  	s0 =	rddreg [dreg:$0x3];
	_ =	strace $0x8000004A;
	s31 =	sshrl.u32 s7, $0x1  }
0xb: {  	s18 =	sadd.s32 s11, s1;
	s19 =	sadd.s32 s11, s2;
	s11 =	sshrl.u32 @!p0 s1, $0x3  }
0xc: {  	s8 =	sadd.s32 s9, s8;
	s13 =	ssub.s32 s7, s31;
	s18 =	sshrl.u32 s18, $0x3  }
0xd: {  	s19 =	sshrl.u32 s19, $0x3;
	s10 =	sadd.s32 s4, s6;
	s8 =	sshll.u32 s8, $0x1  }
0xe: {  	s4 =	sadd.s32 $0x167000, s6;
	s12 =	sadd.s32 s8, s6;
	s6 =	sadd.s32 $0x144000, s10  }
0xf: {  	s7 =	sadd.s32 $0x15D000, s10;
	s10 =	smax.u32 s13, $0x1;
	s13 =	simm.s32 $0x5000  }
0x10: {  	s8 =	sadd.s32 $0x167200, s12;
	s9 =	sadd.s32 $0x171200, s12;
	s12 =	sshrl.u32 @!p0 s2, $0x3  }
.LBB2_1:
0x11: {  	s21 =	simm.s32 @!p0 $0x1C01;
	s22 =	simm.s32 @!p0 $0x1  }
0x12: {  	[spmem:s11], [sflag:s21] =	dma.local @!p0 [hbm:s5], $0x5000  }
0x13: {  	_ =	swait.ge @!p0 [sflag:s22], $0x5000  }
0x14: {  	[sflag:s22] =	ssyncset.done @!p0 $0x0  }
0x15: {  	[sflag:s22] =	ssyncadd.s32 @!p0 $0xFFFFB000  }
0x16: {  	[spmem:s12], [sflag:s21] =	dma.local @!p0 [hbm:s5], $0x5000  }
0x17: {  	_ =	swait.ge @!p0 [sflag:s22], $0x5000  }
0x18: {  	[sflag:s22] =	ssyncset.done @!p0 $0x0  }
0x19: {  	[sflag:s22] =	ssyncadd.s32 @!p0 $0xFFFFB000  }
0x1a: {  	[tilespmem:s13], [sflag:$0x1] =	stream.linear.gather [hbm4b:s4+s3], $0x7D0, $0x38;
	[tilespmem:$0xA7D0] =	vst v63  }
0x1b: {  	_ =	swait.ge [sflag:s14], $0x7D0  }
0x1c: {  	[sflag:s14] =	ssyncset.done $0x0  }
0x1d: {  	[sflag:s14] =	ssyncadd.s32 $0xFFFFF830  }
0x1e: {  	[tilespmem:s3], [sflag:$0x1] =	stream.linear.gather [hbm4b:s6+s3], $0x2800, $0x38;
	[tilespmem:$0xA7D0] =	vst v63  }
0x1f: {  	_ =	swait.ge [sflag:s14], $0x2800  }
0x20: {  	[sflag:s14] =	ssyncset.done $0x0  }
0x21: {  	[sflag:s14] =	ssyncadd.s32 $0xFFFFD800  }
0x22: {  	[tilespmem:s15], [sflag:$0x1] =	stream.linear.gather [hbm4b:s7+s3], $0x2800, $0x38;
	[tilespmem:$0xA7D0] =	vst v63  }
0x23: {  	_ =	swait.ge [sflag:s14], $0x2800  }
0x24: {  	[sflag:s14] =	ssyncset.done $0x0  }
0x25: {  	[sflag:s14] =	ssyncadd.s32 $0xFFFFD800  }
0x26: {  	s30 =	simm.s32 $0x0;
	[bflag:$0x0] =	sbarrier.arrive $0xFFFF  }
0x27: {  	[spmem:s1] =	stream.indirect.scatter.add.f32 [tilespmem:s13], [sflag:$0x1], $0x10, s30, s16, $0xb8;
	[tilespmem:$0xA7D0] =	vst v63  }
0x28: {  	_ =	swait.ge [sflag:s14], $0x7D0  }
0x29: {  	[sflag:s14] =	ssyncset.done $0x0  }
0x2a: {  	s31 =	simm.s32 $0x2800;
	[sflag:s14] =	ssyncadd.s32 $0xFFFFF830  }
0x2b: {  	[spmem:s2] =	stream.indirect.scatter.add.f32 [tilespmem:s13], [sflag:$0x1], $0x10, s31, s16, $0xb8;
	[tilespmem:$0xA7D0] =	vst v63  }
0x2c: {  	_ =	swait.ge [sflag:s14], $0x7D0  }
0x2d: {  	s21 =	simm.s32 $0x200;
	s22 =	simm.s32 $0x400;
	[sflag:s14] =	ssyncset.done $0x0  }
.LBB2_2:
0x2e: {  	s23 =	sshra.s32 s21, $0x2  }
0x2f: {  	[sflag:s14] =	ssyncadd.s32 $0xFFFFF830;
	s21 =	smov.u32 s22;
	s24 =	sadd.s32 $0x200, s22  }
0x30: {  	[spmem:s1] =	stream.indirect.scatter.add.f32 [tilespmem:s13], [sflag:$0x1], $0x10, s23, s16, $0xb8;
	[tilespmem:$0xA7D0] =	vst v63  }
0x31: {  	p1 =	sne.s32 s22, $0x9E00;
	_ =	swait.ge [sflag:s14], $0x7D0  }
.Ltmp0:
0x32: {  	[sflag:s14] =	ssyncset.done $0x0;
	(pc) =	sbr.rel @p1 .LBB2_2-.Ltmp0, $4  }
0x33: {  	s22 =	sadd.s32 $0x2800, s23;
	[sflag:s14] =	ssyncadd.s32 $0xFFFFF830  }
0x34: {  	[spmem:s2] =	stream.indirect.scatter.add.f32 [tilespmem:s13], [sflag:$0x1], $0x10, s22, s16, $0xb8;
	[tilespmem:$0xA7D0] =	vst v63  }
0x35: {  	_ =	swait.ge [sflag:s14], $0x7D0  }
0x36: {  	s22 =	smov.u32 s24;
	[sflag:s14] =	ssyncset.done $0x0  }
0x37: {  	s21 =	sshra.s32 s21, $0x2;
	[sflag:s14] =	ssyncadd.s32 $0xFFFFF830  }
0x38: {  	[spmem:s1] =	stream.indirect.scatter.add.f32 [tilespmem:s13], [sflag:$0x1], $0x10, s21, s16, $0xb8;
	[tilespmem:$0xA7D0] =	vst v63  }
0x39: {  	_ =	swait.ge [sflag:s14], $0x7D0  }
0x3a: {  	[sflag:s14] =	ssyncset.done $0x0  }
0x3b: {  	s21 =	sadd.s32 $0x2800, s21;
	[sflag:s14] =	ssyncadd.s32 $0xFFFFF830  }
0x3c: {  	[spmem:s2] =	stream.indirect.scatter.add.f32 [tilespmem:s13], [sflag:$0x1], $0x10, s21, s16, $0xb8;
	[tilespmem:$0xA7D0] =	vst v63  }
0x3d: {  	_ =	swait.ge [sflag:s14], $0x7D0  }
0x3e: {  	[sflag:s14] =	ssyncset.done $0x0  }
0x3f: {  	[sflag:s14] =	ssyncadd.s32 $0xFFFFF830  }
0x40: {  	[bflag:$0x0] =	sbarrier.arrive $0xFFFF  }
0x41: {  	[hbm:s8], [sflag:s17] =	dma.local [spmem:s18], $0x500  }
0x42: {  	s20 =	sadd.s32 $0x1, s20;
	_ =	swait.ge [sflag:s14], $0x500  }
0x43: {  	p1 =	sne.s32 s20, s10;
	[sflag:s14] =	ssyncset.done $0x0  }
.Ltmp1:
0x44: {  	[sflag:s14] =	ssyncadd.s32 $0xFFFFFB00;
	(pc) =	sbr.rel @p1 .LBB2_1-.Ltmp1, $4  }
0x45: {  	[hbm:s9], [sflag:s17] =	dma.local [spmem:s19], $0x500  }
0x46: {  	_ =	swait.ge [sflag:s14], $0x500  }
0x47: {  	[sflag:s14] =	ssyncset.done $0x0  }
0x48: {  	[sflag:s14] =	ssyncadd.s32 $0xFFFFFB00  }
0x49: {  	_ =	sfence.sel $0x180000  }
0x4a: {  	[bflag:$0x0] =	sbarrier.arrive $0xFFFF  }
0x4b: {  	_ =	strace $0x9000004A  }
0x4c: {  	s0 =	sadd.s32 @!p0 $0x100000, s0;
	[bflag:$0x2] =	sbarrier.arrive $0xFFFF  }
0x4d: {  	[sflag:s0] =	ssyncadd.tile.s32 @!p0 $0x1;
	_ =	shalt  }
.Lfunc_end2:
_tile_overlayer_lowered:
.L_overlay_start_2:
0x4e: {  	(tag) =	ssettag $0x2  }
0x4f: {  	s0 =	rddreg [dreg:$0x0];
	s2 =	stileid.u32  }
0x50: {  	s1 =	rddreg [dreg:$0x1];
	p0 =	sne.s32 s2, $0x0  }
0x51: {  	s3 =	rddreg [dreg:$0x2];
	[bflag:$0x3] =	sbarrier.arrive $0xFFFF;
	s2 =	simm.s32 @!p0 $0x1C01  }
0x52: {  	[timem:s3], [sflag:s2] =	dma.local @!p0 [hbm:s0], s1  }
0x53: {  	s0 =	simm.s32 @!p0 $0x1  }
0x54: {  	_ =	swait.ge @!p0 [sflag:s0], s1  }
0x55: {  	s1 =	ssub.s32 @!p0 $0x0, s1;
	[sflag:s0] =	ssyncset.done @!p0 $0x0  }
0x56: {  	[sflag:s0] =	ssyncadd.s32 @!p0 s1  }
0x57: {  	[bflag:$0x3] =	sbarrier.arrive $0xFFFF  }
0x58: {  	_ =	shalt  }

</sc_bundles>
